<compile_context>
chip_gen: v7x
topology: tpu7x:2x2x1
jax: 0.10.2.dev20260603
libtpu: 0.0.44.dev20260713+nightly
codegen_flags: <defaults>
</compile_context>

<pallas_src>
import jax
import jax.numpy as jnp
from jax import lax
from jax.experimental import pallas as pl
from jax.experimental.pallas import tpu as pltpu
from jax.experimental.pallas import tpu_sc as plsc

K = 64
ROWS = 128
N = 32768
L = 16
NV = N // L
NB = NV // L
NG = NB * L
NWORKERS = 32
RPW = ROWS // NWORKERS
CAP = 2048
NEG_INF_KEY = -(2 ** 31)
POS_INF_IDX = 2 ** 31 - 1


def _scalar(v16):
    return jnp.squeeze(lax.slice(v16, (0,), (1,)))


def _key(v):
    u = lax.bitcast_convert_type(v, jnp.int32)
    return u ^ (lax.shift_right_arithmetic(u, 31) & 0x7FFFFFFF)


def _topk_body(x_hbm, o_hbm, rowbuf0, rowbuf1, rowbuf2, gmax_v,
               hist_v, ckey_v, cidx_v, tie_v, wstage_val, wstage_idx,
               wval_v, wgidx_v, sem_in0, sem_in1, sem_in2, sem_s):
    wid = lax.axis_index("s") * 2 + lax.axis_index("c")
    iota = lax.iota(jnp.int32, L)
    ones = jnp.ones((L,), jnp.int32)

    sems_in = [sem_in0, sem_in1, sem_in2]
    rowbufs = [rowbuf0, rowbuf1, rowbuf2]
    NBUF = 3

    row0 = wid * RPW
    for r in range(min(NBUF, RPW)):
        pltpu.async_copy(
            x_hbm.at[pl.ds((row0 + r) * N, N)], rowbufs[r], sems_in[r])

    for r in range(RPW):
        row = row0 + r
        base = row * N
        row_v = rowbufs[r % NBUF]

        pltpu.make_async_copy(
            x_hbm.at[pl.ds(base, N)], row_v, sems_in[r % NBUF]).wait()

        @plsc.parallel_loop(0, NB, unroll=2)
        def _(b):
            vs = [row_v[pl.ds(b * 256 + i * L, L)] for i in range(L)]
            while len(vs) > 1:
                vs = [jnp.maximum(vs[2 * i], vs[2 * i + 1])
                      for i in range(len(vs) // 2)]
            gmax_v[pl.ds(b * L, L)] = vs[0]

        @plsc.parallel_loop(0, 4096 // L, unroll=8)
        def _(j):
            hist_v[pl.ds(j * L, L)] = jnp.zeros((L,), jnp.int32)

        @plsc.parallel_loop(0, NG // L, unroll=8)
        def _(i):
            key = _key(gmax_v[pl.ds(i * L, L)])
            b = lax.shift_right_arithmetic(key, 20) + 2048
            plsc.addupdate_scatter(hist_v, [b], ones)

        def scan_cond(c):
            return jnp.logical_not(c[2])

        def scan_body(c):
            j, cum, found, b1 = c
            hv = hist_v[pl.ds(j * L, L)]
            s = jnp.sum(hv)
            found_here = (cum + s) >= K
            pref = plsc.cumsum(hv)
            suf_in = s - pref + hv
            cross = (cum + suf_in) >= K
            npos = jnp.sum(cross.astype(jnp.int32))
            b1_here = j * L + npos - 1
            b1_n = jnp.where(found_here, b1_here, b1)
            cum_n = jnp.where(found_here, cum, cum + s)
            return (j - 1, cum_n, found | found_here, b1_n)

        init = (jnp.int32(4096 // L - 1), jnp.int32(0), False, jnp.int32(0))
        _, _, _, b1 = lax.while_loop(scan_cond, scan_body, init)

        e = lax.shift_left(b1 - 2048, 20)

        @plsc.parallel_loop(0, NV, unroll=4, carry=jnp.int32(0))
        def coff_final(i, coff):
            v = row_v[pl.ds(i * L, L)]
            kv = _key(v)
            in_b = kv >= e
            plsc.store_compressed(ckey_v.at[pl.ds(coff, L)], kv, mask=in_b)
            plsc.store_compressed(
                cidx_v.at[pl.ds(coff, L)], iota + i * L, mask=in_b)
            cnt = _scalar(plsc.all_reduce_population_count(in_b))
            return jnp.minimum(coff + cnt, CAP - L)

        c = coff_final

        if r + NBUF < RPW:
            pltpu.async_copy(
                x_hbm.at[pl.ds((row + NBUF) * N, N)],
                rowbufs[r % NBUF],
                sems_in[r % NBUF],
            )

        ckey_v[pl.ds(c, L)] = jnp.full((L,), NEG_INF_KEY, jnp.int32)
        nv = (c + L - 1) // L

        def bs_body(it, t):
            cand = t + lax.shift_left(1, 30 - it)

            @plsc.parallel_loop(0, nv, unroll=4,
                                carry=jnp.zeros((L,), jnp.int32))
            def acc_final(j, acc):
                kv = ckey_v[pl.ds(j * L, L)]
                return acc + plsc.all_reduce_population_count(kv >= cand)

            cnt = _scalar(acc_final)
            return jnp.where((cand > t) & (cnt >= K), cand, t)

        t = lax.fori_loop(0, 31, bs_body, e)

        @plsc.parallel_loop(0, nv, unroll=4, carry=jnp.zeros((L,), jnp.int32))
        def gt_final(j, acc):
            kv = ckey_v[pl.ds(j * L, L)]
            return acc + plsc.all_reduce_population_count(kv > t)

        cnt_gt = _scalar(gt_final)
        ties_needed = K - cnt_gt

        @plsc.parallel_loop(0, nv, unroll=4, carry=jnp.int32(0))
        def nt_final(j, toff):
            kv = ckey_v[pl.ds(j * L, L)]
            iv = cidx_v[pl.ds(j * L, L)]
            m = kv == t
            plsc.store_compressed(tie_v.at[pl.ds(toff, L)], iv, mask=m)
            cnt = _scalar(plsc.all_reduce_population_count(m))
            return jnp.minimum(toff + cnt, CAP - L)

        ntie = nt_final
        tie_v[pl.ds(ntie, L)] = jnp.full((L,), POS_INF_IDX, jnp.int32)
        nvt = (ntie + L - 1) // L

        def ts_body(it, v):
            cand = v + lax.shift_left(1, 14 - it)

            @plsc.parallel_loop(0, nvt, unroll=2,
                                carry=jnp.zeros((L,), jnp.int32))
            def tacc_final(j, acc):
                tv = tie_v[pl.ds(j * L, L)]
                return acc + plsc.all_reduce_population_count(tv < cand)

            cnt = _scalar(tacc_final)
            return jnp.where(cnt < ties_needed, cand, v)

        vstar = lax.fori_loop(0, 15, ts_body, jnp.int32(0))

        if r > 0:
            pltpu.make_async_copy(
                wval_v, o_hbm.at[wgidx_v], sem_s).wait()

        @plsc.parallel_loop(0, nv, unroll=2, carry=jnp.int32(0))
        def woff_final(j, woff):
            kv = ckey_v[pl.ds(j * L, L)]
            iv = cidx_v[pl.ds(j * L, L)]
            m = (kv > t) | ((kv == t) & (iv <= vstar))
            wv = lax.bitcast_convert_type(
                jnp.maximum(kv, 0), jnp.float32)
            plsc.store_compressed(
                wstage_val.at[pl.ds(woff, L)], wv, mask=m)
            plsc.store_compressed(
                wstage_idx.at[pl.ds(woff, L)], iv + base, mask=m)
            cnt = _scalar(plsc.all_reduce_population_count(m))
            return woff + cnt

        for j in range(K // L):
            wval_v[pl.ds(j * L, L)] = wstage_val[pl.ds(j * L, L)]
            wgidx_v[pl.ds(j * L, L)] = wstage_idx[pl.ds(j * L, L)]

        pltpu.async_copy(wval_v, o_hbm.at[wgidx_v], sem_s)

    pltpu.make_async_copy(wval_v, o_hbm.at[wgidx_v], sem_s).wait()


@jax.jit
def _topk_sc(x_flat):
    mesh = plsc.VectorSubcoreMesh(core_axis_name="c", subcore_axis_name="s")
    f = pl.kernel(
        _topk_body,
        out_type=(),
        mesh=mesh,
        scratch_types=[
            pltpu.VMEM((N,), jnp.float32),
            pltpu.VMEM((N,), jnp.float32),
            pltpu.VMEM((N,), jnp.float32),
            pltpu.VMEM((NG,), jnp.float32),
            pltpu.VMEM((4096,), jnp.int32),
            pltpu.VMEM((CAP,), jnp.int32),
            pltpu.VMEM((CAP,), jnp.int32),
            pltpu.VMEM((CAP,), jnp.int32),
            pltpu.VMEM((K + L,), jnp.float32),
            pltpu.VMEM((K + L,), jnp.int32),
            pltpu.VMEM((K,), jnp.float32),
            pltpu.VMEM((K,), jnp.int32),
            pltpu.SemaphoreType.DMA,
            pltpu.SemaphoreType.DMA,
            pltpu.SemaphoreType.DMA,
            pltpu.SemaphoreType.DMA,
        ],
        compiler_params=pltpu.CompilerParams(needs_layout_passes=False),
    )
    o_ref = jax.new_ref(jnp.zeros((ROWS * N,), jnp.float32))
    f(x_flat, o_ref)
    return jax.freeze(o_ref)


def kernel(x):
    out = _topk_sc(x.reshape(-1))
    return out.reshape(ROWS, N)

# --- scband reference (transcript-rebuilt; emitter-appended) ---
"""Pipeline reference for scband-top-k-90391881712138 (READ-ONLY COPY).

The authoritative reference and input builder live on the scoring server;
editing this copy changes nothing except your own understanding.
"""

import jax, jax.numpy as jnp
import numpy as np

K = 64

def setup_inputs(seed: int = 0) -> dict:
    key = jax.random.key(seed)
    x = jax.random.normal(key, (128, 32768), dtype=jnp.float32)
    return {"x": x}

def reference(x):
    # torch.topk over last dim
    values, indices = jax.lax.top_k(x, K)
    # postact_fn = ReLU applied to topk values
    values = jax.nn.relu(values)
    # result = zeros_like(x); result.scatter_(-1, indices, values)
    b = x.shape[0]
    rows = jnp.arange(b)[:, None]
    result = jnp.zeros_like(x).at[rows, indices].set(values)
    return result

if __name__ == "__main__":
    import jax
    _d = setup_inputs()
    print(jax.jit(kernel)(*tuple(_d.values())))

</pallas_src>

<mosaic_0001>
#map = affine_map<(d0, d1) -> (0)>
module attributes {stable_mosaic.version = 14 : i64} {
  func.func @new_body(%arg0: i32, %arg1: i32, %arg2: memref<4194304xf32, #tpu.memory_space<hbm>>, %arg3: memref<4194304xf32, #tpu.memory_space<hbm>>, %arg4: memref<4194304xf32, #tpu.memory_space<hbm>>, %arg5: memref<32768xf32, #tpu.memory_space<vmem>>, %arg6: memref<32768xf32, #tpu.memory_space<vmem>>, %arg7: memref<32768xf32, #tpu.memory_space<vmem>>, %arg8: memref<2048xf32, #tpu.memory_space<vmem>>, %arg9: memref<4096xi32, #tpu.memory_space<vmem>>, %arg10: memref<2048xi32, #tpu.memory_space<vmem>>, %arg11: memref<2048xi32, #tpu.memory_space<vmem>>, %arg12: memref<2048xi32, #tpu.memory_space<vmem>>, %arg13: memref<80xf32, #tpu.memory_space<vmem>>, %arg14: memref<80xi32, #tpu.memory_space<vmem>>, %arg15: memref<64xf32, #tpu.memory_space<vmem>>, %arg16: memref<64xi32, #tpu.memory_space<vmem>>, %arg17: memref<!tpu.dma_semaphore, #tpu.memory_space<semaphore_mem>>, %arg18: memref<!tpu.dma_semaphore, #tpu.memory_space<semaphore_mem>>, %arg19: memref<!tpu.dma_semaphore, #tpu.memory_space<semaphore_mem>>, %arg20: memref<!tpu.dma_semaphore, #tpu.memory_space<semaphore_mem>>) attributes {dimension_semantics = [#tpu.dimension_semantics<core_parallel>, #tpu.dimension_semantics<subcore_parallel>], iteration_bounds = array<i64: 2, 16>, scalar_prefetch = 0 : i64, scratch_operands = 16 : i64, tpu.core_type = #tpu.core_type<sc_vector_subcore>, window_params = [{transform_indices = #map}, {transform_indices = #map}, {transform_indices = #map}]} {
    %mul3A = arith.constant 2 : i32
    %mul3A_0 = arith.muli %arg1, %mul3A : i32
    %add3A = arith.addi %mul3A_0, %arg0 : i32
    %iota3A = tpu.iota {dimensions = array<i32: 0>} : vector<16xi32>
    %broadcast_in_dim3A = arith.constant 1 : i32
    %broadcast_in_dim3A_1 = vector.broadcast %broadcast_in_dim3A : i32 to vector<16xi32>
    %mul3A_2 = arith.constant 4 : i32
    %mul3A_3 = arith.muli %add3A, %mul3A_2 : i32
    %add3A_4 = arith.constant 0 : i32
    %add3A_5 = arith.addi %mul3A_3, %add3A_4 : i32
    %mul3A_6 = arith.constant 32768 : i32
    %mul3A_7 = arith.muli %add3A_5, %mul3A_6 : i32
    %dma_start3A = tpu.memref_slice %arg2[%mul3A_7] : memref<4194304xf32, #tpu.memory_space<hbm>> -> memref<32768xf32, #tpu.memory_space<hbm>>
    %dma_start3A_8 = tpu.memref_slice %arg2[%mul3A_7] : memref<4194304xf32, #tpu.memory_space<hbm>> -> memref<32768xf32, #tpu.memory_space<hbm>>
    tpu.enqueue_dma source(%dma_start3A_8 : memref<32768xf32, #tpu.memory_space<hbm>>) target(%arg5 : memref<32768xf32, #tpu.memory_space<vmem>>) target_semaphore(%arg17 : memref<!tpu.dma_semaphore, #tpu.memory_space<semaphore_mem>>)
    %add3A_9 = arith.constant 1 : i32
    %add3A_10 = arith.addi %mul3A_3, %add3A_9 : i32
    %mul3A_11 = arith.constant 32768 : i32
    %mul3A_12 = arith.muli %add3A_10, %mul3A_11 : i32
    %dma_start3A_13 = tpu.memref_slice %arg2[%mul3A_12] : memref<4194304xf32, #tpu.memory_space<hbm>> -> memref<32768xf32, #tpu.memory_space<hbm>>
    %dma_start3A_14 = tpu.memref_slice %arg2[%mul3A_12] : memref<4194304xf32, #tpu.memory_space<hbm>> -> memref<32768xf32, #tpu.memory_space<hbm>>
    tpu.enqueue_dma source(%dma_start3A_14 : memref<32768xf32, #tpu.memory_space<hbm>>) target(%arg6 : memref<32768xf32, #tpu.memory_space<vmem>>) target_semaphore(%arg18 : memref<!tpu.dma_semaphore, #tpu.memory_space<semaphore_mem>>)
    %add3A_15 = arith.constant 2 : i32
    %add3A_16 = arith.addi %mul3A_3, %add3A_15 : i32
    %mul3A_17 = arith.constant 32768 : i32
    %mul3A_18 = arith.muli %add3A_16, %mul3A_17 : i32
    %dma_start3A_19 = tpu.memref_slice %arg2[%mul3A_18] : memref<4194304xf32, #tpu.memory_space<hbm>> -> memref<32768xf32, #tpu.memory_space<hbm>>
    %dma_start3A_20 = tpu.memref_slice %arg2[%mul3A_18] : memref<4194304xf32, #tpu.memory_space<hbm>> -> memref<32768xf32, #tpu.memory_space<hbm>>
    tpu.enqueue_dma source(%dma_start3A_20 : memref<32768xf32, #tpu.memory_space<hbm>>) target(%arg7 : memref<32768xf32, #tpu.memory_space<vmem>>) target_semaphore(%arg19 : memref<!tpu.dma_semaphore, #tpu.memory_space<semaphore_mem>>)
    %add3A_21 = arith.constant 0 : i32
    %add3A_22 = arith.addi %mul3A_3, %add3A_21 : i32
    %mul3A_23 = arith.constant 32768 : i32
    %mul3A_24 = arith.muli %add3A_22, %mul3A_23 : i32
    %dma_wait3A = tpu.memref_slice %arg2[%mul3A_24] : memref<4194304xf32, #tpu.memory_space<hbm>> -> memref<32768xf32, #tpu.memory_space<hbm>>
    %dma_wait3A_25 = tpu.memref_slice %arg2[%mul3A_24] : memref<4194304xf32, #tpu.memory_space<hbm>> -> memref<32768xf32, #tpu.memory_space<hbm>>
    tpu.wait_dma2 semaphore(%arg17 : memref<!tpu.dma_semaphore, #tpu.memory_space<semaphore_mem>>) src(%dma_wait3A_25 : memref<32768xf32, #tpu.memory_space<hbm>>) dst(%arg5 : memref<32768xf32, #tpu.memory_space<vmem>>)
    %parallel_loop3A = arith.constant 0 : i32
    %parallel_loop3A_26 = arith.constant 128 : i32
    %parallel_loop3A_27 = arith.constant 1 : i32
    scf.for %parallel_loop3A_646 = %parallel_loop3A to %parallel_loop3A_26 step %parallel_loop3A_27  : i32 {
      %parallel_loop3A_647 = arith.constant 256 : i32
      %parallel_loop3A_648 = arith.muli %parallel_loop3A_646, %parallel_loop3A_647 : i32
      %parallel_loop3A_649 = arith.constant 0 : i32
      %parallel_loop3A_650 = arith.addi %parallel_loop3A_648, %parallel_loop3A_649 : i32
      %parallel_loop3A_651 = arith.index_cast %parallel_loop3A_650 : i32 to index
      %parallel_loop3A_652 = tpu.vector_load %arg5[%parallel_loop3A_651] {strides = array<i32>} : memref<32768xf32, #tpu.memory_space<vmem>>, vector<16xf32>,
      %parallel_loop3A_653 = arith.constant 256 : i32
      %parallel_loop3A_654 = arith.muli %parallel_loop3A_646, %parallel_loop3A_653 : i32
      %parallel_loop3A_655 = arith.constant 16 : i32
      %parallel_loop3A_656 = arith.addi %parallel_loop3A_654, %parallel_loop3A_655 : i32
      %parallel_loop3A_657 = arith.index_cast %parallel_loop3A_656 : i32 to index
      %parallel_loop3A_658 = tpu.vector_load %arg5[%parallel_loop3A_657] {strides = array<i32>} : memref<32768xf32, #tpu.memory_space<vmem>>, vector<16xf32>,
      %parallel_loop3A_659 = arith.constant 256 : i32
      %parallel_loop3A_660 = arith.muli %parallel_loop3A_646, %parallel_loop3A_659 : i32
      %parallel_loop3A_661 = arith.constant 32 : i32
      %parallel_loop3A_662 = arith.addi %parallel_loop3A_660, %parallel_loop3A_661 : i32
      %parallel_loop3A_663 = arith.index_cast %parallel_loop3A_662 : i32 to index
      %parallel_loop3A_664 = tpu.vector_load %arg5[%parallel_loop3A_663] {strides = array<i32>} : memref<32768xf32, #tpu.memory_space<vmem>>, vector<16xf32>,
      %parallel_loop3A_665 = arith.constant 256 : i32
      %parallel_loop3A_666 = arith.muli %parallel_loop3A_646, %parallel_loop3A_665 : i32
      %parallel_loop3A_667 = arith.constant 48 : i32
      %parallel_loop3A_668 = arith.addi %parallel_loop3A_666, %parallel_loop3A_667 : i32
      %parallel_loop3A_669 = arith.index_cast %parallel_loop3A_668 : i32 to index
      %parallel_loop3A_670 = tpu.vector_load %arg5[%parallel_loop3A_669] {strides = array<i32>} : memref<32768xf32, #tpu.memory_space<vmem>>, vector<16xf32>,
      %parallel_loop3A_671 = arith.constant 256 : i32
      %parallel_loop3A_672 = arith.muli %parallel_loop3A_646, %parallel_loop3A_671 : i32
      %parallel_loop3A_673 = arith.constant 64 : i32
      %parallel_loop3A_674 = arith.addi %parallel_loop3A_672, %parallel_loop3A_673 : i32
      %parallel_loop3A_675 = arith.index_cast %parallel_loop3A_674 : i32 to index
      %parallel_loop3A_676 = tpu.vector_load %arg5[%parallel_loop3A_675] {strides = array<i32>} : memref<32768xf32, #tpu.memory_space<vmem>>, vector<16xf32>,
      %parallel_loop3A_677 = arith.constant 256 : i32
      %parallel_loop3A_678 = arith.muli %parallel_loop3A_646, %parallel_loop3A_677 : i32
      %parallel_loop3A_679 = arith.constant 80 : i32
      %parallel_loop3A_680 = arith.addi %parallel_loop3A_678, %parallel_loop3A_679 : i32
      %parallel_loop3A_681 = arith.index_cast %parallel_loop3A_680 : i32 to index
      %parallel_loop3A_682 = tpu.vector_load %arg5[%parallel_loop3A_681] {strides = array<i32>} : memref<32768xf32, #tpu.memory_space<vmem>>, vector<16xf32>,
      %parallel_loop3A_683 = arith.constant 256 : i32
      %parallel_loop3A_684 = arith.muli %parallel_loop3A_646, %parallel_loop3A_683 : i32
      %parallel_loop3A_685 = arith.constant 96 : i32
      %parallel_loop3A_686 = arith.addi %parallel_loop3A_684, %parallel_loop3A_685 : i32
      %parallel_loop3A_687 = arith.index_cast %parallel_loop3A_686 : i32 to index
      %parallel_loop3A_688 = tpu.vector_load %arg5[%parallel_loop3A_687] {strides = array<i32>} : memref<32768xf32, #tpu.memory_space<vmem>>, vector<16xf32>,
      %parallel_loop3A_689 = arith.constant 256 : i32
      %parallel_loop3A_690 = arith.muli %parallel_loop3A_646, %parallel_loop3A_689 : i32
      %parallel_loop3A_691 = arith.constant 112 : i32
      %parallel_loop3A_692 = arith.addi %parallel_loop3A_690, %parallel_loop3A_691 : i32
      %parallel_loop3A_693 = arith.index_cast %parallel_loop3A_692 : i32 to index
      %parallel_loop3A_694 = tpu.vector_load %arg5[%parallel_loop3A_693] {strides = array<i32>} : memref<32768xf32, #tpu.memory_space<vmem>>, vector<16xf32>,
      %parallel_loop3A_695 = arith.constant 256 : i32
      %parallel_loop3A_696 = arith.muli %parallel_loop3A_646, %parallel_loop3A_695 : i32
      %parallel_loop3A_697 = arith.constant 128 : i32
      %parallel_loop3A_698 = arith.addi %parallel_loop3A_696, %parallel_loop3A_697 : i32
      %parallel_loop3A_699 = arith.index_cast %parallel_loop3A_698 : i32 to index
      %parallel_loop3A_700 = tpu.vector_load %arg5[%parallel_loop3A_699] {strides = array<i32>} : memref<32768xf32, #tpu.memory_space<vmem>>, vector<16xf32>,
      %parallel_loop3A_701 = arith.constant 256 : i32
      %parallel_loop3A_702 = arith.muli %parallel_loop3A_646, %parallel_loop3A_701 : i32
      %parallel_loop3A_703 = arith.constant 144 : i32
      %parallel_loop3A_704 = arith.addi %parallel_loop3A_702, %parallel_loop3A_703 : i32
      %parallel_loop3A_705 = arith.index_cast %parallel_loop3A_704 : i32 to index
      %parallel_loop3A_706 = tpu.vector_load %arg5[%parallel_loop3A_705] {strides = array<i32>} : memref<32768xf32, #tpu.memory_space<vmem>>, vector<16xf32>,
      %parallel_loop3A_707 = arith.constant 256 : i32
      %parallel_loop3A_708 = arith.muli %parallel_loop3A_646, %parallel_loop3A_707 : i32
      %parallel_loop3A_709 = arith.constant 160 : i32
      %parallel_loop3A_710 = arith.addi %parallel_loop3A_708, %parallel_loop3A_709 : i32
      %parallel_loop3A_711 = arith.index_cast %parallel_loop3A_710 : i32 to index
      %parallel_loop3A_712 = tpu.vector_load %arg5[%parallel_loop3A_711] {strides = array<i32>} : memref<32768xf32, #tpu.memory_space<vmem>>, vector<16xf32>,
      %parallel_loop3A_713 = arith.constant 256 : i32
      %parallel_loop3A_714 = arith.muli %parallel_loop3A_646, %parallel_loop3A_713 : i32
      %parallel_loop3A_715 = arith.constant 176 : i32
      %parallel_loop3A_716 = arith.addi %parallel_loop3A_714, %parallel_loop3A_715 : i32
      %parallel_loop3A_717 = arith.index_cast %parallel_loop3A_716 : i32 to index
      %parallel_loop3A_718 = tpu.vector_load %arg5[%parallel_loop3A_717] {strides = array<i32>} : memref<32768xf32, #tpu.memory_space<vmem>>, vector<16xf32>,
      %parallel_loop3A_719 = arith.constant 256 : i32
      %parallel_loop3A_720 = arith.muli %parallel_loop3A_646, %parallel_loop3A_719 : i32
      %parallel_loop3A_721 = arith.constant 192 : i32
      %parallel_loop3A_722 = arith.addi %parallel_loop3A_720, %parallel_loop3A_721 : i32
      %parallel_loop3A_723 = arith.index_cast %parallel_loop3A_722 : i32 to index
      %parallel_loop3A_724 = tpu.vector_load %arg5[%parallel_loop3A_723] {strides = array<i32>} : memref<32768xf32, #tpu.memory_space<vmem>>, vector<16xf32>,
      %parallel_loop3A_725 = arith.constant 256 : i32
      %parallel_loop3A_726 = arith.muli %parallel_loop3A_646, %parallel_loop3A_725 : i32
      %parallel_loop3A_727 = arith.constant 208 : i32
      %parallel_loop3A_728 = arith.addi %parallel_loop3A_726, %parallel_loop3A_727 : i32
      %parallel_loop3A_729 = arith.index_cast %parallel_loop3A_728 : i32 to index
      %parallel_loop3A_730 = tpu.vector_load %arg5[%parallel_loop3A_729] {strides = array<i32>} : memref<32768xf32, #tpu.memory_space<vmem>>, vector<16xf32>,
      %parallel_loop3A_731 = arith.constant 256 : i32
      %parallel_loop3A_732 = arith.muli %parallel_loop3A_646, %parallel_loop3A_731 : i32
      %parallel_loop3A_733 = arith.constant 224 : i32
      %parallel_loop3A_734 = arith.addi %parallel_loop3A_732, %parallel_loop3A_733 : i32
      %parallel_loop3A_735 = arith.index_cast %parallel_loop3A_734 : i32 to index
      %parallel_loop3A_736 = tpu.vector_load %arg5[%parallel_loop3A_735] {strides = array<i32>} : memref<32768xf32, #tpu.memory_space<vmem>>, vector<16xf32>,
      %parallel_loop3A_737 = arith.constant 256 : i32
      %parallel_loop3A_738 = arith.muli %parallel_loop3A_646, %parallel_loop3A_737 : i32
      %parallel_loop3A_739 = arith.constant 240 : i32
      %parallel_loop3A_740 = arith.addi %parallel_loop3A_738, %parallel_loop3A_739 : i32
      %parallel_loop3A_741 = arith.index_cast %parallel_loop3A_740 : i32 to index
      %parallel_loop3A_742 = tpu.vector_load %arg5[%parallel_loop3A_741] {strides = array<i32>} : memref<32768xf32, #tpu.memory_space<vmem>>, vector<16xf32>,
      %parallel_loop3A_743 = arith.maximumf %parallel_loop3A_652, %parallel_loop3A_658 : vector<16xf32>
      %parallel_loop3A_744 = arith.maximumf %parallel_loop3A_664, %parallel_loop3A_670 : vector<16xf32>
      %parallel_loop3A_745 = arith.maximumf %parallel_loop3A_676, %parallel_loop3A_682 : vector<16xf32>
      %parallel_loop3A_746 = arith.maximumf %parallel_loop3A_688, %parallel_loop3A_694 : vector<16xf32>
      %parallel_loop3A_747 = arith.maximumf %parallel_loop3A_700, %parallel_loop3A_706 : vector<16xf32>
      %parallel_loop3A_748 = arith.maximumf %parallel_loop3A_712, %parallel_loop3A_718 : vector<16xf32>
      %parallel_loop3A_749 = arith.maximumf %parallel_loop3A_724, %parallel_loop3A_730 : vector<16xf32>
      %parallel_loop3A_750 = arith.maximumf %parallel_loop3A_736, %parallel_loop3A_742 : vector<16xf32>
      %parallel_loop3A_751 = arith.maximumf %parallel_loop3A_743, %parallel_loop3A_744 : vector<16xf32>
      %parallel_loop3A_752 = arith.maximumf %parallel_loop3A_745, %parallel_loop3A_746 : vector<16xf32>
      %parallel_loop3A_753 = arith.maximumf %parallel_loop3A_747, %parallel_loop3A_748 : vector<16xf32>
      %parallel_loop3A_754 = arith.maximumf %parallel_loop3A_749, %parallel_loop3A_750 : vector<16xf32>
      %parallel_loop3A_755 = arith.maximumf %parallel_loop3A_751, %parallel_loop3A_752 : vector<16xf32>
      %parallel_loop3A_756 = arith.maximumf %parallel_loop3A_753, %parallel_loop3A_754 : vector<16xf32>
      %parallel_loop3A_757 = arith.maximumf %parallel_loop3A_755, %parallel_loop3A_756 : vector<16xf32>
      %parallel_loop3A_758 = arith.constant 16 : i32
      %parallel_loop3A_759 = arith.muli %parallel_loop3A_646, %parallel_loop3A_758 : i32
      %parallel_loop3A_760 = arith.index_cast %parallel_loop3A_759 : i32 to index
      %parallel_loop3A_761 = tpu.vector_load %arg8[%parallel_loop3A_760] {strides = array<i32>} : memref<2048xf32, #tpu.memory_space<vmem>>, vector<16xf32>,
      tpu.vector_store %arg8[%parallel_loop3A_760], %parallel_loop3A_757 {strides = array<i32>} : memref<2048xf32, #tpu.memory_space<vmem>>, vector<16xf32>,
    } {sc.loop_unroll_factor = 2 : i64, sc.parallel_access}
    %parallel_loop3A_28 = arith.constant 0 : i32
    %parallel_loop3A_29 = arith.constant 256 : i32
    %parallel_loop3A_30 = arith.constant 1 : i32
    scf.for %parallel_loop3A_646 = %parallel_loop3A_28 to %parallel_loop3A_29 step %parallel_loop3A_30  : i32 {
      %parallel_loop3A_647 = arith.constant 0 : i32
      %parallel_loop3A_648 = vector.broadcast %parallel_loop3A_647 : i32 to vector<16xi32>
      %parallel_loop3A_649 = arith.constant 16 : i32
      %parallel_loop3A_650 = arith.muli %parallel_loop3A_646, %parallel_loop3A_649 : i32
      %parallel_loop3A_651 = arith.index_cast %parallel_loop3A_650 : i32 to index
      %parallel_loop3A_652 = tpu.vector_load %arg9[%parallel_loop3A_651] {strides = array<i32>} : memref<4096xi32, #tpu.memory_space<vmem>>, vector<16xi32>,
      tpu.vector_store %arg9[%parallel_loop3A_651], %parallel_loop3A_648 {strides = array<i32>} : memref<4096xi32, #tpu.memory_space<vmem>>, vector<16xi32>,
    } {sc.loop_unroll_factor = 8 : i64, sc.parallel_access}
    %parallel_loop3A_31 = arith.constant 0 : i32
    %parallel_loop3A_32 = arith.constant 128 : i32
    %parallel_loop3A_33 = arith.constant 1 : i32
    scf.for %parallel_loop3A_646 = %parallel_loop3A_31 to %parallel_loop3A_32 step %parallel_loop3A_33  : i32 {
      %parallel_loop3A_647 = arith.constant 16 : i32
      %parallel_loop3A_648 = arith.muli %parallel_loop3A_646, %parallel_loop3A_647 : i32
      %parallel_loop3A_649 = arith.index_cast %parallel_loop3A_648 : i32 to index
      %parallel_loop3A_650 = tpu.vector_load %arg8[%parallel_loop3A_649] {strides = array<i32>} : memref<2048xf32, #tpu.memory_space<vmem>>, vector<16xf32>,
      %parallel_loop3A_651 = tpu.bitcast %parallel_loop3A_650 : vector<16xf32> -> vector<16xi32>
      %parallel_loop3A_652 = arith.constant 31 : i32
      %parallel_loop3A_653 = vector.broadcast %parallel_loop3A_652 : i32 to vector<16xi32>
      %parallel_loop3A_654 = arith.shrsi %parallel_loop3A_651, %parallel_loop3A_653 : vector<16xi32>
      %parallel_loop3A_655 = arith.constant 2147483647 : i32
      %parallel_loop3A_656 = vector.broadcast %parallel_loop3A_655 : i32 to vector<16xi32>
      %parallel_loop3A_657 = arith.andi %parallel_loop3A_654, %parallel_loop3A_656 : vector<16xi32>
      %parallel_loop3A_658 = arith.xori %parallel_loop3A_651, %parallel_loop3A_657 : vector<16xi32>
      %parallel_loop3A_659 = arith.constant 20 : i32
      %parallel_loop3A_660 = vector.broadcast %parallel_loop3A_659 : i32 to vector<16xi32>
      %parallel_loop3A_661 = arith.shrsi %parallel_loop3A_658, %parallel_loop3A_660 : vector<16xi32>
      %parallel_loop3A_662 = arith.constant 2048 : i32
      %parallel_loop3A_663 = vector.broadcast %parallel_loop3A_662 : i32 to vector<16xi32>
      %parallel_loop3A_664 = arith.addi %parallel_loop3A_661, %parallel_loop3A_663 : vector<16xi32>
      tpu.vector_store_idx %arg9[%parallel_loop3A_664], %broadcast_in_dim3A_1 {add = true} : memref<4096xi32, #tpu.memory_space<vmem>>[vector<16xi32>], vector<16xi32>,
    } {sc.loop_unroll_factor = 8 : i64, sc.parallel_access}
    %while3A = arith.constant 255 : i32
    %while3A_34 = arith.constant 0 : i32
    %while3A_35 = arith.constant false
    %while3A_36 = arith.constant 0 : i32
    %while3A_37:4 = scf.while (%while3A_646 = %while3A, %while3A_647 = %while3A_34, %while3A_648 = %while3A_35, %while3A_649 = %while3A_36) : (i32, i32, i1, i32) -> (i32, i32, i1, i32) {
      %not3A = arith.constant true
      %not3A_650 = arith.xori %while3A_648, %not3A : i1
      scf.condition(%not3A_650) %while3A_646, %while3A_647, %while3A_648, %while3A_649 : i32, i32, i1, i32
    } do {
    ^bb0(%while3A_646: i32, %while3A_647: i32, %while3A_648: i1, %while3A_649: i32):
      %mul3A_650 = arith.constant 16 : i32
      %mul3A_651 = arith.muli %while3A_646, %mul3A_650 : i32
      %get3A_652 = arith.index_cast %mul3A_651 : i32 to index
      %get3A_653 = tpu.vector_load %arg9[%get3A_652] {strides = array<i32>} : memref<4096xi32, #tpu.memory_space<vmem>>, vector<16xi32>,
      %reduce_sum3A = arith.constant true
      %reduce_sum3A_654 = vector.broadcast %reduce_sum3A : i1 to vector<16xi1>
      %reduce_sum3A_655 = tpu.scan <sum>, %get3A_653 masked %reduce_sum3A_654 : vector<16xi32>, vector<16xi1> -> vector<16xi32>
      %reduce_sum3A_656 = vector.extract %reduce_sum3A_655[15] : i32 from vector<16xi32>
      %add3A_657 = arith.addi %while3A_647, %reduce_sum3A_656 : i32
      %ge3A = arith.constant 64 : i32
      %ge3A_658 = arith.cmpi sge, %add3A_657, %ge3A : i32
      %broadcast_in_dim3A_659 = arith.constant true
      %broadcast_in_dim3A_660 = vector.broadcast %broadcast_in_dim3A_659 : i1 to vector<16xi1>
      %masked_cumsum3A = tpu.scan <sum>, %get3A_653 masked %broadcast_in_dim3A_660 : vector<16xi32>, vector<16xi1> -> vector<16xi32>
      %sub3A_661 = vector.broadcast %reduce_sum3A_656 : i32 to vector<16xi32>
      %sub3A_662 = arith.subi %sub3A_661, %masked_cumsum3A : vector<16xi32>
      %add3A_663 = arith.addi %sub3A_662, %get3A_653 : vector<16xi32>
      %add3A_664 = vector.broadcast %while3A_647 : i32 to vector<16xi32>
      %add3A_665 = arith.addi %add3A_664, %add3A_663 : vector<16xi32>
      %ge3A_666 = arith.constant 64 : i32
      %ge3A_667 = vector.broadcast %ge3A_666 : i32 to vector<16xi32>
      %ge3A_668 = arith.cmpi sge, %add3A_665, %ge3A_667 : vector<16xi32>
      %convert_element_type3A = arith.extui %ge3A_668 : vector<16xi1> to vector<16xi32>
      %reduce_sum3A_669 = arith.constant true
      %reduce_sum3A_670 = vector.broadcast %reduce_sum3A_669 : i1 to vector<16xi1>
      %reduce_sum3A_671 = tpu.scan <sum>, %convert_element_type3A masked %reduce_sum3A_670 : vector<16xi32>, vector<16xi1> -> vector<16xi32>
      %reduce_sum3A_672 = vector.extract %reduce_sum3A_671[15] : i32 from vector<16xi32>
      %mul3A_673 = arith.constant 16 : i32
      %mul3A_674 = arith.muli %while3A_646, %mul3A_673 : i32
      %add3A_675 = arith.addi %mul3A_674, %reduce_sum3A_672 : i32
      %sub3A_676 = arith.constant 1 : i32
      %sub3A_677 = arith.subi %add3A_675, %sub3A_676 : i32
      %select_n3A_678 = arith.select %ge3A_658, %sub3A_677, %while3A_649 : i32
      %add3A_679 = arith.addi %while3A_647, %reduce_sum3A_656 : i32
      %select_n3A_680 = arith.select %ge3A_658, %while3A_647, %add3A_679 : i32
      %sub3A_681 = arith.constant 1 : i32
      %sub3A_682 = arith.subi %while3A_646, %sub3A_681 : i32
      %or3A = arith.ori %while3A_648, %ge3A_658 : i1
      scf.yield %sub3A_682, %select_n3A_680, %or3A, %select_n3A_678 : i32, i32, i1, i32
    }
    %sub3A = arith.constant 2048 : i32
    %sub3A_38 = arith.subi %while3A_37#3, %sub3A : i32
    %shift_left3A = arith.constant 20 : i32
    %shift_left3A_39 = arith.shli %sub3A_38, %shift_left3A : i32
    %parallel_loop3A_40 = arith.constant 0 : i32
    %parallel_loop3A_41 = arith.constant 2048 : i32
    %parallel_loop3A_42 = arith.constant 1 : i32
    %parallel_loop3A_43 = arith.constant 0 : i32
    %parallel_loop3A_44 = scf.for %parallel_loop3A_646 = %parallel_loop3A_40 to %parallel_loop3A_41 step %parallel_loop3A_42 iter_args(%parallel_loop3A_647 = %parallel_loop3A_43) -> (i32)  : i32 {
      %parallel_loop3A_648 = arith.constant 16 : i32
      %parallel_loop3A_649 = arith.muli %parallel_loop3A_646, %parallel_loop3A_648 : i32
      %parallel_loop3A_650 = arith.index_cast %parallel_loop3A_649 : i32 to index
      %parallel_loop3A_651 = tpu.vector_load %arg5[%parallel_loop3A_650] {strides = array<i32>} : memref<32768xf32, #tpu.memory_space<vmem>>, vector<16xf32>,
      %parallel_loop3A_652 = tpu.bitcast %parallel_loop3A_651 : vector<16xf32> -> vector<16xi32>
      %parallel_loop3A_653 = arith.constant 31 : i32
      %parallel_loop3A_654 = vector.broadcast %parallel_loop3A_653 : i32 to vector<16xi32>
      %parallel_loop3A_655 = arith.shrsi %parallel_loop3A_652, %parallel_loop3A_654 : vector<16xi32>
      %parallel_loop3A_656 = arith.constant 2147483647 : i32
      %parallel_loop3A_657 = vector.broadcast %parallel_loop3A_656 : i32 to vector<16xi32>
      %parallel_loop3A_658 = arith.andi %parallel_loop3A_655, %parallel_loop3A_657 : vector<16xi32>
      %parallel_loop3A_659 = arith.xori %parallel_loop3A_652, %parallel_loop3A_658 : vector<16xi32>
      %parallel_loop3A_660 = vector.broadcast %shift_left3A_39 : i32 to vector<16xi32>
      %parallel_loop3A_661 = arith.cmpi sge, %parallel_loop3A_659, %parallel_loop3A_660 : vector<16xi32>
      %parallel_loop3A_662 = arith.index_cast %parallel_loop3A_647 : i32 to index
      %parallel_loop3A_663 = tpu.vector_load %arg10[%parallel_loop3A_662] masked %parallel_loop3A_661 {strides = array<i32>} : memref<2048xi32, #tpu.memory_space<vmem>>, vector<16xi32>, vector<16xi1>
      tpu.vector_store %arg10[%parallel_loop3A_662], %parallel_loop3A_659 masked %parallel_loop3A_661 {strides = array<i32>} : memref<2048xi32, #tpu.memory_space<vmem>>, vector<16xi32>, vector<16xi1>
      %parallel_loop3A_664 = arith.constant 16 : i32
      %parallel_loop3A_665 = arith.muli %parallel_loop3A_646, %parallel_loop3A_664 : i32
      %parallel_loop3A_666 = vector.broadcast %parallel_loop3A_665 : i32 to vector<16xi32>
      %parallel_loop3A_667 = arith.addi %iota3A, %parallel_loop3A_666 : vector<16xi32>
      %parallel_loop3A_668 = arith.index_cast %parallel_loop3A_647 : i32 to index
      %parallel_loop3A_669 = tpu.vector_load %arg11[%parallel_loop3A_668] masked %parallel_loop3A_661 {strides = array<i32>} : memref<2048xi32, #tpu.memory_space<vmem>>, vector<16xi32>, vector<16xi1>
      tpu.vector_store %arg11[%parallel_loop3A_668], %parallel_loop3A_667 masked %parallel_loop3A_661 {strides = array<i32>} : memref<2048xi32, #tpu.memory_space<vmem>>, vector<16xi32>, vector<16xi1>
      %parallel_loop3A_670 = tpu.all_reduce %parallel_loop3A_661 {dim = 0 : i64, kind = #tpu.reduction_kind<sum>} : vector<16xi1> -> vector<16xi32>
      %parallel_loop3A_671 = vector.extract_strided_slice %parallel_loop3A_670 {offsets = [0], sizes = [1], strides = [1]} : vector<16xi32> to vector<1xi32>
      %parallel_loop3A_672 = vector.extract %parallel_loop3A_671[0] : i32 from vector<1xi32>
      %parallel_loop3A_673 = arith.addi %parallel_loop3A_647, %parallel_loop3A_672 : i32
      %parallel_loop3A_674 = arith.constant 2032 : i32
      %parallel_loop3A_675 = arith.minsi %parallel_loop3A_673, %parallel_loop3A_674 : i32
      scf.yield %parallel_loop3A_675 : i32
    } {sc.loop_unroll_factor = 4 : i64, sc.parallel_access}
    %add3A_45 = arith.constant 3 : i32
    %add3A_46 = arith.addi %add3A_22, %add3A_45 : i32
    %mul3A_47 = arith.constant 32768 : i32
    %mul3A_48 = arith.muli %add3A_46, %mul3A_47 : i32
    %dma_start3A_49 = tpu.memref_slice %arg2[%mul3A_48] : memref<4194304xf32, #tpu.memory_space<hbm>> -> memref<32768xf32, #tpu.memory_space<hbm>>
    %dma_start3A_50 = tpu.memref_slice %arg2[%mul3A_48] : memref<4194304xf32, #tpu.memory_space<hbm>> -> memref<32768xf32, #tpu.memory_space<hbm>>
    tpu.enqueue_dma source(%dma_start3A_50 : memref<32768xf32, #tpu.memory_space<hbm>>) target(%arg5 : memref<32768xf32, #tpu.memory_space<vmem>>) target_semaphore(%arg17 : memref<!tpu.dma_semaphore, #tpu.memory_space<semaphore_mem>>)
    %broadcast_in_dim3A_51 = arith.constant -2147483648 : i32
    %broadcast_in_dim3A_52 = vector.broadcast %broadcast_in_dim3A_51 : i32 to vector<16xi32>
    %swap3A = arith.index_cast %parallel_loop3A_44 : i32 to index
    %swap3A_53 = tpu.vector_load %arg10[%swap3A] {strides = array<i32>} : memref<2048xi32, #tpu.memory_space<vmem>>, vector<16xi32>,
    tpu.vector_store %arg10[%swap3A], %broadcast_in_dim3A_52 {strides = array<i32>} : memref<2048xi32, #tpu.memory_space<vmem>>, vector<16xi32>,
    %add3A_54 = arith.constant 16 : i32
    %add3A_55 = arith.addi %parallel_loop3A_44, %add3A_54 : i32
    %sub3A_56 = arith.constant 1 : i32
    %sub3A_57 = arith.subi %add3A_55, %sub3A_56 : i32
    %jit3A = arith.constant 16 : i32
    %div3A = arith.divsi %sub3A_57, %jit3A : i32
    %sign3A = arith.constant 0 : i32
    %sign3A_58 = arith.cmpi sgt, %sub3A_57, %sign3A : i32
    %sign3A_59 = arith.extui %sign3A_58 : i1 to i32
    %sign3A_60 = arith.constant 0 : i32
    %sign3A_61 = arith.cmpi slt, %sub3A_57, %sign3A_60 : i32
    %sign3A_62 = arith.extui %sign3A_61 : i1 to i32
    %sign3A_63 = arith.subi %sign3A_59, %sign3A_62 : i32
    %sign3A_64 = arith.constant 0 : i32
    %sign3A_65 = arith.cmpi sgt, %jit3A, %sign3A_64 : i32
    %sign3A_66 = arith.extui %sign3A_65 : i1 to i32
    %sign3A_67 = arith.constant 0 : i32
    %sign3A_68 = arith.cmpi slt, %jit3A, %sign3A_67 : i32
    %sign3A_69 = arith.extui %sign3A_68 : i1 to i32
    %sign3A_70 = arith.subi %sign3A_66, %sign3A_69 : i32
    %ne3A = arith.cmpi ne, %sign3A_63, %sign3A_70 : i32
    %rem3A = arith.remsi %sub3A_57, %jit3A : i32
    %ne3A_71 = arith.constant 0 : i32
    %ne3A_72 = arith.cmpi ne, %rem3A, %ne3A_71 : i32
    %and3A = arith.andi %ne3A, %ne3A_72 : i1
    %sub3A_73 = arith.constant 1 : i32
    %sub3A_74 = arith.subi %div3A, %sub3A_73 : i32
    %select_n3A = arith.select %and3A, %sub3A_74, %div3A : i32
    %scan3A = arith.constant 0 : i32
    %scan3A_75 = arith.constant 31 : i32
    %scan3A_76 = arith.addi %scan3A, %scan3A_75 : i32
    %scan3A_77 = arith.constant 1 : i32
    %scan3A_78 = scf.for %scan3A_646 = %scan3A to %scan3A_76 step %scan3A_77 iter_args(%scan3A_647 = %shift_left3A_39) -> (i32)  : i32 {
      %sub3A_648 = arith.constant 30 : i32
      %sub3A_649 = arith.subi %sub3A_648, %scan3A_646 : i32
      %shift_left3A_650 = arith.constant 1 : i32
      %shift_left3A_651 = arith.shli %shift_left3A_650, %sub3A_649 : i32
      %add3A_652 = arith.addi %scan3A_647, %shift_left3A_651 : i32
      %broadcast_in_dim3A_653 = arith.constant 0 : i32
      %broadcast_in_dim3A_654 = vector.broadcast %broadcast_in_dim3A_653 : i32 to vector<16xi32>
      %parallel_loop3A_655 = arith.constant 0 : i32
      %parallel_loop3A_656 = arith.constant 1 : i32
      %parallel_loop3A_657 = scf.for %parallel_loop3A_663 = %parallel_loop3A_655 to %select_n3A step %parallel_loop3A_656 iter_args(%parallel_loop3A_664 = %broadcast_in_dim3A_654) -> (vector<16xi32>)  : i32 {
        %parallel_loop3A_665 = arith.constant 16 : i32
        %parallel_loop3A_666 = arith.muli %parallel_loop3A_663, %parallel_loop3A_665 : i32
        %parallel_loop3A_667 = arith.index_cast %parallel_loop3A_666 : i32 to index
        %parallel_loop3A_668 = tpu.vector_load %arg10[%parallel_loop3A_667] {strides = array<i32>} : memref<2048xi32, #tpu.memory_space<vmem>>, vector<16xi32>,
        %parallel_loop3A_669 = vector.broadcast %add3A_652 : i32 to vector<16xi32>
        %parallel_loop3A_670 = arith.cmpi sge, %parallel_loop3A_668, %parallel_loop3A_669 : vector<16xi32>
        %parallel_loop3A_671 = tpu.all_reduce %parallel_loop3A_670 {dim = 0 : i64, kind = #tpu.reduction_kind<sum>} : vector<16xi1> -> vector<16xi32>
        %parallel_loop3A_672 = arith.addi %parallel_loop3A_664, %parallel_loop3A_671 : vector<16xi32>
        scf.yield %parallel_loop3A_672 : vector<16xi32>
      } {sc.loop_unroll_factor = 4 : i64, sc.parallel_access}
      %slice3A_658 = vector.extract_strided_slice %parallel_loop3A_657 {offsets = [0], sizes = [1], strides = [1]} : vector<16xi32> to vector<1xi32>
      %squeeze3A_659 = vector.extract %slice3A_658[0] : i32 from vector<1xi32>
      %gt3A = arith.cmpi sgt, %add3A_652, %scan3A_647 : i32
      %ge3A = arith.constant 64 : i32
      %ge3A_660 = arith.cmpi sge, %squeeze3A_659, %ge3A : i32
      %and3A_661 = arith.andi %gt3A, %ge3A_660 : i1
      %select_n3A_662 = arith.select %and3A_661, %add3A_652, %scan3A_647 : i32
      scf.yield %select_n3A_662 : i32
    }
    %scan3A_79 = arith.constant 31 : i32
    %broadcast_in_dim3A_80 = arith.constant 0 : i32
    %broadcast_in_dim3A_81 = vector.broadcast %broadcast_in_dim3A_80 : i32 to vector<16xi32>
    %parallel_loop3A_82 = arith.constant 0 : i32
    %parallel_loop3A_83 = arith.constant 1 : i32
    %parallel_loop3A_84 = scf.for %parallel_loop3A_646 = %parallel_loop3A_82 to %select_n3A step %parallel_loop3A_83 iter_args(%parallel_loop3A_647 = %broadcast_in_dim3A_81) -> (vector<16xi32>)  : i32 {
      %parallel_loop3A_648 = arith.constant 16 : i32
      %parallel_loop3A_649 = arith.muli %parallel_loop3A_646, %parallel_loop3A_648 : i32
      %parallel_loop3A_650 = arith.index_cast %parallel_loop3A_649 : i32 to index
      %parallel_loop3A_651 = tpu.vector_load %arg10[%parallel_loop3A_650] {strides = array<i32>} : memref<2048xi32, #tpu.memory_space<vmem>>, vector<16xi32>,
      %parallel_loop3A_652 = vector.broadcast %scan3A_78 : i32 to vector<16xi32>
      %parallel_loop3A_653 = arith.cmpi sgt, %parallel_loop3A_651, %parallel_loop3A_652 : vector<16xi32>
      %parallel_loop3A_654 = tpu.all_reduce %parallel_loop3A_653 {dim = 0 : i64, kind = #tpu.reduction_kind<sum>} : vector<16xi1> -> vector<16xi32>
      %parallel_loop3A_655 = arith.addi %parallel_loop3A_647, %parallel_loop3A_654 : vector<16xi32>
      scf.yield %parallel_loop3A_655 : vector<16xi32>
    } {sc.loop_unroll_factor = 4 : i64, sc.parallel_access}
    %slice3A = vector.extract_strided_slice %parallel_loop3A_84 {offsets = [0], sizes = [1], strides = [1]} : vector<16xi32> to vector<1xi32>
    %squeeze3A = vector.extract %slice3A[0] : i32 from vector<1xi32>
    %sub3A_85 = arith.constant 64 : i32
    %sub3A_86 = arith.subi %sub3A_85, %squeeze3A : i32
    %parallel_loop3A_87 = arith.constant 0 : i32
    %parallel_loop3A_88 = arith.constant 1 : i32
    %parallel_loop3A_89 = arith.constant 0 : i32
    %parallel_loop3A_90 = scf.for %parallel_loop3A_646 = %parallel_loop3A_87 to %select_n3A step %parallel_loop3A_88 iter_args(%parallel_loop3A_647 = %parallel_loop3A_89) -> (i32)  : i32 {
      %parallel_loop3A_648 = arith.constant 16 : i32
      %parallel_loop3A_649 = arith.muli %parallel_loop3A_646, %parallel_loop3A_648 : i32
      %parallel_loop3A_650 = arith.index_cast %parallel_loop3A_649 : i32 to index
      %parallel_loop3A_651 = tpu.vector_load %arg10[%parallel_loop3A_650] {strides = array<i32>} : memref<2048xi32, #tpu.memory_space<vmem>>, vector<16xi32>,
      %parallel_loop3A_652 = arith.constant 16 : i32
      %parallel_loop3A_653 = arith.muli %parallel_loop3A_646, %parallel_loop3A_652 : i32
      %parallel_loop3A_654 = arith.index_cast %parallel_loop3A_653 : i32 to index
      %parallel_loop3A_655 = tpu.vector_load %arg11[%parallel_loop3A_654] {strides = array<i32>} : memref<2048xi32, #tpu.memory_space<vmem>>, vector<16xi32>,
      %parallel_loop3A_656 = vector.broadcast %scan3A_78 : i32 to vector<16xi32>
      %parallel_loop3A_657 = arith.cmpi eq, %parallel_loop3A_651, %parallel_loop3A_656 : vector<16xi32>
      %parallel_loop3A_658 = arith.index_cast %parallel_loop3A_647 : i32 to index
      %parallel_loop3A_659 = tpu.vector_load %arg12[%parallel_loop3A_658] masked %parallel_loop3A_657 {strides = array<i32>} : memref<2048xi32, #tpu.memory_space<vmem>>, vector<16xi32>, vector<16xi1>
      tpu.vector_store %arg12[%parallel_loop3A_658], %parallel_loop3A_655 masked %parallel_loop3A_657 {strides = array<i32>} : memref<2048xi32, #tpu.memory_space<vmem>>, vector<16xi32>, vector<16xi1>
      %parallel_loop3A_660 = tpu.all_reduce %parallel_loop3A_657 {dim = 0 : i64, kind = #tpu.reduction_kind<sum>} : vector<16xi1> -> vector<16xi32>
      %parallel_loop3A_661 = vector.extract_strided_slice %parallel_loop3A_660 {offsets = [0], sizes = [1], strides = [1]} : vector<16xi32> to vector<1xi32>
      %parallel_loop3A_662 = vector.extract %parallel_loop3A_661[0] : i32 from vector<1xi32>
      %parallel_loop3A_663 = arith.addi %parallel_loop3A_647, %parallel_loop3A_662 : i32
      %parallel_loop3A_664 = arith.constant 2032 : i32
      %parallel_loop3A_665 = arith.minsi %parallel_loop3A_663, %parallel_loop3A_664 : i32
      scf.yield %parallel_loop3A_665 : i32
    } {sc.loop_unroll_factor = 4 : i64, sc.parallel_access}
    %broadcast_in_dim3A_91 = arith.constant 2147483647 : i32
    %broadcast_in_dim3A_92 = vector.broadcast %broadcast_in_dim3A_91 : i32 to vector<16xi32>
    %swap3A_93 = arith.index_cast %parallel_loop3A_90 : i32 to index
    %swap3A_94 = tpu.vector_load %arg12[%swap3A_93] {strides = array<i32>} : memref<2048xi32, #tpu.memory_space<vmem>>, vector<16xi32>,
    tpu.vector_store %arg12[%swap3A_93], %broadcast_in_dim3A_92 {strides = array<i32>} : memref<2048xi32, #tpu.memory_space<vmem>>, vector<16xi32>,
    %add3A_95 = arith.constant 16 : i32
    %add3A_96 = arith.addi %parallel_loop3A_90, %add3A_95 : i32
    %sub3A_97 = arith.constant 1 : i32
    %sub3A_98 = arith.subi %add3A_96, %sub3A_97 : i32
    %jit3A_99 = arith.constant 16 : i32
    %div3A_100 = arith.divsi %sub3A_98, %jit3A_99 : i32
    %sign3A_101 = arith.constant 0 : i32
    %sign3A_102 = arith.cmpi sgt, %sub3A_98, %sign3A_101 : i32
    %sign3A_103 = arith.extui %sign3A_102 : i1 to i32
    %sign3A_104 = arith.constant 0 : i32
    %sign3A_105 = arith.cmpi slt, %sub3A_98, %sign3A_104 : i32
    %sign3A_106 = arith.extui %sign3A_105 : i1 to i32
    %sign3A_107 = arith.subi %sign3A_103, %sign3A_106 : i32
    %sign3A_108 = arith.constant 0 : i32
    %sign3A_109 = arith.cmpi sgt, %jit3A_99, %sign3A_108 : i32
    %sign3A_110 = arith.extui %sign3A_109 : i1 to i32
    %sign3A_111 = arith.constant 0 : i32
    %sign3A_112 = arith.cmpi slt, %jit3A_99, %sign3A_111 : i32
    %sign3A_113 = arith.extui %sign3A_112 : i1 to i32
    %sign3A_114 = arith.subi %sign3A_110, %sign3A_113 : i32
    %ne3A_115 = arith.cmpi ne, %sign3A_107, %sign3A_114 : i32
    %rem3A_116 = arith.remsi %sub3A_98, %jit3A_99 : i32
    %ne3A_117 = arith.constant 0 : i32
    %ne3A_118 = arith.cmpi ne, %rem3A_116, %ne3A_117 : i32
    %and3A_119 = arith.andi %ne3A_115, %ne3A_118 : i1
    %sub3A_120 = arith.constant 1 : i32
    %sub3A_121 = arith.subi %div3A_100, %sub3A_120 : i32
    %select_n3A_122 = arith.select %and3A_119, %sub3A_121, %div3A_100 : i32
    %scan3A_123 = arith.constant 0 : i32
    %scan3A_124 = arith.constant 0 : i32
    %scan3A_125 = arith.constant 15 : i32
    %scan3A_126 = arith.addi %scan3A_124, %scan3A_125 : i32
    %scan3A_127 = arith.constant 1 : i32
    %scan3A_128 = scf.for %scan3A_646 = %scan3A_124 to %scan3A_126 step %scan3A_127 iter_args(%scan3A_647 = %scan3A_123) -> (i32)  : i32 {
      %sub3A_648 = arith.constant 14 : i32
      %sub3A_649 = arith.subi %sub3A_648, %scan3A_646 : i32
      %shift_left3A_650 = arith.constant 1 : i32
      %shift_left3A_651 = arith.shli %shift_left3A_650, %sub3A_649 : i32
      %add3A_652 = arith.addi %scan3A_647, %shift_left3A_651 : i32
      %broadcast_in_dim3A_653 = arith.constant 0 : i32
      %broadcast_in_dim3A_654 = vector.broadcast %broadcast_in_dim3A_653 : i32 to vector<16xi32>
      %parallel_loop3A_655 = arith.constant 0 : i32
      %parallel_loop3A_656 = arith.constant 1 : i32
      %parallel_loop3A_657 = scf.for %parallel_loop3A_661 = %parallel_loop3A_655 to %select_n3A_122 step %parallel_loop3A_656 iter_args(%parallel_loop3A_662 = %broadcast_in_dim3A_654) -> (vector<16xi32>)  : i32 {
        %parallel_loop3A_663 = arith.constant 16 : i32
        %parallel_loop3A_664 = arith.muli %parallel_loop3A_661, %parallel_loop3A_663 : i32
        %parallel_loop3A_665 = arith.index_cast %parallel_loop3A_664 : i32 to index
        %parallel_loop3A_666 = tpu.vector_load %arg12[%parallel_loop3A_665] {strides = array<i32>} : memref<2048xi32, #tpu.memory_space<vmem>>, vector<16xi32>,
        %parallel_loop3A_667 = vector.broadcast %add3A_652 : i32 to vector<16xi32>
        %parallel_loop3A_668 = arith.cmpi slt, %parallel_loop3A_666, %parallel_loop3A_667 : vector<16xi32>
        %parallel_loop3A_669 = tpu.all_reduce %parallel_loop3A_668 {dim = 0 : i64, kind = #tpu.reduction_kind<sum>} : vector<16xi1> -> vector<16xi32>
        %parallel_loop3A_670 = arith.addi %parallel_loop3A_662, %parallel_loop3A_669 : vector<16xi32>
        scf.yield %parallel_loop3A_670 : vector<16xi32>
      } {sc.loop_unroll_factor = 2 : i64, sc.parallel_access}
      %slice3A_658 = vector.extract_strided_slice %parallel_loop3A_657 {offsets = [0], sizes = [1], strides = [1]} : vector<16xi32> to vector<1xi32>
      %squeeze3A_659 = vector.extract %slice3A_658[0] : i32 from vector<1xi32>
      %lt3A = arith.cmpi slt, %squeeze3A_659, %sub3A_86 : i32
      %select_n3A_660 = arith.select %lt3A, %add3A_652, %scan3A_647 : i32
      scf.yield %select_n3A_660 : i32
    }
    %scan3A_129 = arith.constant 15 : i32
    %parallel_loop3A_130 = arith.constant 0 : i32
    %parallel_loop3A_131 = arith.constant 1 : i32
    %parallel_loop3A_132 = arith.constant 0 : i32
    %parallel_loop3A_133 = scf.for %parallel_loop3A_646 = %parallel_loop3A_130 to %select_n3A step %parallel_loop3A_131 iter_args(%parallel_loop3A_647 = %parallel_loop3A_132) -> (i32)  : i32 {
      %parallel_loop3A_648 = arith.constant 16 : i32
      %parallel_loop3A_649 = arith.muli %parallel_loop3A_646, %parallel_loop3A_648 : i32
      %parallel_loop3A_650 = arith.index_cast %parallel_loop3A_649 : i32 to index
      %parallel_loop3A_651 = tpu.vector_load %arg10[%parallel_loop3A_650] {strides = array<i32>} : memref<2048xi32, #tpu.memory_space<vmem>>, vector<16xi32>,
      %parallel_loop3A_652 = arith.constant 16 : i32
      %parallel_loop3A_653 = arith.muli %parallel_loop3A_646, %parallel_loop3A_652 : i32
      %parallel_loop3A_654 = arith.index_cast %parallel_loop3A_653 : i32 to index
      %parallel_loop3A_655 = tpu.vector_load %arg11[%parallel_loop3A_654] {strides = array<i32>} : memref<2048xi32, #tpu.memory_space<vmem>>, vector<16xi32>,
      %parallel_loop3A_656 = vector.broadcast %scan3A_78 : i32 to vector<16xi32>
      %parallel_loop3A_657 = arith.cmpi sgt, %parallel_loop3A_651, %parallel_loop3A_656 : vector<16xi32>
      %parallel_loop3A_658 = vector.broadcast %scan3A_78 : i32 to vector<16xi32>
      %parallel_loop3A_659 = arith.cmpi eq, %parallel_loop3A_651, %parallel_loop3A_658 : vector<16xi32>
      %parallel_loop3A_660 = vector.broadcast %scan3A_128 : i32 to vector<16xi32>
      %parallel_loop3A_661 = arith.cmpi sle, %parallel_loop3A_655, %parallel_loop3A_660 : vector<16xi32>
      %parallel_loop3A_662 = arith.andi %parallel_loop3A_659, %parallel_loop3A_661 : vector<16xi1>
      %parallel_loop3A_663 = arith.ori %parallel_loop3A_657, %parallel_loop3A_662 : vector<16xi1>
      %parallel_loop3A_664 = arith.constant 0 : i32
      %parallel_loop3A_665 = vector.broadcast %parallel_loop3A_664 : i32 to vector<16xi32>
      %parallel_loop3A_666 = arith.maxsi %parallel_loop3A_651, %parallel_loop3A_665 : vector<16xi32>
      %parallel_loop3A_667 = tpu.bitcast %parallel_loop3A_666 : vector<16xi32> -> vector<16xf32>
      %parallel_loop3A_668 = arith.index_cast %parallel_loop3A_647 : i32 to index
      %parallel_loop3A_669 = tpu.vector_load %arg13[%parallel_loop3A_668] masked %parallel_loop3A_663 {strides = array<i32>} : memref<80xf32, #tpu.memory_space<vmem>>, vector<16xf32>, vector<16xi1>
      tpu.vector_store %arg13[%parallel_loop3A_668], %parallel_loop3A_667 masked %parallel_loop3A_663 {strides = array<i32>} : memref<80xf32, #tpu.memory_space<vmem>>, vector<16xf32>, vector<16xi1>
      %parallel_loop3A_670 = vector.broadcast %mul3A_24 : i32 to vector<16xi32>
      %parallel_loop3A_671 = arith.addi %parallel_loop3A_655, %parallel_loop3A_670 : vector<16xi32>
      %parallel_loop3A_672 = arith.index_cast %parallel_loop3A_647 : i32 to index
      %parallel_loop3A_673 = tpu.vector_load %arg14[%parallel_loop3A_672] masked %parallel_loop3A_663 {strides = array<i32>} : memref<80xi32, #tpu.memory_space<vmem>>, vector<16xi32>, vector<16xi1>
      tpu.vector_store %arg14[%parallel_loop3A_672], %parallel_loop3A_671 masked %parallel_loop3A_663 {strides = array<i32>} : memref<80xi32, #tpu.memory_space<vmem>>, vector<16xi32>, vector<16xi1>
      %parallel_loop3A_674 = tpu.all_reduce %parallel_loop3A_663 {dim = 0 : i64, kind = #tpu.reduction_kind<sum>} : vector<16xi1> -> vector<16xi32>
      %parallel_loop3A_675 = vector.extract_strided_slice %parallel_loop3A_674 {offsets = [0], sizes = [1], strides = [1]} : vector<16xi32> to vector<1xi32>
      %parallel_loop3A_676 = vector.extract %parallel_loop3A_675[0] : i32 from vector<1xi32>
      %parallel_loop3A_677 = arith.addi %parallel_loop3A_647, %parallel_loop3A_676 : i32
      scf.yield %parallel_loop3A_677 : i32
    } {sc.loop_unroll_factor = 2 : i64, sc.parallel_access}
    %get3A = arith.constant 0 : index
    %get3A_134 = tpu.vector_load %arg13[%get3A] {strides = array<i32>} : memref<80xf32, #tpu.memory_space<vmem>>, vector<16xf32>,
    %swap3A_135 = arith.constant 0 : index
    %swap3A_136 = tpu.vector_load %arg15[%swap3A_135] {strides = array<i32>} : memref<64xf32, #tpu.memory_space<vmem>>, vector<16xf32>,
    tpu.vector_store %arg15[%swap3A_135], %get3A_134 {strides = array<i32>} : memref<64xf32, #tpu.memory_space<vmem>>, vector<16xf32>,
    %get3A_137 = arith.constant 0 : index
    %get3A_138 = tpu.vector_load %arg14[%get3A_137] {strides = array<i32>} : memref<80xi32, #tpu.memory_space<vmem>>, vector<16xi32>,
    %swap3A_139 = arith.constant 0 : index
    %swap3A_140 = tpu.vector_load %arg16[%swap3A_139] {strides = array<i32>} : memref<64xi32, #tpu.memory_space<vmem>>, vector<16xi32>,
    tpu.vector_store %arg16[%swap3A_139], %get3A_138 {strides = array<i32>} : memref<64xi32, #tpu.memory_space<vmem>>, vector<16xi32>,
    %get3A_141 = arith.constant 16 : index
    %get3A_142 = tpu.vector_load %arg13[%get3A_141] {strides = array<i32>} : memref<80xf32, #tpu.memory_space<vmem>>, vector<16xf32>,
    %swap3A_143 = arith.constant 16 : index
    %swap3A_144 = tpu.vector_load %arg15[%swap3A_143] {strides = array<i32>} : memref<64xf32, #tpu.memory_space<vmem>>, vector<16xf32>,
    tpu.vector_store %arg15[%swap3A_143], %get3A_142 {strides = array<i32>} : memref<64xf32, #tpu.memory_space<vmem>>, vector<16xf32>,
    %get3A_145 = arith.constant 16 : index
    %get3A_146 = tpu.vector_load %arg14[%get3A_145] {strides = array<i32>} : memref<80xi32, #tpu.memory_space<vmem>>, vector<16xi32>,
    %swap3A_147 = arith.constant 16 : index
    %swap3A_148 = tpu.vector_load %arg16[%swap3A_147] {strides = array<i32>} : memref<64xi32, #tpu.memory_space<vmem>>, vector<16xi32>,
    tpu.vector_store %arg16[%swap3A_147], %get3A_146 {strides = array<i32>} : memref<64xi32, #tpu.memory_space<vmem>>, vector<16xi32>,
    %get3A_149 = arith.constant 32 : index
    %get3A_150 = tpu.vector_load %arg13[%get3A_149] {strides = array<i32>} : memref<80xf32, #tpu.memory_space<vmem>>, vector<16xf32>,
    %swap3A_151 = arith.constant 32 : index
    %swap3A_152 = tpu.vector_load %arg15[%swap3A_151] {strides = array<i32>} : memref<64xf32, #tpu.memory_space<vmem>>, vector<16xf32>,
    tpu.vector_store %arg15[%swap3A_151], %get3A_150 {strides = array<i32>} : memref<64xf32, #tpu.memory_space<vmem>>, vector<16xf32>,
    %get3A_153 = arith.constant 32 : index
    %get3A_154 = tpu.vector_load %arg14[%get3A_153] {strides = array<i32>} : memref<80xi32, #tpu.memory_space<vmem>>, vector<16xi32>,
    %swap3A_155 = arith.constant 32 : index
    %swap3A_156 = tpu.vector_load %arg16[%swap3A_155] {strides = array<i32>} : memref<64xi32, #tpu.memory_space<vmem>>, vector<16xi32>,
    tpu.vector_store %arg16[%swap3A_155], %get3A_154 {strides = array<i32>} : memref<64xi32, #tpu.memory_space<vmem>>, vector<16xi32>,
    %get3A_157 = arith.constant 48 : index
    %get3A_158 = tpu.vector_load %arg13[%get3A_157] {strides = array<i32>} : memref<80xf32, #tpu.memory_space<vmem>>, vector<16xf32>,
    %swap3A_159 = arith.constant 48 : index
    %swap3A_160 = tpu.vector_load %arg15[%swap3A_159] {strides = array<i32>} : memref<64xf32, #tpu.memory_space<vmem>>, vector<16xf32>,
    tpu.vector_store %arg15[%swap3A_159], %get3A_158 {strides = array<i32>} : memref<64xf32, #tpu.memory_space<vmem>>, vector<16xf32>,
    %get3A_161 = arith.constant 48 : index
    %get3A_162 = tpu.vector_load %arg14[%get3A_161] {strides = array<i32>} : memref<80xi32, #tpu.memory_space<vmem>>, vector<16xi32>,
    %swap3A_163 = arith.constant 48 : index
    %swap3A_164 = tpu.vector_load %arg16[%swap3A_163] {strides = array<i32>} : memref<64xi32, #tpu.memory_space<vmem>>, vector<16xi32>,
    tpu.vector_store %arg16[%swap3A_163], %get3A_162 {strides = array<i32>} : memref<64xi32, #tpu.memory_space<vmem>>, vector<16xi32>,
    %dma_start3A_165 = arith.constant 0 : i32
    %dma_start3A_166 = tpu.memref_slice %arg3[%dma_start3A_165] : memref<4194304xf32, #tpu.memory_space<hbm>> -> memref<4194304xf32, #tpu.memory_space<hbm>>
    tpu.enqueue_indirect_dma source(%arg15 : memref<64xf32, #tpu.memory_space<vmem>>) target(%dma_start3A_166 : memref<4194304xf32, #tpu.memory_space<hbm>>) offsets(%arg16 : memref<64xi32, #tpu.memory_space<vmem>>) semaphore(%arg20 : memref<!tpu.dma_semaphore, #tpu.memory_space<semaphore_mem>>)
    %add3A_167 = arith.constant 1 : i32
    %add3A_168 = arith.addi %mul3A_3, %add3A_167 : i32
    %mul3A_169 = arith.constant 32768 : i32
    %mul3A_170 = arith.muli %add3A_168, %mul3A_169 : i32
    %dma_wait3A_171 = tpu.memref_slice %arg2[%mul3A_170] : memref<4194304xf32, #tpu.memory_space<hbm>> -> memref<32768xf32, #tpu.memory_space<hbm>>
    %dma_wait3A_172 = tpu.memref_slice %arg2[%mul3A_170] : memref<4194304xf32, #tpu.memory_space<hbm>> -> memref<32768xf32, #tpu.memory_space<hbm>>
    tpu.wait_dma2 semaphore(%arg18 : memref<!tpu.dma_semaphore, #tpu.memory_space<semaphore_mem>>) src(%dma_wait3A_172 : memref<32768xf32, #tpu.memory_space<hbm>>) dst(%arg6 : memref<32768xf32, #tpu.memory_space<vmem>>)
    %parallel_loop3A_173 = arith.constant 0 : i32
    %parallel_loop3A_174 = arith.constant 128 : i32
    %parallel_loop3A_175 = arith.constant 1 : i32
    scf.for %parallel_loop3A_646 = %parallel_loop3A_173 to %parallel_loop3A_174 step %parallel_loop3A_175  : i32 {
      %parallel_loop3A_647 = arith.constant 256 : i32
      %parallel_loop3A_648 = arith.muli %parallel_loop3A_646, %parallel_loop3A_647 : i32
      %parallel_loop3A_649 = arith.constant 0 : i32
      %parallel_loop3A_650 = arith.addi %parallel_loop3A_648, %parallel_loop3A_649 : i32
      %parallel_loop3A_651 = arith.index_cast %parallel_loop3A_650 : i32 to index
      %parallel_loop3A_652 = tpu.vector_load %arg6[%parallel_loop3A_651] {strides = array<i32>} : memref<32768xf32, #tpu.memory_space<vmem>>, vector<16xf32>,
      %parallel_loop3A_653 = arith.constant 256 : i32
      %parallel_loop3A_654 = arith.muli %parallel_loop3A_646, %parallel_loop3A_653 : i32
      %parallel_loop3A_655 = arith.constant 16 : i32
      %parallel_loop3A_656 = arith.addi %parallel_loop3A_654, %parallel_loop3A_655 : i32
      %parallel_loop3A_657 = arith.index_cast %parallel_loop3A_656 : i32 to index
      %parallel_loop3A_658 = tpu.vector_load %arg6[%parallel_loop3A_657] {strides = array<i32>} : memref<32768xf32, #tpu.memory_space<vmem>>, vector<16xf32>,
      %parallel_loop3A_659 = arith.constant 256 : i32
      %parallel_loop3A_660 = arith.muli %parallel_loop3A_646, %parallel_loop3A_659 : i32
      %parallel_loop3A_661 = arith.constant 32 : i32
      %parallel_loop3A_662 = arith.addi %parallel_loop3A_660, %parallel_loop3A_661 : i32
      %parallel_loop3A_663 = arith.index_cast %parallel_loop3A_662 : i32 to index
      %parallel_loop3A_664 = tpu.vector_load %arg6[%parallel_loop3A_663] {strides = array<i32>} : memref<32768xf32, #tpu.memory_space<vmem>>, vector<16xf32>,
      %parallel_loop3A_665 = arith.constant 256 : i32
      %parallel_loop3A_666 = arith.muli %parallel_loop3A_646, %parallel_loop3A_665 : i32
      %parallel_loop3A_667 = arith.constant 48 : i32
      %parallel_loop3A_668 = arith.addi %parallel_loop3A_666, %parallel_loop3A_667 : i32
      %parallel_loop3A_669 = arith.index_cast %parallel_loop3A_668 : i32 to index
      %parallel_loop3A_670 = tpu.vector_load %arg6[%parallel_loop3A_669] {strides = array<i32>} : memref<32768xf32, #tpu.memory_space<vmem>>, vector<16xf32>,
      %parallel_loop3A_671 = arith.constant 256 : i32
      %parallel_loop3A_672 = arith.muli %parallel_loop3A_646, %parallel_loop3A_671 : i32
      %parallel_loop3A_673 = arith.constant 64 : i32
      %parallel_loop3A_674 = arith.addi %parallel_loop3A_672, %parallel_loop3A_673 : i32
      %parallel_loop3A_675 = arith.index_cast %parallel_loop3A_674 : i32 to index
      %parallel_loop3A_676 = tpu.vector_load %arg6[%parallel_loop3A_675] {strides = array<i32>} : memref<32768xf32, #tpu.memory_space<vmem>>, vector<16xf32>,
      %parallel_loop3A_677 = arith.constant 256 : i32
      %parallel_loop3A_678 = arith.muli %parallel_loop3A_646, %parallel_loop3A_677 : i32
      %parallel_loop3A_679 = arith.constant 80 : i32
      %parallel_loop3A_680 = arith.addi %parallel_loop3A_678, %parallel_loop3A_679 : i32
      %parallel_loop3A_681 = arith.index_cast %parallel_loop3A_680 : i32 to index
      %parallel_loop3A_682 = tpu.vector_load %arg6[%parallel_loop3A_681] {strides = array<i32>} : memref<32768xf32, #tpu.memory_space<vmem>>, vector<16xf32>,
      %parallel_loop3A_683 = arith.constant 256 : i32
      %parallel_loop3A_684 = arith.muli %parallel_loop3A_646, %parallel_loop3A_683 : i32
      %parallel_loop3A_685 = arith.constant 96 : i32
      %parallel_loop3A_686 = arith.addi %parallel_loop3A_684, %parallel_loop3A_685 : i32
      %parallel_loop3A_687 = arith.index_cast %parallel_loop3A_686 : i32 to index
      %parallel_loop3A_688 = tpu.vector_load %arg6[%parallel_loop3A_687] {strides = array<i32>} : memref<32768xf32, #tpu.memory_space<vmem>>, vector<16xf32>,
      %parallel_loop3A_689 = arith.constant 256 : i32
      %parallel_loop3A_690 = arith.muli %parallel_loop3A_646, %parallel_loop3A_689 : i32
      %parallel_loop3A_691 = arith.constant 112 : i32
      %parallel_loop3A_692 = arith.addi %parallel_loop3A_690, %parallel_loop3A_691 : i32
      %parallel_loop3A_693 = arith.index_cast %parallel_loop3A_692 : i32 to index
      %parallel_loop3A_694 = tpu.vector_load %arg6[%parallel_loop3A_693] {strides = array<i32>} : memref<32768xf32, #tpu.memory_space<vmem>>, vector<16xf32>,
      %parallel_loop3A_695 = arith.constant 256 : i32
      %parallel_loop3A_696 = arith.muli %parallel_loop3A_646, %parallel_loop3A_695 : i32
      %parallel_loop3A_697 = arith.constant 128 : i32
      %parallel_loop3A_698 = arith.addi %parallel_loop3A_696, %parallel_loop3A_697 : i32
      %parallel_loop3A_699 = arith.index_cast %parallel_loop3A_698 : i32 to index
      %parallel_loop3A_700 = tpu.vector_load %arg6[%parallel_loop3A_699] {strides = array<i32>} : memref<32768xf32, #tpu.memory_space<vmem>>, vector<16xf32>,
      %parallel_loop3A_701 = arith.constant 256 : i32
      %parallel_loop3A_702 = arith.muli %parallel_loop3A_646, %parallel_loop3A_701 : i32
      %parallel_loop3A_703 = arith.constant 144 : i32
      %parallel_loop3A_704 = arith.addi %parallel_loop3A_702, %parallel_loop3A_703 : i32
      %parallel_loop3A_705 = arith.index_cast %parallel_loop3A_704 : i32 to index
      %parallel_loop3A_706 = tpu.vector_load %arg6[%parallel_loop3A_705] {strides = array<i32>} : memref<32768xf32, #tpu.memory_space<vmem>>, vector<16xf32>,
      %parallel_loop3A_707 = arith.constant 256 : i32
      %parallel_loop3A_708 = arith.muli %parallel_loop3A_646, %parallel_loop3A_707 : i32
      %parallel_loop3A_709 = arith.constant 160 : i32
      %parallel_loop3A_710 = arith.addi %parallel_loop3A_708, %parallel_loop3A_709 : i32
      %parallel_loop3A_711 = arith.index_cast %parallel_loop3A_710 : i32 to index
      %parallel_loop3A_712 = tpu.vector_load %arg6[%parallel_loop3A_711] {strides = array<i32>} : memref<32768xf32, #tpu.memory_space<vmem>>, vector<16xf32>,
      %parallel_loop3A_713 = arith.constant 256 : i32
      %parallel_loop3A_714 = arith.muli %parallel_loop3A_646, %parallel_loop3A_713 : i32
      %parallel_loop3A_715 = arith.constant 176 : i32
      %parallel_loop3A_716 = arith.addi %parallel_loop3A_714, %parallel_loop3A_715 : i32
      %parallel_loop3A_717 = arith.index_cast %parallel_loop3A_716 : i32 to index
      %parallel_loop3A_718 = tpu.vector_load %arg6[%parallel_loop3A_717] {strides = array<i32>} : memref<32768xf32, #tpu.memory_space<vmem>>, vector<16xf32>,
      %parallel_loop3A_719 = arith.constant 256 : i32
      %parallel_loop3A_720 = arith.muli %parallel_loop3A_646, %parallel_loop3A_719 : i32
      %parallel_loop3A_721 = arith.constant 192 : i32
      %parallel_loop3A_722 = arith.addi %parallel_loop3A_720, %parallel_loop3A_721 : i32
      %parallel_loop3A_723 = arith.index_cast %parallel_loop3A_722 : i32 to index
      %parallel_loop3A_724 = tpu.vector_load %arg6[%parallel_loop3A_723] {strides = array<i32>} : memref<32768xf32, #tpu.memory_space<vmem>>, vector<16xf32>,
      %parallel_loop3A_725 = arith.constant 256 : i32
      %parallel_loop3A_726 = arith.muli %parallel_loop3A_646, %parallel_loop3A_725 : i32
      %parallel_loop3A_727 = arith.constant 208 : i32
      %parallel_loop3A_728 = arith.addi %parallel_loop3A_726, %parallel_loop3A_727 : i32
      %parallel_loop3A_729 = arith.index_cast %parallel_loop3A_728 : i32 to index
      %parallel_loop3A_730 = tpu.vector_load %arg6[%parallel_loop3A_729] {strides = array<i32>} : memref<32768xf32, #tpu.memory_space<vmem>>, vector<16xf32>,
      %parallel_loop3A_731 = arith.constant 256 : i32
      %parallel_loop3A_732 = arith.muli %parallel_loop3A_646, %parallel_loop3A_731 : i32
      %parallel_loop3A_733 = arith.constant 224 : i32
      %parallel_loop3A_734 = arith.addi %parallel_loop3A_732, %parallel_loop3A_733 : i32
      %parallel_loop3A_735 = arith.index_cast %parallel_loop3A_734 : i32 to index
      %parallel_loop3A_736 = tpu.vector_load %arg6[%parallel_loop3A_735] {strides = array<i32>} : memref<32768xf32, #tpu.memory_space<vmem>>, vector<16xf32>,
      %parallel_loop3A_737 = arith.constant 256 : i32
      %parallel_loop3A_738 = arith.muli %parallel_loop3A_646, %parallel_loop3A_737 : i32
      %parallel_loop3A_739 = arith.constant 240 : i32
      %parallel_loop3A_740 = arith.addi %parallel_loop3A_738, %parallel_loop3A_739 : i32
      %parallel_loop3A_741 = arith.index_cast %parallel_loop3A_740 : i32 to index
      %parallel_loop3A_742 = tpu.vector_load %arg6[%parallel_loop3A_741] {strides = array<i32>} : memref<32768xf32, #tpu.memory_space<vmem>>, vector<16xf32>,
      %parallel_loop3A_743 = arith.maximumf %parallel_loop3A_652, %parallel_loop3A_658 : vector<16xf32>
      %parallel_loop3A_744 = arith.maximumf %parallel_loop3A_664, %parallel_loop3A_670 : vector<16xf32>
      %parallel_loop3A_745 = arith.maximumf %parallel_loop3A_676, %parallel_loop3A_682 : vector<16xf32>
      %parallel_loop3A_746 = arith.maximumf %parallel_loop3A_688, %parallel_loop3A_694 : vector<16xf32>
      %parallel_loop3A_747 = arith.maximumf %parallel_loop3A_700, %parallel_loop3A_706 : vector<16xf32>
      %parallel_loop3A_748 = arith.maximumf %parallel_loop3A_712, %parallel_loop3A_718 : vector<16xf32>
      %parallel_loop3A_749 = arith.maximumf %parallel_loop3A_724, %parallel_loop3A_730 : vector<16xf32>
      %parallel_loop3A_750 = arith.maximumf %parallel_loop3A_736, %parallel_loop3A_742 : vector<16xf32>
      %parallel_loop3A_751 = arith.maximumf %parallel_loop3A_743, %parallel_loop3A_744 : vector<16xf32>
      %parallel_loop3A_752 = arith.maximumf %parallel_loop3A_745, %parallel_loop3A_746 : vector<16xf32>
      %parallel_loop3A_753 = arith.maximumf %parallel_loop3A_747, %parallel_loop3A_748 : vector<16xf32>
      %parallel_loop3A_754 = arith.maximumf %parallel_loop3A_749, %parallel_loop3A_750 : vector<16xf32>
      %parallel_loop3A_755 = arith.maximumf %parallel_loop3A_751, %parallel_loop3A_752 : vector<16xf32>
      %parallel_loop3A_756 = arith.maximumf %parallel_loop3A_753, %parallel_loop3A_754 : vector<16xf32>
      %parallel_loop3A_757 = arith.maximumf %parallel_loop3A_755, %parallel_loop3A_756 : vector<16xf32>
      %parallel_loop3A_758 = arith.constant 16 : i32
      %parallel_loop3A_759 = arith.muli %parallel_loop3A_646, %parallel_loop3A_758 : i32
      %parallel_loop3A_760 = arith.index_cast %parallel_loop3A_759 : i32 to index
      %parallel_loop3A_761 = tpu.vector_load %arg8[%parallel_loop3A_760] {strides = array<i32>} : memref<2048xf32, #tpu.memory_space<vmem>>, vector<16xf32>,
      tpu.vector_store %arg8[%parallel_loop3A_760], %parallel_loop3A_757 {strides = array<i32>} : memref<2048xf32, #tpu.memory_space<vmem>>, vector<16xf32>,
    } {sc.loop_unroll_factor = 2 : i64, sc.parallel_access}
    %parallel_loop3A_176 = arith.constant 0 : i32
    %parallel_loop3A_177 = arith.constant 256 : i32
    %parallel_loop3A_178 = arith.constant 1 : i32
    scf.for %parallel_loop3A_646 = %parallel_loop3A_176 to %parallel_loop3A_177 step %parallel_loop3A_178  : i32 {
      %parallel_loop3A_647 = arith.constant 0 : i32
      %parallel_loop3A_648 = vector.broadcast %parallel_loop3A_647 : i32 to vector<16xi32>
      %parallel_loop3A_649 = arith.constant 16 : i32
      %parallel_loop3A_650 = arith.muli %parallel_loop3A_646, %parallel_loop3A_649 : i32
      %parallel_loop3A_651 = arith.index_cast %parallel_loop3A_650 : i32 to index
      %parallel_loop3A_652 = tpu.vector_load %arg9[%parallel_loop3A_651] {strides = array<i32>} : memref<4096xi32, #tpu.memory_space<vmem>>, vector<16xi32>,
      tpu.vector_store %arg9[%parallel_loop3A_651], %parallel_loop3A_648 {strides = array<i32>} : memref<4096xi32, #tpu.memory_space<vmem>>, vector<16xi32>,
    } {sc.loop_unroll_factor = 8 : i64, sc.parallel_access}
    %parallel_loop3A_179 = arith.constant 0 : i32
    %parallel_loop3A_180 = arith.constant 128 : i32
    %parallel_loop3A_181 = arith.constant 1 : i32
    scf.for %parallel_loop3A_646 = %parallel_loop3A_179 to %parallel_loop3A_180 step %parallel_loop3A_181  : i32 {
      %parallel_loop3A_647 = arith.constant 16 : i32
      %parallel_loop3A_648 = arith.muli %parallel_loop3A_646, %parallel_loop3A_647 : i32
      %parallel_loop3A_649 = arith.index_cast %parallel_loop3A_648 : i32 to index
      %parallel_loop3A_650 = tpu.vector_load %arg8[%parallel_loop3A_649] {strides = array<i32>} : memref<2048xf32, #tpu.memory_space<vmem>>, vector<16xf32>,
      %parallel_loop3A_651 = tpu.bitcast %parallel_loop3A_650 : vector<16xf32> -> vector<16xi32>
      %parallel_loop3A_652 = arith.constant 31 : i32
      %parallel_loop3A_653 = vector.broadcast %parallel_loop3A_652 : i32 to vector<16xi32>
      %parallel_loop3A_654 = arith.shrsi %parallel_loop3A_651, %parallel_loop3A_653 : vector<16xi32>
      %parallel_loop3A_655 = arith.constant 2147483647 : i32
      %parallel_loop3A_656 = vector.broadcast %parallel_loop3A_655 : i32 to vector<16xi32>
      %parallel_loop3A_657 = arith.andi %parallel_loop3A_654, %parallel_loop3A_656 : vector<16xi32>
      %parallel_loop3A_658 = arith.xori %parallel_loop3A_651, %parallel_loop3A_657 : vector<16xi32>
      %parallel_loop3A_659 = arith.constant 20 : i32
      %parallel_loop3A_660 = vector.broadcast %parallel_loop3A_659 : i32 to vector<16xi32>
      %parallel_loop3A_661 = arith.shrsi %parallel_loop3A_658, %parallel_loop3A_660 : vector<16xi32>
      %parallel_loop3A_662 = arith.constant 2048 : i32
      %parallel_loop3A_663 = vector.broadcast %parallel_loop3A_662 : i32 to vector<16xi32>
      %parallel_loop3A_664 = arith.addi %parallel_loop3A_661, %parallel_loop3A_663 : vector<16xi32>
      tpu.vector_store_idx %arg9[%parallel_loop3A_664], %broadcast_in_dim3A_1 {add = true} : memref<4096xi32, #tpu.memory_space<vmem>>[vector<16xi32>], vector<16xi32>,
    } {sc.loop_unroll_factor = 8 : i64, sc.parallel_access}
    %while3A_182 = arith.constant 255 : i32
    %while3A_183 = arith.constant 0 : i32
    %while3A_184 = arith.constant false
    %while3A_185 = arith.constant 0 : i32
    %while3A_186:4 = scf.while (%while3A_646 = %while3A_182, %while3A_647 = %while3A_183, %while3A_648 = %while3A_184, %while3A_649 = %while3A_185) : (i32, i32, i1, i32) -> (i32, i32, i1, i32) {
      %not3A = arith.constant true
      %not3A_650 = arith.xori %while3A_648, %not3A : i1
      scf.condition(%not3A_650) %while3A_646, %while3A_647, %while3A_648, %while3A_649 : i32, i32, i1, i32
    } do {
    ^bb0(%while3A_646: i32, %while3A_647: i32, %while3A_648: i1, %while3A_649: i32):
      %mul3A_650 = arith.constant 16 : i32
      %mul3A_651 = arith.muli %while3A_646, %mul3A_650 : i32
      %get3A_652 = arith.index_cast %mul3A_651 : i32 to index
      %get3A_653 = tpu.vector_load %arg9[%get3A_652] {strides = array<i32>} : memref<4096xi32, #tpu.memory_space<vmem>>, vector<16xi32>,
      %reduce_sum3A = arith.constant true
      %reduce_sum3A_654 = vector.broadcast %reduce_sum3A : i1 to vector<16xi1>
      %reduce_sum3A_655 = tpu.scan <sum>, %get3A_653 masked %reduce_sum3A_654 : vector<16xi32>, vector<16xi1> -> vector<16xi32>
      %reduce_sum3A_656 = vector.extract %reduce_sum3A_655[15] : i32 from vector<16xi32>
      %add3A_657 = arith.addi %while3A_647, %reduce_sum3A_656 : i32
      %ge3A = arith.constant 64 : i32
      %ge3A_658 = arith.cmpi sge, %add3A_657, %ge3A : i32
      %broadcast_in_dim3A_659 = arith.constant true
      %broadcast_in_dim3A_660 = vector.broadcast %broadcast_in_dim3A_659 : i1 to vector<16xi1>
      %masked_cumsum3A = tpu.scan <sum>, %get3A_653 masked %broadcast_in_dim3A_660 : vector<16xi32>, vector<16xi1> -> vector<16xi32>
      %sub3A_661 = vector.broadcast %reduce_sum3A_656 : i32 to vector<16xi32>
      %sub3A_662 = arith.subi %sub3A_661, %masked_cumsum3A : vector<16xi32>
      %add3A_663 = arith.addi %sub3A_662, %get3A_653 : vector<16xi32>
      %add3A_664 = vector.broadcast %while3A_647 : i32 to vector<16xi32>
      %add3A_665 = arith.addi %add3A_664, %add3A_663 : vector<16xi32>
      %ge3A_666 = arith.constant 64 : i32
      %ge3A_667 = vector.broadcast %ge3A_666 : i32 to vector<16xi32>
      %ge3A_668 = arith.cmpi sge, %add3A_665, %ge3A_667 : vector<16xi32>
      %convert_element_type3A = arith.extui %ge3A_668 : vector<16xi1> to vector<16xi32>
      %reduce_sum3A_669 = arith.constant true
      %reduce_sum3A_670 = vector.broadcast %reduce_sum3A_669 : i1 to vector<16xi1>
      %reduce_sum3A_671 = tpu.scan <sum>, %convert_element_type3A masked %reduce_sum3A_670 : vector<16xi32>, vector<16xi1> -> vector<16xi32>
      %reduce_sum3A_672 = vector.extract %reduce_sum3A_671[15] : i32 from vector<16xi32>
      %mul3A_673 = arith.constant 16 : i32
      %mul3A_674 = arith.muli %while3A_646, %mul3A_673 : i32
      %add3A_675 = arith.addi %mul3A_674, %reduce_sum3A_672 : i32
      %sub3A_676 = arith.constant 1 : i32
      %sub3A_677 = arith.subi %add3A_675, %sub3A_676 : i32
      %select_n3A_678 = arith.select %ge3A_658, %sub3A_677, %while3A_649 : i32
      %add3A_679 = arith.addi %while3A_647, %reduce_sum3A_656 : i32
      %select_n3A_680 = arith.select %ge3A_658, %while3A_647, %add3A_679 : i32
      %sub3A_681 = arith.constant 1 : i32
      %sub3A_682 = arith.subi %while3A_646, %sub3A_681 : i32
      %or3A = arith.ori %while3A_648, %ge3A_658 : i1
      scf.yield %sub3A_682, %select_n3A_680, %or3A, %select_n3A_678 : i32, i32, i1, i32
    }
    %sub3A_187 = arith.constant 2048 : i32
    %sub3A_188 = arith.subi %while3A_186#3, %sub3A_187 : i32
    %shift_left3A_189 = arith.constant 20 : i32
    %shift_left3A_190 = arith.shli %sub3A_188, %shift_left3A_189 : i32
    %parallel_loop3A_191 = arith.constant 0 : i32
    %parallel_loop3A_192 = arith.constant 2048 : i32
    %parallel_loop3A_193 = arith.constant 1 : i32
    %parallel_loop3A_194 = arith.constant 0 : i32
    %parallel_loop3A_195 = scf.for %parallel_loop3A_646 = %parallel_loop3A_191 to %parallel_loop3A_192 step %parallel_loop3A_193 iter_args(%parallel_loop3A_647 = %parallel_loop3A_194) -> (i32)  : i32 {
      %parallel_loop3A_648 = arith.constant 16 : i32
      %parallel_loop3A_649 = arith.muli %parallel_loop3A_646, %parallel_loop3A_648 : i32
      %parallel_loop3A_650 = arith.index_cast %parallel_loop3A_649 : i32 to index
      %parallel_loop3A_651 = tpu.vector_load %arg6[%parallel_loop3A_650] {strides = array<i32>} : memref<32768xf32, #tpu.memory_space<vmem>>, vector<16xf32>,
      %parallel_loop3A_652 = tpu.bitcast %parallel_loop3A_651 : vector<16xf32> -> vector<16xi32>
      %parallel_loop3A_653 = arith.constant 31 : i32
      %parallel_loop3A_654 = vector.broadcast %parallel_loop3A_653 : i32 to vector<16xi32>
      %parallel_loop3A_655 = arith.shrsi %parallel_loop3A_652, %parallel_loop3A_654 : vector<16xi32>
      %parallel_loop3A_656 = arith.constant 2147483647 : i32
      %parallel_loop3A_657 = vector.broadcast %parallel_loop3A_656 : i32 to vector<16xi32>
      %parallel_loop3A_658 = arith.andi %parallel_loop3A_655, %parallel_loop3A_657 : vector<16xi32>
      %parallel_loop3A_659 = arith.xori %parallel_loop3A_652, %parallel_loop3A_658 : vector<16xi32>
      %parallel_loop3A_660 = vector.broadcast %shift_left3A_190 : i32 to vector<16xi32>
      %parallel_loop3A_661 = arith.cmpi sge, %parallel_loop3A_659, %parallel_loop3A_660 : vector<16xi32>
      %parallel_loop3A_662 = arith.index_cast %parallel_loop3A_647 : i32 to index
      %parallel_loop3A_663 = tpu.vector_load %arg10[%parallel_loop3A_662] masked %parallel_loop3A_661 {strides = array<i32>} : memref<2048xi32, #tpu.memory_space<vmem>>, vector<16xi32>, vector<16xi1>
      tpu.vector_store %arg10[%parallel_loop3A_662], %parallel_loop3A_659 masked %parallel_loop3A_661 {strides = array<i32>} : memref<2048xi32, #tpu.memory_space<vmem>>, vector<16xi32>, vector<16xi1>
      %parallel_loop3A_664 = arith.constant 16 : i32
      %parallel_loop3A_665 = arith.muli %parallel_loop3A_646, %parallel_loop3A_664 : i32
      %parallel_loop3A_666 = vector.broadcast %parallel_loop3A_665 : i32 to vector<16xi32>
      %parallel_loop3A_667 = arith.addi %iota3A, %parallel_loop3A_666 : vector<16xi32>
      %parallel_loop3A_668 = arith.index_cast %parallel_loop3A_647 : i32 to index
      %parallel_loop3A_669 = tpu.vector_load %arg11[%parallel_loop3A_668] masked %parallel_loop3A_661 {strides = array<i32>} : memref<2048xi32, #tpu.memory_space<vmem>>, vector<16xi32>, vector<16xi1>
      tpu.vector_store %arg11[%parallel_loop3A_668], %parallel_loop3A_667 masked %parallel_loop3A_661 {strides = array<i32>} : memref<2048xi32, #tpu.memory_space<vmem>>, vector<16xi32>, vector<16xi1>
      %parallel_loop3A_670 = tpu.all_reduce %parallel_loop3A_661 {dim = 0 : i64, kind = #tpu.reduction_kind<sum>} : vector<16xi1> -> vector<16xi32>
      %parallel_loop3A_671 = vector.extract_strided_slice %parallel_loop3A_670 {offsets = [0], sizes = [1], strides = [1]} : vector<16xi32> to vector<1xi32>
      %parallel_loop3A_672 = vector.extract %parallel_loop3A_671[0] : i32 from vector<1xi32>
      %parallel_loop3A_673 = arith.addi %parallel_loop3A_647, %parallel_loop3A_672 : i32
      %parallel_loop3A_674 = arith.constant 2032 : i32
      %parallel_loop3A_675 = arith.minsi %parallel_loop3A_673, %parallel_loop3A_674 : i32
      scf.yield %parallel_loop3A_675 : i32
    } {sc.loop_unroll_factor = 4 : i64, sc.parallel_access}
    %broadcast_in_dim3A_196 = arith.constant -2147483648 : i32
    %broadcast_in_dim3A_197 = vector.broadcast %broadcast_in_dim3A_196 : i32 to vector<16xi32>
    %swap3A_198 = arith.index_cast %parallel_loop3A_195 : i32 to index
    %swap3A_199 = tpu.vector_load %arg10[%swap3A_198] {strides = array<i32>} : memref<2048xi32, #tpu.memory_space<vmem>>, vector<16xi32>,
    tpu.vector_store %arg10[%swap3A_198], %broadcast_in_dim3A_197 {strides = array<i32>} : memref<2048xi32, #tpu.memory_space<vmem>>, vector<16xi32>,
    %add3A_200 = arith.constant 16 : i32
    %add3A_201 = arith.addi %parallel_loop3A_195, %add3A_200 : i32
    %sub3A_202 = arith.constant 1 : i32
    %sub3A_203 = arith.subi %add3A_201, %sub3A_202 : i32
    %jit3A_204 = arith.constant 16 : i32
    %div3A_205 = arith.divsi %sub3A_203, %jit3A_204 : i32
    %sign3A_206 = arith.constant 0 : i32
    %sign3A_207 = arith.cmpi sgt, %sub3A_203, %sign3A_206 : i32
    %sign3A_208 = arith.extui %sign3A_207 : i1 to i32
    %sign3A_209 = arith.constant 0 : i32
    %sign3A_210 = arith.cmpi slt, %sub3A_203, %sign3A_209 : i32
    %sign3A_211 = arith.extui %sign3A_210 : i1 to i32
    %sign3A_212 = arith.subi %sign3A_208, %sign3A_211 : i32
    %sign3A_213 = arith.constant 0 : i32
    %sign3A_214 = arith.cmpi sgt, %jit3A_204, %sign3A_213 : i32
    %sign3A_215 = arith.extui %sign3A_214 : i1 to i32
    %sign3A_216 = arith.constant 0 : i32
    %sign3A_217 = arith.cmpi slt, %jit3A_204, %sign3A_216 : i32
    %sign3A_218 = arith.extui %sign3A_217 : i1 to i32
    %sign3A_219 = arith.subi %sign3A_215, %sign3A_218 : i32
    %ne3A_220 = arith.cmpi ne, %sign3A_212, %sign3A_219 : i32
    %rem3A_221 = arith.remsi %sub3A_203, %jit3A_204 : i32
    %ne3A_222 = arith.constant 0 : i32
    %ne3A_223 = arith.cmpi ne, %rem3A_221, %ne3A_222 : i32
    %and3A_224 = arith.andi %ne3A_220, %ne3A_223 : i1
    %sub3A_225 = arith.constant 1 : i32
    %sub3A_226 = arith.subi %div3A_205, %sub3A_225 : i32
    %select_n3A_227 = arith.select %and3A_224, %sub3A_226, %div3A_205 : i32
    %scan3A_228 = arith.constant 0 : i32
    %scan3A_229 = arith.constant 31 : i32
    %scan3A_230 = arith.addi %scan3A_228, %scan3A_229 : i32
    %scan3A_231 = arith.constant 1 : i32
    %scan3A_232 = scf.for %scan3A_646 = %scan3A_228 to %scan3A_230 step %scan3A_231 iter_args(%scan3A_647 = %shift_left3A_190) -> (i32)  : i32 {
      %sub3A_648 = arith.constant 30 : i32
      %sub3A_649 = arith.subi %sub3A_648, %scan3A_646 : i32
      %shift_left3A_650 = arith.constant 1 : i32
      %shift_left3A_651 = arith.shli %shift_left3A_650, %sub3A_649 : i32
      %add3A_652 = arith.addi %scan3A_647, %shift_left3A_651 : i32
      %broadcast_in_dim3A_653 = arith.constant 0 : i32
      %broadcast_in_dim3A_654 = vector.broadcast %broadcast_in_dim3A_653 : i32 to vector<16xi32>
      %parallel_loop3A_655 = arith.constant 0 : i32
      %parallel_loop3A_656 = arith.constant 1 : i32
      %parallel_loop3A_657 = scf.for %parallel_loop3A_663 = %parallel_loop3A_655 to %select_n3A_227 step %parallel_loop3A_656 iter_args(%parallel_loop3A_664 = %broadcast_in_dim3A_654) -> (vector<16xi32>)  : i32 {
        %parallel_loop3A_665 = arith.constant 16 : i32
        %parallel_loop3A_666 = arith.muli %parallel_loop3A_663, %parallel_loop3A_665 : i32
        %parallel_loop3A_667 = arith.index_cast %parallel_loop3A_666 : i32 to index
        %parallel_loop3A_668 = tpu.vector_load %arg10[%parallel_loop3A_667] {strides = array<i32>} : memref<2048xi32, #tpu.memory_space<vmem>>, vector<16xi32>,
        %parallel_loop3A_669 = vector.broadcast %add3A_652 : i32 to vector<16xi32>
        %parallel_loop3A_670 = arith.cmpi sge, %parallel_loop3A_668, %parallel_loop3A_669 : vector<16xi32>
        %parallel_loop3A_671 = tpu.all_reduce %parallel_loop3A_670 {dim = 0 : i64, kind = #tpu.reduction_kind<sum>} : vector<16xi1> -> vector<16xi32>
        %parallel_loop3A_672 = arith.addi %parallel_loop3A_664, %parallel_loop3A_671 : vector<16xi32>
        scf.yield %parallel_loop3A_672 : vector<16xi32>
      } {sc.loop_unroll_factor = 4 : i64, sc.parallel_access}
      %slice3A_658 = vector.extract_strided_slice %parallel_loop3A_657 {offsets = [0], sizes = [1], strides = [1]} : vector<16xi32> to vector<1xi32>
      %squeeze3A_659 = vector.extract %slice3A_658[0] : i32 from vector<1xi32>
      %gt3A = arith.cmpi sgt, %add3A_652, %scan3A_647 : i32
      %ge3A = arith.constant 64 : i32
      %ge3A_660 = arith.cmpi sge, %squeeze3A_659, %ge3A : i32
      %and3A_661 = arith.andi %gt3A, %ge3A_660 : i1
      %select_n3A_662 = arith.select %and3A_661, %add3A_652, %scan3A_647 : i32
      scf.yield %select_n3A_662 : i32
    }
    %scan3A_233 = arith.constant 31 : i32
    %broadcast_in_dim3A_234 = arith.constant 0 : i32
    %broadcast_in_dim3A_235 = vector.broadcast %broadcast_in_dim3A_234 : i32 to vector<16xi32>
    %parallel_loop3A_236 = arith.constant 0 : i32
    %parallel_loop3A_237 = arith.constant 1 : i32
    %parallel_loop3A_238 = scf.for %parallel_loop3A_646 = %parallel_loop3A_236 to %select_n3A_227 step %parallel_loop3A_237 iter_args(%parallel_loop3A_647 = %broadcast_in_dim3A_235) -> (vector<16xi32>)  : i32 {
      %parallel_loop3A_648 = arith.constant 16 : i32
      %parallel_loop3A_649 = arith.muli %parallel_loop3A_646, %parallel_loop3A_648 : i32
      %parallel_loop3A_650 = arith.index_cast %parallel_loop3A_649 : i32 to index
      %parallel_loop3A_651 = tpu.vector_load %arg10[%parallel_loop3A_650] {strides = array<i32>} : memref<2048xi32, #tpu.memory_space<vmem>>, vector<16xi32>,
      %parallel_loop3A_652 = vector.broadcast %scan3A_232 : i32 to vector<16xi32>
      %parallel_loop3A_653 = arith.cmpi sgt, %parallel_loop3A_651, %parallel_loop3A_652 : vector<16xi32>
      %parallel_loop3A_654 = tpu.all_reduce %parallel_loop3A_653 {dim = 0 : i64, kind = #tpu.reduction_kind<sum>} : vector<16xi1> -> vector<16xi32>
      %parallel_loop3A_655 = arith.addi %parallel_loop3A_647, %parallel_loop3A_654 : vector<16xi32>
      scf.yield %parallel_loop3A_655 : vector<16xi32>
    } {sc.loop_unroll_factor = 4 : i64, sc.parallel_access}
    %slice3A_239 = vector.extract_strided_slice %parallel_loop3A_238 {offsets = [0], sizes = [1], strides = [1]} : vector<16xi32> to vector<1xi32>
    %squeeze3A_240 = vector.extract %slice3A_239[0] : i32 from vector<1xi32>
    %sub3A_241 = arith.constant 64 : i32
    %sub3A_242 = arith.subi %sub3A_241, %squeeze3A_240 : i32
    %parallel_loop3A_243 = arith.constant 0 : i32
    %parallel_loop3A_244 = arith.constant 1 : i32
    %parallel_loop3A_245 = arith.constant 0 : i32
    %parallel_loop3A_246 = scf.for %parallel_loop3A_646 = %parallel_loop3A_243 to %select_n3A_227 step %parallel_loop3A_244 iter_args(%parallel_loop3A_647 = %parallel_loop3A_245) -> (i32)  : i32 {
      %parallel_loop3A_648 = arith.constant 16 : i32
      %parallel_loop3A_649 = arith.muli %parallel_loop3A_646, %parallel_loop3A_648 : i32
      %parallel_loop3A_650 = arith.index_cast %parallel_loop3A_649 : i32 to index
      %parallel_loop3A_651 = tpu.vector_load %arg10[%parallel_loop3A_650] {strides = array<i32>} : memref<2048xi32, #tpu.memory_space<vmem>>, vector<16xi32>,
      %parallel_loop3A_652 = arith.constant 16 : i32
      %parallel_loop3A_653 = arith.muli %parallel_loop3A_646, %parallel_loop3A_652 : i32
      %parallel_loop3A_654 = arith.index_cast %parallel_loop3A_653 : i32 to index
      %parallel_loop3A_655 = tpu.vector_load %arg11[%parallel_loop3A_654] {strides = array<i32>} : memref<2048xi32, #tpu.memory_space<vmem>>, vector<16xi32>,
      %parallel_loop3A_656 = vector.broadcast %scan3A_232 : i32 to vector<16xi32>
      %parallel_loop3A_657 = arith.cmpi eq, %parallel_loop3A_651, %parallel_loop3A_656 : vector<16xi32>
      %parallel_loop3A_658 = arith.index_cast %parallel_loop3A_647 : i32 to index
      %parallel_loop3A_659 = tpu.vector_load %arg12[%parallel_loop3A_658] masked %parallel_loop3A_657 {strides = array<i32>} : memref<2048xi32, #tpu.memory_space<vmem>>, vector<16xi32>, vector<16xi1>
      tpu.vector_store %arg12[%parallel_loop3A_658], %parallel_loop3A_655 masked %parallel_loop3A_657 {strides = array<i32>} : memref<2048xi32, #tpu.memory_space<vmem>>, vector<16xi32>, vector<16xi1>
      %parallel_loop3A_660 = tpu.all_reduce %parallel_loop3A_657 {dim = 0 : i64, kind = #tpu.reduction_kind<sum>} : vector<16xi1> -> vector<16xi32>
      %parallel_loop3A_661 = vector.extract_strided_slice %parallel_loop3A_660 {offsets = [0], sizes = [1], strides = [1]} : vector<16xi32> to vector<1xi32>
      %parallel_loop3A_662 = vector.extract %parallel_loop3A_661[0] : i32 from vector<1xi32>
      %parallel_loop3A_663 = arith.addi %parallel_loop3A_647, %parallel_loop3A_662 : i32
      %parallel_loop3A_664 = arith.constant 2032 : i32
      %parallel_loop3A_665 = arith.minsi %parallel_loop3A_663, %parallel_loop3A_664 : i32
      scf.yield %parallel_loop3A_665 : i32
    } {sc.loop_unroll_factor = 4 : i64, sc.parallel_access}
    %broadcast_in_dim3A_247 = arith.constant 2147483647 : i32
    %broadcast_in_dim3A_248 = vector.broadcast %broadcast_in_dim3A_247 : i32 to vector<16xi32>
    %swap3A_249 = arith.index_cast %parallel_loop3A_246 : i32 to index
    %swap3A_250 = tpu.vector_load %arg12[%swap3A_249] {strides = array<i32>} : memref<2048xi32, #tpu.memory_space<vmem>>, vector<16xi32>,
    tpu.vector_store %arg12[%swap3A_249], %broadcast_in_dim3A_248 {strides = array<i32>} : memref<2048xi32, #tpu.memory_space<vmem>>, vector<16xi32>,
    %add3A_251 = arith.constant 16 : i32
    %add3A_252 = arith.addi %parallel_loop3A_246, %add3A_251 : i32
    %sub3A_253 = arith.constant 1 : i32
    %sub3A_254 = arith.subi %add3A_252, %sub3A_253 : i32
    %jit3A_255 = arith.constant 16 : i32
    %div3A_256 = arith.divsi %sub3A_254, %jit3A_255 : i32
    %sign3A_257 = arith.constant 0 : i32
    %sign3A_258 = arith.cmpi sgt, %sub3A_254, %sign3A_257 : i32
    %sign3A_259 = arith.extui %sign3A_258 : i1 to i32
    %sign3A_260 = arith.constant 0 : i32
    %sign3A_261 = arith.cmpi slt, %sub3A_254, %sign3A_260 : i32
    %sign3A_262 = arith.extui %sign3A_261 : i1 to i32
    %sign3A_263 = arith.subi %sign3A_259, %sign3A_262 : i32
    %sign3A_264 = arith.constant 0 : i32
    %sign3A_265 = arith.cmpi sgt, %jit3A_255, %sign3A_264 : i32
    %sign3A_266 = arith.extui %sign3A_265 : i1 to i32
    %sign3A_267 = arith.constant 0 : i32
    %sign3A_268 = arith.cmpi slt, %jit3A_255, %sign3A_267 : i32
    %sign3A_269 = arith.extui %sign3A_268 : i1 to i32
    %sign3A_270 = arith.subi %sign3A_266, %sign3A_269 : i32
    %ne3A_271 = arith.cmpi ne, %sign3A_263, %sign3A_270 : i32
    %rem3A_272 = arith.remsi %sub3A_254, %jit3A_255 : i32
    %ne3A_273 = arith.constant 0 : i32
    %ne3A_274 = arith.cmpi ne, %rem3A_272, %ne3A_273 : i32
    %and3A_275 = arith.andi %ne3A_271, %ne3A_274 : i1
    %sub3A_276 = arith.constant 1 : i32
    %sub3A_277 = arith.subi %div3A_256, %sub3A_276 : i32
    %select_n3A_278 = arith.select %and3A_275, %sub3A_277, %div3A_256 : i32
    %scan3A_279 = arith.constant 0 : i32
    %scan3A_280 = arith.constant 0 : i32
    %scan3A_281 = arith.constant 15 : i32
    %scan3A_282 = arith.addi %scan3A_280, %scan3A_281 : i32
    %scan3A_283 = arith.constant 1 : i32
    %scan3A_284 = scf.for %scan3A_646 = %scan3A_280 to %scan3A_282 step %scan3A_283 iter_args(%scan3A_647 = %scan3A_279) -> (i32)  : i32 {
      %sub3A_648 = arith.constant 14 : i32
      %sub3A_649 = arith.subi %sub3A_648, %scan3A_646 : i32
      %shift_left3A_650 = arith.constant 1 : i32
      %shift_left3A_651 = arith.shli %shift_left3A_650, %sub3A_649 : i32
      %add3A_652 = arith.addi %scan3A_647, %shift_left3A_651 : i32
      %broadcast_in_dim3A_653 = arith.constant 0 : i32
      %broadcast_in_dim3A_654 = vector.broadcast %broadcast_in_dim3A_653 : i32 to vector<16xi32>
      %parallel_loop3A_655 = arith.constant 0 : i32
      %parallel_loop3A_656 = arith.constant 1 : i32
      %parallel_loop3A_657 = scf.for %parallel_loop3A_661 = %parallel_loop3A_655 to %select_n3A_278 step %parallel_loop3A_656 iter_args(%parallel_loop3A_662 = %broadcast_in_dim3A_654) -> (vector<16xi32>)  : i32 {
        %parallel_loop3A_663 = arith.constant 16 : i32
        %parallel_loop3A_664 = arith.muli %parallel_loop3A_661, %parallel_loop3A_663 : i32
        %parallel_loop3A_665 = arith.index_cast %parallel_loop3A_664 : i32 to index
        %parallel_loop3A_666 = tpu.vector_load %arg12[%parallel_loop3A_665] {strides = array<i32>} : memref<2048xi32, #tpu.memory_space<vmem>>, vector<16xi32>,
        %parallel_loop3A_667 = vector.broadcast %add3A_652 : i32 to vector<16xi32>
        %parallel_loop3A_668 = arith.cmpi slt, %parallel_loop3A_666, %parallel_loop3A_667 : vector<16xi32>
        %parallel_loop3A_669 = tpu.all_reduce %parallel_loop3A_668 {dim = 0 : i64, kind = #tpu.reduction_kind<sum>} : vector<16xi1> -> vector<16xi32>
        %parallel_loop3A_670 = arith.addi %parallel_loop3A_662, %parallel_loop3A_669 : vector<16xi32>
        scf.yield %parallel_loop3A_670 : vector<16xi32>
      } {sc.loop_unroll_factor = 2 : i64, sc.parallel_access}
      %slice3A_658 = vector.extract_strided_slice %parallel_loop3A_657 {offsets = [0], sizes = [1], strides = [1]} : vector<16xi32> to vector<1xi32>
      %squeeze3A_659 = vector.extract %slice3A_658[0] : i32 from vector<1xi32>
      %lt3A = arith.cmpi slt, %squeeze3A_659, %sub3A_242 : i32
      %select_n3A_660 = arith.select %lt3A, %add3A_652, %scan3A_647 : i32
      scf.yield %select_n3A_660 : i32
    }
    %scan3A_285 = arith.constant 15 : i32
    %dma_wait3A_286 = arith.constant 0 : i32
    %dma_wait3A_287 = tpu.memref_slice %arg3[%dma_wait3A_286] : memref<4194304xf32, #tpu.memory_space<hbm>> -> memref<4194304xf32, #tpu.memory_space<hbm>>
    tpu.wait_indirect_dma semaphore(%arg20 : memref<!tpu.dma_semaphore, #tpu.memory_space<semaphore_mem>>) src(%arg15 : memref<64xf32, #tpu.memory_space<vmem>>) dst(%dma_wait3A_287 : memref<4194304xf32, #tpu.memory_space<hbm>>)
    %parallel_loop3A_288 = arith.constant 0 : i32
    %parallel_loop3A_289 = arith.constant 1 : i32
    %parallel_loop3A_290 = arith.constant 0 : i32
    %parallel_loop3A_291 = scf.for %parallel_loop3A_646 = %parallel_loop3A_288 to %select_n3A_227 step %parallel_loop3A_289 iter_args(%parallel_loop3A_647 = %parallel_loop3A_290) -> (i32)  : i32 {
      %parallel_loop3A_648 = arith.constant 16 : i32
      %parallel_loop3A_649 = arith.muli %parallel_loop3A_646, %parallel_loop3A_648 : i32
      %parallel_loop3A_650 = arith.index_cast %parallel_loop3A_649 : i32 to index
      %parallel_loop3A_651 = tpu.vector_load %arg10[%parallel_loop3A_650] {strides = array<i32>} : memref<2048xi32, #tpu.memory_space<vmem>>, vector<16xi32>,
      %parallel_loop3A_652 = arith.constant 16 : i32
      %parallel_loop3A_653 = arith.muli %parallel_loop3A_646, %parallel_loop3A_652 : i32
      %parallel_loop3A_654 = arith.index_cast %parallel_loop3A_653 : i32 to index
      %parallel_loop3A_655 = tpu.vector_load %arg11[%parallel_loop3A_654] {strides = array<i32>} : memref<2048xi32, #tpu.memory_space<vmem>>, vector<16xi32>,
      %parallel_loop3A_656 = vector.broadcast %scan3A_232 : i32 to vector<16xi32>
      %parallel_loop3A_657 = arith.cmpi sgt, %parallel_loop3A_651, %parallel_loop3A_656 : vector<16xi32>
      %parallel_loop3A_658 = vector.broadcast %scan3A_232 : i32 to vector<16xi32>
      %parallel_loop3A_659 = arith.cmpi eq, %parallel_loop3A_651, %parallel_loop3A_658 : vector<16xi32>
      %parallel_loop3A_660 = vector.broadcast %scan3A_284 : i32 to vector<16xi32>
      %parallel_loop3A_661 = arith.cmpi sle, %parallel_loop3A_655, %parallel_loop3A_660 : vector<16xi32>
      %parallel_loop3A_662 = arith.andi %parallel_loop3A_659, %parallel_loop3A_661 : vector<16xi1>
      %parallel_loop3A_663 = arith.ori %parallel_loop3A_657, %parallel_loop3A_662 : vector<16xi1>
      %parallel_loop3A_664 = arith.constant 0 : i32
      %parallel_loop3A_665 = vector.broadcast %parallel_loop3A_664 : i32 to vector<16xi32>
      %parallel_loop3A_666 = arith.maxsi %parallel_loop3A_651, %parallel_loop3A_665 : vector<16xi32>
      %parallel_loop3A_667 = tpu.bitcast %parallel_loop3A_666 : vector<16xi32> -> vector<16xf32>
      %parallel_loop3A_668 = arith.index_cast %parallel_loop3A_647 : i32 to index
      %parallel_loop3A_669 = tpu.vector_load %arg13[%parallel_loop3A_668] masked %parallel_loop3A_663 {strides = array<i32>} : memref<80xf32, #tpu.memory_space<vmem>>, vector<16xf32>, vector<16xi1>
      tpu.vector_store %arg13[%parallel_loop3A_668], %parallel_loop3A_667 masked %parallel_loop3A_663 {strides = array<i32>} : memref<80xf32, #tpu.memory_space<vmem>>, vector<16xf32>, vector<16xi1>
      %parallel_loop3A_670 = vector.broadcast %mul3A_170 : i32 to vector<16xi32>
      %parallel_loop3A_671 = arith.addi %parallel_loop3A_655, %parallel_loop3A_670 : vector<16xi32>
      %parallel_loop3A_672 = arith.index_cast %parallel_loop3A_647 : i32 to index
      %parallel_loop3A_673 = tpu.vector_load %arg14[%parallel_loop3A_672] masked %parallel_loop3A_663 {strides = array<i32>} : memref<80xi32, #tpu.memory_space<vmem>>, vector<16xi32>, vector<16xi1>
      tpu.vector_store %arg14[%parallel_loop3A_672], %parallel_loop3A_671 masked %parallel_loop3A_663 {strides = array<i32>} : memref<80xi32, #tpu.memory_space<vmem>>, vector<16xi32>, vector<16xi1>
      %parallel_loop3A_674 = tpu.all_reduce %parallel_loop3A_663 {dim = 0 : i64, kind = #tpu.reduction_kind<sum>} : vector<16xi1> -> vector<16xi32>
      %parallel_loop3A_675 = vector.extract_strided_slice %parallel_loop3A_674 {offsets = [0], sizes = [1], strides = [1]} : vector<16xi32> to vector<1xi32>
      %parallel_loop3A_676 = vector.extract %parallel_loop3A_675[0] : i32 from vector<1xi32>
      %parallel_loop3A_677 = arith.addi %parallel_loop3A_647, %parallel_loop3A_676 : i32
      scf.yield %parallel_loop3A_677 : i32
    } {sc.loop_unroll_factor = 2 : i64, sc.parallel_access}
    %get3A_292 = arith.constant 0 : index
    %get3A_293 = tpu.vector_load %arg13[%get3A_292] {strides = array<i32>} : memref<80xf32, #tpu.memory_space<vmem>>, vector<16xf32>,
    %swap3A_294 = arith.constant 0 : index
    %swap3A_295 = tpu.vector_load %arg15[%swap3A_294] {strides = array<i32>} : memref<64xf32, #tpu.memory_space<vmem>>, vector<16xf32>,
    tpu.vector_store %arg15[%swap3A_294], %get3A_293 {strides = array<i32>} : memref<64xf32, #tpu.memory_space<vmem>>, vector<16xf32>,
    %get3A_296 = arith.constant 0 : index
    %get3A_297 = tpu.vector_load %arg14[%get3A_296] {strides = array<i32>} : memref<80xi32, #tpu.memory_space<vmem>>, vector<16xi32>,
    %swap3A_298 = arith.constant 0 : index
    %swap3A_299 = tpu.vector_load %arg16[%swap3A_298] {strides = array<i32>} : memref<64xi32, #tpu.memory_space<vmem>>, vector<16xi32>,
    tpu.vector_store %arg16[%swap3A_298], %get3A_297 {strides = array<i32>} : memref<64xi32, #tpu.memory_space<vmem>>, vector<16xi32>,
    %get3A_300 = arith.constant 16 : index
    %get3A_301 = tpu.vector_load %arg13[%get3A_300] {strides = array<i32>} : memref<80xf32, #tpu.memory_space<vmem>>, vector<16xf32>,
    %swap3A_302 = arith.constant 16 : index
    %swap3A_303 = tpu.vector_load %arg15[%swap3A_302] {strides = array<i32>} : memref<64xf32, #tpu.memory_space<vmem>>, vector<16xf32>,
    tpu.vector_store %arg15[%swap3A_302], %get3A_301 {strides = array<i32>} : memref<64xf32, #tpu.memory_space<vmem>>, vector<16xf32>,
    %get3A_304 = arith.constant 16 : index
    %get3A_305 = tpu.vector_load %arg14[%get3A_304] {strides = array<i32>} : memref<80xi32, #tpu.memory_space<vmem>>, vector<16xi32>,
    %swap3A_306 = arith.constant 16 : index
    %swap3A_307 = tpu.vector_load %arg16[%swap3A_306] {strides = array<i32>} : memref<64xi32, #tpu.memory_space<vmem>>, vector<16xi32>,
    tpu.vector_store %arg16[%swap3A_306], %get3A_305 {strides = array<i32>} : memref<64xi32, #tpu.memory_space<vmem>>, vector<16xi32>,
    %get3A_308 = arith.constant 32 : index
    %get3A_309 = tpu.vector_load %arg13[%get3A_308] {strides = array<i32>} : memref<80xf32, #tpu.memory_space<vmem>>, vector<16xf32>,
    %swap3A_310 = arith.constant 32 : index
    %swap3A_311 = tpu.vector_load %arg15[%swap3A_310] {strides = array<i32>} : memref<64xf32, #tpu.memory_space<vmem>>, vector<16xf32>,
    tpu.vector_store %arg15[%swap3A_310], %get3A_309 {strides = array<i32>} : memref<64xf32, #tpu.memory_space<vmem>>, vector<16xf32>,
    %get3A_312 = arith.constant 32 : index
    %get3A_313 = tpu.vector_load %arg14[%get3A_312] {strides = array<i32>} : memref<80xi32, #tpu.memory_space<vmem>>, vector<16xi32>,
    %swap3A_314 = arith.constant 32 : index
    %swap3A_315 = tpu.vector_load %arg16[%swap3A_314] {strides = array<i32>} : memref<64xi32, #tpu.memory_space<vmem>>, vector<16xi32>,
    tpu.vector_store %arg16[%swap3A_314], %get3A_313 {strides = array<i32>} : memref<64xi32, #tpu.memory_space<vmem>>, vector<16xi32>,
    %get3A_316 = arith.constant 48 : index
    %get3A_317 = tpu.vector_load %arg13[%get3A_316] {strides = array<i32>} : memref<80xf32, #tpu.memory_space<vmem>>, vector<16xf32>,
    %swap3A_318 = arith.constant 48 : index
    %swap3A_319 = tpu.vector_load %arg15[%swap3A_318] {strides = array<i32>} : memref<64xf32, #tpu.memory_space<vmem>>, vector<16xf32>,
    tpu.vector_store %arg15[%swap3A_318], %get3A_317 {strides = array<i32>} : memref<64xf32, #tpu.memory_space<vmem>>, vector<16xf32>,
    %get3A_320 = arith.constant 48 : index
    %get3A_321 = tpu.vector_load %arg14[%get3A_320] {strides = array<i32>} : memref<80xi32, #tpu.memory_space<vmem>>, vector<16xi32>,
    %swap3A_322 = arith.constant 48 : index
    %swap3A_323 = tpu.vector_load %arg16[%swap3A_322] {strides = array<i32>} : memref<64xi32, #tpu.memory_space<vmem>>, vector<16xi32>,
    tpu.vector_store %arg16[%swap3A_322], %get3A_321 {strides = array<i32>} : memref<64xi32, #tpu.memory_space<vmem>>, vector<16xi32>,
    %dma_start3A_324 = arith.constant 0 : i32
    %dma_start3A_325 = tpu.memref_slice %arg3[%dma_start3A_324] : memref<4194304xf32, #tpu.memory_space<hbm>> -> memref<4194304xf32, #tpu.memory_space<hbm>>
    tpu.enqueue_indirect_dma source(%arg15 : memref<64xf32, #tpu.memory_space<vmem>>) target(%dma_start3A_325 : memref<4194304xf32, #tpu.memory_space<hbm>>) offsets(%arg16 : memref<64xi32, #tpu.memory_space<vmem>>) semaphore(%arg20 : memref<!tpu.dma_semaphore, #tpu.memory_space<semaphore_mem>>)
    %add3A_326 = arith.constant 2 : i32
    %add3A_327 = arith.addi %mul3A_3, %add3A_326 : i32
    %mul3A_328 = arith.constant 32768 : i32
    %mul3A_329 = arith.muli %add3A_327, %mul3A_328 : i32
    %dma_wait3A_330 = tpu.memref_slice %arg2[%mul3A_329] : memref<4194304xf32, #tpu.memory_space<hbm>> -> memref<32768xf32, #tpu.memory_space<hbm>>
    %dma_wait3A_331 = tpu.memref_slice %arg2[%mul3A_329] : memref<4194304xf32, #tpu.memory_space<hbm>> -> memref<32768xf32, #tpu.memory_space<hbm>>
    tpu.wait_dma2 semaphore(%arg19 : memref<!tpu.dma_semaphore, #tpu.memory_space<semaphore_mem>>) src(%dma_wait3A_331 : memref<32768xf32, #tpu.memory_space<hbm>>) dst(%arg7 : memref<32768xf32, #tpu.memory_space<vmem>>)
    %parallel_loop3A_332 = arith.constant 0 : i32
    %parallel_loop3A_333 = arith.constant 128 : i32
    %parallel_loop3A_334 = arith.constant 1 : i32
    scf.for %parallel_loop3A_646 = %parallel_loop3A_332 to %parallel_loop3A_333 step %parallel_loop3A_334  : i32 {
      %parallel_loop3A_647 = arith.constant 256 : i32
      %parallel_loop3A_648 = arith.muli %parallel_loop3A_646, %parallel_loop3A_647 : i32
      %parallel_loop3A_649 = arith.constant 0 : i32
      %parallel_loop3A_650 = arith.addi %parallel_loop3A_648, %parallel_loop3A_649 : i32
      %parallel_loop3A_651 = arith.index_cast %parallel_loop3A_650 : i32 to index
      %parallel_loop3A_652 = tpu.vector_load %arg7[%parallel_loop3A_651] {strides = array<i32>} : memref<32768xf32, #tpu.memory_space<vmem>>, vector<16xf32>,
      %parallel_loop3A_653 = arith.constant 256 : i32
      %parallel_loop3A_654 = arith.muli %parallel_loop3A_646, %parallel_loop3A_653 : i32
      %parallel_loop3A_655 = arith.constant 16 : i32
      %parallel_loop3A_656 = arith.addi %parallel_loop3A_654, %parallel_loop3A_655 : i32
      %parallel_loop3A_657 = arith.index_cast %parallel_loop3A_656 : i32 to index
      %parallel_loop3A_658 = tpu.vector_load %arg7[%parallel_loop3A_657] {strides = array<i32>} : memref<32768xf32, #tpu.memory_space<vmem>>, vector<16xf32>,
      %parallel_loop3A_659 = arith.constant 256 : i32
      %parallel_loop3A_660 = arith.muli %parallel_loop3A_646, %parallel_loop3A_659 : i32
      %parallel_loop3A_661 = arith.constant 32 : i32
      %parallel_loop3A_662 = arith.addi %parallel_loop3A_660, %parallel_loop3A_661 : i32
      %parallel_loop3A_663 = arith.index_cast %parallel_loop3A_662 : i32 to index
      %parallel_loop3A_664 = tpu.vector_load %arg7[%parallel_loop3A_663] {strides = array<i32>} : memref<32768xf32, #tpu.memory_space<vmem>>, vector<16xf32>,
      %parallel_loop3A_665 = arith.constant 256 : i32
      %parallel_loop3A_666 = arith.muli %parallel_loop3A_646, %parallel_loop3A_665 : i32
      %parallel_loop3A_667 = arith.constant 48 : i32
      %parallel_loop3A_668 = arith.addi %parallel_loop3A_666, %parallel_loop3A_667 : i32
      %parallel_loop3A_669 = arith.index_cast %parallel_loop3A_668 : i32 to index
      %parallel_loop3A_670 = tpu.vector_load %arg7[%parallel_loop3A_669] {strides = array<i32>} : memref<32768xf32, #tpu.memory_space<vmem>>, vector<16xf32>,
      %parallel_loop3A_671 = arith.constant 256 : i32
      %parallel_loop3A_672 = arith.muli %parallel_loop3A_646, %parallel_loop3A_671 : i32
      %parallel_loop3A_673 = arith.constant 64 : i32
      %parallel_loop3A_674 = arith.addi %parallel_loop3A_672, %parallel_loop3A_673 : i32
      %parallel_loop3A_675 = arith.index_cast %parallel_loop3A_674 : i32 to index
      %parallel_loop3A_676 = tpu.vector_load %arg7[%parallel_loop3A_675] {strides = array<i32>} : memref<32768xf32, #tpu.memory_space<vmem>>, vector<16xf32>,
      %parallel_loop3A_677 = arith.constant 256 : i32
      %parallel_loop3A_678 = arith.muli %parallel_loop3A_646, %parallel_loop3A_677 : i32
      %parallel_loop3A_679 = arith.constant 80 : i32
      %parallel_loop3A_680 = arith.addi %parallel_loop3A_678, %parallel_loop3A_679 : i32
      %parallel_loop3A_681 = arith.index_cast %parallel_loop3A_680 : i32 to index
      %parallel_loop3A_682 = tpu.vector_load %arg7[%parallel_loop3A_681] {strides = array<i32>} : memref<32768xf32, #tpu.memory_space<vmem>>, vector<16xf32>,
      %parallel_loop3A_683 = arith.constant 256 : i32
      %parallel_loop3A_684 = arith.muli %parallel_loop3A_646, %parallel_loop3A_683 : i32
      %parallel_loop3A_685 = arith.constant 96 : i32
      %parallel_loop3A_686 = arith.addi %parallel_loop3A_684, %parallel_loop3A_685 : i32
      %parallel_loop3A_687 = arith.index_cast %parallel_loop3A_686 : i32 to index
      %parallel_loop3A_688 = tpu.vector_load %arg7[%parallel_loop3A_687] {strides = array<i32>} : memref<32768xf32, #tpu.memory_space<vmem>>, vector<16xf32>,
      %parallel_loop3A_689 = arith.constant 256 : i32
      %parallel_loop3A_690 = arith.muli %parallel_loop3A_646, %parallel_loop3A_689 : i32
      %parallel_loop3A_691 = arith.constant 112 : i32
      %parallel_loop3A_692 = arith.addi %parallel_loop3A_690, %parallel_loop3A_691 : i32
      %parallel_loop3A_693 = arith.index_cast %parallel_loop3A_692 : i32 to index
      %parallel_loop3A_694 = tpu.vector_load %arg7[%parallel_loop3A_693] {strides = array<i32>} : memref<32768xf32, #tpu.memory_space<vmem>>, vector<16xf32>,
      %parallel_loop3A_695 = arith.constant 256 : i32
      %parallel_loop3A_696 = arith.muli %parallel_loop3A_646, %parallel_loop3A_695 : i32
      %parallel_loop3A_697 = arith.constant 128 : i32
      %parallel_loop3A_698 = arith.addi %parallel_loop3A_696, %parallel_loop3A_697 : i32
      %parallel_loop3A_699 = arith.index_cast %parallel_loop3A_698 : i32 to index
      %parallel_loop3A_700 = tpu.vector_load %arg7[%parallel_loop3A_699] {strides = array<i32>} : memref<32768xf32, #tpu.memory_space<vmem>>, vector<16xf32>,
      %parallel_loop3A_701 = arith.constant 256 : i32
      %parallel_loop3A_702 = arith.muli %parallel_loop3A_646, %parallel_loop3A_701 : i32
      %parallel_loop3A_703 = arith.constant 144 : i32
      %parallel_loop3A_704 = arith.addi %parallel_loop3A_702, %parallel_loop3A_703 : i32
      %parallel_loop3A_705 = arith.index_cast %parallel_loop3A_704 : i32 to index
      %parallel_loop3A_706 = tpu.vector_load %arg7[%parallel_loop3A_705] {strides = array<i32>} : memref<32768xf32, #tpu.memory_space<vmem>>, vector<16xf32>,
      %parallel_loop3A_707 = arith.constant 256 : i32
      %parallel_loop3A_708 = arith.muli %parallel_loop3A_646, %parallel_loop3A_707 : i32
      %parallel_loop3A_709 = arith.constant 160 : i32
      %parallel_loop3A_710 = arith.addi %parallel_loop3A_708, %parallel_loop3A_709 : i32
      %parallel_loop3A_711 = arith.index_cast %parallel_loop3A_710 : i32 to index
      %parallel_loop3A_712 = tpu.vector_load %arg7[%parallel_loop3A_711] {strides = array<i32>} : memref<32768xf32, #tpu.memory_space<vmem>>, vector<16xf32>,
      %parallel_loop3A_713 = arith.constant 256 : i32
      %parallel_loop3A_714 = arith.muli %parallel_loop3A_646, %parallel_loop3A_713 : i32
      %parallel_loop3A_715 = arith.constant 176 : i32
      %parallel_loop3A_716 = arith.addi %parallel_loop3A_714, %parallel_loop3A_715 : i32
      %parallel_loop3A_717 = arith.index_cast %parallel_loop3A_716 : i32 to index
      %parallel_loop3A_718 = tpu.vector_load %arg7[%parallel_loop3A_717] {strides = array<i32>} : memref<32768xf32, #tpu.memory_space<vmem>>, vector<16xf32>,
      %parallel_loop3A_719 = arith.constant 256 : i32
      %parallel_loop3A_720 = arith.muli %parallel_loop3A_646, %parallel_loop3A_719 : i32
      %parallel_loop3A_721 = arith.constant 192 : i32
      %parallel_loop3A_722 = arith.addi %parallel_loop3A_720, %parallel_loop3A_721 : i32
      %parallel_loop3A_723 = arith.index_cast %parallel_loop3A_722 : i32 to index
      %parallel_loop3A_724 = tpu.vector_load %arg7[%parallel_loop3A_723] {strides = array<i32>} : memref<32768xf32, #tpu.memory_space<vmem>>, vector<16xf32>,
      %parallel_loop3A_725 = arith.constant 256 : i32
      %parallel_loop3A_726 = arith.muli %parallel_loop3A_646, %parallel_loop3A_725 : i32
      %parallel_loop3A_727 = arith.constant 208 : i32
      %parallel_loop3A_728 = arith.addi %parallel_loop3A_726, %parallel_loop3A_727 : i32
      %parallel_loop3A_729 = arith.index_cast %parallel_loop3A_728 : i32 to index
      %parallel_loop3A_730 = tpu.vector_load %arg7[%parallel_loop3A_729] {strides = array<i32>} : memref<32768xf32, #tpu.memory_space<vmem>>, vector<16xf32>,
      %parallel_loop3A_731 = arith.constant 256 : i32
      %parallel_loop3A_732 = arith.muli %parallel_loop3A_646, %parallel_loop3A_731 : i32
      %parallel_loop3A_733 = arith.constant 224 : i32
      %parallel_loop3A_734 = arith.addi %parallel_loop3A_732, %parallel_loop3A_733 : i32
      %parallel_loop3A_735 = arith.index_cast %parallel_loop3A_734 : i32 to index
      %parallel_loop3A_736 = tpu.vector_load %arg7[%parallel_loop3A_735] {strides = array<i32>} : memref<32768xf32, #tpu.memory_space<vmem>>, vector<16xf32>,
      %parallel_loop3A_737 = arith.constant 256 : i32
      %parallel_loop3A_738 = arith.muli %parallel_loop3A_646, %parallel_loop3A_737 : i32
      %parallel_loop3A_739 = arith.constant 240 : i32
      %parallel_loop3A_740 = arith.addi %parallel_loop3A_738, %parallel_loop3A_739 : i32
      %parallel_loop3A_741 = arith.index_cast %parallel_loop3A_740 : i32 to index
      %parallel_loop3A_742 = tpu.vector_load %arg7[%parallel_loop3A_741] {strides = array<i32>} : memref<32768xf32, #tpu.memory_space<vmem>>, vector<16xf32>,
      %parallel_loop3A_743 = arith.maximumf %parallel_loop3A_652, %parallel_loop3A_658 : vector<16xf32>
      %parallel_loop3A_744 = arith.maximumf %parallel_loop3A_664, %parallel_loop3A_670 : vector<16xf32>
      %parallel_loop3A_745 = arith.maximumf %parallel_loop3A_676, %parallel_loop3A_682 : vector<16xf32>
      %parallel_loop3A_746 = arith.maximumf %parallel_loop3A_688, %parallel_loop3A_694 : vector<16xf32>
      %parallel_loop3A_747 = arith.maximumf %parallel_loop3A_700, %parallel_loop3A_706 : vector<16xf32>
      %parallel_loop3A_748 = arith.maximumf %parallel_loop3A_712, %parallel_loop3A_718 : vector<16xf32>
      %parallel_loop3A_749 = arith.maximumf %parallel_loop3A_724, %parallel_loop3A_730 : vector<16xf32>
      %parallel_loop3A_750 = arith.maximumf %parallel_loop3A_736, %parallel_loop3A_742 : vector<16xf32>
      %parallel_loop3A_751 = arith.maximumf %parallel_loop3A_743, %parallel_loop3A_744 : vector<16xf32>
      %parallel_loop3A_752 = arith.maximumf %parallel_loop3A_745, %parallel_loop3A_746 : vector<16xf32>
      %parallel_loop3A_753 = arith.maximumf %parallel_loop3A_747, %parallel_loop3A_748 : vector<16xf32>
      %parallel_loop3A_754 = arith.maximumf %parallel_loop3A_749, %parallel_loop3A_750 : vector<16xf32>
      %parallel_loop3A_755 = arith.maximumf %parallel_loop3A_751, %parallel_loop3A_752 : vector<16xf32>
      %parallel_loop3A_756 = arith.maximumf %parallel_loop3A_753, %parallel_loop3A_754 : vector<16xf32>
      %parallel_loop3A_757 = arith.maximumf %parallel_loop3A_755, %parallel_loop3A_756 : vector<16xf32>
      %parallel_loop3A_758 = arith.constant 16 : i32
      %parallel_loop3A_759 = arith.muli %parallel_loop3A_646, %parallel_loop3A_758 : i32
      %parallel_loop3A_760 = arith.index_cast %parallel_loop3A_759 : i32 to index
      %parallel_loop3A_761 = tpu.vector_load %arg8[%parallel_loop3A_760] {strides = array<i32>} : memref<2048xf32, #tpu.memory_space<vmem>>, vector<16xf32>,
      tpu.vector_store %arg8[%parallel_loop3A_760], %parallel_loop3A_757 {strides = array<i32>} : memref<2048xf32, #tpu.memory_space<vmem>>, vector<16xf32>,
    } {sc.loop_unroll_factor = 2 : i64, sc.parallel_access}
    %parallel_loop3A_335 = arith.constant 0 : i32
    %parallel_loop3A_336 = arith.constant 256 : i32
    %parallel_loop3A_337 = arith.constant 1 : i32
    scf.for %parallel_loop3A_646 = %parallel_loop3A_335 to %parallel_loop3A_336 step %parallel_loop3A_337  : i32 {
      %parallel_loop3A_647 = arith.constant 0 : i32
      %parallel_loop3A_648 = vector.broadcast %parallel_loop3A_647 : i32 to vector<16xi32>
      %parallel_loop3A_649 = arith.constant 16 : i32
      %parallel_loop3A_650 = arith.muli %parallel_loop3A_646, %parallel_loop3A_649 : i32
      %parallel_loop3A_651 = arith.index_cast %parallel_loop3A_650 : i32 to index
      %parallel_loop3A_652 = tpu.vector_load %arg9[%parallel_loop3A_651] {strides = array<i32>} : memref<4096xi32, #tpu.memory_space<vmem>>, vector<16xi32>,
      tpu.vector_store %arg9[%parallel_loop3A_651], %parallel_loop3A_648 {strides = array<i32>} : memref<4096xi32, #tpu.memory_space<vmem>>, vector<16xi32>,
    } {sc.loop_unroll_factor = 8 : i64, sc.parallel_access}
    %parallel_loop3A_338 = arith.constant 0 : i32
    %parallel_loop3A_339 = arith.constant 128 : i32
    %parallel_loop3A_340 = arith.constant 1 : i32
    scf.for %parallel_loop3A_646 = %parallel_loop3A_338 to %parallel_loop3A_339 step %parallel_loop3A_340  : i32 {
      %parallel_loop3A_647 = arith.constant 16 : i32
      %parallel_loop3A_648 = arith.muli %parallel_loop3A_646, %parallel_loop3A_647 : i32
      %parallel_loop3A_649 = arith.index_cast %parallel_loop3A_648 : i32 to index
      %parallel_loop3A_650 = tpu.vector_load %arg8[%parallel_loop3A_649] {strides = array<i32>} : memref<2048xf32, #tpu.memory_space<vmem>>, vector<16xf32>,
      %parallel_loop3A_651 = tpu.bitcast %parallel_loop3A_650 : vector<16xf32> -> vector<16xi32>
      %parallel_loop3A_652 = arith.constant 31 : i32
      %parallel_loop3A_653 = vector.broadcast %parallel_loop3A_652 : i32 to vector<16xi32>
      %parallel_loop3A_654 = arith.shrsi %parallel_loop3A_651, %parallel_loop3A_653 : vector<16xi32>
      %parallel_loop3A_655 = arith.constant 2147483647 : i32
      %parallel_loop3A_656 = vector.broadcast %parallel_loop3A_655 : i32 to vector<16xi32>
      %parallel_loop3A_657 = arith.andi %parallel_loop3A_654, %parallel_loop3A_656 : vector<16xi32>
      %parallel_loop3A_658 = arith.xori %parallel_loop3A_651, %parallel_loop3A_657 : vector<16xi32>
      %parallel_loop3A_659 = arith.constant 20 : i32
      %parallel_loop3A_660 = vector.broadcast %parallel_loop3A_659 : i32 to vector<16xi32>
      %parallel_loop3A_661 = arith.shrsi %parallel_loop3A_658, %parallel_loop3A_660 : vector<16xi32>
      %parallel_loop3A_662 = arith.constant 2048 : i32
      %parallel_loop3A_663 = vector.broadcast %parallel_loop3A_662 : i32 to vector<16xi32>
      %parallel_loop3A_664 = arith.addi %parallel_loop3A_661, %parallel_loop3A_663 : vector<16xi32>
      tpu.vector_store_idx %arg9[%parallel_loop3A_664], %broadcast_in_dim3A_1 {add = true} : memref<4096xi32, #tpu.memory_space<vmem>>[vector<16xi32>], vector<16xi32>,
    } {sc.loop_unroll_factor = 8 : i64, sc.parallel_access}
    %while3A_341 = arith.constant 255 : i32
    %while3A_342 = arith.constant 0 : i32
    %while3A_343 = arith.constant false
    %while3A_344 = arith.constant 0 : i32
    %while3A_345:4 = scf.while (%while3A_646 = %while3A_341, %while3A_647 = %while3A_342, %while3A_648 = %while3A_343, %while3A_649 = %while3A_344) : (i32, i32, i1, i32) -> (i32, i32, i1, i32) {
      %not3A = arith.constant true
      %not3A_650 = arith.xori %while3A_648, %not3A : i1
      scf.condition(%not3A_650) %while3A_646, %while3A_647, %while3A_648, %while3A_649 : i32, i32, i1, i32
    } do {
    ^bb0(%while3A_646: i32, %while3A_647: i32, %while3A_648: i1, %while3A_649: i32):
      %mul3A_650 = arith.constant 16 : i32
      %mul3A_651 = arith.muli %while3A_646, %mul3A_650 : i32
      %get3A_652 = arith.index_cast %mul3A_651 : i32 to index
      %get3A_653 = tpu.vector_load %arg9[%get3A_652] {strides = array<i32>} : memref<4096xi32, #tpu.memory_space<vmem>>, vector<16xi32>,
      %reduce_sum3A = arith.constant true
      %reduce_sum3A_654 = vector.broadcast %reduce_sum3A : i1 to vector<16xi1>
      %reduce_sum3A_655 = tpu.scan <sum>, %get3A_653 masked %reduce_sum3A_654 : vector<16xi32>, vector<16xi1> -> vector<16xi32>
      %reduce_sum3A_656 = vector.extract %reduce_sum3A_655[15] : i32 from vector<16xi32>
      %add3A_657 = arith.addi %while3A_647, %reduce_sum3A_656 : i32
      %ge3A = arith.constant 64 : i32
      %ge3A_658 = arith.cmpi sge, %add3A_657, %ge3A : i32
      %broadcast_in_dim3A_659 = arith.constant true
      %broadcast_in_dim3A_660 = vector.broadcast %broadcast_in_dim3A_659 : i1 to vector<16xi1>
      %masked_cumsum3A = tpu.scan <sum>, %get3A_653 masked %broadcast_in_dim3A_660 : vector<16xi32>, vector<16xi1> -> vector<16xi32>
      %sub3A_661 = vector.broadcast %reduce_sum3A_656 : i32 to vector<16xi32>
      %sub3A_662 = arith.subi %sub3A_661, %masked_cumsum3A : vector<16xi32>
      %add3A_663 = arith.addi %sub3A_662, %get3A_653 : vector<16xi32>
      %add3A_664 = vector.broadcast %while3A_647 : i32 to vector<16xi32>
      %add3A_665 = arith.addi %add3A_664, %add3A_663 : vector<16xi32>
      %ge3A_666 = arith.constant 64 : i32
      %ge3A_667 = vector.broadcast %ge3A_666 : i32 to vector<16xi32>
      %ge3A_668 = arith.cmpi sge, %add3A_665, %ge3A_667 : vector<16xi32>
      %convert_element_type3A = arith.extui %ge3A_668 : vector<16xi1> to vector<16xi32>
      %reduce_sum3A_669 = arith.constant true
      %reduce_sum3A_670 = vector.broadcast %reduce_sum3A_669 : i1 to vector<16xi1>
      %reduce_sum3A_671 = tpu.scan <sum>, %convert_element_type3A masked %reduce_sum3A_670 : vector<16xi32>, vector<16xi1> -> vector<16xi32>
      %reduce_sum3A_672 = vector.extract %reduce_sum3A_671[15] : i32 from vector<16xi32>
      %mul3A_673 = arith.constant 16 : i32
      %mul3A_674 = arith.muli %while3A_646, %mul3A_673 : i32
      %add3A_675 = arith.addi %mul3A_674, %reduce_sum3A_672 : i32
      %sub3A_676 = arith.constant 1 : i32
      %sub3A_677 = arith.subi %add3A_675, %sub3A_676 : i32
      %select_n3A_678 = arith.select %ge3A_658, %sub3A_677, %while3A_649 : i32
      %add3A_679 = arith.addi %while3A_647, %reduce_sum3A_656 : i32
      %select_n3A_680 = arith.select %ge3A_658, %while3A_647, %add3A_679 : i32
      %sub3A_681 = arith.constant 1 : i32
      %sub3A_682 = arith.subi %while3A_646, %sub3A_681 : i32
      %or3A = arith.ori %while3A_648, %ge3A_658 : i1
      scf.yield %sub3A_682, %select_n3A_680, %or3A, %select_n3A_678 : i32, i32, i1, i32
    }
    %sub3A_346 = arith.constant 2048 : i32
    %sub3A_347 = arith.subi %while3A_345#3, %sub3A_346 : i32
    %shift_left3A_348 = arith.constant 20 : i32
    %shift_left3A_349 = arith.shli %sub3A_347, %shift_left3A_348 : i32
    %parallel_loop3A_350 = arith.constant 0 : i32
    %parallel_loop3A_351 = arith.constant 2048 : i32
    %parallel_loop3A_352 = arith.constant 1 : i32
    %parallel_loop3A_353 = arith.constant 0 : i32
    %parallel_loop3A_354 = scf.for %parallel_loop3A_646 = %parallel_loop3A_350 to %parallel_loop3A_351 step %parallel_loop3A_352 iter_args(%parallel_loop3A_647 = %parallel_loop3A_353) -> (i32)  : i32 {
      %parallel_loop3A_648 = arith.constant 16 : i32
      %parallel_loop3A_649 = arith.muli %parallel_loop3A_646, %parallel_loop3A_648 : i32
      %parallel_loop3A_650 = arith.index_cast %parallel_loop3A_649 : i32 to index
      %parallel_loop3A_651 = tpu.vector_load %arg7[%parallel_loop3A_650] {strides = array<i32>} : memref<32768xf32, #tpu.memory_space<vmem>>, vector<16xf32>,
      %parallel_loop3A_652 = tpu.bitcast %parallel_loop3A_651 : vector<16xf32> -> vector<16xi32>
      %parallel_loop3A_653 = arith.constant 31 : i32
      %parallel_loop3A_654 = vector.broadcast %parallel_loop3A_653 : i32 to vector<16xi32>
      %parallel_loop3A_655 = arith.shrsi %parallel_loop3A_652, %parallel_loop3A_654 : vector<16xi32>
      %parallel_loop3A_656 = arith.constant 2147483647 : i32
      %parallel_loop3A_657 = vector.broadcast %parallel_loop3A_656 : i32 to vector<16xi32>
      %parallel_loop3A_658 = arith.andi %parallel_loop3A_655, %parallel_loop3A_657 : vector<16xi32>
      %parallel_loop3A_659 = arith.xori %parallel_loop3A_652, %parallel_loop3A_658 : vector<16xi32>
      %parallel_loop3A_660 = vector.broadcast %shift_left3A_349 : i32 to vector<16xi32>
      %parallel_loop3A_661 = arith.cmpi sge, %parallel_loop3A_659, %parallel_loop3A_660 : vector<16xi32>
      %parallel_loop3A_662 = arith.index_cast %parallel_loop3A_647 : i32 to index
      %parallel_loop3A_663 = tpu.vector_load %arg10[%parallel_loop3A_662] masked %parallel_loop3A_661 {strides = array<i32>} : memref<2048xi32, #tpu.memory_space<vmem>>, vector<16xi32>, vector<16xi1>
      tpu.vector_store %arg10[%parallel_loop3A_662], %parallel_loop3A_659 masked %parallel_loop3A_661 {strides = array<i32>} : memref<2048xi32, #tpu.memory_space<vmem>>, vector<16xi32>, vector<16xi1>
      %parallel_loop3A_664 = arith.constant 16 : i32
      %parallel_loop3A_665 = arith.muli %parallel_loop3A_646, %parallel_loop3A_664 : i32
      %parallel_loop3A_666 = vector.broadcast %parallel_loop3A_665 : i32 to vector<16xi32>
      %parallel_loop3A_667 = arith.addi %iota3A, %parallel_loop3A_666 : vector<16xi32>
      %parallel_loop3A_668 = arith.index_cast %parallel_loop3A_647 : i32 to index
      %parallel_loop3A_669 = tpu.vector_load %arg11[%parallel_loop3A_668] masked %parallel_loop3A_661 {strides = array<i32>} : memref<2048xi32, #tpu.memory_space<vmem>>, vector<16xi32>, vector<16xi1>
      tpu.vector_store %arg11[%parallel_loop3A_668], %parallel_loop3A_667 masked %parallel_loop3A_661 {strides = array<i32>} : memref<2048xi32, #tpu.memory_space<vmem>>, vector<16xi32>, vector<16xi1>
      %parallel_loop3A_670 = tpu.all_reduce %parallel_loop3A_661 {dim = 0 : i64, kind = #tpu.reduction_kind<sum>} : vector<16xi1> -> vector<16xi32>
      %parallel_loop3A_671 = vector.extract_strided_slice %parallel_loop3A_670 {offsets = [0], sizes = [1], strides = [1]} : vector<16xi32> to vector<1xi32>
      %parallel_loop3A_672 = vector.extract %parallel_loop3A_671[0] : i32 from vector<1xi32>
      %parallel_loop3A_673 = arith.addi %parallel_loop3A_647, %parallel_loop3A_672 : i32
      %parallel_loop3A_674 = arith.constant 2032 : i32
      %parallel_loop3A_675 = arith.minsi %parallel_loop3A_673, %parallel_loop3A_674 : i32
      scf.yield %parallel_loop3A_675 : i32
    } {sc.loop_unroll_factor = 4 : i64, sc.parallel_access}
    %broadcast_in_dim3A_355 = arith.constant -2147483648 : i32
    %broadcast_in_dim3A_356 = vector.broadcast %broadcast_in_dim3A_355 : i32 to vector<16xi32>
    %swap3A_357 = arith.index_cast %parallel_loop3A_354 : i32 to index
    %swap3A_358 = tpu.vector_load %arg10[%swap3A_357] {strides = array<i32>} : memref<2048xi32, #tpu.memory_space<vmem>>, vector<16xi32>,
    tpu.vector_store %arg10[%swap3A_357], %broadcast_in_dim3A_356 {strides = array<i32>} : memref<2048xi32, #tpu.memory_space<vmem>>, vector<16xi32>,
    %add3A_359 = arith.constant 16 : i32
    %add3A_360 = arith.addi %parallel_loop3A_354, %add3A_359 : i32
    %sub3A_361 = arith.constant 1 : i32
    %sub3A_362 = arith.subi %add3A_360, %sub3A_361 : i32
    %jit3A_363 = arith.constant 16 : i32
    %div3A_364 = arith.divsi %sub3A_362, %jit3A_363 : i32
    %sign3A_365 = arith.constant 0 : i32
    %sign3A_366 = arith.cmpi sgt, %sub3A_362, %sign3A_365 : i32
    %sign3A_367 = arith.extui %sign3A_366 : i1 to i32
    %sign3A_368 = arith.constant 0 : i32
    %sign3A_369 = arith.cmpi slt, %sub3A_362, %sign3A_368 : i32
    %sign3A_370 = arith.extui %sign3A_369 : i1 to i32
    %sign3A_371 = arith.subi %sign3A_367, %sign3A_370 : i32
    %sign3A_372 = arith.constant 0 : i32
    %sign3A_373 = arith.cmpi sgt, %jit3A_363, %sign3A_372 : i32
    %sign3A_374 = arith.extui %sign3A_373 : i1 to i32
    %sign3A_375 = arith.constant 0 : i32
    %sign3A_376 = arith.cmpi slt, %jit3A_363, %sign3A_375 : i32
    %sign3A_377 = arith.extui %sign3A_376 : i1 to i32
    %sign3A_378 = arith.subi %sign3A_374, %sign3A_377 : i32
    %ne3A_379 = arith.cmpi ne, %sign3A_371, %sign3A_378 : i32
    %rem3A_380 = arith.remsi %sub3A_362, %jit3A_363 : i32
    %ne3A_381 = arith.constant 0 : i32
    %ne3A_382 = arith.cmpi ne, %rem3A_380, %ne3A_381 : i32
    %and3A_383 = arith.andi %ne3A_379, %ne3A_382 : i1
    %sub3A_384 = arith.constant 1 : i32
    %sub3A_385 = arith.subi %div3A_364, %sub3A_384 : i32
    %select_n3A_386 = arith.select %and3A_383, %sub3A_385, %div3A_364 : i32
    %scan3A_387 = arith.constant 0 : i32
    %scan3A_388 = arith.constant 31 : i32
    %scan3A_389 = arith.addi %scan3A_387, %scan3A_388 : i32
    %scan3A_390 = arith.constant 1 : i32
    %scan3A_391 = scf.for %scan3A_646 = %scan3A_387 to %scan3A_389 step %scan3A_390 iter_args(%scan3A_647 = %shift_left3A_349) -> (i32)  : i32 {
      %sub3A_648 = arith.constant 30 : i32
      %sub3A_649 = arith.subi %sub3A_648, %scan3A_646 : i32
      %shift_left3A_650 = arith.constant 1 : i32
      %shift_left3A_651 = arith.shli %shift_left3A_650, %sub3A_649 : i32
      %add3A_652 = arith.addi %scan3A_647, %shift_left3A_651 : i32
      %broadcast_in_dim3A_653 = arith.constant 0 : i32
      %broadcast_in_dim3A_654 = vector.broadcast %broadcast_in_dim3A_653 : i32 to vector<16xi32>
      %parallel_loop3A_655 = arith.constant 0 : i32
      %parallel_loop3A_656 = arith.constant 1 : i32
      %parallel_loop3A_657 = scf.for %parallel_loop3A_663 = %parallel_loop3A_655 to %select_n3A_386 step %parallel_loop3A_656 iter_args(%parallel_loop3A_664 = %broadcast_in_dim3A_654) -> (vector<16xi32>)  : i32 {
        %parallel_loop3A_665 = arith.constant 16 : i32
        %parallel_loop3A_666 = arith.muli %parallel_loop3A_663, %parallel_loop3A_665 : i32
        %parallel_loop3A_667 = arith.index_cast %parallel_loop3A_666 : i32 to index
        %parallel_loop3A_668 = tpu.vector_load %arg10[%parallel_loop3A_667] {strides = array<i32>} : memref<2048xi32, #tpu.memory_space<vmem>>, vector<16xi32>,
        %parallel_loop3A_669 = vector.broadcast %add3A_652 : i32 to vector<16xi32>
        %parallel_loop3A_670 = arith.cmpi sge, %parallel_loop3A_668, %parallel_loop3A_669 : vector<16xi32>
        %parallel_loop3A_671 = tpu.all_reduce %parallel_loop3A_670 {dim = 0 : i64, kind = #tpu.reduction_kind<sum>} : vector<16xi1> -> vector<16xi32>
        %parallel_loop3A_672 = arith.addi %parallel_loop3A_664, %parallel_loop3A_671 : vector<16xi32>
        scf.yield %parallel_loop3A_672 : vector<16xi32>
      } {sc.loop_unroll_factor = 4 : i64, sc.parallel_access}
      %slice3A_658 = vector.extract_strided_slice %parallel_loop3A_657 {offsets = [0], sizes = [1], strides = [1]} : vector<16xi32> to vector<1xi32>
      %squeeze3A_659 = vector.extract %slice3A_658[0] : i32 from vector<1xi32>
      %gt3A = arith.cmpi sgt, %add3A_652, %scan3A_647 : i32
      %ge3A = arith.constant 64 : i32
      %ge3A_660 = arith.cmpi sge, %squeeze3A_659, %ge3A : i32
      %and3A_661 = arith.andi %gt3A, %ge3A_660 : i1
      %select_n3A_662 = arith.select %and3A_661, %add3A_652, %scan3A_647 : i32
      scf.yield %select_n3A_662 : i32
    }
    %scan3A_392 = arith.constant 31 : i32
    %broadcast_in_dim3A_393 = arith.constant 0 : i32
    %broadcast_in_dim3A_394 = vector.broadcast %broadcast_in_dim3A_393 : i32 to vector<16xi32>
    %parallel_loop3A_395 = arith.constant 0 : i32
    %parallel_loop3A_396 = arith.constant 1 : i32
    %parallel_loop3A_397 = scf.for %parallel_loop3A_646 = %parallel_loop3A_395 to %select_n3A_386 step %parallel_loop3A_396 iter_args(%parallel_loop3A_647 = %broadcast_in_dim3A_394) -> (vector<16xi32>)  : i32 {
      %parallel_loop3A_648 = arith.constant 16 : i32
      %parallel_loop3A_649 = arith.muli %parallel_loop3A_646, %parallel_loop3A_648 : i32
      %parallel_loop3A_650 = arith.index_cast %parallel_loop3A_649 : i32 to index
      %parallel_loop3A_651 = tpu.vector_load %arg10[%parallel_loop3A_650] {strides = array<i32>} : memref<2048xi32, #tpu.memory_space<vmem>>, vector<16xi32>,
      %parallel_loop3A_652 = vector.broadcast %scan3A_391 : i32 to vector<16xi32>
      %parallel_loop3A_653 = arith.cmpi sgt, %parallel_loop3A_651, %parallel_loop3A_652 : vector<16xi32>
      %parallel_loop3A_654 = tpu.all_reduce %parallel_loop3A_653 {dim = 0 : i64, kind = #tpu.reduction_kind<sum>} : vector<16xi1> -> vector<16xi32>
      %parallel_loop3A_655 = arith.addi %parallel_loop3A_647, %parallel_loop3A_654 : vector<16xi32>
      scf.yield %parallel_loop3A_655 : vector<16xi32>
    } {sc.loop_unroll_factor = 4 : i64, sc.parallel_access}
    %slice3A_398 = vector.extract_strided_slice %parallel_loop3A_397 {offsets = [0], sizes = [1], strides = [1]} : vector<16xi32> to vector<1xi32>
    %squeeze3A_399 = vector.extract %slice3A_398[0] : i32 from vector<1xi32>
    %sub3A_400 = arith.constant 64 : i32
    %sub3A_401 = arith.subi %sub3A_400, %squeeze3A_399 : i32
    %parallel_loop3A_402 = arith.constant 0 : i32
    %parallel_loop3A_403 = arith.constant 1 : i32
    %parallel_loop3A_404 = arith.constant 0 : i32
    %parallel_loop3A_405 = scf.for %parallel_loop3A_646 = %parallel_loop3A_402 to %select_n3A_386 step %parallel_loop3A_403 iter_args(%parallel_loop3A_647 = %parallel_loop3A_404) -> (i32)  : i32 {
      %parallel_loop3A_648 = arith.constant 16 : i32
      %parallel_loop3A_649 = arith.muli %parallel_loop3A_646, %parallel_loop3A_648 : i32
      %parallel_loop3A_650 = arith.index_cast %parallel_loop3A_649 : i32 to index
      %parallel_loop3A_651 = tpu.vector_load %arg10[%parallel_loop3A_650] {strides = array<i32>} : memref<2048xi32, #tpu.memory_space<vmem>>, vector<16xi32>,
      %parallel_loop3A_652 = arith.constant 16 : i32
      %parallel_loop3A_653 = arith.muli %parallel_loop3A_646, %parallel_loop3A_652 : i32
      %parallel_loop3A_654 = arith.index_cast %parallel_loop3A_653 : i32 to index
      %parallel_loop3A_655 = tpu.vector_load %arg11[%parallel_loop3A_654] {strides = array<i32>} : memref<2048xi32, #tpu.memory_space<vmem>>, vector<16xi32>,
      %parallel_loop3A_656 = vector.broadcast %scan3A_391 : i32 to vector<16xi32>
      %parallel_loop3A_657 = arith.cmpi eq, %parallel_loop3A_651, %parallel_loop3A_656 : vector<16xi32>
      %parallel_loop3A_658 = arith.index_cast %parallel_loop3A_647 : i32 to index
      %parallel_loop3A_659 = tpu.vector_load %arg12[%parallel_loop3A_658] masked %parallel_loop3A_657 {strides = array<i32>} : memref<2048xi32, #tpu.memory_space<vmem>>, vector<16xi32>, vector<16xi1>
      tpu.vector_store %arg12[%parallel_loop3A_658], %parallel_loop3A_655 masked %parallel_loop3A_657 {strides = array<i32>} : memref<2048xi32, #tpu.memory_space<vmem>>, vector<16xi32>, vector<16xi1>
      %parallel_loop3A_660 = tpu.all_reduce %parallel_loop3A_657 {dim = 0 : i64, kind = #tpu.reduction_kind<sum>} : vector<16xi1> -> vector<16xi32>
      %parallel_loop3A_661 = vector.extract_strided_slice %parallel_loop3A_660 {offsets = [0], sizes = [1], strides = [1]} : vector<16xi32> to vector<1xi32>
      %parallel_loop3A_662 = vector.extract %parallel_loop3A_661[0] : i32 from vector<1xi32>
      %parallel_loop3A_663 = arith.addi %parallel_loop3A_647, %parallel_loop3A_662 : i32
      %parallel_loop3A_664 = arith.constant 2032 : i32
      %parallel_loop3A_665 = arith.minsi %parallel_loop3A_663, %parallel_loop3A_664 : i32
      scf.yield %parallel_loop3A_665 : i32
    } {sc.loop_unroll_factor = 4 : i64, sc.parallel_access}
    %broadcast_in_dim3A_406 = arith.constant 2147483647 : i32
    %broadcast_in_dim3A_407 = vector.broadcast %broadcast_in_dim3A_406 : i32 to vector<16xi32>
    %swap3A_408 = arith.index_cast %parallel_loop3A_405 : i32 to index
    %swap3A_409 = tpu.vector_load %arg12[%swap3A_408] {strides = array<i32>} : memref<2048xi32, #tpu.memory_space<vmem>>, vector<16xi32>,
    tpu.vector_store %arg12[%swap3A_408], %broadcast_in_dim3A_407 {strides = array<i32>} : memref<2048xi32, #tpu.memory_space<vmem>>, vector<16xi32>,
    %add3A_410 = arith.constant 16 : i32
    %add3A_411 = arith.addi %parallel_loop3A_405, %add3A_410 : i32
    %sub3A_412 = arith.constant 1 : i32
    %sub3A_413 = arith.subi %add3A_411, %sub3A_412 : i32
    %jit3A_414 = arith.constant 16 : i32
    %div3A_415 = arith.divsi %sub3A_413, %jit3A_414 : i32
    %sign3A_416 = arith.constant 0 : i32
    %sign3A_417 = arith.cmpi sgt, %sub3A_413, %sign3A_416 : i32
    %sign3A_418 = arith.extui %sign3A_417 : i1 to i32
    %sign3A_419 = arith.constant 0 : i32
    %sign3A_420 = arith.cmpi slt, %sub3A_413, %sign3A_419 : i32
    %sign3A_421 = arith.extui %sign3A_420 : i1 to i32
    %sign3A_422 = arith.subi %sign3A_418, %sign3A_421 : i32
    %sign3A_423 = arith.constant 0 : i32
    %sign3A_424 = arith.cmpi sgt, %jit3A_414, %sign3A_423 : i32
    %sign3A_425 = arith.extui %sign3A_424 : i1 to i32
    %sign3A_426 = arith.constant 0 : i32
    %sign3A_427 = arith.cmpi slt, %jit3A_414, %sign3A_426 : i32
    %sign3A_428 = arith.extui %sign3A_427 : i1 to i32
    %sign3A_429 = arith.subi %sign3A_425, %sign3A_428 : i32
    %ne3A_430 = arith.cmpi ne, %sign3A_422, %sign3A_429 : i32
    %rem3A_431 = arith.remsi %sub3A_413, %jit3A_414 : i32
    %ne3A_432 = arith.constant 0 : i32
    %ne3A_433 = arith.cmpi ne, %rem3A_431, %ne3A_432 : i32
    %and3A_434 = arith.andi %ne3A_430, %ne3A_433 : i1
    %sub3A_435 = arith.constant 1 : i32
    %sub3A_436 = arith.subi %div3A_415, %sub3A_435 : i32
    %select_n3A_437 = arith.select %and3A_434, %sub3A_436, %div3A_415 : i32
    %scan3A_438 = arith.constant 0 : i32
    %scan3A_439 = arith.constant 0 : i32
    %scan3A_440 = arith.constant 15 : i32
    %scan3A_441 = arith.addi %scan3A_439, %scan3A_440 : i32
    %scan3A_442 = arith.constant 1 : i32
    %scan3A_443 = scf.for %scan3A_646 = %scan3A_439 to %scan3A_441 step %scan3A_442 iter_args(%scan3A_647 = %scan3A_438) -> (i32)  : i32 {
      %sub3A_648 = arith.constant 14 : i32
      %sub3A_649 = arith.subi %sub3A_648, %scan3A_646 : i32
      %shift_left3A_650 = arith.constant 1 : i32
      %shift_left3A_651 = arith.shli %shift_left3A_650, %sub3A_649 : i32
      %add3A_652 = arith.addi %scan3A_647, %shift_left3A_651 : i32
      %broadcast_in_dim3A_653 = arith.constant 0 : i32
      %broadcast_in_dim3A_654 = vector.broadcast %broadcast_in_dim3A_653 : i32 to vector<16xi32>
      %parallel_loop3A_655 = arith.constant 0 : i32
      %parallel_loop3A_656 = arith.constant 1 : i32
      %parallel_loop3A_657 = scf.for %parallel_loop3A_661 = %parallel_loop3A_655 to %select_n3A_437 step %parallel_loop3A_656 iter_args(%parallel_loop3A_662 = %broadcast_in_dim3A_654) -> (vector<16xi32>)  : i32 {
        %parallel_loop3A_663 = arith.constant 16 : i32
        %parallel_loop3A_664 = arith.muli %parallel_loop3A_661, %parallel_loop3A_663 : i32
        %parallel_loop3A_665 = arith.index_cast %parallel_loop3A_664 : i32 to index
        %parallel_loop3A_666 = tpu.vector_load %arg12[%parallel_loop3A_665] {strides = array<i32>} : memref<2048xi32, #tpu.memory_space<vmem>>, vector<16xi32>,
        %parallel_loop3A_667 = vector.broadcast %add3A_652 : i32 to vector<16xi32>
        %parallel_loop3A_668 = arith.cmpi slt, %parallel_loop3A_666, %parallel_loop3A_667 : vector<16xi32>
        %parallel_loop3A_669 = tpu.all_reduce %parallel_loop3A_668 {dim = 0 : i64, kind = #tpu.reduction_kind<sum>} : vector<16xi1> -> vector<16xi32>
        %parallel_loop3A_670 = arith.addi %parallel_loop3A_662, %parallel_loop3A_669 : vector<16xi32>
        scf.yield %parallel_loop3A_670 : vector<16xi32>
      } {sc.loop_unroll_factor = 2 : i64, sc.parallel_access}
      %slice3A_658 = vector.extract_strided_slice %parallel_loop3A_657 {offsets = [0], sizes = [1], strides = [1]} : vector<16xi32> to vector<1xi32>
      %squeeze3A_659 = vector.extract %slice3A_658[0] : i32 from vector<1xi32>
      %lt3A = arith.cmpi slt, %squeeze3A_659, %sub3A_401 : i32
      %select_n3A_660 = arith.select %lt3A, %add3A_652, %scan3A_647 : i32
      scf.yield %select_n3A_660 : i32
    }
    %scan3A_444 = arith.constant 15 : i32
    %dma_wait3A_445 = arith.constant 0 : i32
    %dma_wait3A_446 = tpu.memref_slice %arg3[%dma_wait3A_445] : memref<4194304xf32, #tpu.memory_space<hbm>> -> memref<4194304xf32, #tpu.memory_space<hbm>>
    tpu.wait_indirect_dma semaphore(%arg20 : memref<!tpu.dma_semaphore, #tpu.memory_space<semaphore_mem>>) src(%arg15 : memref<64xf32, #tpu.memory_space<vmem>>) dst(%dma_wait3A_446 : memref<4194304xf32, #tpu.memory_space<hbm>>)
    %parallel_loop3A_447 = arith.constant 0 : i32
    %parallel_loop3A_448 = arith.constant 1 : i32
    %parallel_loop3A_449 = arith.constant 0 : i32
    %parallel_loop3A_450 = scf.for %parallel_loop3A_646 = %parallel_loop3A_447 to %select_n3A_386 step %parallel_loop3A_448 iter_args(%parallel_loop3A_647 = %parallel_loop3A_449) -> (i32)  : i32 {
      %parallel_loop3A_648 = arith.constant 16 : i32
      %parallel_loop3A_649 = arith.muli %parallel_loop3A_646, %parallel_loop3A_648 : i32
      %parallel_loop3A_650 = arith.index_cast %parallel_loop3A_649 : i32 to index
      %parallel_loop3A_651 = tpu.vector_load %arg10[%parallel_loop3A_650] {strides = array<i32>} : memref<2048xi32, #tpu.memory_space<vmem>>, vector<16xi32>,
      %parallel_loop3A_652 = arith.constant 16 : i32
      %parallel_loop3A_653 = arith.muli %parallel_loop3A_646, %parallel_loop3A_652 : i32
      %parallel_loop3A_654 = arith.index_cast %parallel_loop3A_653 : i32 to index
      %parallel_loop3A_655 = tpu.vector_load %arg11[%parallel_loop3A_654] {strides = array<i32>} : memref<2048xi32, #tpu.memory_space<vmem>>, vector<16xi32>,
      %parallel_loop3A_656 = vector.broadcast %scan3A_391 : i32 to vector<16xi32>
      %parallel_loop3A_657 = arith.cmpi sgt, %parallel_loop3A_651, %parallel_loop3A_656 : vector<16xi32>
      %parallel_loop3A_658 = vector.broadcast %scan3A_391 : i32 to vector<16xi32>
      %parallel_loop3A_659 = arith.cmpi eq, %parallel_loop3A_651, %parallel_loop3A_658 : vector<16xi32>
      %parallel_loop3A_660 = vector.broadcast %scan3A_443 : i32 to vector<16xi32>
      %parallel_loop3A_661 = arith.cmpi sle, %parallel_loop3A_655, %parallel_loop3A_660 : vector<16xi32>
      %parallel_loop3A_662 = arith.andi %parallel_loop3A_659, %parallel_loop3A_661 : vector<16xi1>
      %parallel_loop3A_663 = arith.ori %parallel_loop3A_657, %parallel_loop3A_662 : vector<16xi1>
      %parallel_loop3A_664 = arith.constant 0 : i32
      %parallel_loop3A_665 = vector.broadcast %parallel_loop3A_664 : i32 to vector<16xi32>
      %parallel_loop3A_666 = arith.maxsi %parallel_loop3A_651, %parallel_loop3A_665 : vector<16xi32>
      %parallel_loop3A_667 = tpu.bitcast %parallel_loop3A_666 : vector<16xi32> -> vector<16xf32>
      %parallel_loop3A_668 = arith.index_cast %parallel_loop3A_647 : i32 to index
      %parallel_loop3A_669 = tpu.vector_load %arg13[%parallel_loop3A_668] masked %parallel_loop3A_663 {strides = array<i32>} : memref<80xf32, #tpu.memory_space<vmem>>, vector<16xf32>, vector<16xi1>
      tpu.vector_store %arg13[%parallel_loop3A_668], %parallel_loop3A_667 masked %parallel_loop3A_663 {strides = array<i32>} : memref<80xf32, #tpu.memory_space<vmem>>, vector<16xf32>, vector<16xi1>
      %parallel_loop3A_670 = vector.broadcast %mul3A_329 : i32 to vector<16xi32>
      %parallel_loop3A_671 = arith.addi %parallel_loop3A_655, %parallel_loop3A_670 : vector<16xi32>
      %parallel_loop3A_672 = arith.index_cast %parallel_loop3A_647 : i32 to index
      %parallel_loop3A_673 = tpu.vector_load %arg14[%parallel_loop3A_672] masked %parallel_loop3A_663 {strides = array<i32>} : memref<80xi32, #tpu.memory_space<vmem>>, vector<16xi32>, vector<16xi1>
      tpu.vector_store %arg14[%parallel_loop3A_672], %parallel_loop3A_671 masked %parallel_loop3A_663 {strides = array<i32>} : memref<80xi32, #tpu.memory_space<vmem>>, vector<16xi32>, vector<16xi1>
      %parallel_loop3A_674 = tpu.all_reduce %parallel_loop3A_663 {dim = 0 : i64, kind = #tpu.reduction_kind<sum>} : vector<16xi1> -> vector<16xi32>
      %parallel_loop3A_675 = vector.extract_strided_slice %parallel_loop3A_674 {offsets = [0], sizes = [1], strides = [1]} : vector<16xi32> to vector<1xi32>
      %parallel_loop3A_676 = vector.extract %parallel_loop3A_675[0] : i32 from vector<1xi32>
      %parallel_loop3A_677 = arith.addi %parallel_loop3A_647, %parallel_loop3A_676 : i32
      scf.yield %parallel_loop3A_677 : i32
    } {sc.loop_unroll_factor = 2 : i64, sc.parallel_access}
    %get3A_451 = arith.constant 0 : index
    %get3A_452 = tpu.vector_load %arg13[%get3A_451] {strides = array<i32>} : memref<80xf32, #tpu.memory_space<vmem>>, vector<16xf32>,
    %swap3A_453 = arith.constant 0 : index
    %swap3A_454 = tpu.vector_load %arg15[%swap3A_453] {strides = array<i32>} : memref<64xf32, #tpu.memory_space<vmem>>, vector<16xf32>,
    tpu.vector_store %arg15[%swap3A_453], %get3A_452 {strides = array<i32>} : memref<64xf32, #tpu.memory_space<vmem>>, vector<16xf32>,
    %get3A_455 = arith.constant 0 : index
    %get3A_456 = tpu.vector_load %arg14[%get3A_455] {strides = array<i32>} : memref<80xi32, #tpu.memory_space<vmem>>, vector<16xi32>,
    %swap3A_457 = arith.constant 0 : index
    %swap3A_458 = tpu.vector_load %arg16[%swap3A_457] {strides = array<i32>} : memref<64xi32, #tpu.memory_space<vmem>>, vector<16xi32>,
    tpu.vector_store %arg16[%swap3A_457], %get3A_456 {strides = array<i32>} : memref<64xi32, #tpu.memory_space<vmem>>, vector<16xi32>,
    %get3A_459 = arith.constant 16 : index
    %get3A_460 = tpu.vector_load %arg13[%get3A_459] {strides = array<i32>} : memref<80xf32, #tpu.memory_space<vmem>>, vector<16xf32>,
    %swap3A_461 = arith.constant 16 : index
    %swap3A_462 = tpu.vector_load %arg15[%swap3A_461] {strides = array<i32>} : memref<64xf32, #tpu.memory_space<vmem>>, vector<16xf32>,
    tpu.vector_store %arg15[%swap3A_461], %get3A_460 {strides = array<i32>} : memref<64xf32, #tpu.memory_space<vmem>>, vector<16xf32>,
    %get3A_463 = arith.constant 16 : index
    %get3A_464 = tpu.vector_load %arg14[%get3A_463] {strides = array<i32>} : memref<80xi32, #tpu.memory_space<vmem>>, vector<16xi32>,
    %swap3A_465 = arith.constant 16 : index
    %swap3A_466 = tpu.vector_load %arg16[%swap3A_465] {strides = array<i32>} : memref<64xi32, #tpu.memory_space<vmem>>, vector<16xi32>,
    tpu.vector_store %arg16[%swap3A_465], %get3A_464 {strides = array<i32>} : memref<64xi32, #tpu.memory_space<vmem>>, vector<16xi32>,
    %get3A_467 = arith.constant 32 : index
    %get3A_468 = tpu.vector_load %arg13[%get3A_467] {strides = array<i32>} : memref<80xf32, #tpu.memory_space<vmem>>, vector<16xf32>,
    %swap3A_469 = arith.constant 32 : index
    %swap3A_470 = tpu.vector_load %arg15[%swap3A_469] {strides = array<i32>} : memref<64xf32, #tpu.memory_space<vmem>>, vector<16xf32>,
    tpu.vector_store %arg15[%swap3A_469], %get3A_468 {strides = array<i32>} : memref<64xf32, #tpu.memory_space<vmem>>, vector<16xf32>,
    %get3A_471 = arith.constant 32 : index
    %get3A_472 = tpu.vector_load %arg14[%get3A_471] {strides = array<i32>} : memref<80xi32, #tpu.memory_space<vmem>>, vector<16xi32>,
    %swap3A_473 = arith.constant 32 : index
    %swap3A_474 = tpu.vector_load %arg16[%swap3A_473] {strides = array<i32>} : memref<64xi32, #tpu.memory_space<vmem>>, vector<16xi32>,
    tpu.vector_store %arg16[%swap3A_473], %get3A_472 {strides = array<i32>} : memref<64xi32, #tpu.memory_space<vmem>>, vector<16xi32>,
    %get3A_475 = arith.constant 48 : index
    %get3A_476 = tpu.vector_load %arg13[%get3A_475] {strides = array<i32>} : memref<80xf32, #tpu.memory_space<vmem>>, vector<16xf32>,
    %swap3A_477 = arith.constant 48 : index
    %swap3A_478 = tpu.vector_load %arg15[%swap3A_477] {strides = array<i32>} : memref<64xf32, #tpu.memory_space<vmem>>, vector<16xf32>,
    tpu.vector_store %arg15[%swap3A_477], %get3A_476 {strides = array<i32>} : memref<64xf32, #tpu.memory_space<vmem>>, vector<16xf32>,
    %get3A_479 = arith.constant 48 : index
    %get3A_480 = tpu.vector_load %arg14[%get3A_479] {strides = array<i32>} : memref<80xi32, #tpu.memory_space<vmem>>, vector<16xi32>,
    %swap3A_481 = arith.constant 48 : index
    %swap3A_482 = tpu.vector_load %arg16[%swap3A_481] {strides = array<i32>} : memref<64xi32, #tpu.memory_space<vmem>>, vector<16xi32>,
    tpu.vector_store %arg16[%swap3A_481], %get3A_480 {strides = array<i32>} : memref<64xi32, #tpu.memory_space<vmem>>, vector<16xi32>,
    %dma_start3A_483 = arith.constant 0 : i32
    %dma_start3A_484 = tpu.memref_slice %arg3[%dma_start3A_483] : memref<4194304xf32, #tpu.memory_space<hbm>> -> memref<4194304xf32, #tpu.memory_space<hbm>>
    tpu.enqueue_indirect_dma source(%arg15 : memref<64xf32, #tpu.memory_space<vmem>>) target(%dma_start3A_484 : memref<4194304xf32, #tpu.memory_space<hbm>>) offsets(%arg16 : memref<64xi32, #tpu.memory_space<vmem>>) semaphore(%arg20 : memref<!tpu.dma_semaphore, #tpu.memory_space<semaphore_mem>>)
    %add3A_485 = arith.constant 3 : i32
    %add3A_486 = arith.addi %mul3A_3, %add3A_485 : i32
    %mul3A_487 = arith.constant 32768 : i32
    %mul3A_488 = arith.muli %add3A_486, %mul3A_487 : i32
    %dma_wait3A_489 = tpu.memref_slice %arg2[%mul3A_488] : memref<4194304xf32, #tpu.memory_space<hbm>> -> memref<32768xf32, #tpu.memory_space<hbm>>
    %dma_wait3A_490 = tpu.memref_slice %arg2[%mul3A_488] : memref<4194304xf32, #tpu.memory_space<hbm>> -> memref<32768xf32, #tpu.memory_space<hbm>>
    tpu.wait_dma2 semaphore(%arg17 : memref<!tpu.dma_semaphore, #tpu.memory_space<semaphore_mem>>) src(%dma_wait3A_490 : memref<32768xf32, #tpu.memory_space<hbm>>) dst(%arg5 : memref<32768xf32, #tpu.memory_space<vmem>>)
    %parallel_loop3A_491 = arith.constant 0 : i32
    %parallel_loop3A_492 = arith.constant 128 : i32
    %parallel_loop3A_493 = arith.constant 1 : i32
    scf.for %parallel_loop3A_646 = %parallel_loop3A_491 to %parallel_loop3A_492 step %parallel_loop3A_493  : i32 {
      %parallel_loop3A_647 = arith.constant 256 : i32
      %parallel_loop3A_648 = arith.muli %parallel_loop3A_646, %parallel_loop3A_647 : i32
      %parallel_loop3A_649 = arith.constant 0 : i32
      %parallel_loop3A_650 = arith.addi %parallel_loop3A_648, %parallel_loop3A_649 : i32
      %parallel_loop3A_651 = arith.index_cast %parallel_loop3A_650 : i32 to index
      %parallel_loop3A_652 = tpu.vector_load %arg5[%parallel_loop3A_651] {strides = array<i32>} : memref<32768xf32, #tpu.memory_space<vmem>>, vector<16xf32>,
      %parallel_loop3A_653 = arith.constant 256 : i32
      %parallel_loop3A_654 = arith.muli %parallel_loop3A_646, %parallel_loop3A_653 : i32
      %parallel_loop3A_655 = arith.constant 16 : i32
      %parallel_loop3A_656 = arith.addi %parallel_loop3A_654, %parallel_loop3A_655 : i32
      %parallel_loop3A_657 = arith.index_cast %parallel_loop3A_656 : i32 to index
      %parallel_loop3A_658 = tpu.vector_load %arg5[%parallel_loop3A_657] {strides = array<i32>} : memref<32768xf32, #tpu.memory_space<vmem>>, vector<16xf32>,
      %parallel_loop3A_659 = arith.constant 256 : i32
      %parallel_loop3A_660 = arith.muli %parallel_loop3A_646, %parallel_loop3A_659 : i32
      %parallel_loop3A_661 = arith.constant 32 : i32
      %parallel_loop3A_662 = arith.addi %parallel_loop3A_660, %parallel_loop3A_661 : i32
      %parallel_loop3A_663 = arith.index_cast %parallel_loop3A_662 : i32 to index
      %parallel_loop3A_664 = tpu.vector_load %arg5[%parallel_loop3A_663] {strides = array<i32>} : memref<32768xf32, #tpu.memory_space<vmem>>, vector<16xf32>,
      %parallel_loop3A_665 = arith.constant 256 : i32
      %parallel_loop3A_666 = arith.muli %parallel_loop3A_646, %parallel_loop3A_665 : i32
      %parallel_loop3A_667 = arith.constant 48 : i32
      %parallel_loop3A_668 = arith.addi %parallel_loop3A_666, %parallel_loop3A_667 : i32
      %parallel_loop3A_669 = arith.index_cast %parallel_loop3A_668 : i32 to index
      %parallel_loop3A_670 = tpu.vector_load %arg5[%parallel_loop3A_669] {strides = array<i32>} : memref<32768xf32, #tpu.memory_space<vmem>>, vector<16xf32>,
      %parallel_loop3A_671 = arith.constant 256 : i32
      %parallel_loop3A_672 = arith.muli %parallel_loop3A_646, %parallel_loop3A_671 : i32
      %parallel_loop3A_673 = arith.constant 64 : i32
      %parallel_loop3A_674 = arith.addi %parallel_loop3A_672, %parallel_loop3A_673 : i32
      %parallel_loop3A_675 = arith.index_cast %parallel_loop3A_674 : i32 to index
      %parallel_loop3A_676 = tpu.vector_load %arg5[%parallel_loop3A_675] {strides = array<i32>} : memref<32768xf32, #tpu.memory_space<vmem>>, vector<16xf32>,
      %parallel_loop3A_677 = arith.constant 256 : i32
      %parallel_loop3A_678 = arith.muli %parallel_loop3A_646, %parallel_loop3A_677 : i32
      %parallel_loop3A_679 = arith.constant 80 : i32
      %parallel_loop3A_680 = arith.addi %parallel_loop3A_678, %parallel_loop3A_679 : i32
      %parallel_loop3A_681 = arith.index_cast %parallel_loop3A_680 : i32 to index
      %parallel_loop3A_682 = tpu.vector_load %arg5[%parallel_loop3A_681] {strides = array<i32>} : memref<32768xf32, #tpu.memory_space<vmem>>, vector<16xf32>,
      %parallel_loop3A_683 = arith.constant 256 : i32
      %parallel_loop3A_684 = arith.muli %parallel_loop3A_646, %parallel_loop3A_683 : i32
      %parallel_loop3A_685 = arith.constant 96 : i32
      %parallel_loop3A_686 = arith.addi %parallel_loop3A_684, %parallel_loop3A_685 : i32
      %parallel_loop3A_687 = arith.index_cast %parallel_loop3A_686 : i32 to index
      %parallel_loop3A_688 = tpu.vector_load %arg5[%parallel_loop3A_687] {strides = array<i32>} : memref<32768xf32, #tpu.memory_space<vmem>>, vector<16xf32>,
      %parallel_loop3A_689 = arith.constant 256 : i32
      %parallel_loop3A_690 = arith.muli %parallel_loop3A_646, %parallel_loop3A_689 : i32
      %parallel_loop3A_691 = arith.constant 112 : i32
      %parallel_loop3A_692 = arith.addi %parallel_loop3A_690, %parallel_loop3A_691 : i32
      %parallel_loop3A_693 = arith.index_cast %parallel_loop3A_692 : i32 to index
      %parallel_loop3A_694 = tpu.vector_load %arg5[%parallel_loop3A_693] {strides = array<i32>} : memref<32768xf32, #tpu.memory_space<vmem>>, vector<16xf32>,
      %parallel_loop3A_695 = arith.constant 256 : i32
      %parallel_loop3A_696 = arith.muli %parallel_loop3A_646, %parallel_loop3A_695 : i32
      %parallel_loop3A_697 = arith.constant 128 : i32
      %parallel_loop3A_698 = arith.addi %parallel_loop3A_696, %parallel_loop3A_697 : i32
      %parallel_loop3A_699 = arith.index_cast %parallel_loop3A_698 : i32 to index
      %parallel_loop3A_700 = tpu.vector_load %arg5[%parallel_loop3A_699] {strides = array<i32>} : memref<32768xf32, #tpu.memory_space<vmem>>, vector<16xf32>,
      %parallel_loop3A_701 = arith.constant 256 : i32
      %parallel_loop3A_702 = arith.muli %parallel_loop3A_646, %parallel_loop3A_701 : i32
      %parallel_loop3A_703 = arith.constant 144 : i32
      %parallel_loop3A_704 = arith.addi %parallel_loop3A_702, %parallel_loop3A_703 : i32
      %parallel_loop3A_705 = arith.index_cast %parallel_loop3A_704 : i32 to index
      %parallel_loop3A_706 = tpu.vector_load %arg5[%parallel_loop3A_705] {strides = array<i32>} : memref<32768xf32, #tpu.memory_space<vmem>>, vector<16xf32>,
      %parallel_loop3A_707 = arith.constant 256 : i32
      %parallel_loop3A_708 = arith.muli %parallel_loop3A_646, %parallel_loop3A_707 : i32
      %parallel_loop3A_709 = arith.constant 160 : i32
      %parallel_loop3A_710 = arith.addi %parallel_loop3A_708, %parallel_loop3A_709 : i32
      %parallel_loop3A_711 = arith.index_cast %parallel_loop3A_710 : i32 to index
      %parallel_loop3A_712 = tpu.vector_load %arg5[%parallel_loop3A_711] {strides = array<i32>} : memref<32768xf32, #tpu.memory_space<vmem>>, vector<16xf32>,
      %parallel_loop3A_713 = arith.constant 256 : i32
      %parallel_loop3A_714 = arith.muli %parallel_loop3A_646, %parallel_loop3A_713 : i32
      %parallel_loop3A_715 = arith.constant 176 : i32
      %parallel_loop3A_716 = arith.addi %parallel_loop3A_714, %parallel_loop3A_715 : i32
      %parallel_loop3A_717 = arith.index_cast %parallel_loop3A_716 : i32 to index
      %parallel_loop3A_718 = tpu.vector_load %arg5[%parallel_loop3A_717] {strides = array<i32>} : memref<32768xf32, #tpu.memory_space<vmem>>, vector<16xf32>,
      %parallel_loop3A_719 = arith.constant 256 : i32
      %parallel_loop3A_720 = arith.muli %parallel_loop3A_646, %parallel_loop3A_719 : i32
      %parallel_loop3A_721 = arith.constant 192 : i32
      %parallel_loop3A_722 = arith.addi %parallel_loop3A_720, %parallel_loop3A_721 : i32
      %parallel_loop3A_723 = arith.index_cast %parallel_loop3A_722 : i32 to index
      %parallel_loop3A_724 = tpu.vector_load %arg5[%parallel_loop3A_723] {strides = array<i32>} : memref<32768xf32, #tpu.memory_space<vmem>>, vector<16xf32>,
      %parallel_loop3A_725 = arith.constant 256 : i32
      %parallel_loop3A_726 = arith.muli %parallel_loop3A_646, %parallel_loop3A_725 : i32
      %parallel_loop3A_727 = arith.constant 208 : i32
      %parallel_loop3A_728 = arith.addi %parallel_loop3A_726, %parallel_loop3A_727 : i32
      %parallel_loop3A_729 = arith.index_cast %parallel_loop3A_728 : i32 to index
      %parallel_loop3A_730 = tpu.vector_load %arg5[%parallel_loop3A_729] {strides = array<i32>} : memref<32768xf32, #tpu.memory_space<vmem>>, vector<16xf32>,
      %parallel_loop3A_731 = arith.constant 256 : i32
      %parallel_loop3A_732 = arith.muli %parallel_loop3A_646, %parallel_loop3A_731 : i32
      %parallel_loop3A_733 = arith.constant 224 : i32
      %parallel_loop3A_734 = arith.addi %parallel_loop3A_732, %parallel_loop3A_733 : i32
      %parallel_loop3A_735 = arith.index_cast %parallel_loop3A_734 : i32 to index
      %parallel_loop3A_736 = tpu.vector_load %arg5[%parallel_loop3A_735] {strides = array<i32>} : memref<32768xf32, #tpu.memory_space<vmem>>, vector<16xf32>,
      %parallel_loop3A_737 = arith.constant 256 : i32
      %parallel_loop3A_738 = arith.muli %parallel_loop3A_646, %parallel_loop3A_737 : i32
      %parallel_loop3A_739 = arith.constant 240 : i32
      %parallel_loop3A_740 = arith.addi %parallel_loop3A_738, %parallel_loop3A_739 : i32
      %parallel_loop3A_741 = arith.index_cast %parallel_loop3A_740 : i32 to index
      %parallel_loop3A_742 = tpu.vector_load %arg5[%parallel_loop3A_741] {strides = array<i32>} : memref<32768xf32, #tpu.memory_space<vmem>>, vector<16xf32>,
      %parallel_loop3A_743 = arith.maximumf %parallel_loop3A_652, %parallel_loop3A_658 : vector<16xf32>
      %parallel_loop3A_744 = arith.maximumf %parallel_loop3A_664, %parallel_loop3A_670 : vector<16xf32>
      %parallel_loop3A_745 = arith.maximumf %parallel_loop3A_676, %parallel_loop3A_682 : vector<16xf32>
      %parallel_loop3A_746 = arith.maximumf %parallel_loop3A_688, %parallel_loop3A_694 : vector<16xf32>
      %parallel_loop3A_747 = arith.maximumf %parallel_loop3A_700, %parallel_loop3A_706 : vector<16xf32>
      %parallel_loop3A_748 = arith.maximumf %parallel_loop3A_712, %parallel_loop3A_718 : vector<16xf32>
      %parallel_loop3A_749 = arith.maximumf %parallel_loop3A_724, %parallel_loop3A_730 : vector<16xf32>
      %parallel_loop3A_750 = arith.maximumf %parallel_loop3A_736, %parallel_loop3A_742 : vector<16xf32>
      %parallel_loop3A_751 = arith.maximumf %parallel_loop3A_743, %parallel_loop3A_744 : vector<16xf32>
      %parallel_loop3A_752 = arith.maximumf %parallel_loop3A_745, %parallel_loop3A_746 : vector<16xf32>
      %parallel_loop3A_753 = arith.maximumf %parallel_loop3A_747, %parallel_loop3A_748 : vector<16xf32>
      %parallel_loop3A_754 = arith.maximumf %parallel_loop3A_749, %parallel_loop3A_750 : vector<16xf32>
      %parallel_loop3A_755 = arith.maximumf %parallel_loop3A_751, %parallel_loop3A_752 : vector<16xf32>
      %parallel_loop3A_756 = arith.maximumf %parallel_loop3A_753, %parallel_loop3A_754 : vector<16xf32>
      %parallel_loop3A_757 = arith.maximumf %parallel_loop3A_755, %parallel_loop3A_756 : vector<16xf32>
      %parallel_loop3A_758 = arith.constant 16 : i32
      %parallel_loop3A_759 = arith.muli %parallel_loop3A_646, %parallel_loop3A_758 : i32
      %parallel_loop3A_760 = arith.index_cast %parallel_loop3A_759 : i32 to index
      %parallel_loop3A_761 = tpu.vector_load %arg8[%parallel_loop3A_760] {strides = array<i32>} : memref<2048xf32, #tpu.memory_space<vmem>>, vector<16xf32>,
      tpu.vector_store %arg8[%parallel_loop3A_760], %parallel_loop3A_757 {strides = array<i32>} : memref<2048xf32, #tpu.memory_space<vmem>>, vector<16xf32>,
    } {sc.loop_unroll_factor = 2 : i64, sc.parallel_access}
    %parallel_loop3A_494 = arith.constant 0 : i32
    %parallel_loop3A_495 = arith.constant 256 : i32
    %parallel_loop3A_496 = arith.constant 1 : i32
    scf.for %parallel_loop3A_646 = %parallel_loop3A_494 to %parallel_loop3A_495 step %parallel_loop3A_496  : i32 {
      %parallel_loop3A_647 = arith.constant 0 : i32
      %parallel_loop3A_648 = vector.broadcast %parallel_loop3A_647 : i32 to vector<16xi32>
      %parallel_loop3A_649 = arith.constant 16 : i32
      %parallel_loop3A_650 = arith.muli %parallel_loop3A_646, %parallel_loop3A_649 : i32
      %parallel_loop3A_651 = arith.index_cast %parallel_loop3A_650 : i32 to index
      %parallel_loop3A_652 = tpu.vector_load %arg9[%parallel_loop3A_651] {strides = array<i32>} : memref<4096xi32, #tpu.memory_space<vmem>>, vector<16xi32>,
      tpu.vector_store %arg9[%parallel_loop3A_651], %parallel_loop3A_648 {strides = array<i32>} : memref<4096xi32, #tpu.memory_space<vmem>>, vector<16xi32>,
    } {sc.loop_unroll_factor = 8 : i64, sc.parallel_access}
    %parallel_loop3A_497 = arith.constant 0 : i32
    %parallel_loop3A_498 = arith.constant 128 : i32
    %parallel_loop3A_499 = arith.constant 1 : i32
    scf.for %parallel_loop3A_646 = %parallel_loop3A_497 to %parallel_loop3A_498 step %parallel_loop3A_499  : i32 {
      %parallel_loop3A_647 = arith.constant 16 : i32
      %parallel_loop3A_648 = arith.muli %parallel_loop3A_646, %parallel_loop3A_647 : i32
      %parallel_loop3A_649 = arith.index_cast %parallel_loop3A_648 : i32 to index
      %parallel_loop3A_650 = tpu.vector_load %arg8[%parallel_loop3A_649] {strides = array<i32>} : memref<2048xf32, #tpu.memory_space<vmem>>, vector<16xf32>,
      %parallel_loop3A_651 = tpu.bitcast %parallel_loop3A_650 : vector<16xf32> -> vector<16xi32>
      %parallel_loop3A_652 = arith.constant 31 : i32
      %parallel_loop3A_653 = vector.broadcast %parallel_loop3A_652 : i32 to vector<16xi32>
      %parallel_loop3A_654 = arith.shrsi %parallel_loop3A_651, %parallel_loop3A_653 : vector<16xi32>
      %parallel_loop3A_655 = arith.constant 2147483647 : i32
      %parallel_loop3A_656 = vector.broadcast %parallel_loop3A_655 : i32 to vector<16xi32>
      %parallel_loop3A_657 = arith.andi %parallel_loop3A_654, %parallel_loop3A_656 : vector<16xi32>
      %parallel_loop3A_658 = arith.xori %parallel_loop3A_651, %parallel_loop3A_657 : vector<16xi32>
      %parallel_loop3A_659 = arith.constant 20 : i32
      %parallel_loop3A_660 = vector.broadcast %parallel_loop3A_659 : i32 to vector<16xi32>
      %parallel_loop3A_661 = arith.shrsi %parallel_loop3A_658, %parallel_loop3A_660 : vector<16xi32>
      %parallel_loop3A_662 = arith.constant 2048 : i32
      %parallel_loop3A_663 = vector.broadcast %parallel_loop3A_662 : i32 to vector<16xi32>
      %parallel_loop3A_664 = arith.addi %parallel_loop3A_661, %parallel_loop3A_663 : vector<16xi32>
      tpu.vector_store_idx %arg9[%parallel_loop3A_664], %broadcast_in_dim3A_1 {add = true} : memref<4096xi32, #tpu.memory_space<vmem>>[vector<16xi32>], vector<16xi32>,
    } {sc.loop_unroll_factor = 8 : i64, sc.parallel_access}
    %while3A_500 = arith.constant 255 : i32
    %while3A_501 = arith.constant 0 : i32
    %while3A_502 = arith.constant false
    %while3A_503 = arith.constant 0 : i32
    %while3A_504:4 = scf.while (%while3A_646 = %while3A_500, %while3A_647 = %while3A_501, %while3A_648 = %while3A_502, %while3A_649 = %while3A_503) : (i32, i32, i1, i32) -> (i32, i32, i1, i32) {
      %not3A = arith.constant true
      %not3A_650 = arith.xori %while3A_648, %not3A : i1
      scf.condition(%not3A_650) %while3A_646, %while3A_647, %while3A_648, %while3A_649 : i32, i32, i1, i32
    } do {
    ^bb0(%while3A_646: i32, %while3A_647: i32, %while3A_648: i1, %while3A_649: i32):
      %mul3A_650 = arith.constant 16 : i32
      %mul3A_651 = arith.muli %while3A_646, %mul3A_650 : i32
      %get3A_652 = arith.index_cast %mul3A_651 : i32 to index
      %get3A_653 = tpu.vector_load %arg9[%get3A_652] {strides = array<i32>} : memref<4096xi32, #tpu.memory_space<vmem>>, vector<16xi32>,
      %reduce_sum3A = arith.constant true
      %reduce_sum3A_654 = vector.broadcast %reduce_sum3A : i1 to vector<16xi1>
      %reduce_sum3A_655 = tpu.scan <sum>, %get3A_653 masked %reduce_sum3A_654 : vector<16xi32>, vector<16xi1> -> vector<16xi32>
      %reduce_sum3A_656 = vector.extract %reduce_sum3A_655[15] : i32 from vector<16xi32>
      %add3A_657 = arith.addi %while3A_647, %reduce_sum3A_656 : i32
      %ge3A = arith.constant 64 : i32
      %ge3A_658 = arith.cmpi sge, %add3A_657, %ge3A : i32
      %broadcast_in_dim3A_659 = arith.constant true
      %broadcast_in_dim3A_660 = vector.broadcast %broadcast_in_dim3A_659 : i1 to vector<16xi1>
      %masked_cumsum3A = tpu.scan <sum>, %get3A_653 masked %broadcast_in_dim3A_660 : vector<16xi32>, vector<16xi1> -> vector<16xi32>
      %sub3A_661 = vector.broadcast %reduce_sum3A_656 : i32 to vector<16xi32>
      %sub3A_662 = arith.subi %sub3A_661, %masked_cumsum3A : vector<16xi32>
      %add3A_663 = arith.addi %sub3A_662, %get3A_653 : vector<16xi32>
      %add3A_664 = vector.broadcast %while3A_647 : i32 to vector<16xi32>
      %add3A_665 = arith.addi %add3A_664, %add3A_663 : vector<16xi32>
      %ge3A_666 = arith.constant 64 : i32
      %ge3A_667 = vector.broadcast %ge3A_666 : i32 to vector<16xi32>
      %ge3A_668 = arith.cmpi sge, %add3A_665, %ge3A_667 : vector<16xi32>
      %convert_element_type3A = arith.extui %ge3A_668 : vector<16xi1> to vector<16xi32>
      %reduce_sum3A_669 = arith.constant true
      %reduce_sum3A_670 = vector.broadcast %reduce_sum3A_669 : i1 to vector<16xi1>
      %reduce_sum3A_671 = tpu.scan <sum>, %convert_element_type3A masked %reduce_sum3A_670 : vector<16xi32>, vector<16xi1> -> vector<16xi32>
      %reduce_sum3A_672 = vector.extract %reduce_sum3A_671[15] : i32 from vector<16xi32>
      %mul3A_673 = arith.constant 16 : i32
      %mul3A_674 = arith.muli %while3A_646, %mul3A_673 : i32
      %add3A_675 = arith.addi %mul3A_674, %reduce_sum3A_672 : i32
      %sub3A_676 = arith.constant 1 : i32
      %sub3A_677 = arith.subi %add3A_675, %sub3A_676 : i32
      %select_n3A_678 = arith.select %ge3A_658, %sub3A_677, %while3A_649 : i32
      %add3A_679 = arith.addi %while3A_647, %reduce_sum3A_656 : i32
      %select_n3A_680 = arith.select %ge3A_658, %while3A_647, %add3A_679 : i32
      %sub3A_681 = arith.constant 1 : i32
      %sub3A_682 = arith.subi %while3A_646, %sub3A_681 : i32
      %or3A = arith.ori %while3A_648, %ge3A_658 : i1
      scf.yield %sub3A_682, %select_n3A_680, %or3A, %select_n3A_678 : i32, i32, i1, i32
    }
    %sub3A_505 = arith.constant 2048 : i32
    %sub3A_506 = arith.subi %while3A_504#3, %sub3A_505 : i32
    %shift_left3A_507 = arith.constant 20 : i32
    %shift_left3A_508 = arith.shli %sub3A_506, %shift_left3A_507 : i32
    %parallel_loop3A_509 = arith.constant 0 : i32
    %parallel_loop3A_510 = arith.constant 2048 : i32
    %parallel_loop3A_511 = arith.constant 1 : i32
    %parallel_loop3A_512 = arith.constant 0 : i32
    %parallel_loop3A_513 = scf.for %parallel_loop3A_646 = %parallel_loop3A_509 to %parallel_loop3A_510 step %parallel_loop3A_511 iter_args(%parallel_loop3A_647 = %parallel_loop3A_512) -> (i32)  : i32 {
      %parallel_loop3A_648 = arith.constant 16 : i32
      %parallel_loop3A_649 = arith.muli %parallel_loop3A_646, %parallel_loop3A_648 : i32
      %parallel_loop3A_650 = arith.index_cast %parallel_loop3A_649 : i32 to index
      %parallel_loop3A_651 = tpu.vector_load %arg5[%parallel_loop3A_650] {strides = array<i32>} : memref<32768xf32, #tpu.memory_space<vmem>>, vector<16xf32>,
      %parallel_loop3A_652 = tpu.bitcast %parallel_loop3A_651 : vector<16xf32> -> vector<16xi32>
      %parallel_loop3A_653 = arith.constant 31 : i32
      %parallel_loop3A_654 = vector.broadcast %parallel_loop3A_653 : i32 to vector<16xi32>
      %parallel_loop3A_655 = arith.shrsi %parallel_loop3A_652, %parallel_loop3A_654 : vector<16xi32>
      %parallel_loop3A_656 = arith.constant 2147483647 : i32
      %parallel_loop3A_657 = vector.broadcast %parallel_loop3A_656 : i32 to vector<16xi32>
      %parallel_loop3A_658 = arith.andi %parallel_loop3A_655, %parallel_loop3A_657 : vector<16xi32>
      %parallel_loop3A_659 = arith.xori %parallel_loop3A_652, %parallel_loop3A_658 : vector<16xi32>
      %parallel_loop3A_660 = vector.broadcast %shift_left3A_508 : i32 to vector<16xi32>
      %parallel_loop3A_661 = arith.cmpi sge, %parallel_loop3A_659, %parallel_loop3A_660 : vector<16xi32>
      %parallel_loop3A_662 = arith.index_cast %parallel_loop3A_647 : i32 to index
      %parallel_loop3A_663 = tpu.vector_load %arg10[%parallel_loop3A_662] masked %parallel_loop3A_661 {strides = array<i32>} : memref<2048xi32, #tpu.memory_space<vmem>>, vector<16xi32>, vector<16xi1>
      tpu.vector_store %arg10[%parallel_loop3A_662], %parallel_loop3A_659 masked %parallel_loop3A_661 {strides = array<i32>} : memref<2048xi32, #tpu.memory_space<vmem>>, vector<16xi32>, vector<16xi1>
      %parallel_loop3A_664 = arith.constant 16 : i32
      %parallel_loop3A_665 = arith.muli %parallel_loop3A_646, %parallel_loop3A_664 : i32
      %parallel_loop3A_666 = vector.broadcast %parallel_loop3A_665 : i32 to vector<16xi32>
      %parallel_loop3A_667 = arith.addi %iota3A, %parallel_loop3A_666 : vector<16xi32>
      %parallel_loop3A_668 = arith.index_cast %parallel_loop3A_647 : i32 to index
      %parallel_loop3A_669 = tpu.vector_load %arg11[%parallel_loop3A_668] masked %parallel_loop3A_661 {strides = array<i32>} : memref<2048xi32, #tpu.memory_space<vmem>>, vector<16xi32>, vector<16xi1>
      tpu.vector_store %arg11[%parallel_loop3A_668], %parallel_loop3A_667 masked %parallel_loop3A_661 {strides = array<i32>} : memref<2048xi32, #tpu.memory_space<vmem>>, vector<16xi32>, vector<16xi1>
      %parallel_loop3A_670 = tpu.all_reduce %parallel_loop3A_661 {dim = 0 : i64, kind = #tpu.reduction_kind<sum>} : vector<16xi1> -> vector<16xi32>
      %parallel_loop3A_671 = vector.extract_strided_slice %parallel_loop3A_670 {offsets = [0], sizes = [1], strides = [1]} : vector<16xi32> to vector<1xi32>
      %parallel_loop3A_672 = vector.extract %parallel_loop3A_671[0] : i32 from vector<1xi32>
      %parallel_loop3A_673 = arith.addi %parallel_loop3A_647, %parallel_loop3A_672 : i32
      %parallel_loop3A_674 = arith.constant 2032 : i32
      %parallel_loop3A_675 = arith.minsi %parallel_loop3A_673, %parallel_loop3A_674 : i32
      scf.yield %parallel_loop3A_675 : i32
    } {sc.loop_unroll_factor = 4 : i64, sc.parallel_access}
    %broadcast_in_dim3A_514 = arith.constant -2147483648 : i32
    %broadcast_in_dim3A_515 = vector.broadcast %broadcast_in_dim3A_514 : i32 to vector<16xi32>
    %swap3A_516 = arith.index_cast %parallel_loop3A_513 : i32 to index
    %swap3A_517 = tpu.vector_load %arg10[%swap3A_516] {strides = array<i32>} : memref<2048xi32, #tpu.memory_space<vmem>>, vector<16xi32>,
    tpu.vector_store %arg10[%swap3A_516], %broadcast_in_dim3A_515 {strides = array<i32>} : memref<2048xi32, #tpu.memory_space<vmem>>, vector<16xi32>,
    %add3A_518 = arith.constant 16 : i32
    %add3A_519 = arith.addi %parallel_loop3A_513, %add3A_518 : i32
    %sub3A_520 = arith.constant 1 : i32
    %sub3A_521 = arith.subi %add3A_519, %sub3A_520 : i32
    %jit3A_522 = arith.constant 16 : i32
    %div3A_523 = arith.divsi %sub3A_521, %jit3A_522 : i32
    %sign3A_524 = arith.constant 0 : i32
    %sign3A_525 = arith.cmpi sgt, %sub3A_521, %sign3A_524 : i32
    %sign3A_526 = arith.extui %sign3A_525 : i1 to i32
    %sign3A_527 = arith.constant 0 : i32
    %sign3A_528 = arith.cmpi slt, %sub3A_521, %sign3A_527 : i32
    %sign3A_529 = arith.extui %sign3A_528 : i1 to i32
    %sign3A_530 = arith.subi %sign3A_526, %sign3A_529 : i32
    %sign3A_531 = arith.constant 0 : i32
    %sign3A_532 = arith.cmpi sgt, %jit3A_522, %sign3A_531 : i32
    %sign3A_533 = arith.extui %sign3A_532 : i1 to i32
    %sign3A_534 = arith.constant 0 : i32
    %sign3A_535 = arith.cmpi slt, %jit3A_522, %sign3A_534 : i32
    %sign3A_536 = arith.extui %sign3A_535 : i1 to i32
    %sign3A_537 = arith.subi %sign3A_533, %sign3A_536 : i32
    %ne3A_538 = arith.cmpi ne, %sign3A_530, %sign3A_537 : i32
    %rem3A_539 = arith.remsi %sub3A_521, %jit3A_522 : i32
    %ne3A_540 = arith.constant 0 : i32
    %ne3A_541 = arith.cmpi ne, %rem3A_539, %ne3A_540 : i32
    %and3A_542 = arith.andi %ne3A_538, %ne3A_541 : i1
    %sub3A_543 = arith.constant 1 : i32
    %sub3A_544 = arith.subi %div3A_523, %sub3A_543 : i32
    %select_n3A_545 = arith.select %and3A_542, %sub3A_544, %div3A_523 : i32
    %scan3A_546 = arith.constant 0 : i32
    %scan3A_547 = arith.constant 31 : i32
    %scan3A_548 = arith.addi %scan3A_546, %scan3A_547 : i32
    %scan3A_549 = arith.constant 1 : i32
    %scan3A_550 = scf.for %scan3A_646 = %scan3A_546 to %scan3A_548 step %scan3A_549 iter_args(%scan3A_647 = %shift_left3A_508) -> (i32)  : i32 {
      %sub3A_648 = arith.constant 30 : i32
      %sub3A_649 = arith.subi %sub3A_648, %scan3A_646 : i32
      %shift_left3A_650 = arith.constant 1 : i32
      %shift_left3A_651 = arith.shli %shift_left3A_650, %sub3A_649 : i32
      %add3A_652 = arith.addi %scan3A_647, %shift_left3A_651 : i32
      %broadcast_in_dim3A_653 = arith.constant 0 : i32
      %broadcast_in_dim3A_654 = vector.broadcast %broadcast_in_dim3A_653 : i32 to vector<16xi32>
      %parallel_loop3A_655 = arith.constant 0 : i32
      %parallel_loop3A_656 = arith.constant 1 : i32
      %parallel_loop3A_657 = scf.for %parallel_loop3A_663 = %parallel_loop3A_655 to %select_n3A_545 step %parallel_loop3A_656 iter_args(%parallel_loop3A_664 = %broadcast_in_dim3A_654) -> (vector<16xi32>)  : i32 {
        %parallel_loop3A_665 = arith.constant 16 : i32
        %parallel_loop3A_666 = arith.muli %parallel_loop3A_663, %parallel_loop3A_665 : i32
        %parallel_loop3A_667 = arith.index_cast %parallel_loop3A_666 : i32 to index
        %parallel_loop3A_668 = tpu.vector_load %arg10[%parallel_loop3A_667] {strides = array<i32>} : memref<2048xi32, #tpu.memory_space<vmem>>, vector<16xi32>,
        %parallel_loop3A_669 = vector.broadcast %add3A_652 : i32 to vector<16xi32>
        %parallel_loop3A_670 = arith.cmpi sge, %parallel_loop3A_668, %parallel_loop3A_669 : vector<16xi32>
        %parallel_loop3A_671 = tpu.all_reduce %parallel_loop3A_670 {dim = 0 : i64, kind = #tpu.reduction_kind<sum>} : vector<16xi1> -> vector<16xi32>
        %parallel_loop3A_672 = arith.addi %parallel_loop3A_664, %parallel_loop3A_671 : vector<16xi32>
        scf.yield %parallel_loop3A_672 : vector<16xi32>
      } {sc.loop_unroll_factor = 4 : i64, sc.parallel_access}
      %slice3A_658 = vector.extract_strided_slice %parallel_loop3A_657 {offsets = [0], sizes = [1], strides = [1]} : vector<16xi32> to vector<1xi32>
      %squeeze3A_659 = vector.extract %slice3A_658[0] : i32 from vector<1xi32>
      %gt3A = arith.cmpi sgt, %add3A_652, %scan3A_647 : i32
      %ge3A = arith.constant 64 : i32
      %ge3A_660 = arith.cmpi sge, %squeeze3A_659, %ge3A : i32
      %and3A_661 = arith.andi %gt3A, %ge3A_660 : i1
      %select_n3A_662 = arith.select %and3A_661, %add3A_652, %scan3A_647 : i32
      scf.yield %select_n3A_662 : i32
    }
    %scan3A_551 = arith.constant 31 : i32
    %broadcast_in_dim3A_552 = arith.constant 0 : i32
    %broadcast_in_dim3A_553 = vector.broadcast %broadcast_in_dim3A_552 : i32 to vector<16xi32>
    %parallel_loop3A_554 = arith.constant 0 : i32
    %parallel_loop3A_555 = arith.constant 1 : i32
    %parallel_loop3A_556 = scf.for %parallel_loop3A_646 = %parallel_loop3A_554 to %select_n3A_545 step %parallel_loop3A_555 iter_args(%parallel_loop3A_647 = %broadcast_in_dim3A_553) -> (vector<16xi32>)  : i32 {
      %parallel_loop3A_648 = arith.constant 16 : i32
      %parallel_loop3A_649 = arith.muli %parallel_loop3A_646, %parallel_loop3A_648 : i32
      %parallel_loop3A_650 = arith.index_cast %parallel_loop3A_649 : i32 to index
      %parallel_loop3A_651 = tpu.vector_load %arg10[%parallel_loop3A_650] {strides = array<i32>} : memref<2048xi32, #tpu.memory_space<vmem>>, vector<16xi32>,
      %parallel_loop3A_652 = vector.broadcast %scan3A_550 : i32 to vector<16xi32>
      %parallel_loop3A_653 = arith.cmpi sgt, %parallel_loop3A_651, %parallel_loop3A_652 : vector<16xi32>
      %parallel_loop3A_654 = tpu.all_reduce %parallel_loop3A_653 {dim = 0 : i64, kind = #tpu.reduction_kind<sum>} : vector<16xi1> -> vector<16xi32>
      %parallel_loop3A_655 = arith.addi %parallel_loop3A_647, %parallel_loop3A_654 : vector<16xi32>
      scf.yield %parallel_loop3A_655 : vector<16xi32>
    } {sc.loop_unroll_factor = 4 : i64, sc.parallel_access}
    %slice3A_557 = vector.extract_strided_slice %parallel_loop3A_556 {offsets = [0], sizes = [1], strides = [1]} : vector<16xi32> to vector<1xi32>
    %squeeze3A_558 = vector.extract %slice3A_557[0] : i32 from vector<1xi32>
    %sub3A_559 = arith.constant 64 : i32
    %sub3A_560 = arith.subi %sub3A_559, %squeeze3A_558 : i32
    %parallel_loop3A_561 = arith.constant 0 : i32
    %parallel_loop3A_562 = arith.constant 1 : i32
    %parallel_loop3A_563 = arith.constant 0 : i32
    %parallel_loop3A_564 = scf.for %parallel_loop3A_646 = %parallel_loop3A_561 to %select_n3A_545 step %parallel_loop3A_562 iter_args(%parallel_loop3A_647 = %parallel_loop3A_563) -> (i32)  : i32 {
      %parallel_loop3A_648 = arith.constant 16 : i32
      %parallel_loop3A_649 = arith.muli %parallel_loop3A_646, %parallel_loop3A_648 : i32
      %parallel_loop3A_650 = arith.index_cast %parallel_loop3A_649 : i32 to index
      %parallel_loop3A_651 = tpu.vector_load %arg10[%parallel_loop3A_650] {strides = array<i32>} : memref<2048xi32, #tpu.memory_space<vmem>>, vector<16xi32>,
      %parallel_loop3A_652 = arith.constant 16 : i32
      %parallel_loop3A_653 = arith.muli %parallel_loop3A_646, %parallel_loop3A_652 : i32
      %parallel_loop3A_654 = arith.index_cast %parallel_loop3A_653 : i32 to index
      %parallel_loop3A_655 = tpu.vector_load %arg11[%parallel_loop3A_654] {strides = array<i32>} : memref<2048xi32, #tpu.memory_space<vmem>>, vector<16xi32>,
      %parallel_loop3A_656 = vector.broadcast %scan3A_550 : i32 to vector<16xi32>
      %parallel_loop3A_657 = arith.cmpi eq, %parallel_loop3A_651, %parallel_loop3A_656 : vector<16xi32>
      %parallel_loop3A_658 = arith.index_cast %parallel_loop3A_647 : i32 to index
      %parallel_loop3A_659 = tpu.vector_load %arg12[%parallel_loop3A_658] masked %parallel_loop3A_657 {strides = array<i32>} : memref<2048xi32, #tpu.memory_space<vmem>>, vector<16xi32>, vector<16xi1>
      tpu.vector_store %arg12[%parallel_loop3A_658], %parallel_loop3A_655 masked %parallel_loop3A_657 {strides = array<i32>} : memref<2048xi32, #tpu.memory_space<vmem>>, vector<16xi32>, vector<16xi1>
      %parallel_loop3A_660 = tpu.all_reduce %parallel_loop3A_657 {dim = 0 : i64, kind = #tpu.reduction_kind<sum>} : vector<16xi1> -> vector<16xi32>
      %parallel_loop3A_661 = vector.extract_strided_slice %parallel_loop3A_660 {offsets = [0], sizes = [1], strides = [1]} : vector<16xi32> to vector<1xi32>
      %parallel_loop3A_662 = vector.extract %parallel_loop3A_661[0] : i32 from vector<1xi32>
      %parallel_loop3A_663 = arith.addi %parallel_loop3A_647, %parallel_loop3A_662 : i32
      %parallel_loop3A_664 = arith.constant 2032 : i32
      %parallel_loop3A_665 = arith.minsi %parallel_loop3A_663, %parallel_loop3A_664 : i32
      scf.yield %parallel_loop3A_665 : i32
    } {sc.loop_unroll_factor = 4 : i64, sc.parallel_access}
    %broadcast_in_dim3A_565 = arith.constant 2147483647 : i32
    %broadcast_in_dim3A_566 = vector.broadcast %broadcast_in_dim3A_565 : i32 to vector<16xi32>
    %swap3A_567 = arith.index_cast %parallel_loop3A_564 : i32 to index
    %swap3A_568 = tpu.vector_load %arg12[%swap3A_567] {strides = array<i32>} : memref<2048xi32, #tpu.memory_space<vmem>>, vector<16xi32>,
    tpu.vector_store %arg12[%swap3A_567], %broadcast_in_dim3A_566 {strides = array<i32>} : memref<2048xi32, #tpu.memory_space<vmem>>, vector<16xi32>,
    %add3A_569 = arith.constant 16 : i32
    %add3A_570 = arith.addi %parallel_loop3A_564, %add3A_569 : i32
    %sub3A_571 = arith.constant 1 : i32
    %sub3A_572 = arith.subi %add3A_570, %sub3A_571 : i32
    %jit3A_573 = arith.constant 16 : i32
    %div3A_574 = arith.divsi %sub3A_572, %jit3A_573 : i32
    %sign3A_575 = arith.constant 0 : i32
    %sign3A_576 = arith.cmpi sgt, %sub3A_572, %sign3A_575 : i32
    %sign3A_577 = arith.extui %sign3A_576 : i1 to i32
    %sign3A_578 = arith.constant 0 : i32
    %sign3A_579 = arith.cmpi slt, %sub3A_572, %sign3A_578 : i32
    %sign3A_580 = arith.extui %sign3A_579 : i1 to i32
    %sign3A_581 = arith.subi %sign3A_577, %sign3A_580 : i32
    %sign3A_582 = arith.constant 0 : i32
    %sign3A_583 = arith.cmpi sgt, %jit3A_573, %sign3A_582 : i32
    %sign3A_584 = arith.extui %sign3A_583 : i1 to i32
    %sign3A_585 = arith.constant 0 : i32
    %sign3A_586 = arith.cmpi slt, %jit3A_573, %sign3A_585 : i32
    %sign3A_587 = arith.extui %sign3A_586 : i1 to i32
    %sign3A_588 = arith.subi %sign3A_584, %sign3A_587 : i32
    %ne3A_589 = arith.cmpi ne, %sign3A_581, %sign3A_588 : i32
    %rem3A_590 = arith.remsi %sub3A_572, %jit3A_573 : i32
    %ne3A_591 = arith.constant 0 : i32
    %ne3A_592 = arith.cmpi ne, %rem3A_590, %ne3A_591 : i32
    %and3A_593 = arith.andi %ne3A_589, %ne3A_592 : i1
    %sub3A_594 = arith.constant 1 : i32
    %sub3A_595 = arith.subi %div3A_574, %sub3A_594 : i32
    %select_n3A_596 = arith.select %and3A_593, %sub3A_595, %div3A_574 : i32
    %scan3A_597 = arith.constant 0 : i32
    %scan3A_598 = arith.constant 0 : i32
    %scan3A_599 = arith.constant 15 : i32
    %scan3A_600 = arith.addi %scan3A_598, %scan3A_599 : i32
    %scan3A_601 = arith.constant 1 : i32
    %scan3A_602 = scf.for %scan3A_646 = %scan3A_598 to %scan3A_600 step %scan3A_601 iter_args(%scan3A_647 = %scan3A_597) -> (i32)  : i32 {
      %sub3A_648 = arith.constant 14 : i32
      %sub3A_649 = arith.subi %sub3A_648, %scan3A_646 : i32
      %shift_left3A_650 = arith.constant 1 : i32
      %shift_left3A_651 = arith.shli %shift_left3A_650, %sub3A_649 : i32
      %add3A_652 = arith.addi %scan3A_647, %shift_left3A_651 : i32
      %broadcast_in_dim3A_653 = arith.constant 0 : i32
      %broadcast_in_dim3A_654 = vector.broadcast %broadcast_in_dim3A_653 : i32 to vector<16xi32>
      %parallel_loop3A_655 = arith.constant 0 : i32
      %parallel_loop3A_656 = arith.constant 1 : i32
      %parallel_loop3A_657 = scf.for %parallel_loop3A_661 = %parallel_loop3A_655 to %select_n3A_596 step %parallel_loop3A_656 iter_args(%parallel_loop3A_662 = %broadcast_in_dim3A_654) -> (vector<16xi32>)  : i32 {
        %parallel_loop3A_663 = arith.constant 16 : i32
        %parallel_loop3A_664 = arith.muli %parallel_loop3A_661, %parallel_loop3A_663 : i32
        %parallel_loop3A_665 = arith.index_cast %parallel_loop3A_664 : i32 to index
        %parallel_loop3A_666 = tpu.vector_load %arg12[%parallel_loop3A_665] {strides = array<i32>} : memref<2048xi32, #tpu.memory_space<vmem>>, vector<16xi32>,
        %parallel_loop3A_667 = vector.broadcast %add3A_652 : i32 to vector<16xi32>
        %parallel_loop3A_668 = arith.cmpi slt, %parallel_loop3A_666, %parallel_loop3A_667 : vector<16xi32>
        %parallel_loop3A_669 = tpu.all_reduce %parallel_loop3A_668 {dim = 0 : i64, kind = #tpu.reduction_kind<sum>} : vector<16xi1> -> vector<16xi32>
        %parallel_loop3A_670 = arith.addi %parallel_loop3A_662, %parallel_loop3A_669 : vector<16xi32>
        scf.yield %parallel_loop3A_670 : vector<16xi32>
      } {sc.loop_unroll_factor = 2 : i64, sc.parallel_access}
      %slice3A_658 = vector.extract_strided_slice %parallel_loop3A_657 {offsets = [0], sizes = [1], strides = [1]} : vector<16xi32> to vector<1xi32>
      %squeeze3A_659 = vector.extract %slice3A_658[0] : i32 from vector<1xi32>
      %lt3A = arith.cmpi slt, %squeeze3A_659, %sub3A_560 : i32
      %select_n3A_660 = arith.select %lt3A, %add3A_652, %scan3A_647 : i32
      scf.yield %select_n3A_660 : i32
    }
    %scan3A_603 = arith.constant 15 : i32
    %dma_wait3A_604 = arith.constant 0 : i32
    %dma_wait3A_605 = tpu.memref_slice %arg3[%dma_wait3A_604] : memref<4194304xf32, #tpu.memory_space<hbm>> -> memref<4194304xf32, #tpu.memory_space<hbm>>
    tpu.wait_indirect_dma semaphore(%arg20 : memref<!tpu.dma_semaphore, #tpu.memory_space<semaphore_mem>>) src(%arg15 : memref<64xf32, #tpu.memory_space<vmem>>) dst(%dma_wait3A_605 : memref<4194304xf32, #tpu.memory_space<hbm>>)
    %parallel_loop3A_606 = arith.constant 0 : i32
    %parallel_loop3A_607 = arith.constant 1 : i32
    %parallel_loop3A_608 = arith.constant 0 : i32
    %parallel_loop3A_609 = scf.for %parallel_loop3A_646 = %parallel_loop3A_606 to %select_n3A_545 step %parallel_loop3A_607 iter_args(%parallel_loop3A_647 = %parallel_loop3A_608) -> (i32)  : i32 {
      %parallel_loop3A_648 = arith.constant 16 : i32
      %parallel_loop3A_649 = arith.muli %parallel_loop3A_646, %parallel_loop3A_648 : i32
      %parallel_loop3A_650 = arith.index_cast %parallel_loop3A_649 : i32 to index
      %parallel_loop3A_651 = tpu.vector_load %arg10[%parallel_loop3A_650] {strides = array<i32>} : memref<2048xi32, #tpu.memory_space<vmem>>, vector<16xi32>,
      %parallel_loop3A_652 = arith.constant 16 : i32
      %parallel_loop3A_653 = arith.muli %parallel_loop3A_646, %parallel_loop3A_652 : i32
      %parallel_loop3A_654 = arith.index_cast %parallel_loop3A_653 : i32 to index
      %parallel_loop3A_655 = tpu.vector_load %arg11[%parallel_loop3A_654] {strides = array<i32>} : memref<2048xi32, #tpu.memory_space<vmem>>, vector<16xi32>,
      %parallel_loop3A_656 = vector.broadcast %scan3A_550 : i32 to vector<16xi32>
      %parallel_loop3A_657 = arith.cmpi sgt, %parallel_loop3A_651, %parallel_loop3A_656 : vector<16xi32>
      %parallel_loop3A_658 = vector.broadcast %scan3A_550 : i32 to vector<16xi32>
      %parallel_loop3A_659 = arith.cmpi eq, %parallel_loop3A_651, %parallel_loop3A_658 : vector<16xi32>
      %parallel_loop3A_660 = vector.broadcast %scan3A_602 : i32 to vector<16xi32>
      %parallel_loop3A_661 = arith.cmpi sle, %parallel_loop3A_655, %parallel_loop3A_660 : vector<16xi32>
      %parallel_loop3A_662 = arith.andi %parallel_loop3A_659, %parallel_loop3A_661 : vector<16xi1>
      %parallel_loop3A_663 = arith.ori %parallel_loop3A_657, %parallel_loop3A_662 : vector<16xi1>
      %parallel_loop3A_664 = arith.constant 0 : i32
      %parallel_loop3A_665 = vector.broadcast %parallel_loop3A_664 : i32 to vector<16xi32>
      %parallel_loop3A_666 = arith.maxsi %parallel_loop3A_651, %parallel_loop3A_665 : vector<16xi32>
      %parallel_loop3A_667 = tpu.bitcast %parallel_loop3A_666 : vector<16xi32> -> vector<16xf32>
      %parallel_loop3A_668 = arith.index_cast %parallel_loop3A_647 : i32 to index
      %parallel_loop3A_669 = tpu.vector_load %arg13[%parallel_loop3A_668] masked %parallel_loop3A_663 {strides = array<i32>} : memref<80xf32, #tpu.memory_space<vmem>>, vector<16xf32>, vector<16xi1>
      tpu.vector_store %arg13[%parallel_loop3A_668], %parallel_loop3A_667 masked %parallel_loop3A_663 {strides = array<i32>} : memref<80xf32, #tpu.memory_space<vmem>>, vector<16xf32>, vector<16xi1>
      %parallel_loop3A_670 = vector.broadcast %mul3A_488 : i32 to vector<16xi32>
      %parallel_loop3A_671 = arith.addi %parallel_loop3A_655, %parallel_loop3A_670 : vector<16xi32>
      %parallel_loop3A_672 = arith.index_cast %parallel_loop3A_647 : i32 to index
      %parallel_loop3A_673 = tpu.vector_load %arg14[%parallel_loop3A_672] masked %parallel_loop3A_663 {strides = array<i32>} : memref<80xi32, #tpu.memory_space<vmem>>, vector<16xi32>, vector<16xi1>
      tpu.vector_store %arg14[%parallel_loop3A_672], %parallel_loop3A_671 masked %parallel_loop3A_663 {strides = array<i32>} : memref<80xi32, #tpu.memory_space<vmem>>, vector<16xi32>, vector<16xi1>
      %parallel_loop3A_674 = tpu.all_reduce %parallel_loop3A_663 {dim = 0 : i64, kind = #tpu.reduction_kind<sum>} : vector<16xi1> -> vector<16xi32>
      %parallel_loop3A_675 = vector.extract_strided_slice %parallel_loop3A_674 {offsets = [0], sizes = [1], strides = [1]} : vector<16xi32> to vector<1xi32>
      %parallel_loop3A_676 = vector.extract %parallel_loop3A_675[0] : i32 from vector<1xi32>
      %parallel_loop3A_677 = arith.addi %parallel_loop3A_647, %parallel_loop3A_676 : i32
      scf.yield %parallel_loop3A_677 : i32
    } {sc.loop_unroll_factor = 2 : i64, sc.parallel_access}
    %get3A_610 = arith.constant 0 : index
    %get3A_611 = tpu.vector_load %arg13[%get3A_610] {strides = array<i32>} : memref<80xf32, #tpu.memory_space<vmem>>, vector<16xf32>,
    %swap3A_612 = arith.constant 0 : index
    %swap3A_613 = tpu.vector_load %arg15[%swap3A_612] {strides = array<i32>} : memref<64xf32, #tpu.memory_space<vmem>>, vector<16xf32>,
    tpu.vector_store %arg15[%swap3A_612], %get3A_611 {strides = array<i32>} : memref<64xf32, #tpu.memory_space<vmem>>, vector<16xf32>,
    %get3A_614 = arith.constant 0 : index
    %get3A_615 = tpu.vector_load %arg14[%get3A_614] {strides = array<i32>} : memref<80xi32, #tpu.memory_space<vmem>>, vector<16xi32>,
    %swap3A_616 = arith.constant 0 : index
    %swap3A_617 = tpu.vector_load %arg16[%swap3A_616] {strides = array<i32>} : memref<64xi32, #tpu.memory_space<vmem>>, vector<16xi32>,
    tpu.vector_store %arg16[%swap3A_616], %get3A_615 {strides = array<i32>} : memref<64xi32, #tpu.memory_space<vmem>>, vector<16xi32>,
    %get3A_618 = arith.constant 16 : index
    %get3A_619 = tpu.vector_load %arg13[%get3A_618] {strides = array<i32>} : memref<80xf32, #tpu.memory_space<vmem>>, vector<16xf32>,
    %swap3A_620 = arith.constant 16 : index
    %swap3A_621 = tpu.vector_load %arg15[%swap3A_620] {strides = array<i32>} : memref<64xf32, #tpu.memory_space<vmem>>, vector<16xf32>,
    tpu.vector_store %arg15[%swap3A_620], %get3A_619 {strides = array<i32>} : memref<64xf32, #tpu.memory_space<vmem>>, vector<16xf32>,
    %get3A_622 = arith.constant 16 : index
    %get3A_623 = tpu.vector_load %arg14[%get3A_622] {strides = array<i32>} : memref<80xi32, #tpu.memory_space<vmem>>, vector<16xi32>,
    %swap3A_624 = arith.constant 16 : index
    %swap3A_625 = tpu.vector_load %arg16[%swap3A_624] {strides = array<i32>} : memref<64xi32, #tpu.memory_space<vmem>>, vector<16xi32>,
    tpu.vector_store %arg16[%swap3A_624], %get3A_623 {strides = array<i32>} : memref<64xi32, #tpu.memory_space<vmem>>, vector<16xi32>,
    %get3A_626 = arith.constant 32 : index
    %get3A_627 = tpu.vector_load %arg13[%get3A_626] {strides = array<i32>} : memref<80xf32, #tpu.memory_space<vmem>>, vector<16xf32>,
    %swap3A_628 = arith.constant 32 : index
    %swap3A_629 = tpu.vector_load %arg15[%swap3A_628] {strides = array<i32>} : memref<64xf32, #tpu.memory_space<vmem>>, vector<16xf32>,
    tpu.vector_store %arg15[%swap3A_628], %get3A_627 {strides = array<i32>} : memref<64xf32, #tpu.memory_space<vmem>>, vector<16xf32>,
    %get3A_630 = arith.constant 32 : index
    %get3A_631 = tpu.vector_load %arg14[%get3A_630] {strides = array<i32>} : memref<80xi32, #tpu.memory_space<vmem>>, vector<16xi32>,
    %swap3A_632 = arith.constant 32 : index
    %swap3A_633 = tpu.vector_load %arg16[%swap3A_632] {strides = array<i32>} : memref<64xi32, #tpu.memory_space<vmem>>, vector<16xi32>,
    tpu.vector_store %arg16[%swap3A_632], %get3A_631 {strides = array<i32>} : memref<64xi32, #tpu.memory_space<vmem>>, vector<16xi32>,
    %get3A_634 = arith.constant 48 : index
    %get3A_635 = tpu.vector_load %arg13[%get3A_634] {strides = array<i32>} : memref<80xf32, #tpu.memory_space<vmem>>, vector<16xf32>,
    %swap3A_636 = arith.constant 48 : index
    %swap3A_637 = tpu.vector_load %arg15[%swap3A_636] {strides = array<i32>} : memref<64xf32, #tpu.memory_space<vmem>>, vector<16xf32>,
    tpu.vector_store %arg15[%swap3A_636], %get3A_635 {strides = array<i32>} : memref<64xf32, #tpu.memory_space<vmem>>, vector<16xf32>,
    %get3A_638 = arith.constant 48 : index
    %get3A_639 = tpu.vector_load %arg14[%get3A_638] {strides = array<i32>} : memref<80xi32, #tpu.memory_space<vmem>>, vector<16xi32>,
    %swap3A_640 = arith.constant 48 : index
    %swap3A_641 = tpu.vector_load %arg16[%swap3A_640] {strides = array<i32>} : memref<64xi32, #tpu.memory_space<vmem>>, vector<16xi32>,
    tpu.vector_store %arg16[%swap3A_640], %get3A_639 {strides = array<i32>} : memref<64xi32, #tpu.memory_space<vmem>>, vector<16xi32>,
    %dma_start3A_642 = arith.constant 0 : i32
    %dma_start3A_643 = tpu.memref_slice %arg3[%dma_start3A_642] : memref<4194304xf32, #tpu.memory_space<hbm>> -> memref<4194304xf32, #tpu.memory_space<hbm>>
    tpu.enqueue_indirect_dma source(%arg15 : memref<64xf32, #tpu.memory_space<vmem>>) target(%dma_start3A_643 : memref<4194304xf32, #tpu.memory_space<hbm>>) offsets(%arg16 : memref<64xi32, #tpu.memory_space<vmem>>) semaphore(%arg20 : memref<!tpu.dma_semaphore, #tpu.memory_space<semaphore_mem>>)
    %dma_wait3A_644 = arith.constant 0 : i32
    %dma_wait3A_645 = tpu.memref_slice %arg3[%dma_wait3A_644] : memref<4194304xf32, #tpu.memory_space<hbm>> -> memref<4194304xf32, #tpu.memory_space<hbm>>
    tpu.wait_indirect_dma semaphore(%arg20 : memref<!tpu.dma_semaphore, #tpu.memory_space<semaphore_mem>>) src(%arg15 : memref<64xf32, #tpu.memory_space<vmem>>) dst(%dma_wait3A_645 : memref<4194304xf32, #tpu.memory_space<hbm>>)
    return
  }
}

</mosaic_0001>

<sc_bundles>
// kernel: _topk_sc.3.cloned.1.call-start
scs
__scs_entry_jumppad:
0x0: {  	(pc) =	sbr.rel $0x88, $3  }
0x1: {  	(tag) =	ssettag $0x0;
	lr =	simm.s32 $0x1  }
0x2: {  	[smem:$0x3FA0] =	sst lr;
	_ =	strace $0xD0000000  }
0x3: {  	_ = 	snop  }
0x4: {  	_ = 	snop  }
0x5: {  	_ = 	snop  }
0x6: {  	_ = 	snop  }
0x7: {  	_ = 	snop  }
__scs_overlays_trampoline_lowered:
0x8: {  	[smem:$0x3FAF] =	sst s0  }
0x9: {  	[smem:$0x3FB0] =	sst s1  }
0xa: {  	[smem:$0x3FB1] =	sst s2  }
0xb: {  	[smem:$0x3FB2] =	sst s3  }
0xc: {  	[smem:$0x3FB3] =	sst s4  }
0xd: {  	[smem:$0x3FB4] =	sst s5  }
0xe: {  	[smem:$0x3FB5] =	sst s6  }
0xf: {  	[smem:$0x3FB6] =	sst s7  }
0x10: {  	[smem:$0x3FB7] =	sst s8  }
0x11: {  	[smem:$0x3FB8] =	sst s9;
	s0 =	simm.s32 @!p0 $0x0  }
0x12: {  	s1 =	sld [smem:$0x3F9E];
	s0 =	simm.s32 @p0 $0x1  }
0x13: {  	[smem:$0x3FB9] =	sst s0;
	s0 =	simm.s32 @!p1 $0x0  }
0x14: {  	s2 =	sld [smem:$0x3F9D];
	s0 =	simm.s32 @p1 $0x1  }
0x15: {  	[smem:$0x3FBA] =	sst s0;
	s0 =	simm.s32 @!p2 $0x0  }
0x16: {  	s3 =	sld [smem:$0x3FDB];
	s0 =	simm.s32 @p2 $0x1  }
0x17: {  	s4 =	simm.s32 $0x1BF5;
	[smem:$0x3FBC] =	sst s0  }
0x18: {  	s0 =	sld [smem:$0x3F9F];
	_ =	swait.ge [sflag:s4], $0x0  }
0x19: {  	s7 =	sld [smem:$0x3FA0]  }
0x1a: {  	s8 =	sadd.s32 $0xFFFFE003, lr  }
0x1b: {  	s9 =	sadd.s32 $0xFFFFFEF7, lr;
	s5 =	simm.s32 $0xFFFFFFFF;
	p2 =	slt.u32 s8, $0xFFFFF086  }
0x1c: {  	p1 =	slt.u32 s9, $0xF7A;
	s5 =	simm.s32 @!p2 $0x0  }
0x1d: {  	s5 =	simm.s32 @p1 $0x1;
	p0 =	seq.s32 s7, s2  }
0x1e: {  	s7 =	smul.u32 @!p0 $0xF7A, s2;
	p2 =	seq.s32 @!p0 s5, $0x0  }
0x1f: {  	s9 =	smul.u32 $0xF7A, s1;
	s8 =	simm.s32 @!p0 $0x1BF5;
	p2 =	por !p2, p0  }
0x20: {  	[sflag:s8] =	ssyncset.s32 @!p0 $0xFFFFF086;
	s6 =	sadd.s32 @!p0 s3, s7;
	s7 =	simm.s32 @!p0 $0x108  }
0x21: {  	s3 =	sadd.s32 s3, s9;
	s6 =	sadd.s32 @!p0 $0x88, s6;
	s7 =	simm.s32 @p2 $0x1082  }
0x22: {  	[simem:s7], [sflag:s8] =	dma.local @!p0 [hbm:s6], $0xF7A  }
0x23: {  	s9 =	sor.u32 $0xD0000000, s2;
	s6 =	simm.s32 $0x108;
	_ =	swait.ge @!p0 [sflag:s8], $0x0  }
0x24: {  	s3 =	sadd.s32 $0x88, s3;
	s6 =	simm.s32 @!p1 $0x1082;
	[sflag:s4] =	ssyncset.s32 $0xFFFFF086  }
0x25: {  	[simem:s6], [sflag:s4] =	dma.local [hbm:s3], $0xF7A  }
0x26: {  	[smem:$0x3FA0] =	sst s1;
	(tag) =	ssettag s2;
	_ =	strace s9  }
0x27: {  	s1 =	sld [smem:$0x3FB0]  }
0x28: {  	s2 =	sld [smem:$0x3FB1]  }
0x29: {  	s4 =	sld [smem:$0x3FB3]  }
0x2a: {  	p0 =	seq.s32 s5, $0x0;
	s5 =	sld [smem:$0x3FB4]  }
0x2b: {  	s6 =	sld [smem:$0x3FB5]  }
0x2c: {  	s7 =	sld [smem:$0x3FB6]  }
0x2d: {  	s3 =	simm.s32 $0x108;
	s8 =	sld [smem:$0x3FB7]  }
0x2e: {  	s3 =	simm.s32 @!p0 $0x1082;
	s9 =	sld [smem:$0x3FB8]  }
0x2f: {  	lr =	sadd.s32 s0, s3;
	s0 =	sld [smem:$0x3FAF]  }
0x30: {  	s3 =	sld [smem:$0x3FB2]  }
0x31: {  	[smem:$0x3FBB] =	sst s10  }
0x32: {  	s10 =	sld [smem:$0x3FB9];
	_ =	sdelay $0x3  }
0x33: {  	p0 =	seq.s32 s10, $0x1;
	s10 =	sld [smem:$0x3FBB];
	_ =	sdelay $0x3  }
0x34: {  	[smem:$0x3FBB] =	sst s10  }
0x35: {  	s10 =	sld [smem:$0x3FBA];
	_ =	sdelay $0x3  }
0x36: {  	p1 =	seq.s32 s10, $0x1;
	s10 =	sld [smem:$0x3FBB];
	_ =	sdelay $0x3  }
0x37: {  	[smem:$0x3FBB] =	sst s10  }
0x38: {  	s10 =	sld [smem:$0x3FBC]  }
0x39: {  	_ = 	snop;
	(pc) =	sbr.ind lr, $3  }
0x3a: {  	_ = 	snop  }
0x3b: {  	_ = 	snop  }
0x3c: {  	p2 =	seq.s32 s10, $0x1;
	s10 =	sld [smem:$0x3FBB]  }
0x3d: {  	_ =	shalt  }
0x3e: {  	_ =	shalt  }
0x3f: {  	_ =	shalt  }
0x40: {  	_ =	shalt  }
0x41: {  	_ =	shalt  }
0x42: {  	_ =	shalt  }
0x43: {  	_ =	shalt  }
0x44: {  	_ =	shalt  }
0x45: {  	_ =	shalt  }
0x46: {  	_ =	shalt  }
0x47: {  	_ =	shalt  }
0x48: {  	_ =	shalt  }
0x49: {  	_ =	shalt  }
0x4a: {  	_ =	shalt  }
0x4b: {  	_ =	shalt  }
0x4c: {  	_ =	shalt  }
0x4d: {  	_ =	shalt  }
0x4e: {  	_ =	shalt  }
0x4f: {  	_ =	shalt  }
0x50: {  	_ =	shalt  }
0x51: {  	_ =	shalt  }
0x52: {  	_ =	shalt  }
0x53: {  	_ =	shalt  }
0x54: {  	_ =	shalt  }
0x55: {  	_ =	shalt  }
0x56: {  	_ =	shalt  }
0x57: {  	_ =	shalt  }
0x58: {  	_ =	shalt  }
0x59: {  	_ =	shalt  }
0x5a: {  	_ =	shalt  }
0x5b: {  	_ =	shalt  }
0x5c: {  	_ =	shalt  }
0x5d: {  	_ =	shalt  }
0x5e: {  	_ =	shalt  }
0x5f: {  	_ =	shalt  }
0x60: {  	_ =	shalt  }
0x61: {  	_ =	shalt  }
0x62: {  	_ =	shalt  }
0x63: {  	_ =	shalt  }
0x64: {  	_ =	shalt  }
0x65: {  	_ =	shalt  }
0x66: {  	_ =	shalt  }
0x67: {  	_ =	shalt  }
0x68: {  	_ =	shalt  }
0x69: {  	_ =	shalt  }
0x6a: {  	_ =	shalt  }
0x6b: {  	_ =	shalt  }
0x6c: {  	_ =	shalt  }
0x6d: {  	_ =	shalt  }
0x6e: {  	_ =	shalt  }
0x6f: {  	_ =	shalt  }
0x70: {  	_ =	shalt  }
0x71: {  	_ =	shalt  }
0x72: {  	_ =	shalt  }
0x73: {  	_ =	shalt  }
0x74: {  	_ =	shalt  }
0x75: {  	_ =	shalt  }
0x76: {  	_ =	shalt  }
0x77: {  	_ =	shalt  }
0x78: {  	_ =	shalt  }
0x79: {  	_ =	shalt  }
0x7a: {  	_ =	shalt  }
0x7b: {  	_ =	shalt  }
0x7c: {  	_ =	shalt  }
0x7d: {  	_ =	shalt  }
0x7e: {  	_ =	shalt  }
0x7f: {  	_ =	shalt  }
0x80: {  	_ =	shalt  }
0x81: {  	_ =	shalt  }
0x82: {  	_ =	shalt  }
0x83: {  	_ =	shalt  }
0x84: {  	_ =	shalt  }
0x85: {  	_ =	shalt  }
0x86: {  	_ =	shalt  }
0x87: {  	_ =	shalt  }
.Lfunc_end0:
.L_simem_size_0:
called_computation_lowered:
.L_overlay_start_0:
0x88: {  	s2 =	sld [smem:$0x3FD9]  }
0x89: {  	s3 =	sld [smem:$0x3FFE];
	_ =	sdelay $0x1  }
0x8a: {  	s1 =	srdreg.scid  }
0x8b: {  	s0 =	sand.u32 $0x1, s1  }
0x8c: {  	s18 =	sshll.u32 s0, $0xA;
	s2 =	sadd.s32 s3, s2  }
0x8d: {  	s2 =	sadd.s32 s2, s18  }
0x8e: {  	[smem:$0x3FC7] =	sst s2  }
0x8f: {  	_ = 	snop  }
0x90: {  	s2 =	sld [smem:$0x3FC9]  }
0x91: {  	s19 =	sld [smem:$0x3FD0];
	(tm) =	ssettm $0x1  }
0x92: {  	s4 =	sld [smem:$0x3FFB];
	_ =	sdelay $0x3  }
0x93: {  	_ =	strace s4  }
0x94: {  	s4 =	sld [smem:$0x3FFC];
	_ =	sdelay $0x3  }
0x95: {  	_ =	strace s4  }
0x96: {  	s4 =	sld [smem:$0x3FFD];
	_ =	sdelay $0x3  }
0x97: {  	_ =	strace s4  }
0x98: {  	_ =	strace $0x8FFFFFFF  }
0x99: {  	s20 =	sld [smem:$0x3FDB];
	_ =	sdelay $0x1  }
0x9a: {  	s5 =	simm.s32 $_scs_section_size  }
0x9b: {  	s6 =	simm.s32 $_size__tile_overlayer_lowered;
	s7 =	simm.s32 $_tile_overlayer_lowered  }
0x9c: {  	s23 =	simm.s32 $0x1BFF;
	s22 =	sshll.u32 s7, $0x1;
	s4 =	sadd.s32 s5, s20  }
0x9d: {  	s8 =	simm.s32 $0x0;
	s21 =	sshll.u32 s6, $0x1;
	s6 =	sadd.s32 s22, s4  }
0x9e: {  	[timem:s8], [sflag:s23] =	dma.local [hbm:s6], s21  }
0x9f: {  	_ =	swait.ge [sflag:s23], s21  }
0xa0: {  	s5 =	ssub.s32 $0x0, s21;
	[sflag:s23] =	ssyncset.done $0x0  }
0xa1: {  	[sflag:s23] =	ssyncadd.s32 s5;
	_ =	sdelay $0x1  }
0xa2: {  	s24 =	simm.s32 $0x1B8B  }
0xa3: {  	_ =	swait.ge [sflag:s24], $0x1  }
0xa4: {  	[sflag:s24] =	ssyncset.done $0x0  }
0xa5: {  	s25 =	simm.s32 $0x1B8E;
	[sflag:s24] =	ssyncadd.s32 $0xFFFFFFFF  }
0xa6: {  	s26 =	simm.s32 $execute0_lowered;
	[smem:$0x3FD2] =	sst s25  }
0xa7: {  	s5 =	sshll.u32 s26, $0x1;
	_ =	strace $0x80000046;
	[dreg:$0x1] =	wrdreg $0xFFFFFFFF  }
0xa8: {  	s28 =	simm.s32 $_size_execute0_lowered;
	s4 =	sadd.s32 s4, s5;
	[dreg:$0x0] =	wrdreg $0x0  }
0xa9: {  	s5 =	sshll.u32 s28, $0x1;
	[dreg:$0x2] =	wrdreg s4  }
0xaa: {  	[dreg:$0x3] =	wrdreg s5  }
0xab: {  	[dreg:$0x4] =	wrdreg $0xC0  }
0xac: {  	_ =	task [dreg:s8], $0x5FFFF  }
0xad: {  	[dreg:$0x1] =	wrdreg $0xFFFFFFFF  }
0xae: {  	[dreg:$0x0] =	wrdreg $0x60  }
0xaf: {  	[dreg:$0x2] =	wrdreg s2  }
0xb0: {  	[dreg:$0x3] =	wrdreg s19  }
0xb1: {  	[dreg:$0x4] =	wrdreg $0x9  }
0xb2: {  	_ =	task.clear_ibuf [dreg:s8], $0x5FFFF;
	_ =	strace $0x90000046  }
0xb3: {  	s29 =	simm.s32 $0x9;
	_ =	strace $0x80000048  }
0xb4: {  	_ =	swait.ge [sflag:s29], $0x1  }
0xb5: {  	[sflag:s29] =	ssyncadd.s32 $0xFFFFFFFF  }
0xb6: {  	_ =	strace $0x90000048  }
0xb7: {  	_ =	sfence  }
0xb8: {  	s30 =	sld [smem:$0x0];
	_ =	sdelay $0x2  }
0xb9: {  	s31 =	sshll.u32 s1, $0xD;
	s1 =	sshrl.u32 s1, $0x2  }
0xba: {  	s3 =	sand.u32 $0x4000, s31;
	s1 =	sadd.s32 s1, s30  }
0xbb: {  	s0 =	sor.u32 s3, s0;
	s1 =	sshll.u32 s1, $0x11  }
0xbc: {  	s0 =	sor.u32 s1, s0  }
0xbd: {  	s0 =	sadd.s32 $0x8F2B, s0  }
0xbe: {  	[sflag:s0] =	ssyncadd.remote.s32 $0x1  }
0xbf: {  	_ =	sfence.sel $0xFFFF  }
0xc0: {  	[dreg:$0x0] =	wrdreg $0xFFFFFFFF;
	(pc) =	sbr.abs _section_cstart, $3  }
0xc1: {  	[dreg:$0x1] =	wrdreg $0xFFFFFFFF  }
0xc2: {  	_ =	task.clear_ibuf [dreg:s8], $0x2FFFF;
	_ =	strace $0x9FFFFFFF  }
0xc3: {  	(tm) =	ssettm $0x7FFFFFFF  }
tec
execute0_lowered:
.L_overlay_start_1:
0x0: {  	(tag) =	ssettag $0x1  }
0x1: {  	s0 =	rddreg [dreg:$0x0]  }
0x2: {  	s2 =	rddreg [dreg:$0x1];
	s1 =	srdreg.scid;
	s3 =	simm.s32 $0x0  }
0x3: {  	s5 =	stileid.u32;
	s11 =	simm.s32 $0x1;
	s12 =	simm.s32 $0x18800  }
0x4: {  	s13 =	simm.s32 $0x40000000;
	s14 =	simm.s32 $0x4000;
	s15 =	simm.s32 $0x40  }
0x5: {  	s17 =	simm.s32 $0x1B100;
	s18 =	simm.s32 $0x2;
	s19 =	simm.s32 $0x4  }
0x6: {  	s20 =	simm.s32 $0x3;
	s21 =	simm.s32 $0x0;
	s1 =	sand.u32 $0x1, s1  }
0x7: {  	[smem:$0x7FF] =	sst s3;
	s5 =	sshll.u32 s5, $0x1;
	s4 =	ssub.s32 $0x2, s1  }
0x8: {  	_ =	strace $0x80000047;
	s1 =	sor.u32 s1, s5;
	s6 =	sshrl.u32 s4, $0x1  }
0x9: {  	s9 =	sshll.u32 s1, $0x11;
	s1 =	sshll.u32 s1, $0xE;
	s8 =	ssub.s32 s4, s6  }
.Ltmp0:
0xa: {  	s1 =	sadd.s32 s0, s1;
	s28 =	sor.u32 $0x8000, s9;
	(pc) =	sbr.rel .LBB2_1-.Ltmp0, $4  }
0xb: {  	s10 =	sor.u32 $0x10000, s9;
	s16 =	sor.u32 $0x18000, s9;
	[dreg:$0x3] =	wrdreg s1  }
0xc: {  	v4 =	vimm.s32 $0x0;
	v5 =	vimm.s32 $0x1;
	v6 =	vlaneseq.u32;
	s29 =	sshrl.u32 s28, $0x3;
	s30 =	sshrl.u32 s10, $0x3;
	s7 =	sshrl.u32 s16, $0x3  }
0xd: {  	v7 =	vimm.s32 $0x80000000;
	v8 =	vimm.s32 $0x7FFFFFFF;
	s8 =	smax.u32 s8, $0x1;
	v3 =	vmov s16;
	s16 =	simm.s32 $0x1B180;
	s31 =	sadd.s32 s0, s29  }
0xe: {  	v0 =	vmov s9;
	v1 =	vmov s28;
	v2 =	vmov s10;
	s6 =	sadd.s32 s0, s30;
	s7 =	sadd.s32 s0, s7;
	[dreg:$0x4] =	wrdreg s31  }
.LBB2_124:
0xf: {  	s0 =	simm.s32 $0x0  }
.LBB2_125:
0x10: {  	s1 =	ssub.s32 s23, s25  }
0x11: {  	p0 =	slt.s32 s1, $0x1  }
0x12: {  	s1 =	sshll.u32 @!p0 s25, $0x4  }
0x13: {  	v9 =	vld @!p0 [tilespmem:s1+$0x19800]  }
0x14: {  	v10 =	vld @!p0 [tilespmem:s1+$0x1A000];
	_ =	sdelay $0x4  }
0x15: {  	vm0 =	veq.s32 @!p0 v9, s22;
	vm1 =	vle.s32 @!p0 v10, s24  }
0x16: {  	vm2 =	vgt.s32 @!p0 v9, s22;
	vm0 =	vmand @!p0 vm0, vm1;
	vm1 =	vgt.s32 @!p0 v9, $0x0  }
0x17: {  	vm0 =	vmor @!p0 vm2, vm0;
	v9 =	vnsel @!p0 vm1, $0x0, v9  }
0x18: {  	[tilespmem:s0+$0x1B000] =	vst.msk @!p0 vm0, v9;
	v9 =	vadd.s32 @!p0 v3, v10  }
0x19: {  	[tilespmem:s0+$0x1B080] =	vst.msk @!p0 vm0, v9  }
0x1a: {  	v9 =	vld [tilespmem:$0x1B000]  }
0x1b: {  	v10 =	vld [tilespmem:$0x1B080]  }
0x1c: {  	v11 =	vld [tilespmem:$0x1B010]  }
0x1d: {  	v12 =	vld [tilespmem:$0x1B090]  }
0x1e: {  	v13 =	vld [tilespmem:$0x1B020]  }
0x1f: {  	[tilespmem:$0x1B100] =	vst v9;
	v9 =	vld [tilespmem:$0x1B0A0]  }
0x20: {  	[tilespmem:$0x1B180] =	vst v10;
	v10 =	vld [tilespmem:$0x1B030]  }
0x21: {  	[tilespmem:$0x1B110] =	vst v11;
	v11 =	vld [tilespmem:$0x1B0B0]  }
0x22: {  	[tilespmem:$0x1B190] =	vst v12  }
0x23: {  	[tilespmem:$0x1B120] =	vst v13  }
0x24: {  	s21 =	sadd.s32 $0x1, s21;
	[tilespmem:$0x1B1A0] =	vst v9  }
0x25: {  	p0 =	sne.s32 s21, s8;
	[tilespmem:$0x1B130] =	vst v10  }
.Ltmp1:
0x26: {  	[tilespmem:$0x1B1B0] =	vst v11;
	(pc) =	sbr.rel @!p0 .LBB2_126-.Ltmp1, $4  }
0x27: {  	[hbm4b:s2+s15] =	stream.indirect.scatter [tilespmem:s17], [sflag:$0x4], $0x1, s16, s15, $0xb8;
	[tilespmem:$0x1B200] =	vst v63  }
0x28: {  	_ =	swait.ge [sflag:s19], $0x40  }
0x29: {  	[sflag:s19] =	ssyncset.done $0x0  }
0x2a: {  	[sflag:s19] =	ssyncadd.s32 $0xFFFFFFC0  }
.LBB2_1:
0x2b: {  	s0 =	rddreg [dreg:$0x3]  }
0x2c: {  	[tilespmem:s3], [sflag:$0x1] =	stream.linear.gather [hbm4b:s0+s3], $0x8000, $0x38;
	[tilespmem:$0x1B200] =	vst v63  }
0x2d: {  	s29 =	rddreg [dreg:$0x4];
	s1 =	simm.s32 $0x8000  }
0x2e: {  	[tilespmem:s1], [sflag:$0x2] =	stream.linear.gather [hbm4b:s29+s3], $0x8000, $0x38;
	[tilespmem:$0x1B200] =	vst v63  }
0x2f: {  	s30 =	simm.s32 $0x10000  }
0x30: {  	[tilespmem:s30], [sflag:$0x3] =	stream.linear.gather [hbm4b:s6+s3], $0x8000, $0x38;
	[tilespmem:$0x1B200] =	vst v63  }
0x31: {  	_ =	swait.ge [sflag:s11], $0x8000  }
0x32: {  	[sflag:s11] =	ssyncset.done $0x0  }
0x33: {  	s31 =	simm.s32 $0x100;
	[sflag:s11] =	ssyncadd.s32 $0xFFFF8000  }
0x34: {  	v10 =	vld [tilespmem:s31+$0x0]  }
0x35: {  	v11 =	vld [tilespmem:s31+$0x10]  }
0x36: {  	v12 =	vld [tilespmem:s31+$0x20]  }
0x37: {  	v13 =	vld [tilespmem:s31+$0x30]  }
0x38: {  	v14 =	vld [tilespmem:s31+$0x40]  }
0x39: {  	v15 =	vld [tilespmem:s31+$0x50]  }
0x3a: {  	v16 =	vld [tilespmem:s31+$0x60]  }
0x3b: {  	v17 =	vld [tilespmem:s31+$0x70]  }
0x3c: {  	v18 =	vld [tilespmem:s31+$0x80]  }
0x3d: {  	v19 =	vld [tilespmem:s31+$0x90]  }
0x3e: {  	v20 =	vld [tilespmem:s31+$0xA0]  }
0x3f: {  	v21 =	vld [tilespmem:s31+$0xB0]  }
0x40: {  	v22 =	vld [tilespmem:s31+$0xC0]  }
0x41: {  	v23 =	vld [tilespmem:s31+$0xD0]  }
0x42: {  	v24 =	vld [tilespmem:s31+$0xE0]  }
0x43: {  	v25 =	vld [tilespmem:s31+$0xF0]  }
0x44: {  	v9 =	vld [tilespmem:s31+$0xFFFFFF10]  }
0x45: {  	v26 =	vld [tilespmem:s31+$0xFFFFFF20]  }
0x46: {  	v27 =	vld [tilespmem:s31+$0xFFFFFF30]  }
0x47: {  	v28 =	vld [tilespmem:s31+$0xFFFFFF40]  }
0x48: {  	v29 =	vld [tilespmem:s31+$0xFFFFFF50]  }
0x49: {  	v30 =	vld [tilespmem:s31+$0xFFFFFF60]  }
0x4a: {  	v31 =	vld [tilespmem:s31+$0xFFFFFF70]  }
0x4b: {  	v32 =	vld [tilespmem:s31+$0xFFFFFF80]  }
0x4c: {  	v33 =	vld [tilespmem:s31+$0xFFFFFF90]  }
0x4d: {  	v34 =	vld [tilespmem:s31+$0xFFFFFFA0];
	v10 =	vmax.f32 v10, v11;
	v11 =	vmax.f32 v12, v13;
	v13 =	vmax.f32 v14, v15  }
0x4e: {  	v14 =	vmax.f32 v16, v17;
	v15 =	vmax.f32 v18, v19;
	v16 =	vmax.f32 v20, v21;
	v18 =	vld [tilespmem:s31+$0xFFFFFFB0]  }
0x4f: {  	v17 =	vmax.f32 v22, v23;
	v19 =	vmax.f32 v24, v25;
	v12 =	vld [tilespmem:s31+$0xFFFFFFC0];
	v10 =	vmax.f32 v10, v11  }
0x50: {  	v11 =	vmax.f32 v13, v14;
	v14 =	vmax.f32 v15, v16;
	v15 =	vmax.f32 v17, v19;
	v13 =	vld [tilespmem:s31+$0xFFFFFFD0]  }
0x51: {  	v16 =	vmax.f32 v28, v29;
	v11 =	vmax.f32 v10, v11;
	v15 =	vmax.f32 v14, v15;
	v14 =	vld [tilespmem:s31+$0xFFFFFFE0]  }
0x52: {  	s23 =	simm.s32 $0x18010;
	v17 =	vmax.f32 v30, v31;
	v10 =	vmax.f32 v26, v27;
	v11 =	vmax.f32 v11, v15;
	v15 =	vld [tilespmem:s31+$0xFFFFFFF0]  }
0x53: {  	s24 =	simm.s32 $0x0;
	s22 =	simm.s32 $0x18840;
	s25 =	simm.s32 $0x300;
	[tilespmem:s23+$0x0] =	vst v11;
	v11 =	vmax.f32 v16, v17;
	v17 =	vmax.f32 v32, v33;
	v16 =	vld [tilespmem:s31+$0xFFFFFF00];
	v18 =	vmax.f32 v34, v18  }
.LBB2_2:
0x54: {  	v19 =	vld [tilespmem:s25+$0x0];
	v17 =	vmax.f32 v17, v18  }
0x55: {  	v18 =	vld [tilespmem:s25+$0x10];
	v12 =	vmax.f32 v12, v13  }
0x56: {  	v13 =	vld [tilespmem:s25+$0x20]  }
0x57: {  	v20 =	vld [tilespmem:s25+$0x30];
	v14 =	vmax.f32 v14, v15  }
0x58: {  	v15 =	vld [tilespmem:s25+$0x40];
	v9 =	vmax.f32 v16, v9;
	v12 =	vmax.f32 v12, v14  }
0x59: {  	v14 =	vld [tilespmem:s25+$0x50];
	v9 =	vmax.f32 v9, v10;
	v10 =	vmax.f32 v17, v12  }
0x5a: {  	v12 =	vld [tilespmem:s25+$0x60];
	v9 =	vmax.f32 v9, v11  }
0x5b: {  	v11 =	vld [tilespmem:s25+$0x70];
	v9 =	vmax.f32 v9, v10  }
0x5c: {  	v10 =	vld [tilespmem:s25+$0x80];
	[tilespmem:s23+$0xFFFFFFF0] =	vst v9  }
0x5d: {  	v16 =	vld [tilespmem:s25+$0x90]  }
0x5e: {  	v17 =	vld [tilespmem:s25+$0xA0]  }
0x5f: {  	v21 =	vld [tilespmem:s25+$0xB0]  }
0x60: {  	v22 =	vld [tilespmem:s25+$0xC0]  }
0x61: {  	v23 =	vld [tilespmem:s25+$0xD0]  }
0x62: {  	v24 =	vld [tilespmem:s25+$0xE0]  }
0x63: {  	s24 =	sadd.s32 $0x2, s24;
	v25 =	vld [tilespmem:s25+$0xF0]  }
0x64: {  	p0 =	slt.u32 s24, $0x7E;
	v9 =	vld [tilespmem:s25+$0xFFFFFF10]  }
0x65: {  	v26 =	vld [tilespmem:s25+$0xFFFFFF20]  }
0x66: {  	v18 =	vmax.f32 v19, v18;
	v13 =	vmax.f32 v13, v20;
	v14 =	vmax.f32 v15, v14;
	v27 =	vld [tilespmem:s25+$0xFFFFFF30]  }
0x67: {  	v11 =	vmax.f32 v12, v11;
	v10 =	vmax.f32 v10, v16;
	v12 =	vmax.f32 v17, v21;
	v15 =	vld [tilespmem:s25+$0xFFFFFF40]  }
0x68: {  	v13 =	vmax.f32 v18, v13;
	v17 =	vmax.f32 v22, v23;
	v16 =	vld [tilespmem:s25+$0xFFFFFF50];
	v19 =	vmax.f32 v24, v25  }
0x69: {  	v11 =	vmax.f32 v14, v11;
	v10 =	vmax.f32 v10, v12;
	v18 =	vld [tilespmem:s25+$0xFFFFFF60];
	v12 =	vmax.f32 v17, v19  }
0x6a: {  	v11 =	vmax.f32 v13, v11;
	v14 =	vld [tilespmem:s25+$0xFFFFFF70];
	v12 =	vmax.f32 v10, v12  }
0x6b: {  	s23 =	sadd.s32 $0x20, s23;
	v17 =	vld [tilespmem:s25+$0xFFFFFF80];
	v10 =	vmax.f32 v26, v27;
	v11 =	vmax.f32 v11, v12  }
0x6c: {  	v19 =	vld [tilespmem:s25+$0xFFFFFF90];
	[tilespmem:s23+$0x0] =	vst v11  }
0x6d: {  	v20 =	vld [tilespmem:s25+$0xFFFFFFA0];
	v11 =	vmax.f32 v15, v16  }
0x6e: {  	v21 =	vld [tilespmem:s25+$0xFFFFFFB0]  }
.Ltmp2:
0x6f: {  	v12 =	vld [tilespmem:s25+$0xFFFFFFC0];
	v14 =	vmax.f32 v18, v14;
	(pc) =	sbr.rel @p0 .LBB2_2-.Ltmp2, $4  }
0x70: {  	v13 =	vld [tilespmem:s25+$0xFFFFFFD0];
	v11 =	vmax.f32 v11, v14  }
0x71: {  	v14 =	vld [tilespmem:s25+$0xFFFFFFE0];
	v17 =	vmax.f32 v17, v19  }
0x72: {  	v15 =	vld [tilespmem:s25+$0xFFFFFFF0]  }
0x73: {  	v16 =	vld [tilespmem:s25+$0xFFFFFF00];
	v18 =	vmax.f32 v20, v21;
	s25 =	sadd.s32 $0x200, s25  }
0x74: {  	_ =	sdelay $0x3  }
0x75: {  	v12 =	vmax.f32 v12, v13;
	v62 =	vmax.f32 v14, v15;
	v9 =	vmax.f32 v16, v9  }
0x76: {  	v63 =	vmax.f32 v17, v18;
	v12 =	vmax.f32 v12, v62;
	v9 =	vmax.f32 v9, v10  }
0x77: {  	v10 =	vmax.f32 v63, v12;
	v9 =	vmax.f32 v9, v11  }
0x78: {  	v9 =	vmax.f32 v9, v10  }
0x79: {  	[tilespmem:s23+$0xFFFFFFF0] =	vst v9  }
0x7a: {  	[tilespmem:s22+$0xFFFFFFC0] =	vst v4  }
0x7b: {  	[tilespmem:s22+$0x30] =	vst v4  }
0x7c: {  	[tilespmem:s22+$0x20] =	vst v4  }
0x7d: {  	[tilespmem:s22+$0x10] =	vst v4  }
0x7e: {  	[tilespmem:s22+$0x0] =	vst v4  }
0x7f: {  	[tilespmem:s22+$0xFFFFFFF0] =	vst v4  }
0x80: {  	s1 =	simm.s32 $0x0;
	[tilespmem:s22+$0xFFFFFFE0] =	vst v4  }
.LBB2_4:
0x81: {  	s1 =	sadd.s32 $0x8, s1;
	[tilespmem:s22+$0xFFFFFFD0] =	vst v4;
	s22 =	sadd.s32 $0x80, s22;
	s0 =	simm.s32 $0x18040  }
0x82: {  	[tilespmem:s22+$0xFFFFFFC0] =	vst v4;
	p0 =	slt.u32 s1, $0xF8  }
0x83: {  	[tilespmem:s22+$0x30] =	vst v4  }
.Ltmp3:
0x84: {  	[tilespmem:s22+$0x20] =	vst v4;
	(pc) =	sbr.rel @p0 .LBB2_4-.Ltmp3, $4  }
0x85: {  	[tilespmem:s22+$0x10] =	vst v4  }
0x86: {  	[tilespmem:s22+$0x0] =	vst v4  }
0x87: {  	[tilespmem:s22+$0xFFFFFFF0] =	vst v4  }
0x88: {  	[tilespmem:s22+$0xFFFFFFE0] =	vst v4  }
0x89: {  	[tilespmem:s22+$0xFFFFFFD0] =	vst v4  }
0x8a: {  	v9 =	vld [tilespmem:s0+$0x30]  }
0x8b: {  	v10 =	vld [tilespmem:s0+$0xFFFFFFD0]  }
0x8c: {  	v11 =	vld [tilespmem:s0+$0xFFFFFFE0]  }
0x8d: {  	v12 =	vld [tilespmem:s0+$0xFFFFFFF0]  }
0x8e: {  	v13 =	vld [tilespmem:s0+$0x0];
	_ =	sdelay $0x1  }
0x8f: {  	v14 =	vld [tilespmem:s0+$0x10]  }
0x90: {  	v17 =	vld [tilespmem:s0+$0x20]  }
0x91: {  	v18 =	vld [tilespmem:s0+$0xFFFFFFC0];
	v15 =	vshra.s32 v9, $0x1F;
	v16 =	vshra.s32 v10, $0x1F;
	v19 =	vshra.s32 v11, $0x1F  }
0x92: {  	v62 =	vshra.s32 v12, $0x1F;
	v20 =	vshra.s32 v13, $0x1F;
	v15 =	vand.u32 $0x7FF00000, v15  }
0x93: {  	v16 =	vand.u32 $0x7FF00000, v16;
	v9 =	vxor.u32 v9, v15;
	v15 =	vand.u32 $0x7FF00000, v19  }
0x94: {  	v19 =	vand.u32 $0x7FF00000, v62;
	v16 =	vxor.u32 v10, v16;
	v9 =	vshra.s32 v9, $0x14  }
0x95: {  	v10 =	vshra.s32 v14, $0x1F;
	v63 =	vxor.u32 v11, v15;
	v21 =	vadd.s32 $0x800, v9  }
0x96: {  	v11 =	vand.u32 $0x7FF00000, v10;
	v10 =	vshra.s32 v17, $0x1F;
	v15 =	vshra.s32 v18, $0x1F  }
0x97: {  	v19 =	vxor.u32 v12, v19;
	v9 =	vand.u32 $0x7FF00000, v20;
	v12 =	vand.u32 $0x7FF00000, v10  }
0x98: {  	v15 =	vand.u32 $0x7FF00000, v15;
	v10 =	vxor.u32 v13, v9;
	v9 =	vxor.u32 v14, v11  }
0x99: {  	s24 =	simm.s32 $0x0;
	v13 =	vxor.u32 v18, v15;
	v11 =	vshra.s32 v16, $0x14;
	v12 =	vxor.u32 v17, v12  }
0x9a: {  	s22 =	simm.s32 $0x1FFF;
	s23 =	simm.s32 $0x197F0;
	s0 =	simm.s32 $0x180C0;
	v14 =	vshra.s32 v63, $0x14;
	v15 =	vshra.s32 v13, $0x14;
	v13 =	vshra.s32 v19, $0x14;
	[tilespmem:v21+s12+$0x0] =	vst.idx.add.s32.msk $0xffff, v5  }
.LBB2_6:
0x9b: {  	v16 =	vld [tilespmem:s0+$0x30];
	s24 =	sadd.s32 $0x8, s24;
	v10 =	vshra.s32 v10, $0x14;
	v9 =	vshra.s32 v9, $0x14;
	v12 =	vshra.s32 v12, $0x14  }
0x9c: {  	v15 =	vadd.s32 $0x800, v15;
	v11 =	vadd.s32 $0x800, v11;
	v14 =	vadd.s32 $0x800, v14;
	v17 =	vld [tilespmem:s0+$0xFFFFFFD0];
	p0 =	slt.u32 s24, $0x78  }
0x9d: {  	v13 =	vadd.s32 $0x800, v13;
	v10 =	vadd.s32 $0x800, v10;
	v19 =	vadd.s32 $0x800, v9;
	v18 =	vld [tilespmem:s0+$0xFFFFFFE0]  }
0x9e: {  	v20 =	vadd.s32 $0x800, v12;
	v9 =	vld [tilespmem:s0+$0xFFFFFFF0]  }
0x9f: {  	v12 =	vld [tilespmem:s0+$0x0]  }
0xa0: {  	v21 =	vld [tilespmem:s0+$0x10];
	v22 =	vshra.s32 v16, $0x1F  }
0xa1: {  	v23 =	vshra.s32 v17, $0x1F;
	v24 =	vld [tilespmem:s0+$0x20];
	v22 =	vand.u32 $0x7FF00000, v22  }
0xa2: {  	v25 =	vld [tilespmem:s0+$0xFFFFFFC0];
	v23 =	vand.u32 $0x7FF00000, v23;
	v26 =	vshra.s32 v18, $0x1F;
	v16 =	vxor.u32 v16, v22  }
0xa3: {  	v22 =	vand.u32 $0x7FF00000, v26;
	v26 =	vshra.s32 v9, $0x1F;
	v16 =	vshra.s32 v16, $0x14;
	[tilespmem:v15+s12+$0x0] =	vst.idx.add.s32.msk $0xffff, v5  }
0xa4: {  	v15 =	vand.u32 $0x7FF00000, v26;
	v26 =	vshra.s32 v12, $0x1F;
	v16 =	vadd.s32 $0x800, v16;
	[tilespmem:v11+s12+$0x0] =	vst.idx.add.s32.msk $0xffff, v5  }
0xa5: {  	v11 =	vxor.u32 v17, v23;
	v17 =	vand.u32 $0x7FF00000, v26;
	v23 =	vshra.s32 v21, $0x1F;
	[tilespmem:v14+s12+$0x0] =	vst.idx.add.s32.msk $0xffff, v5  }
.Ltmp4:
0xa6: {  	v14 =	vxor.u32 v18, v22;
	v18 =	vand.u32 $0x7FF00000, v23;
	v22 =	vshra.s32 v24, $0x1F;
	[tilespmem:v13+s12+$0x0] =	vst.idx.add.s32.msk $0xffff, v5;
	(pc) =	sbr.rel @p0 .LBB2_6-.Ltmp4, $4  }
0xa7: {  	v23 =	vxor.u32 v9, v15;
	v13 =	vshra.s32 v25, $0x1F;
	v15 =	vand.u32 $0x7FF00000, v22;
	[tilespmem:v10+s12+$0x0] =	vst.idx.add.s32.msk $0xffff, v5  }
0xa8: {  	v10 =	vxor.u32 v12, v17;
	v9 =	vxor.u32 v21, v18;
	v13 =	vand.u32 $0x7FF00000, v13;
	[tilespmem:v19+s12+$0x0] =	vst.idx.add.s32.msk $0xffff, v5  }
0xa9: {  	s1 =	simm.s32 $0x0;
	v11 =	vshra.s32 v11, $0x14;
	v12 =	vxor.u32 v24, v15;
	v13 =	vxor.u32 v25, v13;
	[tilespmem:v16+s12+$0x0] =	vst.idx.add.s32.msk $0xffff, v5  }
0xaa: {  	s0 =	sadd.s32 $0x80, s0;
	v14 =	vshra.s32 v14, $0x14;
	v15 =	vshra.s32 v13, $0x14;
	v13 =	vshra.s32 v23, $0x14;
	[tilespmem:v20+s12+$0x0] =	vst.idx.add.s32.msk $0xffff, v5  }
0xab: {  	v15 =	vadd.s32 $0x800, v15  }
0xac: {  	v11 =	vadd.s32 $0x800, v11  }
0xad: {  	v14 =	vadd.s32 $0x800, v14  }
0xae: {  	v10 =	vshra.s32 v10, $0x14;
	v13 =	vadd.s32 $0x800, v13  }
0xaf: {  	v9 =	vshra.s32 v9, $0x14;
	v10 =	vadd.s32 $0x800, v10  }
0xb0: {  	v12 =	vshra.s32 v12, $0x14;
	v9 =	vadd.s32 $0x800, v9;
	[tilespmem:v15+s12+$0x0] =	vst.idx.add.s32.msk $0xffff, v5  }
0xb1: {  	v12 =	vadd.s32 $0x800, v12;
	[tilespmem:v11+s12+$0x0] =	vst.idx.add.s32.msk $0xffff, v5  }
0xb2: {  	[tilespmem:v14+s12+$0x0] =	vst.idx.add.s32.msk $0xffff, v5  }
0xb3: {  	[tilespmem:v13+s12+$0x0] =	vst.idx.add.s32.msk $0xffff, v5  }
0xb4: {  	[tilespmem:v10+s12+$0x0] =	vst.idx.add.s32.msk $0xffff, v5  }
0xb5: {  	[tilespmem:v9+s12+$0x0] =	vst.idx.add.s32.msk $0xffff, v5  }
0xb6: {  	[tilespmem:v12+s12+$0x0] =	vst.idx.add.s32.msk $0xffff, v5  }
.LBB2_8:
0xb7: {  	v9 =	vld [tilespmem:s23+$0x0];
	_ =	sdelay $0x4  }
0xb8: {  	(xrf0) =	vadd.scan.msk.s32 $0xffff, v9;
	_ =	sdelay $0x5  }
0xb9: {  	v10, _, _ =	vpop (xrf0)  }
0xba: {  	(v2sf) =	vpush v10, $0xF;
	_ =	sdelay $0xe  }
0xbb: {  	s0 =	smov.u32 s1;
	s31 =	spop (v2sf)  }
0xbc: {  	s1 =	sadd.s32 s0, s31  }
0xbd: {  	p0 =	slt.s32 s1, $0x40  }
.Ltmp5:
0xbe: {  	_ = 	snop;
	(pc) =	sbr.rel @p0 .LBB2_8-.Ltmp5, $2  }
0xbf: {  	_ =	sdelay $0x2  }
0xc0: {  	s22 =	sadd.s32 $0xFFFFFFF0, s22;
	s23 =	sadd.s32 $0xFFFFFFF0, s23  }
0xc1: {  	v11 =	vbroadcast v10, $0xF;
	v9 =	vadd.s32 s0, v9  }
0xc2: {  	v9 =	vsub.s32 v9, v10  }
0xc3: {  	v9 =	vadd.s32 v11, v9  }
0xc4: {  	vm0 =	vgt.s32 v9, $0x3F  }
0xc5: {  	v9 =	vsel vm0, $0x1, v4  }
0xc6: {  	(xrf0) =	vadd.scan.msk.s32 $0xffff, v9;
	_ =	sdelay $0x5  }
0xc7: {  	v9, _, _ =	vpop (xrf0)  }
0xc8: {  	(v2sf) =	vpush v9, $0xF;
	_ =	sdelay $0xa  }
0xc9: {  	s25 =	simm.s32 $0x20  }
0xca: {  	v10 =	vld [tilespmem:s25+$0xFFFFFFE0];
	_ =	sdelay $0x1  }
0xcb: {  	v11 =	vld [tilespmem:s25+$0xFFFFFFF0]  }
0xcc: {  	s1 =	spop (v2sf)  }
0xcd: {  	s1 =	sadd.s32 s22, s1  }
0xce: {  	v9 =	vshra.s32 v10, $0x1F;
	s1 =	sshll.u32 s1, $0x14  }
0xcf: {  	v13 =	vld [tilespmem:s25+$0x0];
	v12 =	vand.u32 $0x7FFFFFFF, v9;
	s22 =	sxor.u32 $0x80000000, s1  }
0xd0: {  	v15 =	vxor.u32 v10, v12;
	v10 =	vshra.s32 v11, $0x1F;
	v9 =	vmov s22  }
0xd1: {  	v14 =	vld [tilespmem:s25+$0x10];
	v10 =	vand.u32 $0x7FFFFFFF, v10;
	vm0 =	vge.s32 v15, v9  }
0xd2: {  	v16 =	vxor.u32 v11, v10;
	v12 =	vmpcnt.ones.xlane vm0  }
0xd3: {  	vm1 =	vge.s32 v16, v9  }
0xd4: {  	v10 =	vshra.s32 v13, $0x1F;
	v11 =	vmpcnt.ones.xlane vm1;
	(v2sf) =	vpush v12, $0x0  }
0xd5: {  	s26 =	simm.s32 $0x60;
	v10 =	vand.u32 $0x7FFFFFFF, v10  }
0xd6: {  	v18 =	vxor.u32 v13, v10;
	v10 =	vshra.s32 v14, $0x1F;
	(v2sf) =	vpush v11, $0x0;
	v11 =	vld [tilespmem:s26+$0xFFFFFFE0]  }
0xd7: {  	v13 =	vld [tilespmem:s26+$0xFFFFFFF0];
	v10 =	vand.u32 $0x7FFFFFFF, v10;
	vm3 =	vge.s32 v18, v9  }
0xd8: {  	v10 =	vxor.u32 v14, v10;
	v12 =	vmpcnt.ones.xlane vm3  }
0xd9: {  	vm7 =	vge.s32 v10, v9  }
0xda: {  	v14 =	vld [tilespmem:s26+$0x0];
	(v2sf) =	vpush v12, $0x0;
	v12 =	vmpcnt.ones.xlane vm7  }
0xdb: {  	v17 =	vshra.s32 v11, $0x1F  }
0xdc: {  	(v2sf) =	vpush v12, $0x0;
	v12 =	vand.u32 $0x7FFFFFFF, v17;
	v17 =	vshra.s32 v13, $0x1F  }
0xdd: {  	v12 =	vxor.u32 v11, v12;
	v11 =	vand.u32 $0x7FFFFFFF, v17;
	v17 =	vld [tilespmem:s26+$0x10]  }
0xde: {  	s9 =	simm.s32 $0xA0;
	vm5 =	vmmov vm1;
	vm1 =	vge.s32 v12, v9  }
0xdf: {  	v20 =	vld [tilespmem:s9+$0xFFFFFFE0];
	v19 =	vshra.s32 v14, $0x1F;
	v11 =	vxor.u32 v13, v11;
	v13 =	vmpcnt.ones.xlane vm1  }
0xe0: {  	v19 =	vand.u32 $0x7FFFFFFF, v19;
	vm2 =	vmmov vm0;
	vm0 =	vmmov vm7  }
0xe1: {  	vm4 =	vge.s32 v11, v9;
	(v2sf) =	vpush v13, $0x0;
	v13 =	vxor.u32 v14, v19  }
0xe2: {  	s23 =	simm.s32 $0x0;
	v21 =	vmpcnt.ones.xlane vm4;
	vm7 =	vge.s32 v13, v9;
	v14 =	vshra.s32 v17, $0x1F  }
0xe3: {  	v22 =	vor.u32 s23, v6;
	v61 =	vmpcnt.ones.xlane vm7;
	v14 =	vand.u32 $0x7FFFFFFF, v14;
	s28 =	spop (v2sf)  }
0xe4: {  	[tilespmem:s23+$0x19800] =	vst.msk vm2, v15;
	(v2sf) =	vpush v21, $0x0;
	v14 =	vxor.u32 v17, v14;
	v17 =	vshra.s32 v20, $0x1F;
	s0 =	sadd.s32 $0x0, s28  }
0xe5: {  	vm6 =	vmmov vm3;
	[tilespmem:s23+$0x1A000] =	vst.msk vm2, v22;
	vm2 =	vmmov vm4;
	v19 =	vld [tilespmem:s9+$0xFFFFFFF0];
	v15 =	vand.u32 $0x7FFFFFFF, v17;
	p0 =	slt.s32 s0, $0x7F0  }
0xe6: {  	s10 =	simm.s32 $0x10;
	s29 =	spop (v2sf);
	vm3 =	vge.s32 v14, v9;
	(v2sf) =	vpush v61, $0x0;
	v15 =	vxor.u32 v20, v15;
	s0 =	simm.s32 @!p0 $0x7F0  }
0xe7: {  	v62 =	vmpcnt.ones.xlane vm3;
	v20 =	vor.u32 s10, v6;
	vm4 =	vge.s32 v15, v9;
	[tilespmem:s0+$0x19800] =	vst.msk vm5, v16  }
0xe8: {  	v17 =	vld [tilespmem:s9+$0x0];
	s25 =	sadd.s32 s0, s29;
	[tilespmem:s0+$0x1A000] =	vst.msk vm5, v20;
	v20 =	vmpcnt.ones.xlane vm4  }
0xe9: {  	(v2sf) =	vpush v62, $0x0;
	p0 =	slt.s32 s25, $0x7F0  }
0xea: {  	s30 =	spop (v2sf);
	v16 =	vshra.s32 v19, $0x1F;
	s25 =	simm.s32 @!p0 $0x7F0;
	(v2sf) =	vpush v20, $0x0  }
0xeb: {  	s31 =	simm.s32 $0x20;
	v16 =	vand.u32 $0x7FFFFFFF, v16;
	s0 =	sadd.s32 s25, s30;
	[tilespmem:s25+$0x19800] =	vst.msk vm6, v18;
	v18 =	vld [tilespmem:s9+$0x10]  }
0xec: {  	s24 =	simm.s32 $0x8;
	v63 =	vor.u32 s31, v6;
	s1 =	simm.s32 $0x30;
	vm1 =	vmmov vm1;
	v16 =	vxor.u32 v19, v16;
	p0 =	slt.s32 s0, $0x7F0  }
0xed: {  	vm5 =	vmmov vm7;
	v19 =	vshra.s32 v17, $0x1F;
	s9 =	spop (v2sf);
	[tilespmem:s25+$0x1A000] =	vst.msk vm6, v63;
	vm6 =	vge.s32 v16, v9;
	s25 =	simm.s32 $0xE0;
	s0 =	simm.s32 @!p0 $0x7F0  }
.LBB2_10:
0xee: {  	v20 =	vld [tilespmem:s25+$0xFFFFFFE0];
	s24 =	sadd.s32 $0x4, s24;
	v21 =	vmpcnt.ones.xlane vm6;
	v19 =	vand.u32 $0x7FFFFFFF, v19;
	[tilespmem:s0+$0x19800] =	vst.msk vm0, v10;
	v22 =	vor.u32 s1, v6;
	s1 =	sadd.s32 s0, s9;
	v10 =	vmovc v14  }
0xef: {  	p0 =	slt.u32 s24, $0x7FC;
	v19 =	vxor.u32 v17, v19;
	[tilespmem:s0+$0x1A000] =	vst.msk vm0, v22;
	p1 =	slt.s32 s1, $0x7F0;
	vm0 =	vmmov vm3  }
0xf0: {  	s23 =	sadd.s32 $0x40, s23;
	vm7 =	vge.s32 v19, v9;
	v14 =	vshra.s32 v18, $0x1F;
	(v2sf) =	vpush v21, $0x0;
	s0 =	spop (v2sf);
	s1 =	simm.s32 @!p1 $0x7F0  }
0xf1: {  	v22 =	vor.u32 s23, v6;
	v21 =	vld [tilespmem:s25+$0xFFFFFFF0];
	v17 =	vmpcnt.ones.xlane vm7;
	v14 =	vand.u32 $0x7FFFFFFF, v14;
	[tilespmem:s1+$0x19800] =	vst.msk vm1, v12;
	s0 =	sadd.s32 s1, s0;
	v12 =	vmovc v15  }
0xf2: {  	v14 =	vxor.u32 v18, v14;
	[tilespmem:s1+$0x1A000] =	vst.msk vm1, v22;
	p1 =	slt.s32 s0, $0x7F0;
	vm1 =	vmmov vm4  }
0xf3: {  	s1 =	sadd.s32 $0x10, s23;
	v15 =	vshra.s32 v20, $0x1F;
	vm3 =	vge.s32 v14, v9;
	(v2sf) =	vpush v17, $0x0;
	s0 =	simm.s32 @!p1 $0x7F0;
	s9 =	spop (v2sf)  }
0xf4: {  	v22 =	vor.u32 s1, v6;
	v15 =	vand.u32 $0x7FFFFFFF, v15;
	v17 =	vld [tilespmem:s25+$0x0];
	v18 =	vmpcnt.ones.xlane vm3;
	[tilespmem:s0+$0x19800] =	vst.msk vm2, v11;
	s1 =	sadd.s32 s0, s9;
	v11 =	vmovc v16  }
.Ltmp6:
0xf5: {  	v15 =	vxor.u32 v20, v15;
	[tilespmem:s0+$0x1A000] =	vst.msk vm2, v22;
	p1 =	slt.s32 s1, $0x7F0;
	vm2 =	vmmov vm6;
	(pc) =	sbr.rel @p0 .LBB2_10-.Ltmp6, $4  }
0xf6: {  	s0 =	sadd.s32 $0x20, s23;
	vm4 =	vge.s32 v15, v9;
	v16 =	vshra.s32 v21, $0x1F;
	(v2sf) =	vpush v18, $0x0;
	s1 =	simm.s32 @!p1 $0x7F0;
	s9 =	spop (v2sf)  }
0xf7: {  	v22 =	vor.u32 s0, v6;
	v20 =	vmpcnt.ones.xlane vm4;
	v16 =	vand.u32 $0x7FFFFFFF, v16;
	v18 =	vld [tilespmem:s25+$0x10];
	[tilespmem:s1+$0x19800] =	vst.msk vm5, v13;
	s0 =	sadd.s32 s1, s9;
	v13 =	vmovc v19  }
0xf8: {  	v16 =	vxor.u32 v21, v16;
	[tilespmem:s1+$0x1A000] =	vst.msk vm5, v22;
	p1 =	slt.s32 s0, $0x7F0;
	s1 =	sadd.s32 $0x30, s23;
	vm5 =	vmmov vm7  }
0xf9: {  	s25 =	sadd.s32 $0x40, s25;
	vm6 =	vge.s32 v16, v9;
	v19 =	vshra.s32 v17, $0x1F;
	(v2sf) =	vpush v20, $0x0;
	s0 =	simm.s32 @!p1 $0x7F0;
	s9 =	spop (v2sf)  }
0xfa: {  	v20 =	vmpcnt.ones.xlane vm6;
	v19 =	vand.u32 $0x7FFFFFFF, v19;
	s9 =	sadd.s32 s0, s9  }
0xfb: {  	v17 =	vxor.u32 v17, v19;
	p0 =	slt.s32 s9, $0x7F0  }
0xfc: {  	s10 =	spop (v2sf);
	vm7 =	vge.s32 v17, v9;
	v61 =	vshra.s32 v18, $0x1F;
	(v2sf) =	vpush v20, $0x0;
	s9 =	simm.s32 @!p0 $0x7F0  }
0xfd: {  	v62 =	vmpcnt.ones.xlane vm7;
	v19 =	vand.u32 $0x7FFFFFFF, v61;
	s10 =	sadd.s32 s9, s10  }
0xfe: {  	v63 =	vxor.u32 v18, v19;
	p0 =	slt.s32 s10, $0x7F0  }
0xff: {  	vm8 =	vge.s32 v63, v9;
	(v2sf) =	vpush v62, $0x0;
	s10 =	simm.s32 @!p0 $0x7F0;
	s24 =	spop (v2sf)  }
0x100: {  	v9 =	vmpcnt.ones.xlane vm8;
	s24 =	sadd.s32 s10, s24  }
0x101: {  	p0 =	slt.s32 s24, $0x7F0  }
0x102: {  	(v2sf) =	vpush v9, $0x0;
	s24 =	simm.s32 @!p0 $0x7F0;
	s25 =	spop (v2sf)  }
0x103: {  	[tilespmem:s0+$0x19800] =	vst.msk vm0, v10;
	v9 =	vor.u32 s1, v6;
	s1 =	sadd.s32 s24, s25  }
0x104: {  	[tilespmem:s9+$0x19800] =	vst.msk vm1, v12;
	p0 =	slt.s32 s1, $0x7F0  }
0x105: {  	[tilespmem:s10+$0x19800] =	vst.msk vm2, v11;
	s1 =	simm.s32 @!p0 $0x7F0;
	s5 =	spop (v2sf)  }
0x106: {  	s4 =	sadd.s32 $0x40, s23;
	[tilespmem:s0+$0x1A000] =	vst.msk vm0, v9;
	s23 =	sadd.s32 s1, s5  }
0x107: {  	v9 =	vor.u32 s4, v6;
	s25 =	sadd.s32 $0x10, s4;
	[tilespmem:s24+$0x19800] =	vst.msk vm5, v13;
	p0 =	slt.s32 s23, $0x7F0  }
0x108: {  	s26 =	sadd.s32 $0x20, s4;
	[tilespmem:s9+$0x1A000] =	vst.msk vm1, v9;
	v9 =	vor.u32 s25, v6;
	s29 =	spop (v2sf);
	s23 =	simm.s32 @!p0 $0x7F0  }
0x109: {  	[tilespmem:s10+$0x1A000] =	vst.msk vm2, v9;
	v9 =	vor.u32 s26, v6;
	s9 =	sadd.s32 s23, s29  }
0x10a: {  	vm11 =	vmmov vm3;
	s30 =	sadd.s32 $0x30, s4;
	[tilespmem:s24+$0x1A000] =	vst.msk vm5, v9;
	p0 =	slt.s32 s9, $0x7F0  }
0x10b: {  	[tilespmem:s1+$0x19800] =	vst.msk vm11, v14;
	v9 =	vor.u32 s30, v6;
	s9 =	simm.s32 @!p0 $0x7F0;
	s31 =	spop (v2sf)  }
0x10c: {  	vm12 =	vmmov vm4;
	s0 =	sadd.s32 $0x40, s4;
	[tilespmem:s1+$0x1A000] =	vst.msk vm11, v9;
	s1 =	sadd.s32 s9, s31  }
0x10d: {  	v9 =	vor.u32 s0, v6;
	[tilespmem:s23+$0x19800] =	vst.msk vm12, v15;
	p0 =	slt.s32 s1, $0x7F0  }
0x10e: {  	vm13 =	vmmov vm6;
	s4 =	sadd.s32 $0x10, s0;
	[tilespmem:s23+$0x1A000] =	vst.msk vm12, v9;
	s1 =	simm.s32 @!p0 $0x7F0;
	s5 =	spop (v2sf)  }
0x10f: {  	v9 =	vor.u32 s4, v6;
	[tilespmem:s9+$0x19800] =	vst.msk vm13, v16;
	s10 =	sadd.s32 s1, s5  }
0x110: {  	vm14 =	vmmov vm7;
	s24 =	sadd.s32 $0x20, s0;
	[tilespmem:s9+$0x1A000] =	vst.msk vm13, v9;
	p0 =	slt.s32 s10, $0x7F0  }
0x111: {  	v9 =	vor.u32 s24, v6;
	[tilespmem:s1+$0x19800] =	vst.msk vm14, v17;
	s10 =	simm.s32 @!p0 $0x7F0;
	s25 =	spop (v2sf)  }
0x112: {  	vm15 =	vmmov vm8;
	s0 =	sadd.s32 $0x30, s0;
	[tilespmem:s1+$0x1A000] =	vst.msk vm14, v9;
	s1 =	sadd.s32 s10, s25  }
0x113: {  	v9 =	vor.u32 s0, v6;
	[tilespmem:s10+$0x19800] =	vst.msk vm15, v63;
	p0 =	slt.s32 s1, $0x7F0  }
0x114: {  	s28 =	simm.s32 $0x0;
	p1 =	slt.s32 s1, $0xFFFFFFF2;
	[tilespmem:s10+$0x1A000] =	vst.msk vm15, v9;
	s1 =	simm.s32 @!p0 $0x7F0  }
0x115: {  	[tilespmem:s28], [sflag:$0x1] =	stream.linear.gather [hbm4b:s7+s28], $0x8000, $0x38;
	[tilespmem:$0x1B200] =	vst v63  }
0x116: {  	s26 =	sadd.s32 $0xF, s1  }
0x117: {  	s29 =	sand.u32 $0xF, s26  }
0x118: {  	s30 =	sshra.s32 s26, $0x1F;
	p6 =	sne.s32 s29, $0x0  }
0x119: {  	s31 =	sshrl.u32 s30, $0x1C;
	p0 =	por !p1, !p6  }
0x11a: {  	s9 =	simm.s32 $0x1;
	s0 =	sadd.s32 s31, s26;
	p0 =	por !p0, !p0  }
0x11b: {  	s0 =	sshra.s32 s0, $0x4;
	s9 =	simm.s32 @!p0 $0x0  }
0x11c: {  	s23 =	ssub.s32 s0, s9  }
0x11d: {  	s0 =	sshrl.u32 s23, $0x1E  }
.Ltmp7:
0x11e: {  	s0 =	sadd.s32 s0, s23;
	(pc) =	sbr.rel .LBB2_12-.Ltmp7, $4  }
0x11f: {  	s24 =	sand.u32 $0xFFFFFFFC, s0  }
0x120: {  	s0 =	sshll.u32 s24, $0x6  }
0x121: {  	s9 =	ssub.s32 s23, s24;
	s26 =	sshra.s32 s0, $0x2  }
0x122: {  	[tilespmem:s1+$0x19800] =	vst v7;
	p1 =	slt.s32 s24, $0x1;
	p0 =	slt.s32 s9, $0x1;
	s25 =	sadd.s32 $0x19800, s26  }
.LBB2_16:
0x123: {  	(v2sf) =	vpush v10, $0x0;
	_ =	sdelay $0xa  }
0x124: {  	p2 =	sgt.s32 s29, s22;
	s1 =	smov.u32 s22;
	s28 =	sadd.s32 $0x1, s28  }
0x125: {  	s1 =	smov.u32 @p2 s29;
	p2 =	sne.s32 s28, $0x1F  }
.Ltmp8:
0x126: {  	_ = 	snop;
	(pc) =	sbr.rel @!p2 .LBB2_17-.Ltmp8, $4  }
0x127: {  	_ = 	snop  }
0x128: {  	s0 =	spop (v2sf)  }
0x129: {  	p3 =	sgt.s32 s0, $0x3F  }
0x12a: {  	s22 =	smov.u32 @p3 s1  }
.LBB2_12:
.Ltmp9:
0x12b: {  	(pc) =	sbr.rel @p1 .LBB2_13-.Ltmp9, $4  }
0x12c: {  	_ = 	snop  }
0x12d: {  	s0 =	sshrl.u32 s13, s28  }
0x12e: {  	s29 =	sadd.s32 s0, s22  }
0x12f: {  	v10 =	vimm.s32 $0x0;
	v9 =	vmov s29  }
0x130: {  	p3 =	sgt.s32 s24, $0x4  }
.Ltmp10:
0x131: {  	s0 =	simm.s32 $0x19820;
	(pc) =	sbr.rel @!p3 .LBB2_128-.Ltmp10, $4  }
0x132: {  	v14 =	vld [tilespmem:s0+$0xFFFFFFE0]  }
0x133: {  	v12 =	vld [tilespmem:s0+$0xFFFFFFF0]  }
0x134: {  	v13 =	vld [tilespmem:s0+$0x0]  }
0x135: {  	p2 =	por $0x0, $0x0;
	v11 =	vld [tilespmem:s0+$0x10]  }
0x136: {  	_ = 	snop  }
0x137: {  	p3 =	sgt.s32 s24, $0x8;
	vm0 =	vge.s32 v14, v9  }
.Ltmp11:
0x138: {  	s0 =	simm.s32 $0x19860;
	v15 =	vmpcnt.ones.xlane vm0;
	vm13 =	vge.s32 v12, v9;
	(pc) =	sbr.rel @!p3 .LBB2_131-.Ltmp11, $4  }
0x139: {  	v14 =	vld [tilespmem:s0+$0xFFFFFFE0];
	v16 =	vmpcnt.ones.xlane vm13;
	vm14 =	vge.s32 v13, v9  }
0x13a: {  	v12 =	vld [tilespmem:s0+$0xFFFFFFF0];
	v15 =	vadd.s32 v10, v15;
	v17 =	vmpcnt.ones.xlane vm14  }
0x13b: {  	v13 =	vld [tilespmem:s0+$0x0];
	vm15 =	vge.s32 v11, v9;
	v16 =	vadd.s32 v16, v15  }
0x13c: {  	s1 =	simm.s32 $0x8;
	p2 =	por $0x1, $0x1;
	v11 =	vld [tilespmem:s0+$0x10];
	v15 =	vmpcnt.ones.xlane vm15;
	v16 =	vadd.s32 v17, v16  }
.LBB2_130:
0x13d: {  	s1 =	sadd.s32 $0x4, s1  }
0x13e: {  	vm0 =	vge.s32 v14, v9;
	s0 =	sadd.s32 $0x40, s0;
	v15 =	vadd.s32 v15, v16;
	p3 =	slt.s32 s1, s24  }
.Ltmp12:
0x13f: {  	v14 =	vld [tilespmem:s0+$0xFFFFFFE0];
	v16 =	vmpcnt.ones.xlane vm0;
	vm0 =	vge.s32 v12, v9;
	(pc) =	sbr.rel @p3 .LBB2_130-.Ltmp12, $4  }
0x140: {  	v12 =	vld [tilespmem:s0+$0xFFFFFFF0];
	v17 =	vmpcnt.ones.xlane vm0;
	vm0 =	vge.s32 v13, v9  }
0x141: {  	v13 =	vld [tilespmem:s0+$0x0];
	v15 =	vadd.s32 v15, v16;
	v16 =	vmpcnt.ones.xlane vm0;
	vm0 =	vge.s32 v11, v9  }
0x142: {  	v11 =	vld [tilespmem:s0+$0x10];
	v17 =	vadd.s32 v17, v15;
	v15 =	vmpcnt.ones.xlane vm0  }
0x143: {  	v16 =	vadd.s32 v16, v17  }
.LBB2_131:
0x144: {  	_ = 	snop  }
0x145: {  	vm0 =	vge.s32 v14, v9  }
0x146: {  	v14 =	vadd.s32 @p2 v15, v16;
	v63 =	vmpcnt.ones.xlane vm0;
	vm13 =	vge.s32 v12, v9  }
0x147: {  	v10 =	vpsel p2, v14, v10;
	v12 =	vmpcnt.ones.xlane vm13;
	vm14 =	vge.s32 v13, v9  }
0x148: {  	v10 =	vadd.s32 v10, v63;
	v13 =	vmpcnt.ones.xlane vm14;
	vm15 =	vge.s32 v11, v9  }
0x149: {  	v10 =	vadd.s32 v12, v10;
	v11 =	vmpcnt.ones.xlane vm15  }
0x14a: {  	v10 =	vadd.s32 v13, v10  }
0x14b: {  	v10 =	vadd.s32 v11, v10  }
.LBB2_13:
.Ltmp13:
0x14c: {  	(pc) =	sbr.rel @p0 .LBB2_16-.Ltmp13, $1  }
0x14d: {  	_ =	sdelay $0x3  }
0x14e: {  	s0 =	smov.u32 s25;
	s1 =	smov.u32 s24  }
.LBB2_15:
0x14f: {  	v11 =	vld [tilespmem:s0+$0x0];
	_ =	sdelay $0x1  }
0x150: {  	s1 =	sadd.s32 $0x1, s1  }
0x151: {  	p2 =	slt.s32 s1, s23  }
.Ltmp14:
0x152: {  	_ = 	snop;
	(pc) =	sbr.rel @p2 .LBB2_15-.Ltmp14, $3  }
0x153: {  	vm0 =	vge.s32 v11, v9  }
0x154: {  	v11 =	vmpcnt.ones.xlane vm0;
	_ =	sdelay $0x1  }
0x155: {  	s0 =	sadd.s32 $0x10, s0;
	v10 =	vadd.s32 v10, v11  }
.Ltmp15:
0x156: {  	_ = 	snop;
	(pc) =	sbr.rel .LBB2_16-.Ltmp15, $1  }
0x157: {  	_ =	sdelay $0x3  }
.LBB2_128:
.Ltmp16:
0x158: {  	(pc) =	sbr.rel .LBB2_131-.Ltmp16, $2  }
0x159: {  	_ =	sdelay $0x2  }
0x15a: {  	_ = 	snop  }
.LBB2_17:
.Ltmp17:
0x15b: {  	(pc) =	sbr.rel @p1 .LBB2_18-.Ltmp17, $2  }
0x15c: {  	_ =	sdelay $0x2  }
0x15d: {  	v9 =	vmov s22;
	v10 =	vimm.s32 $0x0  }
0x15e: {  	p3 =	sgt.s32 s24, $0x4  }
.Ltmp18:
0x15f: {  	s0 =	simm.s32 $0x19820;
	(pc) =	sbr.rel @!p3 .LBB2_133-.Ltmp18, $4  }
0x160: {  	v14 =	vld [tilespmem:s0+$0xFFFFFFE0]  }
0x161: {  	v12 =	vld [tilespmem:s0+$0xFFFFFFF0]  }
0x162: {  	v13 =	vld [tilespmem:s0+$0x0]  }
0x163: {  	p2 =	por $0x0, $0x0;
	v11 =	vld [tilespmem:s0+$0x10]  }
0x164: {  	_ = 	snop  }
0x165: {  	p3 =	sgt.s32 s24, $0x8;
	vm0 =	vgt.s32 v14, v9  }
.Ltmp19:
0x166: {  	s0 =	simm.s32 $0x19860;
	v15 =	vmpcnt.ones.xlane vm0;
	vm13 =	vgt.s32 v12, v9;
	(pc) =	sbr.rel @!p3 .LBB2_136-.Ltmp19, $4  }
0x167: {  	v14 =	vld [tilespmem:s0+$0xFFFFFFE0];
	v16 =	vmpcnt.ones.xlane vm13;
	vm14 =	vgt.s32 v13, v9  }
0x168: {  	v12 =	vld [tilespmem:s0+$0xFFFFFFF0];
	v15 =	vadd.s32 v10, v15;
	v17 =	vmpcnt.ones.xlane vm14  }
0x169: {  	v13 =	vld [tilespmem:s0+$0x0];
	vm15 =	vgt.s32 v11, v9;
	v16 =	vadd.s32 v16, v15  }
0x16a: {  	s1 =	simm.s32 $0x8;
	p2 =	por $0x1, $0x1;
	v11 =	vld [tilespmem:s0+$0x10];
	v15 =	vmpcnt.ones.xlane vm15;
	v16 =	vadd.s32 v17, v16  }
.LBB2_135:
0x16b: {  	s1 =	sadd.s32 $0x4, s1  }
0x16c: {  	vm0 =	vgt.s32 v14, v9;
	s0 =	sadd.s32 $0x40, s0;
	v15 =	vadd.s32 v15, v16;
	p3 =	slt.s32 s1, s24  }
.Ltmp20:
0x16d: {  	v14 =	vld [tilespmem:s0+$0xFFFFFFE0];
	v16 =	vmpcnt.ones.xlane vm0;
	vm0 =	vgt.s32 v12, v9;
	(pc) =	sbr.rel @p3 .LBB2_135-.Ltmp20, $4  }
0x16e: {  	v12 =	vld [tilespmem:s0+$0xFFFFFFF0];
	v17 =	vmpcnt.ones.xlane vm0;
	vm0 =	vgt.s32 v13, v9  }
0x16f: {  	v13 =	vld [tilespmem:s0+$0x0];
	v15 =	vadd.s32 v15, v16;
	v16 =	vmpcnt.ones.xlane vm0;
	vm0 =	vgt.s32 v11, v9  }
0x170: {  	v11 =	vld [tilespmem:s0+$0x10];
	v17 =	vadd.s32 v17, v15;
	v15 =	vmpcnt.ones.xlane vm0  }
0x171: {  	v16 =	vadd.s32 v16, v17  }
.LBB2_136:
0x172: {  	_ = 	snop  }
0x173: {  	vm0 =	vgt.s32 v14, v9  }
0x174: {  	v14 =	vadd.s32 @p2 v15, v16;
	v63 =	vmpcnt.ones.xlane vm0;
	vm13 =	vgt.s32 v12, v9  }
0x175: {  	v10 =	vpsel p2, v14, v10;
	v12 =	vmpcnt.ones.xlane vm13;
	vm14 =	vgt.s32 v13, v9  }
0x176: {  	v10 =	vadd.s32 v10, v63;
	v13 =	vmpcnt.ones.xlane vm14;
	vm15 =	vgt.s32 v11, v9  }
0x177: {  	v10 =	vadd.s32 v12, v10;
	v11 =	vmpcnt.ones.xlane vm15  }
0x178: {  	v10 =	vadd.s32 v13, v10  }
0x179: {  	v10 =	vadd.s32 v11, v10  }
.LBB2_18:
.Ltmp21:
0x17a: {  	(pc) =	sbr.rel @p0 .LBB2_21-.Ltmp21, $1  }
0x17b: {  	_ =	sdelay $0x3  }
0x17c: {  	s0 =	smov.u32 s25;
	s1 =	smov.u32 s24  }
.LBB2_20:
0x17d: {  	v11 =	vld [tilespmem:s0+$0x0];
	_ =	sdelay $0x1  }
0x17e: {  	s1 =	sadd.s32 $0x1, s1  }
0x17f: {  	p2 =	slt.s32 s1, s23  }
.Ltmp22:
0x180: {  	_ = 	snop;
	(pc) =	sbr.rel @p2 .LBB2_20-.Ltmp22, $3  }
0x181: {  	vm0 =	vgt.s32 v11, v9  }
0x182: {  	v11 =	vmpcnt.ones.xlane vm0;
	_ =	sdelay $0x1  }
0x183: {  	s0 =	sadd.s32 $0x10, s0;
	v10 =	vadd.s32 v10, v11  }
.LBB2_21:
0x184: {  	(v2sf) =	vpush v10, $0x0;
	_ =	sdelay $0xa  }
.Ltmp23:
0x185: {  	_ = 	snop;
	(pc) =	sbr.rel @p1 .LBB2_22-.Ltmp23, $2  }
0x186: {  	_ =	sdelay $0x2  }
0x187: {  	s28 =	spop (v2sf)  }
0x188: {  	s0 =	simm.s32 $0x19820  }
0x189: {  	v10 =	vld [tilespmem:s0+$0xFFFFFFE0]  }
0x18a: {  	v11 =	vld [tilespmem:s0+$0xFFFFFFF0];
	_ =	sdelay $0x3  }
0x18b: {  	vm1 =	veq.s32 v10, v9  }
0x18c: {  	vm0 =	veq.s32 v11, v9;
	v10 =	vmpcnt.ones.xlane vm1  }
0x18d: {  	v11 =	vmpcnt.ones.xlane vm0  }
0x18e: {  	(v2sf) =	vpush v10, $0x0  }
0x18f: {  	(v2sf) =	vpush v11, $0x0;
	_ =	sdelay $0x6  }
0x190: {  	p2 =	sgt.s32 s24, $0x4;
	v13 =	vld [tilespmem:s0+$0x0]  }
.Ltmp24:
0x191: {  	_ = 	snop;
	(pc) =	sbr.rel @!p2 .LBB2_138-.Ltmp24, $3  }
0x192: {  	_ =	sdelay $0x1  }
0x193: {  	s29 =	simm.s32 $0x0  }
0x194: {  	s30 =	simm.s32 $0x1A020;
	s1 =	simm.s32 $0x19860;
	p1 =	por $0x0, $0x0;
	v12 =	vld [tilespmem:s0+$0x10];
	vm2 =	veq.s32 v13, v9  }
0x195: {  	_ = 	snop  }
0x196: {  	v10 =	vld [tilespmem:s1+$0xFFFFFFE0]  }
0x197: {  	v11 =	vld [tilespmem:s1+$0xFFFFFFF0];
	v13 =	vmpcnt.ones.xlane vm2;
	_ =	sdelay $0x1  }
0x198: {  	(v2sf) =	vpush v13, $0x0;
	vm6 =	veq.s32 v12, v9  }
0x199: {  	v12 =	vmpcnt.ones.xlane vm6  }
0x19a: {  	vm3 =	vmmov vm1;
	vm4 =	vmmov vm0;
	vm1 =	veq.s32 v10, v9  }
0x19b: {  	vm0 =	veq.s32 v11, v9;
	v13 =	vmpcnt.ones.xlane vm1;
	(v2sf) =	vpush v12, $0x0  }
0x19c: {  	v14 =	vld [tilespmem:s1+$0x0];
	p2 =	sgt.s32 s24, $0x8;
	v15 =	vmpcnt.ones.xlane vm0  }
.Ltmp25:
0x19d: {  	v10 =	vld [tilespmem:s30+$0xFFFFFFE0];
	(v2sf) =	vpush v13, $0x0;
	(pc) =	sbr.rel @!p2 .LBB2_140-.Ltmp25, $4  }
0x19e: {  	(v2sf) =	vpush v15, $0x0  }
0x19f: {  	v12 =	vld [tilespmem:s1+$0x10]  }
0x1a0: {  	s0 =	simm.s32 $0x8;
	s9 =	simm.s32 $0x198A0;
	p1 =	por $0x1, $0x1;
	v11 =	vld [tilespmem:s30+$0xFFFFFFF0]  }
0x1a1: {  	vm5 =	vmmov vm2;
	s31 =	simm.s32 $0x1A020;
	s10 =	spop (v2sf);
	vm6 =	vmmov vm6;
	vm2 =	veq.s32 v14, v9;
	s1 =	simm.s32 $0x0  }
.LBB2_141:
0x1a2: {  	v13 =	vld [tilespmem:s9+$0xFFFFFFE0];
	s0 =	sadd.s32 $0x4, s0;
	v14 =	vmpcnt.ones.xlane vm2;
	[tilespmem:s1+$0x1A800] =	vst.msk vm3, v10;
	s1 =	sadd.s32 s1, s10;
	vm3 =	vmmov vm1  }
0x1a3: {  	p2 =	slt.s32 s0, s24;
	p3 =	slt.s32 s1, $0x7F0;
	v10 =	vld [tilespmem:s31+$0x0]  }
0x1a4: {  	vm7 =	veq.s32 v12, v9;
	(v2sf) =	vpush v14, $0x0;
	s1 =	simm.s32 @!p3 $0x7F0;
	s10 =	spop (v2sf)  }
0x1a5: {  	v12 =	vld [tilespmem:s9+$0xFFFFFFF0];
	v14 =	vmpcnt.ones.xlane vm7;
	[tilespmem:s1+$0x1A800] =	vst.msk vm4, v11;
	s1 =	sadd.s32 s1, s10;
	vm4 =	vmmov vm0  }
0x1a6: {  	p3 =	slt.s32 s1, $0x7F0;
	v11 =	vld [tilespmem:s31+$0x10]  }
0x1a7: {  	vm1 =	veq.s32 v13, v9;
	(v2sf) =	vpush v14, $0x0;
	s1 =	simm.s32 @!p3 $0x7F0;
	s10 =	spop (v2sf)  }
0x1a8: {  	s31 =	sadd.s32 $0x40, s31;
	v13 =	vmpcnt.ones.xlane vm1;
	v14 =	vld [tilespmem:s9+$0x0];
	[tilespmem:s1+$0x1A800] =	vst.msk vm5, v10;
	s1 =	sadd.s32 s1, s10;
	vm5 =	vmmov vm2  }
.Ltmp26:
0x1a9: {  	v10 =	vld [tilespmem:s31+$0xFFFFFFE0];
	p3 =	slt.s32 s1, $0x7F0;
	(pc) =	sbr.rel @p2 .LBB2_141-.Ltmp26, $4  }
0x1aa: {  	vm0 =	veq.s32 v12, v9;
	(v2sf) =	vpush v13, $0x0;
	s1 =	simm.s32 @!p3 $0x7F0;
	s10 =	spop (v2sf)  }
0x1ab: {  	v13 =	vmpcnt.ones.xlane vm0;
	v12 =	vld [tilespmem:s9+$0x10];
	[tilespmem:s1+$0x1A800] =	vst.msk vm6, v11;
	s1 =	sadd.s32 s1, s10;
	vm6 =	vmmov vm7  }
0x1ac: {  	v11 =	vld [tilespmem:s31+$0xFFFFFFF0];
	p3 =	slt.s32 s1, $0x7F0  }
0x1ad: {  	s9 =	sadd.s32 $0x40, s9;
	vm2 =	veq.s32 v14, v9;
	(v2sf) =	vpush v13, $0x0;
	s10 =	spop (v2sf);
	s1 =	simm.s32 @!p3 $0x7F0  }
0x1ae: {  	_ = 	snop  }
.LBB2_143:
0x1af: {  	s0 =	sadd.s32 @p1 s1, s10  }
0x1b0: {  	p2 =	slt.s32 @p1 s0, $0x7F0  }
0x1b1: {  	p2 =	por !p2, !p1  }
0x1b2: {  	s9 =	spop @p1 (v2sf);
	s0 =	simm.s32 @p2 $0x7F0  }
0x1b3: {  	s9 =	sadd.s32 @p1 s0, s9  }
0x1b4: {  	v13 =	vmpcnt.ones.xlane vm2;
	p2 =	slt.s32 @p1 s9, $0x7F0  }
0x1b5: {  	p2 =	por !p2, !p1  }
0x1b6: {  	vm7 =	veq.s32 v12, v9;
	(v2sf) =	vpush v13, $0x0;
	s10 =	spop @p1 (v2sf);
	s9 =	simm.s32 @p2 $0x7F0  }
0x1b7: {  	v12 =	vmpcnt.ones.xlane vm7;
	s10 =	sadd.s32 @p1 s9, s10  }
0x1b8: {  	p2 =	slt.s32 @p1 s10, $0x7F0  }
0x1b9: {  	(v2sf) =	vpush v12, $0x0;
	p2 =	por !p2, !p1  }
0x1ba: {  	s4 =	spop @p1 (v2sf);
	s10 =	simm.s32 @p2 $0x7F0  }
0x1bb: {  	s4 =	sadd.s32 @p1 s10, s4  }
0x1bc: {  	p2 =	slt.s32 @p1 s4, $0x7F0  }
0x1bd: {  	p2 =	por !p2, !p1  }
0x1be: {  	s4 =	simm.s32 @p2 $0x7F0  }
0x1bf: {  	s5 =	spop (v2sf);
	s29 =	smov.u32 @p1 s4  }
0x1c0: {  	s5 =	sadd.s32 s29, s5  }
0x1c1: {  	v12 =	vld @p1 [tilespmem:s31+$0x0];
	s4 =	sadd.s32 @p1 $0x40, s31;
	p2 =	slt.s32 s5, $0x7F0  }
0x1c2: {  	v13 =	vld @p1 [tilespmem:s31+$0x10];
	s31 =	spop (v2sf);
	s30 =	smov.u32 @p1 s4;
	s5 =	simm.s32 @!p2 $0x7F0  }
0x1c3: {  	v14 =	vld [tilespmem:s30+$0xFFFFFFE0];
	s4 =	sadd.s32 s5, s31  }
0x1c4: {  	[tilespmem:s1+$0x1A800] =	vst.msk @p1 vm3, v10;
	v10 =	vld [tilespmem:s30+$0xFFFFFFF0];
	p2 =	slt.s32 s4, $0x7F0  }
0x1c5: {  	[tilespmem:s0+$0x1A800] =	vst.msk @p1 vm4, v11;
	s1 =	spop (v2sf);
	v11 =	vld [tilespmem:s30+$0x0];
	s4 =	simm.s32 @!p2 $0x7F0  }
0x1c6: {  	[tilespmem:s9+$0x1A800] =	vst.msk @p1 vm5, v12;
	v63 =	vld [tilespmem:s30+$0x10];
	s1 =	sadd.s32 s4, s1  }
.Ltmp27:
0x1c7: {  	vm1 =	vmmov vm1;
	[tilespmem:s10+$0x1A800] =	vst.msk @p1 vm6, v13;
	p1 =	slt.s32 s1, $0x7F0;
	(pc) =	sbr.rel .LBB2_23-.Ltmp27, $4  }
0x1c8: {  	vm0 =	vmmov vm0;
	s31 =	spop (v2sf);
	[tilespmem:s29+$0x1A800] =	vst.msk vm1, v14;
	s1 =	simm.s32 @!p1 $0x7F0  }
0x1c9: {  	vm14 =	vmmov vm2;
	[tilespmem:s5+$0x1A800] =	vst.msk vm0, v10;
	s0 =	sadd.s32 s1, s31  }
0x1ca: {  	vm15 =	vmmov vm7;
	[tilespmem:s4+$0x1A800] =	vst.msk vm14, v11;
	p1 =	slt.s32 s0, $0x7F0  }
0x1cb: {  	[tilespmem:s1+$0x1A800] =	vst.msk vm15, v63;
	s0 =	simm.s32 @!p1 $0x7F0  }
.LBB2_22:
0x1cc: {  	s0 =	simm.s32 $0x0  }
.LBB2_23:
.Ltmp28:
0x1cd: {  	(pc) =	sbr.rel @p0 .LBB2_26-.Ltmp28, $1  }
0x1ce: {  	_ =	sdelay $0x3  }
0x1cf: {  	s1 =	sadd.s32 $0x1A000, s26  }
.LBB2_25:
0x1d0: {  	v10 =	vld [tilespmem:s25+$0x0];
	_ =	sdelay $0x4  }
0x1d1: {  	vm0 =	veq.s32 v10, v9  }
0x1d2: {  	v10 =	vmpcnt.ones.xlane vm0;
	_ =	sdelay $0x1  }
0x1d3: {  	(v2sf) =	vpush v10, $0x0;
	_ =	sdelay $0xa  }
0x1d4: {  	v10 =	vld [tilespmem:s1+$0x0]  }
0x1d5: {  	s24 =	sadd.s32 $0x1, s24  }
0x1d6: {  	p1 =	slt.s32 s24, s23  }
.Ltmp29:
0x1d7: {  	_ = 	snop;
	(pc) =	sbr.rel @p1 .LBB2_25-.Ltmp29, $4  }
0x1d8: {  	s4 =	spop (v2sf)  }
0x1d9: {  	[tilespmem:s0+$0x1A800] =	vst.msk vm0, v10;
	s0 =	sadd.s32 s0, s4  }
0x1da: {  	p0 =	slt.s32 s0, $0x7F0  }
0x1db: {  	s25 =	sadd.s32 $0x10, s25;
	s1 =	sadd.s32 $0x10, s1;
	s0 =	simm.s32 @!p0 $0x7F0  }
.LBB2_26:
0x1dc: {  	s1 =	sadd.s32 $0xF, s0  }
0x1dd: {  	s4 =	sand.u32 $0xF, s1  }
0x1de: {  	p0 =	slt.s32 s0, $0xFFFFFFF2;
	s5 =	sshra.s32 s1, $0x1F;
	p1 =	sne.s32 s4, $0x0  }
0x1df: {  	s31 =	sshrl.u32 s5, $0x1C;
	p0 =	por !p0, !p1  }
0x1e0: {  	s4 =	simm.s32 $0x1;
	s1 =	sadd.s32 s31, s1;
	p0 =	por !p0, !p0  }
0x1e1: {  	s1 =	sshra.s32 s1, $0x4;
	s4 =	simm.s32 @!p0 $0x0  }
0x1e2: {  	s1 =	ssub.s32 s1, s4  }
0x1e3: {  	s4 =	sshrl.u32 s1, $0x1F  }
.Ltmp30:
0x1e4: {  	s4 =	sadd.s32 s4, s1;
	(pc) =	sbr.rel .LBB2_27-.Ltmp30, $4  }
0x1e5: {  	s25 =	sand.u32 $0xFFFFFFFE, s4  }
0x1e6: {  	s26 =	ssub.s32 $0x40, s28;
	s1 =	ssub.s32 s1, s25  }
0x1e7: {  	s24 =	simm.s32 $0x0;
	s4 =	sshll.u32 s25, $0x6;
	p0 =	slt.s32 s1, $0x1  }
0x1e8: {  	[tilespmem:s0+$0x1A800] =	vst v8;
	s0 =	simm.s32 $0x0;
	p1 =	slt.s32 s25, $0x1;
	s28 =	sshra.s32 @!p0 s4, $0x2  }
.LBB2_28:
0x1e9: {  	v10 =	vimm.s32 $0x0  }
.LBB2_29:
0x1ea: {  	v11 =	vld @!p0 [tilespmem:s28+$0x1A800];
	_ =	sdelay $0x4  }
0x1eb: {  	vm0 =	vlt.s32 @!p0 v11, s1  }
0x1ec: {  	v11 =	vmpcnt.ones.xlane @!p0 vm0;
	_ =	sdelay $0x1  }
0x1ed: {  	v11 =	vadd.s32 @!p0 v10, v11  }
0x1ee: {  	v10 =	vpsel p0, v10, v11  }
0x1ef: {  	(v2sf) =	vpush v10, $0x0;
	_ =	sdelay $0xa  }
0x1f0: {  	s0 =	sadd.s32 $0x1, s0  }
0x1f1: {  	p3 =	sne.s32 s0, $0xF  }
.Ltmp31:
0x1f2: {  	_ = 	snop;
	(pc) =	sbr.rel @!p3 .LBB2_30-.Ltmp31, $4  }
0x1f3: {  	_ = 	snop  }
0x1f4: {  	s4 =	spop (v2sf)  }
0x1f5: {  	p2 =	slt.s32 s4, s26  }
0x1f6: {  	s24 =	smov.u32 @p2 s1  }
.LBB2_27:
.Ltmp32:
0x1f7: {  	(pc) =	sbr.rel @p1 .LBB2_28-.Ltmp32, $3  }
0x1f8: {  	_ =	sdelay $0x1  }
0x1f9: {  	s1 =	sshrl.u32 s14, s0  }
0x1fa: {  	s1 =	sadd.s32 s1, s24  }
0x1fb: {  	p3 =	sgt.s32 s25, $0x2  }
.Ltmp33:
0x1fc: {  	_ = 	snop;
	(pc) =	sbr.rel @!p3 .LBB2_145-.Ltmp33, $4  }
0x1fd: {  	_ = 	snop  }
0x1fe: {  	s9 =	simm.s32 $0x1A810  }
0x1ff: {  	v13 =	vld [tilespmem:s9+$0xFFFFFFF0]  }
0x200: {  	v11 =	vmov s1;
	v10 =	vimm.s32 $0x0;
	p2 =	por $0x0, $0x0;
	v12 =	vld [tilespmem:s9+$0x0]  }
0x201: {  	_ = 	snop  }
0x202: {  	p3 =	sgt.s32 s25, $0x4  }
.Ltmp34:
0x203: {  	_ = 	snop;
	(pc) =	sbr.rel @!p3 .LBB2_148-.Ltmp34, $4  }
0x204: {  	vm0 =	vlt.s32 v13, v11  }
0x205: {  	s9 =	simm.s32 $0x1A830;
	v15 =	vmpcnt.ones.xlane vm0  }
0x206: {  	v13 =	vld [tilespmem:s9+$0xFFFFFFF0];
	vm15 =	vlt.s32 v12, v11  }
0x207: {  	s10 =	simm.s32 $0x4;
	p2 =	por $0x1, $0x1;
	v12 =	vld [tilespmem:s9+$0x0];
	v14 =	vmpcnt.ones.xlane vm15;
	v15 =	vadd.s32 v10, v15  }
.LBB2_147:
0x208: {  	s10 =	sadd.s32 $0x2, s10  }
0x209: {  	v15 =	vadd.s32 v14, v15;
	p3 =	slt.s32 s10, s25  }
.Ltmp35:
0x20a: {  	(pc) =	sbr.rel @p3 .LBB2_147-.Ltmp35, $4  }
0x20b: {  	s9 =	sadd.s32 $0x20, s9;
	vm0 =	vlt.s32 v13, v11  }
0x20c: {  	v13 =	vld [tilespmem:s9+$0xFFFFFFF0];
	v16 =	vmpcnt.ones.xlane vm0;
	vm0 =	vlt.s32 v12, v11  }
0x20d: {  	v12 =	vld [tilespmem:s9+$0x0];
	v14 =	vmpcnt.ones.xlane vm0  }
0x20e: {  	v15 =	vadd.s32 v15, v16  }
.LBB2_148:
0x20f: {  	_ =	sdelay $0x2  }
.Ltmp36:
0x210: {  	vm0 =	vlt.s32 v13, v11;
	(pc) =	sbr.rel .LBB2_29-.Ltmp36, $4  }
0x211: {  	v13 =	vadd.s32 @p2 v14, v15;
	v63 =	vmpcnt.ones.xlane vm0;
	vm15 =	vlt.s32 v12, v11  }
0x212: {  	v10 =	vpsel p2, v13, v10;
	v11 =	vmpcnt.ones.xlane vm15  }
0x213: {  	v10 =	vadd.s32 v10, v63  }
0x214: {  	v10 =	vadd.s32 v11, v10  }
.LBB2_145:
.Ltmp37:
0x215: {  	(pc) =	sbr.rel .LBB2_148-.Ltmp37, $2  }
0x216: {  	_ =	sdelay $0x2  }
0x217: {  	_ = 	snop  }
.LBB2_30:
0x218: {  	s0 =	sshrl.u32 s23, $0x1F  }
0x219: {  	s0 =	sadd.s32 s0, s23  }
0x21a: {  	s25 =	sand.u32 $0xFFFFFFFE, s0  }
0x21b: {  	p0 =	slt.s32 s25, $0x1  }
.Ltmp38:
0x21c: {  	_ = 	snop;
	(pc) =	sbr.rel @p0 .LBB2_31-.Ltmp38, $1  }
0x21d: {  	_ =	sdelay $0x3  }
0x21e: {  	s1 =	simm.s32 $0x19810  }
0x21f: {  	v15 =	vld [tilespmem:s1+$0x0]  }
0x220: {  	s0 =	simm.s32 $0x1A010;
	v12 =	vld [tilespmem:s1+$0xFFFFFFF0]  }
0x221: {  	v13 =	vld [tilespmem:s0+$0xFFFFFFF0]  }
0x222: {  	p2 =	sgt.s32 s25, $0x2;
	v10 =	vld [tilespmem:s0+$0x0]  }
.Ltmp39:
0x223: {  	_ = 	snop;
	(pc) =	sbr.rel @!p2 .LBB2_150-.Ltmp39, $4  }
0x224: {  	v16 =	vmov s24  }
0x225: {  	vm1 =	vgt.s32 v15, $0x0;
	vm0 =	vgt.s32 v12, $0x0;
	vm4 =	vgt.s32 v12, v9  }
0x226: {  	s26 =	simm.s32 $0x0;
	vm2 =	vle.s32 v13, v16;
	v11 =	vnsel vm1, $0x0, v15;
	vm1 =	veq.s32 v12, v9  }
0x227: {  	p0 =	por $0x0, $0x0;
	p1 =	por $0x0, $0x0;
	s0 =	simm.s32 $0x19830;
	vm5 =	veq.s32 v15, v9;
	vm6 =	vle.s32 v10, v16;
	vm7 =	vmand vm1, vm2  }
0x228: {  	vm1 =	vmor vm4, vm7;
	vm2 =	vgt.s32 v15, v9;
	vm3 =	vmand vm5, vm6  }
0x229: {  	v15 =	vmpcnt.ones.xlane vm1;
	vm2 =	vmor vm2, vm3  }
0x22a: {  	v17 =	vmpcnt.ones.xlane vm2  }
0x22b: {  	(v2sf) =	vpush v15, $0x0  }
0x22c: {  	(v2sf) =	vpush v17, $0x0;
	_ =	sdelay $0x4  }
0x22d: {  	v20 =	vld [tilespmem:s0+$0x0]  }
0x22e: {  	v18 =	vld [tilespmem:s0+$0xFFFFFFF0];
	s31 =	simm.s32 $0x1A030  }
0x22f: {  	v19 =	vld [tilespmem:s31+$0xFFFFFFF0]  }
0x230: {  	v14 =	vadd.s32 v0, v10;
	p2 =	sgt.s32 s25, $0x4;
	v10 =	vld [tilespmem:s31+$0x0]  }
.Ltmp40:
0x231: {  	v22 =	vnsel vm0, $0x0, v12;
	(pc) =	sbr.rel @!p2 .LBB2_152-.Ltmp40, $4  }
0x232: {  	v21 =	vadd.s32 v0, v13;
	vm1 =	vmmov vm1;
	vm2 =	vmmov vm2  }
0x233: {  	vm3 =	vgt.s32 v20, $0x0;
	vm0 =	vgt.s32 v18, $0x0;
	vm4 =	vgt.s32 v18, v9  }
0x234: {  	v17 =	vnsel vm3, $0x0, v20;
	vm3 =	veq.s32 v18, v9;
	vm5 =	vle.s32 v19, v16  }
0x235: {  	s0 =	simm.s32 $0x19850;
	p0 =	por $0x1, $0x1;
	vm6 =	vle.s32 v10, v16;
	vm7 =	vmand vm3, vm5;
	vm5 =	veq.s32 v20, v9  }
0x236: {  	vm4 =	vmor vm4, vm7;
	vm3 =	vgt.s32 v20, v9;
	vm5 =	vmand vm5, vm6  }
0x237: {  	v23 =	vmpcnt.ones.xlane vm4;
	vm5 =	vmor vm3, vm5  }
0x238: {  	v15 =	vld [tilespmem:s0+$0x0];
	v24 =	vmpcnt.ones.xlane vm5  }
0x239: {  	v12 =	vld [tilespmem:s0+$0xFFFFFFF0];
	s29 =	simm.s32 $0x1A050;
	(v2sf) =	vpush v23, $0x0  }
0x23a: {  	v13 =	vld [tilespmem:s29+$0xFFFFFFF0];
	(v2sf) =	vpush v24, $0x0  }
0x23b: {  	v20 =	vadd.s32 v0, v10;
	p2 =	sgt.s32 s25, $0x6;
	v10 =	vld [tilespmem:s29+$0x0]  }
.Ltmp41:
0x23c: {  	v18 =	vnsel vm0, $0x0, v18;
	v19 =	vadd.s32 v0, v19;
	[tilespmem:s26+$0x1B000] =	vst.msk vm1, v22;
	(pc) =	sbr.rel @!p2 .LBB2_154-.Ltmp41, $4  }
0x23d: {  	vm3 =	vmmov vm2;
	[tilespmem:s26+$0x1B080] =	vst.msk vm1, v21;
	vm1 =	vmmov vm4;
	vm2 =	vmmov vm5  }
0x23e: {  	vm5 =	vgt.s32 v15, $0x0;
	vm0 =	vgt.s32 v12, $0x0;
	vm4 =	vgt.s32 v12, v9  }
0x23f: {  	s0 =	simm.s32 $0x6;
	v21 =	vnsel vm5, $0x0, v15;
	vm5 =	veq.s32 v12, v9;
	vm6 =	vle.s32 v13, v16  }
0x240: {  	s1 =	simm.s32 $0x19870;
	p1 =	por $0x1, $0x1;
	s28 =	simm.s32 $0x0;
	vm7 =	vmand vm5, vm6;
	vm5 =	veq.s32 v15, v9;
	vm6 =	vle.s32 v10, v16  }
.LBB2_155:
0x241: {  	vm4 =	vmor vm4, vm7;
	vm7 =	vgt.s32 v15, v9;
	v15 =	vld [tilespmem:s1+$0x0];
	vm5 =	vmand vm5, vm6;
	s4 =	spop (v2sf)  }
0x242: {  	v22 =	vnsel vm0, $0x0, v12;
	s29 =	sadd.s32 $0x20, s29;
	v12 =	vld [tilespmem:s1+$0xFFFFFFF0];
	v23 =	vmpcnt.ones.xlane vm4;
	vm0 =	vmor vm7, vm5;
	s4 =	sadd.s32 s28, s4;
	s5 =	spop (v2sf)  }
0x243: {  	s0 =	sadd.s32 $0x2, s0;
	v24 =	vadd.s32 v0, v13;
	v25 =	vadd.s32 v0, v10;
	v13 =	vld [tilespmem:s29+$0xFFFFFFF0];
	v26 =	vmpcnt.ones.xlane vm0;
	[tilespmem:s4+$0x1B000] =	vst.msk vm3, v11;
	s28 =	sadd.s32 s4, s5;
	v11 =	vmovc v17  }
0x244: {  	p2 =	slt.s32 s0, s25;
	v17 =	vmovc v21;
	v10 =	vld [tilespmem:s29+$0x0];
	(v2sf) =	vpush v23, $0x0;
	[tilespmem:s4+$0x1B080] =	vst.msk vm3, v14;
	v14 =	vmovc v20;
	v20 =	vmov v25;
	vm3 =	vmmov vm2  }
.Ltmp42:
0x245: {  	vm2 =	vmmov vm0;
	(v2sf) =	vpush v26, $0x0;
	[tilespmem:s28+$0x1B000] =	vst.msk vm1, v18;
	v18 =	vmov v22;
	(pc) =	sbr.rel @p2 .LBB2_155-.Ltmp42, $4  }
0x246: {  	vm5 =	vgt.s32 v15, $0x0;
	[tilespmem:s28+$0x1B080] =	vst.msk vm1, v19;
	v19 =	vmov v24;
	vm1 =	vmmov vm4  }
0x247: {  	vm0 =	vgt.s32 v12, $0x0;
	v21 =	vnsel vm5, $0x0, v15  }
0x248: {  	vm4 =	vgt.s32 v12, v9;
	vm5 =	veq.s32 v12, v9;
	vm6 =	vle.s32 v13, v16  }
0x249: {  	s1 =	sadd.s32 $0x20, s1;
	vm7 =	vmand vm5, vm6;
	vm5 =	veq.s32 v15, v9;
	vm6 =	vle.s32 v10, v16  }
0x24a: {  	v23 =	vmov v11;
	v24 =	vmov v14  }
0x24b: {  	v16 =	vmovc v17;
	v14 =	vmovc v20;
	v11 =	vmov v21;
	v22 =	vmov v18;
	v21 =	vmov v19  }
.LBB2_157:
0x24c: {  	vm4 =	vmor vm4, vm7  }
0x24d: {  	vm13 =	vgt.s32 v15, v9;
	vm5 =	vmand vm5, vm6;
	v9 =	vmpcnt.ones.xlane vm4  }
0x24e: {  	vm5 =	vmor vm13, vm5  }
0x24f: {  	v62 =	vmpcnt.ones.xlane vm5;
	(v2sf) =	vpush v9, $0x0;
	_ =	sdelay $0x1  }
0x250: {  	(v2sf) =	vpush v62, $0x0;
	_ =	sdelay $0x4  }
0x251: {  	s0 =	spop @p1 (v2sf)  }
0x252: {  	s1 =	spop @p1 (v2sf);
	s0 =	sadd.s32 @p1 s28, s0  }
0x253: {  	s4 =	simm.s32 $0x0;
	[tilespmem:s0+$0x1B000] =	vst.msk @p1 vm3, v23;
	s1 =	sadd.s32 @p1 s0, s1  }
0x254: {  	[tilespmem:s0+$0x1B080] =	vst.msk @p1 vm3, v24;
	s4 =	smov.u32 @p1 s1  }
0x255: {  	vm2 =	vmmov @p0 vm2;
	[tilespmem:s4+$0x1B000] =	vst.msk @p0 vm1, v22;
	v9 =	vmov @p0 v16;
	s0 =	spop @p0 (v2sf)  }
0x256: {  	[tilespmem:s4+$0x1B080] =	vst.msk @p0 vm1, v21;
	vm1 =	vmmov @p0 vm2;
	v9 =	vpsel p0, v9, v0;
	s0 =	sadd.s32 @p0 s4, s0;
	s1 =	spop @p0 (v2sf)  }
0x257: {  	v14 =	vpsel p0, v14, v0;
	[tilespmem:s0+$0x1B000] =	vst.msk @p0 vm1, v9;
	s1 =	sadd.s32 @p0 s0, s1  }
.Ltmp43:
0x258: {  	vm14 =	vmmov vm4;
	v9 =	vnsel vm0, $0x0, v12;
	[tilespmem:s0+$0x1B080] =	vst.msk @p0 vm1, v14;
	s26 =	smov.u32 @p0 s1;
	(pc) =	sbr.rel .LBB2_32-.Ltmp43, $4  }
0x259: {  	v63 =	vadd.s32 v0, v13;
	vm15 =	vmmov vm5;
	[tilespmem:s26+$0x1B000] =	vst.msk vm14, v9;
	s30 =	spop (v2sf)  }
0x25a: {  	vm1 =	vmmov vm15;
	[tilespmem:s26+$0x1B080] =	vst.msk vm14, v63;
	s1 =	sadd.s32 s26, s30  }
0x25b: {  	v9 =	vadd.s32 v0, v10;
	s31 =	spop (v2sf);
	[tilespmem:s1+$0x1B000] =	vst.msk vm1, v11  }
0x25c: {  	s0 =	sadd.s32 s1, s31;
	[tilespmem:s1+$0x1B080] =	vst.msk vm1, v9  }
.LBB2_31:
0x25d: {  	s0 =	simm.s32 $0x0  }
.LBB2_32:
0x25e: {  	s1 =	ssub.s32 s23, s25  }
0x25f: {  	p0 =	slt.s32 s1, $0x1  }
0x260: {  	s1 =	sshll.u32 @!p0 s25, $0x4  }
0x261: {  	v9 =	vld @!p0 [tilespmem:s1+$0x19800]  }
0x262: {  	v10 =	vld @!p0 [tilespmem:s1+$0x1A000];
	_ =	sdelay $0x4  }
0x263: {  	vm0 =	veq.s32 @!p0 v9, s22;
	vm1 =	vle.s32 @!p0 v10, s24  }
0x264: {  	vm2 =	vgt.s32 @!p0 v9, s22;
	vm0 =	vmand @!p0 vm0, vm1;
	vm1 =	vgt.s32 @!p0 v9, $0x0  }
0x265: {  	vm0 =	vmor @!p0 vm2, vm0;
	v9 =	vnsel @!p0 vm1, $0x0, v9  }
0x266: {  	[tilespmem:s0+$0x1B000] =	vst.msk @!p0 vm0, v9;
	v9 =	vadd.s32 @!p0 v0, v10  }
0x267: {  	[tilespmem:s0+$0x1B080] =	vst.msk @!p0 vm0, v9  }
0x268: {  	v9 =	vld [tilespmem:$0x1B000]  }
0x269: {  	v10 =	vld [tilespmem:$0x1B080]  }
0x26a: {  	v11 =	vld [tilespmem:$0x1B010]  }
0x26b: {  	v12 =	vld [tilespmem:$0x1B090]  }
0x26c: {  	v13 =	vld [tilespmem:$0x1B020]  }
0x26d: {  	[tilespmem:$0x1B100] =	vst v9;
	v9 =	vld [tilespmem:$0x1B0A0]  }
0x26e: {  	[tilespmem:$0x1B180] =	vst v10;
	v10 =	vld [tilespmem:$0x1B030]  }
0x26f: {  	[tilespmem:$0x1B110] =	vst v11;
	v11 =	vld [tilespmem:$0x1B0B0]  }
0x270: {  	[tilespmem:$0x1B190] =	vst v12  }
0x271: {  	[tilespmem:$0x1B120] =	vst v13  }
0x272: {  	[tilespmem:$0x1B1A0] =	vst v9  }
0x273: {  	[tilespmem:$0x1B130] =	vst v10  }
0x274: {  	[tilespmem:$0x1B1B0] =	vst v11  }
0x275: {  	[hbm4b:s2+s15] =	stream.indirect.scatter [tilespmem:s17], [sflag:$0x4], $0x1, s16, s15, $0xb8;
	[tilespmem:$0x1B200] =	vst v63  }
0x276: {  	_ =	swait.ge [sflag:s18], $0x8000  }
0x277: {  	[sflag:s18] =	ssyncset.done $0x0  }
0x278: {  	s31 =	simm.s32 $0x8100;
	[sflag:s18] =	ssyncadd.s32 $0xFFFF8000  }
0x279: {  	v10 =	vld [tilespmem:s31+$0x0]  }
0x27a: {  	v11 =	vld [tilespmem:s31+$0x10]  }
0x27b: {  	v12 =	vld [tilespmem:s31+$0x20]  }
0x27c: {  	v13 =	vld [tilespmem:s31+$0x30]  }
0x27d: {  	v14 =	vld [tilespmem:s31+$0x40]  }
0x27e: {  	v15 =	vld [tilespmem:s31+$0x50]  }
0x27f: {  	v16 =	vld [tilespmem:s31+$0x60]  }
0x280: {  	v17 =	vld [tilespmem:s31+$0x70]  }
0x281: {  	v18 =	vld [tilespmem:s31+$0x80]  }
0x282: {  	v19 =	vld [tilespmem:s31+$0x90]  }
0x283: {  	v20 =	vld [tilespmem:s31+$0xA0]  }
0x284: {  	v21 =	vld [tilespmem:s31+$0xB0]  }
0x285: {  	v22 =	vld [tilespmem:s31+$0xC0]  }
0x286: {  	v23 =	vld [tilespmem:s31+$0xD0]  }
0x287: {  	v24 =	vld [tilespmem:s31+$0xE0]  }
0x288: {  	v25 =	vld [tilespmem:s31+$0xF0]  }
0x289: {  	v9 =	vld [tilespmem:s31+$0xFFFFFF10]  }
0x28a: {  	v26 =	vld [tilespmem:s31+$0xFFFFFF20]  }
0x28b: {  	v27 =	vld [tilespmem:s31+$0xFFFFFF30]  }
0x28c: {  	v28 =	vld [tilespmem:s31+$0xFFFFFF40]  }
0x28d: {  	v29 =	vld [tilespmem:s31+$0xFFFFFF50]  }
0x28e: {  	v30 =	vld [tilespmem:s31+$0xFFFFFF60]  }
0x28f: {  	v31 =	vld [tilespmem:s31+$0xFFFFFF70]  }
0x290: {  	v32 =	vld [tilespmem:s31+$0xFFFFFF80]  }
0x291: {  	v33 =	vld [tilespmem:s31+$0xFFFFFF90]  }
0x292: {  	v34 =	vld [tilespmem:s31+$0xFFFFFFA0];
	v10 =	vmax.f32 v10, v11;
	v11 =	vmax.f32 v12, v13;
	v13 =	vmax.f32 v14, v15  }
0x293: {  	v14 =	vmax.f32 v16, v17;
	v15 =	vmax.f32 v18, v19;
	v16 =	vmax.f32 v20, v21;
	v18 =	vld [tilespmem:s31+$0xFFFFFFB0]  }
0x294: {  	v17 =	vmax.f32 v22, v23;
	v19 =	vmax.f32 v24, v25;
	v12 =	vld [tilespmem:s31+$0xFFFFFFC0];
	v10 =	vmax.f32 v10, v11  }
0x295: {  	v11 =	vmax.f32 v13, v14;
	v14 =	vmax.f32 v15, v16;
	v15 =	vmax.f32 v17, v19;
	v13 =	vld [tilespmem:s31+$0xFFFFFFD0]  }
0x296: {  	v16 =	vmax.f32 v28, v29;
	v11 =	vmax.f32 v10, v11;
	v15 =	vmax.f32 v14, v15;
	v14 =	vld [tilespmem:s31+$0xFFFFFFE0]  }
0x297: {  	s22 =	simm.s32 $0x18010;
	v17 =	vmax.f32 v30, v31;
	v10 =	vmax.f32 v26, v27;
	v11 =	vmax.f32 v11, v15;
	v15 =	vld [tilespmem:s31+$0xFFFFFFF0]  }
0x298: {  	s23 =	simm.s32 $0x0;
	s24 =	simm.s32 $0x8300;
	[tilespmem:s22+$0x0] =	vst v11;
	v11 =	vmax.f32 v16, v17;
	v17 =	vmax.f32 v32, v33;
	v16 =	vld [tilespmem:s31+$0xFFFFFF00];
	v18 =	vmax.f32 v34, v18  }
.LBB2_33:
0x299: {  	v19 =	vld [tilespmem:s24+$0x0];
	v17 =	vmax.f32 v17, v18  }
0x29a: {  	v18 =	vld [tilespmem:s24+$0x10];
	v12 =	vmax.f32 v12, v13  }
0x29b: {  	v13 =	vld [tilespmem:s24+$0x20]  }
0x29c: {  	v20 =	vld [tilespmem:s24+$0x30];
	v14 =	vmax.f32 v14, v15  }
0x29d: {  	v15 =	vld [tilespmem:s24+$0x40];
	v9 =	vmax.f32 v16, v9;
	v12 =	vmax.f32 v12, v14  }
0x29e: {  	v14 =	vld [tilespmem:s24+$0x50];
	v9 =	vmax.f32 v9, v10;
	v10 =	vmax.f32 v17, v12  }
0x29f: {  	v12 =	vld [tilespmem:s24+$0x60];
	v9 =	vmax.f32 v9, v11  }
0x2a0: {  	v11 =	vld [tilespmem:s24+$0x70];
	v9 =	vmax.f32 v9, v10  }
0x2a1: {  	v10 =	vld [tilespmem:s24+$0x80];
	[tilespmem:s22+$0xFFFFFFF0] =	vst v9  }
0x2a2: {  	v16 =	vld [tilespmem:s24+$0x90]  }
0x2a3: {  	v17 =	vld [tilespmem:s24+$0xA0]  }
0x2a4: {  	v21 =	vld [tilespmem:s24+$0xB0]  }
0x2a5: {  	v22 =	vld [tilespmem:s24+$0xC0]  }
0x2a6: {  	v23 =	vld [tilespmem:s24+$0xD0]  }
0x2a7: {  	v24 =	vld [tilespmem:s24+$0xE0]  }
0x2a8: {  	s23 =	sadd.s32 $0x2, s23;
	v25 =	vld [tilespmem:s24+$0xF0]  }
0x2a9: {  	p0 =	slt.u32 s23, $0x7E;
	v9 =	vld [tilespmem:s24+$0xFFFFFF10]  }
0x2aa: {  	v26 =	vld [tilespmem:s24+$0xFFFFFF20]  }
0x2ab: {  	v18 =	vmax.f32 v19, v18;
	v13 =	vmax.f32 v13, v20;
	v14 =	vmax.f32 v15, v14;
	v27 =	vld [tilespmem:s24+$0xFFFFFF30]  }
0x2ac: {  	v11 =	vmax.f32 v12, v11;
	v10 =	vmax.f32 v10, v16;
	v12 =	vmax.f32 v17, v21;
	v15 =	vld [tilespmem:s24+$0xFFFFFF40]  }
0x2ad: {  	v13 =	vmax.f32 v18, v13;
	v17 =	vmax.f32 v22, v23;
	v16 =	vld [tilespmem:s24+$0xFFFFFF50];
	v19 =	vmax.f32 v24, v25  }
0x2ae: {  	v11 =	vmax.f32 v14, v11;
	v10 =	vmax.f32 v10, v12;
	v18 =	vld [tilespmem:s24+$0xFFFFFF60];
	v12 =	vmax.f32 v17, v19  }
0x2af: {  	v11 =	vmax.f32 v13, v11;
	v14 =	vld [tilespmem:s24+$0xFFFFFF70];
	v12 =	vmax.f32 v10, v12  }
0x2b0: {  	s22 =	sadd.s32 $0x20, s22;
	v17 =	vld [tilespmem:s24+$0xFFFFFF80];
	v10 =	vmax.f32 v26, v27;
	v11 =	vmax.f32 v11, v12  }
0x2b1: {  	s0 =	simm.s32 $0x18840;
	v19 =	vld [tilespmem:s24+$0xFFFFFF90];
	[tilespmem:s22+$0x0] =	vst v11  }
0x2b2: {  	v20 =	vld [tilespmem:s24+$0xFFFFFFA0];
	v11 =	vmax.f32 v15, v16  }
0x2b3: {  	v21 =	vld [tilespmem:s24+$0xFFFFFFB0]  }
.Ltmp44:
0x2b4: {  	v12 =	vld [tilespmem:s24+$0xFFFFFFC0];
	v14 =	vmax.f32 v18, v14;
	(pc) =	sbr.rel @p0 .LBB2_33-.Ltmp44, $4  }
0x2b5: {  	v13 =	vld [tilespmem:s24+$0xFFFFFFD0];
	v11 =	vmax.f32 v11, v14  }
0x2b6: {  	v14 =	vld [tilespmem:s24+$0xFFFFFFE0];
	v17 =	vmax.f32 v17, v19  }
0x2b7: {  	v15 =	vld [tilespmem:s24+$0xFFFFFFF0]  }
0x2b8: {  	v16 =	vld [tilespmem:s24+$0xFFFFFF00];
	v18 =	vmax.f32 v20, v21;
	s24 =	sadd.s32 $0x200, s24  }
0x2b9: {  	_ =	sdelay $0x3  }
0x2ba: {  	v12 =	vmax.f32 v12, v13;
	v62 =	vmax.f32 v14, v15;
	v9 =	vmax.f32 v16, v9  }
0x2bb: {  	v63 =	vmax.f32 v17, v18;
	v12 =	vmax.f32 v12, v62;
	v9 =	vmax.f32 v9, v10  }
0x2bc: {  	v10 =	vmax.f32 v63, v12;
	v9 =	vmax.f32 v9, v11  }
0x2bd: {  	v9 =	vmax.f32 v9, v10  }
0x2be: {  	[tilespmem:s22+$0xFFFFFFF0] =	vst v9  }
0x2bf: {  	[tilespmem:s0+$0xFFFFFFC0] =	vst v4  }
0x2c0: {  	[tilespmem:s0+$0x30] =	vst v4  }
0x2c1: {  	[tilespmem:s0+$0x20] =	vst v4  }
0x2c2: {  	[tilespmem:s0+$0x10] =	vst v4  }
0x2c3: {  	[tilespmem:s0+$0x0] =	vst v4  }
0x2c4: {  	[tilespmem:s0+$0xFFFFFFF0] =	vst v4  }
0x2c5: {  	s1 =	simm.s32 $0x0;
	[tilespmem:s0+$0xFFFFFFE0] =	vst v4  }
.LBB2_35:
0x2c6: {  	s1 =	sadd.s32 $0x8, s1;
	[tilespmem:s0+$0xFFFFFFD0] =	vst v4;
	s0 =	sadd.s32 $0x80, s0  }
0x2c7: {  	[tilespmem:s0+$0xFFFFFFC0] =	vst v4;
	p0 =	slt.u32 s1, $0xF8  }
0x2c8: {  	[tilespmem:s0+$0x30] =	vst v4  }
.Ltmp45:
0x2c9: {  	[tilespmem:s0+$0x20] =	vst v4;
	(pc) =	sbr.rel @p0 .LBB2_35-.Ltmp45, $4  }
0x2ca: {  	[tilespmem:s0+$0x10] =	vst v4  }
0x2cb: {  	[tilespmem:s0+$0x0] =	vst v4  }
0x2cc: {  	[tilespmem:s0+$0xFFFFFFF0] =	vst v4  }
0x2cd: {  	[tilespmem:s0+$0xFFFFFFE0] =	vst v4  }
0x2ce: {  	[tilespmem:s0+$0xFFFFFFD0] =	vst v4;
	s31 =	simm.s32 $0x18040  }
0x2cf: {  	v9 =	vld [tilespmem:s31+$0x30]  }
0x2d0: {  	v10 =	vld [tilespmem:s31+$0xFFFFFFD0]  }
0x2d1: {  	v11 =	vld [tilespmem:s31+$0xFFFFFFE0]  }
0x2d2: {  	v12 =	vld [tilespmem:s31+$0xFFFFFFF0]  }
0x2d3: {  	v13 =	vld [tilespmem:s31+$0x0];
	_ =	sdelay $0x1  }
0x2d4: {  	v14 =	vld [tilespmem:s31+$0x10]  }
0x2d5: {  	v17 =	vld [tilespmem:s31+$0x20]  }
0x2d6: {  	v18 =	vld [tilespmem:s31+$0xFFFFFFC0];
	v15 =	vshra.s32 v9, $0x1F;
	v16 =	vshra.s32 v10, $0x1F;
	v19 =	vshra.s32 v11, $0x1F  }
0x2d7: {  	v62 =	vshra.s32 v12, $0x1F;
	v20 =	vshra.s32 v13, $0x1F;
	v15 =	vand.u32 $0x7FF00000, v15  }
0x2d8: {  	v16 =	vand.u32 $0x7FF00000, v16;
	v9 =	vxor.u32 v9, v15;
	v15 =	vand.u32 $0x7FF00000, v19  }
0x2d9: {  	v19 =	vand.u32 $0x7FF00000, v62;
	v16 =	vxor.u32 v10, v16;
	v9 =	vshra.s32 v9, $0x14  }
0x2da: {  	v10 =	vshra.s32 v14, $0x1F;
	v63 =	vxor.u32 v11, v15;
	v21 =	vadd.s32 $0x800, v9  }
0x2db: {  	v11 =	vand.u32 $0x7FF00000, v10;
	v10 =	vshra.s32 v17, $0x1F;
	v15 =	vshra.s32 v18, $0x1F  }
0x2dc: {  	v19 =	vxor.u32 v12, v19;
	v9 =	vand.u32 $0x7FF00000, v20;
	v12 =	vand.u32 $0x7FF00000, v10  }
0x2dd: {  	v15 =	vand.u32 $0x7FF00000, v15;
	v10 =	vxor.u32 v13, v9;
	v9 =	vxor.u32 v14, v11  }
0x2de: {  	v13 =	vxor.u32 v18, v15;
	v11 =	vshra.s32 v16, $0x14;
	v12 =	vxor.u32 v17, v12  }
0x2df: {  	s22 =	simm.s32 $0x0;
	s0 =	simm.s32 $0x180C0;
	v14 =	vshra.s32 v63, $0x14;
	v15 =	vshra.s32 v13, $0x14;
	v13 =	vshra.s32 v19, $0x14;
	[tilespmem:v21+s12+$0x0] =	vst.idx.add.s32.msk $0xffff, v5  }
.LBB2_37:
0x2e0: {  	v16 =	vld [tilespmem:s0+$0x30];
	s22 =	sadd.s32 $0x8, s22;
	v10 =	vshra.s32 v10, $0x14;
	v9 =	vshra.s32 v9, $0x14;
	v12 =	vshra.s32 v12, $0x14  }
0x2e1: {  	v15 =	vadd.s32 $0x800, v15;
	v11 =	vadd.s32 $0x800, v11;
	v14 =	vadd.s32 $0x800, v14;
	v17 =	vld [tilespmem:s0+$0xFFFFFFD0];
	p0 =	slt.u32 s22, $0x78  }
0x2e2: {  	v13 =	vadd.s32 $0x800, v13;
	v10 =	vadd.s32 $0x800, v10;
	v19 =	vadd.s32 $0x800, v9;
	v18 =	vld [tilespmem:s0+$0xFFFFFFE0]  }
0x2e3: {  	v20 =	vadd.s32 $0x800, v12;
	v9 =	vld [tilespmem:s0+$0xFFFFFFF0]  }
0x2e4: {  	v12 =	vld [tilespmem:s0+$0x0]  }
0x2e5: {  	v21 =	vld [tilespmem:s0+$0x10];
	v22 =	vshra.s32 v16, $0x1F  }
0x2e6: {  	v23 =	vshra.s32 v17, $0x1F;
	v24 =	vld [tilespmem:s0+$0x20];
	v22 =	vand.u32 $0x7FF00000, v22  }
0x2e7: {  	v25 =	vld [tilespmem:s0+$0xFFFFFFC0];
	v23 =	vand.u32 $0x7FF00000, v23;
	v26 =	vshra.s32 v18, $0x1F;
	v16 =	vxor.u32 v16, v22  }
0x2e8: {  	v22 =	vand.u32 $0x7FF00000, v26;
	v26 =	vshra.s32 v9, $0x1F;
	v16 =	vshra.s32 v16, $0x14;
	[tilespmem:v15+s12+$0x0] =	vst.idx.add.s32.msk $0xffff, v5  }
0x2e9: {  	v15 =	vand.u32 $0x7FF00000, v26;
	v26 =	vshra.s32 v12, $0x1F;
	v16 =	vadd.s32 $0x800, v16;
	[tilespmem:v11+s12+$0x0] =	vst.idx.add.s32.msk $0xffff, v5  }
0x2ea: {  	v11 =	vxor.u32 v17, v23;
	v17 =	vand.u32 $0x7FF00000, v26;
	v23 =	vshra.s32 v21, $0x1F;
	[tilespmem:v14+s12+$0x0] =	vst.idx.add.s32.msk $0xffff, v5  }
.Ltmp46:
0x2eb: {  	v14 =	vxor.u32 v18, v22;
	v18 =	vand.u32 $0x7FF00000, v23;
	v22 =	vshra.s32 v24, $0x1F;
	[tilespmem:v13+s12+$0x0] =	vst.idx.add.s32.msk $0xffff, v5;
	(pc) =	sbr.rel @p0 .LBB2_37-.Ltmp46, $4  }
0x2ec: {  	v23 =	vxor.u32 v9, v15;
	v13 =	vshra.s32 v25, $0x1F;
	v15 =	vand.u32 $0x7FF00000, v22;
	[tilespmem:v10+s12+$0x0] =	vst.idx.add.s32.msk $0xffff, v5  }
0x2ed: {  	v10 =	vxor.u32 v12, v17;
	v9 =	vxor.u32 v21, v18;
	v13 =	vand.u32 $0x7FF00000, v13;
	[tilespmem:v19+s12+$0x0] =	vst.idx.add.s32.msk $0xffff, v5  }
0x2ee: {  	s10 =	simm.s32 $0x0;
	s1 =	simm.s32 $0x1FFF;
	s9 =	simm.s32 $0x197F0;
	v11 =	vshra.s32 v11, $0x14;
	v12 =	vxor.u32 v24, v15;
	v13 =	vxor.u32 v25, v13;
	[tilespmem:v16+s12+$0x0] =	vst.idx.add.s32.msk $0xffff, v5  }
0x2ef: {  	s0 =	sadd.s32 $0x80, s0;
	v14 =	vshra.s32 v14, $0x14;
	v15 =	vshra.s32 v13, $0x14;
	v13 =	vshra.s32 v23, $0x14;
	[tilespmem:v20+s12+$0x0] =	vst.idx.add.s32.msk $0xffff, v5  }
0x2f0: {  	v15 =	vadd.s32 $0x800, v15  }
0x2f1: {  	v11 =	vadd.s32 $0x800, v11  }
0x2f2: {  	v14 =	vadd.s32 $0x800, v14  }
0x2f3: {  	v10 =	vshra.s32 v10, $0x14;
	v13 =	vadd.s32 $0x800, v13  }
0x2f4: {  	v9 =	vshra.s32 v9, $0x14;
	v10 =	vadd.s32 $0x800, v10  }
0x2f5: {  	v12 =	vshra.s32 v12, $0x14;
	v9 =	vadd.s32 $0x800, v9;
	[tilespmem:v15+s12+$0x0] =	vst.idx.add.s32.msk $0xffff, v5  }
0x2f6: {  	v12 =	vadd.s32 $0x800, v12;
	[tilespmem:v11+s12+$0x0] =	vst.idx.add.s32.msk $0xffff, v5  }
0x2f7: {  	[tilespmem:v14+s12+$0x0] =	vst.idx.add.s32.msk $0xffff, v5  }
0x2f8: {  	[tilespmem:v13+s12+$0x0] =	vst.idx.add.s32.msk $0xffff, v5  }
0x2f9: {  	[tilespmem:v10+s12+$0x0] =	vst.idx.add.s32.msk $0xffff, v5  }
0x2fa: {  	[tilespmem:v9+s12+$0x0] =	vst.idx.add.s32.msk $0xffff, v5  }
0x2fb: {  	[tilespmem:v12+s12+$0x0] =	vst.idx.add.s32.msk $0xffff, v5  }
.LBB2_39:
0x2fc: {  	v9 =	vld [tilespmem:s9+$0x0];
	_ =	sdelay $0x4  }
0x2fd: {  	(xrf0) =	vadd.scan.msk.s32 $0xffff, v9;
	_ =	sdelay $0x5  }
0x2fe: {  	v10, _, _ =	vpop (xrf0)  }
0x2ff: {  	(v2sf) =	vpush v10, $0xF;
	_ =	sdelay $0xe  }
0x300: {  	s4 =	spop (v2sf)  }
0x301: {  	s0 =	smov.u32 s10;
	s10 =	sadd.s32 s10, s4  }
0x302: {  	p0 =	slt.s32 s10, $0x40  }
.Ltmp47:
0x303: {  	_ = 	snop;
	(pc) =	sbr.rel @p0 .LBB2_39-.Ltmp47, $2  }
0x304: {  	_ =	sdelay $0x2  }
0x305: {  	s1 =	sadd.s32 $0xFFFFFFF0, s1;
	s9 =	sadd.s32 $0xFFFFFFF0, s9  }
0x306: {  	v11 =	vbroadcast v10, $0xF;
	v9 =	vadd.s32 s0, v9  }
0x307: {  	v9 =	vsub.s32 v9, v10  }
0x308: {  	v9 =	vadd.s32 v11, v9  }
0x309: {  	vm0 =	vgt.s32 v9, $0x3F  }
0x30a: {  	v9 =	vsel vm0, $0x1, v4  }
0x30b: {  	(xrf0) =	vadd.scan.msk.s32 $0xffff, v9;
	_ =	sdelay $0x5  }
0x30c: {  	v9, _, _ =	vpop (xrf0)  }
0x30d: {  	(v2sf) =	vpush v9, $0xF;
	_ =	sdelay $0xa  }
0x30e: {  	s24 =	simm.s32 $0x8020  }
0x30f: {  	v9 =	vld [tilespmem:s24+$0xFFFFFFE0];
	_ =	sdelay $0x1  }
0x310: {  	v10 =	vld [tilespmem:s24+$0xFFFFFFF0]  }
0x311: {  	s4 =	spop (v2sf)  }
0x312: {  	s1 =	sadd.s32 s1, s4  }
0x313: {  	v11 =	vshra.s32 v9, $0x1F;
	s1 =	sshll.u32 s1, $0x14  }
0x314: {  	v13 =	vld [tilespmem:s24+$0x0];
	v12 =	vand.u32 $0x7FFFFFFF, v11;
	s22 =	sxor.u32 $0x80000000, s1  }
0x315: {  	v15 =	vxor.u32 v9, v12;
	v9 =	vshra.s32 v10, $0x1F;
	v11 =	vmov s22  }
0x316: {  	v14 =	vld [tilespmem:s24+$0x10];
	v9 =	vand.u32 $0x7FFFFFFF, v9;
	vm0 =	vge.s32 v15, v11  }
0x317: {  	v16 =	vxor.u32 v10, v9;
	v12 =	vmpcnt.ones.xlane vm0  }
0x318: {  	vm1 =	vge.s32 v16, v11  }
0x319: {  	v9 =	vshra.s32 v13, $0x1F;
	v10 =	vmpcnt.ones.xlane vm1;
	(v2sf) =	vpush v12, $0x0  }
0x31a: {  	s25 =	simm.s32 $0x8060;
	v9 =	vand.u32 $0x7FFFFFFF, v9  }
0x31b: {  	v18 =	vxor.u32 v13, v9;
	v9 =	vshra.s32 v14, $0x1F;
	(v2sf) =	vpush v10, $0x0;
	v10 =	vld [tilespmem:s25+$0xFFFFFFE0]  }
0x31c: {  	v13 =	vld [tilespmem:s25+$0xFFFFFFF0];
	v9 =	vand.u32 $0x7FFFFFFF, v9;
	vm3 =	vge.s32 v18, v11  }
0x31d: {  	v9 =	vxor.u32 v14, v9;
	v12 =	vmpcnt.ones.xlane vm3  }
0x31e: {  	vm7 =	vge.s32 v9, v11  }
0x31f: {  	v14 =	vld [tilespmem:s25+$0x0];
	(v2sf) =	vpush v12, $0x0;
	v12 =	vmpcnt.ones.xlane vm7  }
0x320: {  	v17 =	vshra.s32 v10, $0x1F  }
0x321: {  	(v2sf) =	vpush v12, $0x0;
	v12 =	vand.u32 $0x7FFFFFFF, v17;
	v17 =	vshra.s32 v13, $0x1F  }
0x322: {  	v12 =	vxor.u32 v10, v12;
	v10 =	vand.u32 $0x7FFFFFFF, v17;
	v17 =	vld [tilespmem:s25+$0x10]  }
0x323: {  	s26 =	simm.s32 $0x80A0;
	vm5 =	vmmov vm1;
	vm1 =	vge.s32 v12, v11  }
0x324: {  	v20 =	vld [tilespmem:s26+$0xFFFFFFE0];
	v19 =	vshra.s32 v14, $0x1F;
	v10 =	vxor.u32 v13, v10;
	v13 =	vmpcnt.ones.xlane vm1  }
0x325: {  	v19 =	vand.u32 $0x7FFFFFFF, v19;
	vm2 =	vmmov vm0;
	vm0 =	vmmov vm7  }
0x326: {  	vm4 =	vge.s32 v10, v11;
	(v2sf) =	vpush v13, $0x0;
	v13 =	vxor.u32 v14, v19  }
0x327: {  	s23 =	simm.s32 $0x0;
	v21 =	vmpcnt.ones.xlane vm4;
	vm7 =	vge.s32 v13, v11;
	v14 =	vshra.s32 v17, $0x1F  }
0x328: {  	v22 =	vor.u32 s23, v6;
	v61 =	vmpcnt.ones.xlane vm7;
	v14 =	vand.u32 $0x7FFFFFFF, v14;
	s28 =	spop (v2sf)  }
0x329: {  	[tilespmem:s23+$0x19800] =	vst.msk vm2, v15;
	(v2sf) =	vpush v21, $0x0;
	v14 =	vxor.u32 v17, v14;
	v17 =	vshra.s32 v20, $0x1F;
	s0 =	sadd.s32 $0x0, s28  }
0x32a: {  	vm6 =	vmmov vm3;
	[tilespmem:s23+$0x1A000] =	vst.msk vm2, v22;
	vm2 =	vmmov vm4;
	v19 =	vld [tilespmem:s26+$0xFFFFFFF0];
	v15 =	vand.u32 $0x7FFFFFFF, v17;
	p0 =	slt.s32 s0, $0x7F0  }
0x32b: {  	s5 =	simm.s32 $0x10;
	s29 =	spop (v2sf);
	vm3 =	vge.s32 v14, v11;
	(v2sf) =	vpush v61, $0x0;
	v15 =	vxor.u32 v20, v15;
	s0 =	simm.s32 @!p0 $0x7F0  }
0x32c: {  	v62 =	vmpcnt.ones.xlane vm3;
	v20 =	vor.u32 s5, v6;
	vm4 =	vge.s32 v15, v11;
	[tilespmem:s0+$0x19800] =	vst.msk vm5, v16  }
0x32d: {  	v17 =	vld [tilespmem:s26+$0x0];
	s4 =	sadd.s32 s0, s29;
	[tilespmem:s0+$0x1A000] =	vst.msk vm5, v20;
	v20 =	vmpcnt.ones.xlane vm4  }
0x32e: {  	(v2sf) =	vpush v62, $0x0;
	p0 =	slt.s32 s4, $0x7F0  }
0x32f: {  	s30 =	spop (v2sf);
	v16 =	vshra.s32 v19, $0x1F;
	s4 =	simm.s32 @!p0 $0x7F0;
	(v2sf) =	vpush v20, $0x0  }
0x330: {  	s31 =	simm.s32 $0x20;
	v16 =	vand.u32 $0x7FFFFFFF, v16;
	s25 =	sadd.s32 s4, s30;
	[tilespmem:s4+$0x19800] =	vst.msk vm6, v18;
	v18 =	vld [tilespmem:s26+$0x10]  }
0x331: {  	v63 =	vor.u32 s31, v6;
	s24 =	simm.s32 $0x8;
	vm1 =	vmmov vm1;
	s1 =	spop (v2sf);
	v16 =	vxor.u32 v19, v16;
	p0 =	slt.s32 s25, $0x7F0  }
0x332: {  	s0 =	simm.s32 $0x30;
	vm5 =	vmmov vm7;
	v19 =	vshra.s32 v17, $0x1F;
	s26 =	simm.s32 $0x80E0;
	[tilespmem:s4+$0x1A000] =	vst.msk vm6, v63;
	vm6 =	vge.s32 v16, v11;
	s25 =	simm.s32 @!p0 $0x7F0  }
.LBB2_41:
0x333: {  	v20 =	vld [tilespmem:s26+$0xFFFFFFE0];
	s24 =	sadd.s32 $0x4, s24;
	v21 =	vmpcnt.ones.xlane vm6;
	v19 =	vand.u32 $0x7FFFFFFF, v19;
	[tilespmem:s25+$0x19800] =	vst.msk vm0, v9;
	v22 =	vor.u32 s0, v6;
	s0 =	sadd.s32 s25, s1;
	v9 =	vmovc v14  }
0x334: {  	p0 =	slt.u32 s24, $0x7FC;
	v19 =	vxor.u32 v17, v19;
	[tilespmem:s25+$0x1A000] =	vst.msk vm0, v22;
	p1 =	slt.s32 s0, $0x7F0;
	vm0 =	vmmov vm3  }
0x335: {  	s23 =	sadd.s32 $0x40, s23;
	vm7 =	vge.s32 v19, v11;
	v14 =	vshra.s32 v18, $0x1F;
	(v2sf) =	vpush v21, $0x0;
	s1 =	spop (v2sf);
	s0 =	simm.s32 @!p1 $0x7F0  }
0x336: {  	v22 =	vor.u32 s23, v6;
	v21 =	vld [tilespmem:s26+$0xFFFFFFF0];
	v17 =	vmpcnt.ones.xlane vm7;
	v14 =	vand.u32 $0x7FFFFFFF, v14;
	[tilespmem:s0+$0x19800] =	vst.msk vm1, v12;
	s1 =	sadd.s32 s0, s1;
	v12 =	vmovc v15  }
0x337: {  	v14 =	vxor.u32 v18, v14;
	[tilespmem:s0+$0x1A000] =	vst.msk vm1, v22;
	p1 =	slt.s32 s1, $0x7F0;
	vm1 =	vmmov vm4  }
0x338: {  	s0 =	sadd.s32 $0x10, s23;
	v15 =	vshra.s32 v20, $0x1F;
	vm3 =	vge.s32 v14, v11;
	(v2sf) =	vpush v17, $0x0;
	s1 =	simm.s32 @!p1 $0x7F0;
	s4 =	spop (v2sf)  }
0x339: {  	v22 =	vor.u32 s0, v6;
	v15 =	vand.u32 $0x7FFFFFFF, v15;
	v17 =	vld [tilespmem:s26+$0x0];
	v18 =	vmpcnt.ones.xlane vm3;
	[tilespmem:s1+$0x19800] =	vst.msk vm2, v10;
	s0 =	sadd.s32 s1, s4;
	v10 =	vmovc v16  }
.Ltmp48:
0x33a: {  	v15 =	vxor.u32 v20, v15;
	[tilespmem:s1+$0x1A000] =	vst.msk vm2, v22;
	p1 =	slt.s32 s0, $0x7F0;
	vm2 =	vmmov vm6;
	(pc) =	sbr.rel @p0 .LBB2_41-.Ltmp48, $4  }
0x33b: {  	s1 =	sadd.s32 $0x20, s23;
	vm4 =	vge.s32 v15, v11;
	v16 =	vshra.s32 v21, $0x1F;
	(v2sf) =	vpush v18, $0x0;
	s0 =	simm.s32 @!p1 $0x7F0;
	s4 =	spop (v2sf)  }
0x33c: {  	v22 =	vor.u32 s1, v6;
	v20 =	vmpcnt.ones.xlane vm4;
	v16 =	vand.u32 $0x7FFFFFFF, v16;
	v18 =	vld [tilespmem:s26+$0x10];
	[tilespmem:s0+$0x19800] =	vst.msk vm5, v13;
	s25 =	sadd.s32 s0, s4;
	v13 =	vmovc v19  }
0x33d: {  	v16 =	vxor.u32 v21, v16;
	[tilespmem:s0+$0x1A000] =	vst.msk vm5, v22;
	p1 =	slt.s32 s25, $0x7F0;
	s0 =	sadd.s32 $0x30, s23;
	vm5 =	vmmov vm7  }
0x33e: {  	s26 =	sadd.s32 $0x40, s26;
	vm6 =	vge.s32 v16, v11;
	v19 =	vshra.s32 v17, $0x1F;
	(v2sf) =	vpush v20, $0x0;
	s25 =	simm.s32 @!p1 $0x7F0;
	s1 =	spop (v2sf)  }
0x33f: {  	v20 =	vmpcnt.ones.xlane vm6;
	v19 =	vand.u32 $0x7FFFFFFF, v19;
	s4 =	sadd.s32 s25, s1  }
0x340: {  	v17 =	vxor.u32 v17, v19;
	p0 =	slt.s32 s4, $0x7F0  }
0x341: {  	s10 =	spop (v2sf);
	vm7 =	vge.s32 v17, v11;
	v61 =	vshra.s32 v18, $0x1F;
	(v2sf) =	vpush v20, $0x0;
	s4 =	simm.s32 @!p0 $0x7F0  }
0x342: {  	v62 =	vmpcnt.ones.xlane vm7;
	v19 =	vand.u32 $0x7FFFFFFF, v61;
	s5 =	sadd.s32 s4, s10  }
0x343: {  	v63 =	vxor.u32 v18, v19;
	p0 =	slt.s32 s5, $0x7F0  }
0x344: {  	vm8 =	vge.s32 v63, v11;
	(v2sf) =	vpush v62, $0x0;
	s5 =	simm.s32 @!p0 $0x7F0;
	s24 =	spop (v2sf)  }
0x345: {  	v11 =	vmpcnt.ones.xlane vm8;
	s9 =	sadd.s32 s5, s24  }
0x346: {  	p0 =	slt.s32 s9, $0x7F0  }
0x347: {  	(v2sf) =	vpush v11, $0x0;
	s9 =	simm.s32 @!p0 $0x7F0;
	s26 =	spop (v2sf)  }
0x348: {  	s10 =	sadd.s32 s9, s26  }
0x349: {  	p0 =	slt.s32 s10, $0x7F0  }
0x34a: {  	s10 =	simm.s32 @!p0 $0x7F0;
	s29 =	spop (v2sf)  }
0x34b: {  	s24 =	sadd.s32 s10, s29  }
0x34c: {  	p0 =	slt.s32 s24, $0x7F0  }
0x34d: {  	s30 =	spop (v2sf);
	s24 =	simm.s32 @!p0 $0x7F0  }
0x34e: {  	s26 =	sadd.s32 s24, s30  }
0x34f: {  	p0 =	slt.s32 s26, $0x7F0  }
0x350: {  	s26 =	simm.s32 @!p0 $0x7F0;
	s31 =	spop (v2sf)  }
0x351: {  	s28 =	sadd.s32 s26, s31  }
0x352: {  	p0 =	slt.s32 s28, $0x7F0  }
0x353: {  	s28 =	simm.s32 @!p0 $0x7F0;
	s29 =	spop (v2sf)  }
0x354: {  	[tilespmem:s25+$0x19800] =	vst.msk vm0, v9;
	s1 =	sadd.s32 s28, s29  }
0x355: {  	[tilespmem:s4+$0x19800] =	vst.msk vm1, v12;
	p0 =	slt.s32 s1, $0x7F0  }
0x356: {  	[tilespmem:s5+$0x19800] =	vst.msk vm2, v10;
	v11 =	vor.u32 s0, v6;
	s1 =	simm.s32 @!p0 $0x7F0;
	s30 =	spop (v2sf)  }
0x357: {  	s0 =	sadd.s32 $0x40, s23;
	[tilespmem:s25+$0x1A000] =	vst.msk vm0, v11;
	s29 =	sadd.s32 s1, s30  }
0x358: {  	v9 =	vor.u32 s0, v6;
	[tilespmem:s9+$0x19800] =	vst.msk vm5, v13;
	p1 =	slt.s32 s29, $0x7F0  }
0x359: {  	vm11 =	vmmov vm3;
	[tilespmem:s4+$0x1A000] =	vst.msk vm1, v9;
	p5 =	slt.s32 s29, $0xFFFFFFF2;
	s29 =	simm.s32 @!p1 $0x7F0  }
0x35a: {  	vm12 =	vmmov vm4;
	[tilespmem:s10+$0x19800] =	vst.msk vm11, v14;
	s31 =	sadd.s32 $0x10, s0;
	s25 =	sadd.s32 $0xF, s29  }
0x35b: {  	s23 =	sadd.s32 $0x20, s0;
	[tilespmem:s24+$0x19800] =	vst.msk vm12, v15;
	v9 =	vor.u32 s31, v6;
	s30 =	sand.u32 $0xF, s25  }
0x35c: {  	vm13 =	vmmov vm6;
	[tilespmem:s5+$0x1A000] =	vst.msk vm2, v9;
	v9 =	vor.u32 s23, v6;
	s23 =	sshra.s32 s25, $0x1F;
	p6 =	sne.s32 s30, $0x0  }
0x35d: {  	[tilespmem:s26+$0x19800] =	vst.msk vm13, v16;
	s31 =	sadd.s32 $0x30, s0;
	s4 =	sshrl.u32 s23, $0x1C;
	p0 =	por !p5, !p6  }
0x35e: {  	vm14 =	vmmov vm7;
	s5 =	simm.s32 $0x1;
	[tilespmem:s9+$0x1A000] =	vst.msk vm5, v9;
	s4 =	sadd.s32 s4, s25;
	p0 =	por !p0, !p0  }
0x35f: {  	s0 =	sadd.s32 $0x40, s0;
	v9 =	vor.u32 s31, v6;
	[tilespmem:s28+$0x19800] =	vst.msk vm14, v17;
	s4 =	sshra.s32 s4, $0x4;
	s5 =	simm.s32 @!p0 $0x0  }
0x360: {  	[tilespmem:s10+$0x1A000] =	vst.msk vm11, v9;
	v9 =	vor.u32 s0, v6;
	s23 =	ssub.s32 s4, s5  }
0x361: {  	vm15 =	vmmov vm8;
	[tilespmem:s24+$0x1A000] =	vst.msk vm12, v9;
	s24 =	sadd.s32 $0x10, s0;
	s25 =	sshrl.u32 s23, $0x1E  }
.Ltmp49:
0x362: {  	v9 =	vor.u32 s24, v6;
	[tilespmem:s1+$0x19800] =	vst.msk vm15, v63;
	s30 =	sadd.s32 $0x20, s0;
	s4 =	sadd.s32 s25, s23;
	(pc) =	sbr.rel .LBB2_43-.Ltmp49, $4  }
0x363: {  	[tilespmem:s26+$0x1A000] =	vst.msk vm13, v9;
	s0 =	sadd.s32 $0x30, s0;
	v9 =	vor.u32 s30, v6;
	s24 =	sand.u32 $0xFFFFFFFC, s4  }
0x364: {  	[tilespmem:s28+$0x1A000] =	vst.msk vm14, v9;
	v9 =	vor.u32 s0, v6;
	s4 =	sshll.u32 s24, $0x6  }
0x365: {  	s28 =	simm.s32 $0x0;
	[tilespmem:s1+$0x1A000] =	vst.msk vm15, v9;
	s31 =	ssub.s32 s23, s24;
	s26 =	sshra.s32 s4, $0x2  }
0x366: {  	[tilespmem:s29+$0x19800] =	vst v7;
	p1 =	slt.s32 s24, $0x1;
	p0 =	slt.s32 s31, $0x1;
	s25 =	sadd.s32 $0x19800, s26  }
.LBB2_47:
0x367: {  	(v2sf) =	vpush v10, $0x0;
	_ =	sdelay $0xa  }
0x368: {  	p2 =	sgt.s32 s29, s22;
	s1 =	smov.u32 s22;
	s28 =	sadd.s32 $0x1, s28  }
0x369: {  	s1 =	smov.u32 @p2 s29;
	p2 =	sne.s32 s28, $0x1F  }
.Ltmp50:
0x36a: {  	_ = 	snop;
	(pc) =	sbr.rel @!p2 .LBB2_48-.Ltmp50, $4  }
0x36b: {  	_ = 	snop  }
0x36c: {  	s0 =	spop (v2sf)  }
0x36d: {  	p3 =	sgt.s32 s0, $0x3F  }
0x36e: {  	s22 =	smov.u32 @p3 s1  }
.LBB2_43:
.Ltmp51:
0x36f: {  	(pc) =	sbr.rel @p1 .LBB2_44-.Ltmp51, $4  }
0x370: {  	_ = 	snop  }
0x371: {  	s0 =	sshrl.u32 s13, s28  }
0x372: {  	s29 =	sadd.s32 s0, s22  }
0x373: {  	v10 =	vimm.s32 $0x0;
	v9 =	vmov s29  }
0x374: {  	p3 =	sgt.s32 s24, $0x4  }
.Ltmp52:
0x375: {  	s0 =	simm.s32 $0x19820;
	(pc) =	sbr.rel @!p3 .LBB2_159-.Ltmp52, $4  }
0x376: {  	v14 =	vld [tilespmem:s0+$0xFFFFFFE0]  }
0x377: {  	v12 =	vld [tilespmem:s0+$0xFFFFFFF0]  }
0x378: {  	v13 =	vld [tilespmem:s0+$0x0]  }
0x379: {  	p2 =	por $0x0, $0x0;
	v11 =	vld [tilespmem:s0+$0x10]  }
0x37a: {  	_ = 	snop  }
0x37b: {  	p3 =	sgt.s32 s24, $0x8;
	vm0 =	vge.s32 v14, v9  }
.Ltmp53:
0x37c: {  	s0 =	simm.s32 $0x19860;
	v15 =	vmpcnt.ones.xlane vm0;
	vm13 =	vge.s32 v12, v9;
	(pc) =	sbr.rel @!p3 .LBB2_162-.Ltmp53, $4  }
0x37d: {  	v14 =	vld [tilespmem:s0+$0xFFFFFFE0];
	v16 =	vmpcnt.ones.xlane vm13;
	vm14 =	vge.s32 v13, v9  }
0x37e: {  	v12 =	vld [tilespmem:s0+$0xFFFFFFF0];
	v15 =	vadd.s32 v10, v15;
	v17 =	vmpcnt.ones.xlane vm14  }
0x37f: {  	v13 =	vld [tilespmem:s0+$0x0];
	vm15 =	vge.s32 v11, v9;
	v16 =	vadd.s32 v16, v15  }
0x380: {  	s1 =	simm.s32 $0x8;
	p2 =	por $0x1, $0x1;
	v11 =	vld [tilespmem:s0+$0x10];
	v15 =	vmpcnt.ones.xlane vm15;
	v16 =	vadd.s32 v17, v16  }
.LBB2_161:
0x381: {  	s1 =	sadd.s32 $0x4, s1  }
0x382: {  	vm0 =	vge.s32 v14, v9;
	s0 =	sadd.s32 $0x40, s0;
	v15 =	vadd.s32 v15, v16;
	p3 =	slt.s32 s1, s24  }
.Ltmp54:
0x383: {  	v14 =	vld [tilespmem:s0+$0xFFFFFFE0];
	v16 =	vmpcnt.ones.xlane vm0;
	vm0 =	vge.s32 v12, v9;
	(pc) =	sbr.rel @p3 .LBB2_161-.Ltmp54, $4  }
0x384: {  	v12 =	vld [tilespmem:s0+$0xFFFFFFF0];
	v17 =	vmpcnt.ones.xlane vm0;
	vm0 =	vge.s32 v13, v9  }
0x385: {  	v13 =	vld [tilespmem:s0+$0x0];
	v15 =	vadd.s32 v15, v16;
	v16 =	vmpcnt.ones.xlane vm0;
	vm0 =	vge.s32 v11, v9  }
0x386: {  	v11 =	vld [tilespmem:s0+$0x10];
	v17 =	vadd.s32 v17, v15;
	v15 =	vmpcnt.ones.xlane vm0  }
0x387: {  	v16 =	vadd.s32 v16, v17  }
.LBB2_162:
0x388: {  	_ = 	snop  }
0x389: {  	vm0 =	vge.s32 v14, v9  }
0x38a: {  	v14 =	vadd.s32 @p2 v15, v16;
	v63 =	vmpcnt.ones.xlane vm0;
	vm13 =	vge.s32 v12, v9  }
0x38b: {  	v10 =	vpsel p2, v14, v10;
	v12 =	vmpcnt.ones.xlane vm13;
	vm14 =	vge.s32 v13, v9  }
0x38c: {  	v10 =	vadd.s32 v10, v63;
	v13 =	vmpcnt.ones.xlane vm14;
	vm15 =	vge.s32 v11, v9  }
0x38d: {  	v10 =	vadd.s32 v12, v10;
	v11 =	vmpcnt.ones.xlane vm15  }
0x38e: {  	v10 =	vadd.s32 v13, v10  }
0x38f: {  	v10 =	vadd.s32 v11, v10  }
.LBB2_44:
.Ltmp55:
0x390: {  	(pc) =	sbr.rel @p0 .LBB2_47-.Ltmp55, $1  }
0x391: {  	_ =	sdelay $0x3  }
0x392: {  	s0 =	smov.u32 s25;
	s1 =	smov.u32 s24  }
.LBB2_46:
0x393: {  	v11 =	vld [tilespmem:s0+$0x0];
	_ =	sdelay $0x1  }
0x394: {  	s1 =	sadd.s32 $0x1, s1  }
0x395: {  	p2 =	slt.s32 s1, s23  }
.Ltmp56:
0x396: {  	_ = 	snop;
	(pc) =	sbr.rel @p2 .LBB2_46-.Ltmp56, $3  }
0x397: {  	vm0 =	vge.s32 v11, v9  }
0x398: {  	v11 =	vmpcnt.ones.xlane vm0;
	_ =	sdelay $0x1  }
0x399: {  	s0 =	sadd.s32 $0x10, s0;
	v10 =	vadd.s32 v10, v11  }
.Ltmp57:
0x39a: {  	_ = 	snop;
	(pc) =	sbr.rel .LBB2_47-.Ltmp57, $1  }
0x39b: {  	_ =	sdelay $0x3  }
.LBB2_159:
.Ltmp58:
0x39c: {  	(pc) =	sbr.rel .LBB2_162-.Ltmp58, $2  }
0x39d: {  	_ =	sdelay $0x2  }
0x39e: {  	_ = 	snop  }
.LBB2_48:
.Ltmp59:
0x39f: {  	(pc) =	sbr.rel @p1 .LBB2_49-.Ltmp59, $2  }
0x3a0: {  	_ =	sdelay $0x2  }
0x3a1: {  	v9 =	vmov s22;
	v10 =	vimm.s32 $0x0  }
0x3a2: {  	p3 =	sgt.s32 s24, $0x4  }
.Ltmp60:
0x3a3: {  	s0 =	simm.s32 $0x19820;
	(pc) =	sbr.rel @!p3 .LBB2_164-.Ltmp60, $4  }
0x3a4: {  	v14 =	vld [tilespmem:s0+$0xFFFFFFE0]  }
0x3a5: {  	v12 =	vld [tilespmem:s0+$0xFFFFFFF0]  }
0x3a6: {  	v13 =	vld [tilespmem:s0+$0x0]  }
0x3a7: {  	p2 =	por $0x0, $0x0;
	v11 =	vld [tilespmem:s0+$0x10]  }
0x3a8: {  	_ = 	snop  }
0x3a9: {  	p3 =	sgt.s32 s24, $0x8;
	vm0 =	vgt.s32 v14, v9  }
.Ltmp61:
0x3aa: {  	s0 =	simm.s32 $0x19860;
	v15 =	vmpcnt.ones.xlane vm0;
	vm13 =	vgt.s32 v12, v9;
	(pc) =	sbr.rel @!p3 .LBB2_167-.Ltmp61, $4  }
0x3ab: {  	v14 =	vld [tilespmem:s0+$0xFFFFFFE0];
	v16 =	vmpcnt.ones.xlane vm13;
	vm14 =	vgt.s32 v13, v9  }
0x3ac: {  	v12 =	vld [tilespmem:s0+$0xFFFFFFF0];
	v15 =	vadd.s32 v10, v15;
	v17 =	vmpcnt.ones.xlane vm14  }
0x3ad: {  	v13 =	vld [tilespmem:s0+$0x0];
	vm15 =	vgt.s32 v11, v9;
	v16 =	vadd.s32 v16, v15  }
0x3ae: {  	s1 =	simm.s32 $0x8;
	p2 =	por $0x1, $0x1;
	v11 =	vld [tilespmem:s0+$0x10];
	v15 =	vmpcnt.ones.xlane vm15;
	v16 =	vadd.s32 v17, v16  }
.LBB2_166:
0x3af: {  	s1 =	sadd.s32 $0x4, s1  }
0x3b0: {  	vm0 =	vgt.s32 v14, v9;
	s0 =	sadd.s32 $0x40, s0;
	v15 =	vadd.s32 v15, v16;
	p3 =	slt.s32 s1, s24  }
.Ltmp62:
0x3b1: {  	v14 =	vld [tilespmem:s0+$0xFFFFFFE0];
	v16 =	vmpcnt.ones.xlane vm0;
	vm0 =	vgt.s32 v12, v9;
	(pc) =	sbr.rel @p3 .LBB2_166-.Ltmp62, $4  }
0x3b2: {  	v12 =	vld [tilespmem:s0+$0xFFFFFFF0];
	v17 =	vmpcnt.ones.xlane vm0;
	vm0 =	vgt.s32 v13, v9  }
0x3b3: {  	v13 =	vld [tilespmem:s0+$0x0];
	v15 =	vadd.s32 v15, v16;
	v16 =	vmpcnt.ones.xlane vm0;
	vm0 =	vgt.s32 v11, v9  }
0x3b4: {  	v11 =	vld [tilespmem:s0+$0x10];
	v17 =	vadd.s32 v17, v15;
	v15 =	vmpcnt.ones.xlane vm0  }
0x3b5: {  	v16 =	vadd.s32 v16, v17  }
.LBB2_167:
0x3b6: {  	_ = 	snop  }
0x3b7: {  	vm0 =	vgt.s32 v14, v9  }
0x3b8: {  	v14 =	vadd.s32 @p2 v15, v16;
	v63 =	vmpcnt.ones.xlane vm0;
	vm13 =	vgt.s32 v12, v9  }
0x3b9: {  	v10 =	vpsel p2, v14, v10;
	v12 =	vmpcnt.ones.xlane vm13;
	vm14 =	vgt.s32 v13, v9  }
0x3ba: {  	v10 =	vadd.s32 v10, v63;
	v13 =	vmpcnt.ones.xlane vm14;
	vm15 =	vgt.s32 v11, v9  }
0x3bb: {  	v10 =	vadd.s32 v12, v10;
	v11 =	vmpcnt.ones.xlane vm15  }
0x3bc: {  	v10 =	vadd.s32 v13, v10  }
0x3bd: {  	v10 =	vadd.s32 v11, v10  }
.LBB2_49:
.Ltmp63:
0x3be: {  	(pc) =	sbr.rel @p0 .LBB2_52-.Ltmp63, $1  }
0x3bf: {  	_ =	sdelay $0x3  }
0x3c0: {  	s0 =	smov.u32 s25;
	s1 =	smov.u32 s24  }
.LBB2_51:
0x3c1: {  	v11 =	vld [tilespmem:s0+$0x0];
	_ =	sdelay $0x1  }
0x3c2: {  	s1 =	sadd.s32 $0x1, s1  }
0x3c3: {  	p2 =	slt.s32 s1, s23  }
.Ltmp64:
0x3c4: {  	_ = 	snop;
	(pc) =	sbr.rel @p2 .LBB2_51-.Ltmp64, $3  }
0x3c5: {  	vm0 =	vgt.s32 v11, v9  }
0x3c6: {  	v11 =	vmpcnt.ones.xlane vm0;
	_ =	sdelay $0x1  }
0x3c7: {  	s0 =	sadd.s32 $0x10, s0;
	v10 =	vadd.s32 v10, v11  }
.LBB2_52:
0x3c8: {  	(v2sf) =	vpush v10, $0x0;
	_ =	sdelay $0xa  }
.Ltmp65:
0x3c9: {  	_ = 	snop;
	(pc) =	sbr.rel @p1 .LBB2_53-.Ltmp65, $2  }
0x3ca: {  	_ =	sdelay $0x2  }
0x3cb: {  	s28 =	spop (v2sf)  }
0x3cc: {  	s0 =	simm.s32 $0x19820  }
0x3cd: {  	v10 =	vld [tilespmem:s0+$0xFFFFFFE0]  }
0x3ce: {  	v11 =	vld [tilespmem:s0+$0xFFFFFFF0];
	_ =	sdelay $0x3  }
0x3cf: {  	vm1 =	veq.s32 v10, v9  }
0x3d0: {  	vm0 =	veq.s32 v11, v9;
	v10 =	vmpcnt.ones.xlane vm1  }
0x3d1: {  	v11 =	vmpcnt.ones.xlane vm0  }
0x3d2: {  	(v2sf) =	vpush v10, $0x0  }
0x3d3: {  	(v2sf) =	vpush v11, $0x0;
	_ =	sdelay $0x6  }
0x3d4: {  	p2 =	sgt.s32 s24, $0x4;
	v13 =	vld [tilespmem:s0+$0x0]  }
.Ltmp66:
0x3d5: {  	_ = 	snop;
	(pc) =	sbr.rel @!p2 .LBB2_169-.Ltmp66, $3  }
0x3d6: {  	_ =	sdelay $0x1  }
0x3d7: {  	s29 =	simm.s32 $0x0  }
0x3d8: {  	s30 =	simm.s32 $0x1A020;
	s1 =	simm.s32 $0x19860;
	p1 =	por $0x0, $0x0;
	v12 =	vld [tilespmem:s0+$0x10];
	vm2 =	veq.s32 v13, v9  }
0x3d9: {  	_ = 	snop  }
0x3da: {  	v10 =	vld [tilespmem:s1+$0xFFFFFFE0]  }
0x3db: {  	v11 =	vld [tilespmem:s1+$0xFFFFFFF0];
	v13 =	vmpcnt.ones.xlane vm2;
	_ =	sdelay $0x1  }
0x3dc: {  	(v2sf) =	vpush v13, $0x0;
	vm6 =	veq.s32 v12, v9  }
0x3dd: {  	v12 =	vmpcnt.ones.xlane vm6  }
0x3de: {  	vm3 =	vmmov vm1;
	vm4 =	vmmov vm0;
	vm1 =	veq.s32 v10, v9  }
0x3df: {  	vm0 =	veq.s32 v11, v9;
	v13 =	vmpcnt.ones.xlane vm1;
	(v2sf) =	vpush v12, $0x0  }
0x3e0: {  	v14 =	vld [tilespmem:s1+$0x0];
	p2 =	sgt.s32 s24, $0x8;
	v15 =	vmpcnt.ones.xlane vm0  }
.Ltmp67:
0x3e1: {  	v10 =	vld [tilespmem:s30+$0xFFFFFFE0];
	(v2sf) =	vpush v13, $0x0;
	(pc) =	sbr.rel @!p2 .LBB2_171-.Ltmp67, $4  }
0x3e2: {  	(v2sf) =	vpush v15, $0x0  }
0x3e3: {  	v12 =	vld [tilespmem:s1+$0x10]  }
0x3e4: {  	s0 =	simm.s32 $0x8;
	s9 =	simm.s32 $0x198A0;
	p1 =	por $0x1, $0x1;
	v11 =	vld [tilespmem:s30+$0xFFFFFFF0]  }
0x3e5: {  	vm5 =	vmmov vm2;
	s31 =	simm.s32 $0x1A020;
	s10 =	spop (v2sf);
	vm6 =	vmmov vm6;
	vm2 =	veq.s32 v14, v9;
	s1 =	simm.s32 $0x0  }
.LBB2_172:
0x3e6: {  	v13 =	vld [tilespmem:s9+$0xFFFFFFE0];
	s0 =	sadd.s32 $0x4, s0;
	v14 =	vmpcnt.ones.xlane vm2;
	[tilespmem:s1+$0x1A800] =	vst.msk vm3, v10;
	s1 =	sadd.s32 s1, s10;
	vm3 =	vmmov vm1  }
0x3e7: {  	p2 =	slt.s32 s0, s24;
	p3 =	slt.s32 s1, $0x7F0;
	v10 =	vld [tilespmem:s31+$0x0]  }
0x3e8: {  	vm7 =	veq.s32 v12, v9;
	(v2sf) =	vpush v14, $0x0;
	s1 =	simm.s32 @!p3 $0x7F0;
	s4 =	spop (v2sf)  }
0x3e9: {  	v12 =	vld [tilespmem:s9+$0xFFFFFFF0];
	v14 =	vmpcnt.ones.xlane vm7;
	[tilespmem:s1+$0x1A800] =	vst.msk vm4, v11;
	s1 =	sadd.s32 s1, s4;
	vm4 =	vmmov vm0  }
0x3ea: {  	p3 =	slt.s32 s1, $0x7F0;
	v11 =	vld [tilespmem:s31+$0x10]  }
0x3eb: {  	vm1 =	veq.s32 v13, v9;
	(v2sf) =	vpush v14, $0x0;
	s1 =	simm.s32 @!p3 $0x7F0;
	s4 =	spop (v2sf)  }
0x3ec: {  	s31 =	sadd.s32 $0x40, s31;
	v13 =	vmpcnt.ones.xlane vm1;
	v14 =	vld [tilespmem:s9+$0x0];
	[tilespmem:s1+$0x1A800] =	vst.msk vm5, v10;
	s1 =	sadd.s32 s1, s4;
	vm5 =	vmmov vm2  }
.Ltmp68:
0x3ed: {  	v10 =	vld [tilespmem:s31+$0xFFFFFFE0];
	p3 =	slt.s32 s1, $0x7F0;
	(pc) =	sbr.rel @p2 .LBB2_172-.Ltmp68, $4  }
0x3ee: {  	vm0 =	veq.s32 v12, v9;
	(v2sf) =	vpush v13, $0x0;
	s1 =	simm.s32 @!p3 $0x7F0;
	s4 =	spop (v2sf)  }
0x3ef: {  	v13 =	vmpcnt.ones.xlane vm0;
	v12 =	vld [tilespmem:s9+$0x10];
	[tilespmem:s1+$0x1A800] =	vst.msk vm6, v11;
	s1 =	sadd.s32 s1, s4;
	vm6 =	vmmov vm7  }
0x3f0: {  	v11 =	vld [tilespmem:s31+$0xFFFFFFF0];
	p3 =	slt.s32 s1, $0x7F0  }
0x3f1: {  	s9 =	sadd.s32 $0x40, s9;
	vm2 =	veq.s32 v14, v9;
	(v2sf) =	vpush v13, $0x0;
	s10 =	spop (v2sf);
	s1 =	simm.s32 @!p3 $0x7F0  }
0x3f2: {  	_ = 	snop  }
.LBB2_174:
0x3f3: {  	s0 =	sadd.s32 @p1 s1, s10  }
0x3f4: {  	p2 =	slt.s32 @p1 s0, $0x7F0  }
0x3f5: {  	p2 =	por !p2, !p1  }
0x3f6: {  	s4 =	spop @p1 (v2sf);
	s0 =	simm.s32 @p2 $0x7F0  }
0x3f7: {  	s4 =	sadd.s32 @p1 s0, s4  }
0x3f8: {  	v13 =	vmpcnt.ones.xlane vm2;
	p2 =	slt.s32 @p1 s4, $0x7F0  }
0x3f9: {  	p2 =	por !p2, !p1  }
0x3fa: {  	vm7 =	veq.s32 v12, v9;
	(v2sf) =	vpush v13, $0x0;
	s5 =	spop @p1 (v2sf);
	s4 =	simm.s32 @p2 $0x7F0  }
0x3fb: {  	v12 =	vmpcnt.ones.xlane vm7;
	s5 =	sadd.s32 @p1 s4, s5  }
0x3fc: {  	p2 =	slt.s32 @p1 s5, $0x7F0  }
0x3fd: {  	(v2sf) =	vpush v12, $0x0;
	p2 =	por !p2, !p1  }
0x3fe: {  	s9 =	spop @p1 (v2sf);
	s5 =	simm.s32 @p2 $0x7F0  }
0x3ff: {  	s9 =	sadd.s32 @p1 s5, s9  }
0x400: {  	p2 =	slt.s32 @p1 s9, $0x7F0  }
0x401: {  	p2 =	por !p2, !p1  }
0x402: {  	s9 =	simm.s32 @p2 $0x7F0  }
0x403: {  	s10 =	spop (v2sf);
	s29 =	smov.u32 @p1 s9  }
0x404: {  	s10 =	sadd.s32 s29, s10  }
0x405: {  	v12 =	vld @p1 [tilespmem:s31+$0x0];
	s9 =	sadd.s32 @p1 $0x40, s31;
	p2 =	slt.s32 s10, $0x7F0  }
0x406: {  	v13 =	vld @p1 [tilespmem:s31+$0x10];
	s31 =	spop (v2sf);
	s30 =	smov.u32 @p1 s9;
	s10 =	simm.s32 @!p2 $0x7F0  }
0x407: {  	v14 =	vld [tilespmem:s30+$0xFFFFFFE0];
	s9 =	sadd.s32 s10, s31  }
0x408: {  	[tilespmem:s1+$0x1A800] =	vst.msk @p1 vm3, v10;
	v10 =	vld [tilespmem:s30+$0xFFFFFFF0];
	p2 =	slt.s32 s9, $0x7F0  }
0x409: {  	[tilespmem:s0+$0x1A800] =	vst.msk @p1 vm4, v11;
	s1 =	spop (v2sf);
	v11 =	vld [tilespmem:s30+$0x0];
	s9 =	simm.s32 @!p2 $0x7F0  }
0x40a: {  	[tilespmem:s4+$0x1A800] =	vst.msk @p1 vm5, v12;
	v63 =	vld [tilespmem:s30+$0x10];
	s1 =	sadd.s32 s9, s1  }
.Ltmp69:
0x40b: {  	vm1 =	vmmov vm1;
	[tilespmem:s5+$0x1A800] =	vst.msk @p1 vm6, v13;
	p1 =	slt.s32 s1, $0x7F0;
	(pc) =	sbr.rel .LBB2_54-.Ltmp69, $4  }
0x40c: {  	vm0 =	vmmov vm0;
	s31 =	spop (v2sf);
	[tilespmem:s29+$0x1A800] =	vst.msk vm1, v14;
	s1 =	simm.s32 @!p1 $0x7F0  }
0x40d: {  	vm14 =	vmmov vm2;
	[tilespmem:s10+$0x1A800] =	vst.msk vm0, v10;
	s0 =	sadd.s32 s1, s31  }
0x40e: {  	vm15 =	vmmov vm7;
	[tilespmem:s9+$0x1A800] =	vst.msk vm14, v11;
	p1 =	slt.s32 s0, $0x7F0  }
0x40f: {  	[tilespmem:s1+$0x1A800] =	vst.msk vm15, v63;
	s0 =	simm.s32 @!p1 $0x7F0  }
.LBB2_53:
0x410: {  	s0 =	simm.s32 $0x0  }
.LBB2_54:
.Ltmp70:
0x411: {  	(pc) =	sbr.rel @p0 .LBB2_57-.Ltmp70, $1  }
0x412: {  	_ =	sdelay $0x3  }
0x413: {  	s1 =	sadd.s32 $0x1A000, s26  }
.LBB2_56:
0x414: {  	v10 =	vld [tilespmem:s25+$0x0];
	_ =	sdelay $0x4  }
0x415: {  	vm0 =	veq.s32 v10, v9  }
0x416: {  	v10 =	vmpcnt.ones.xlane vm0;
	_ =	sdelay $0x1  }
0x417: {  	(v2sf) =	vpush v10, $0x0;
	_ =	sdelay $0xa  }
0x418: {  	v10 =	vld [tilespmem:s1+$0x0]  }
0x419: {  	s24 =	sadd.s32 $0x1, s24  }
0x41a: {  	p1 =	slt.s32 s24, s23  }
.Ltmp71:
0x41b: {  	_ = 	snop;
	(pc) =	sbr.rel @p1 .LBB2_56-.Ltmp71, $4  }
0x41c: {  	s4 =	spop (v2sf)  }
0x41d: {  	[tilespmem:s0+$0x1A800] =	vst.msk vm0, v10;
	s0 =	sadd.s32 s0, s4  }
0x41e: {  	p0 =	slt.s32 s0, $0x7F0  }
0x41f: {  	s25 =	sadd.s32 $0x10, s25;
	s1 =	sadd.s32 $0x10, s1;
	s0 =	simm.s32 @!p0 $0x7F0  }
.LBB2_57:
0x420: {  	s1 =	sadd.s32 $0xF, s0  }
0x421: {  	s4 =	sand.u32 $0xF, s1  }
0x422: {  	p0 =	slt.s32 s0, $0xFFFFFFF2;
	s5 =	sshra.s32 s1, $0x1F;
	p1 =	sne.s32 s4, $0x0  }
0x423: {  	s31 =	sshrl.u32 s5, $0x1C;
	p0 =	por !p0, !p1  }
0x424: {  	s4 =	simm.s32 $0x1;
	s1 =	sadd.s32 s31, s1;
	p0 =	por !p0, !p0  }
0x425: {  	s1 =	sshra.s32 s1, $0x4;
	s4 =	simm.s32 @!p0 $0x0  }
0x426: {  	s1 =	ssub.s32 s1, s4  }
0x427: {  	s4 =	sshrl.u32 s1, $0x1F  }
.Ltmp72:
0x428: {  	s4 =	sadd.s32 s4, s1;
	(pc) =	sbr.rel .LBB2_58-.Ltmp72, $4  }
0x429: {  	s25 =	sand.u32 $0xFFFFFFFE, s4  }
0x42a: {  	s26 =	ssub.s32 $0x40, s28;
	s1 =	ssub.s32 s1, s25  }
0x42b: {  	s24 =	simm.s32 $0x0;
	s4 =	sshll.u32 s25, $0x6;
	p0 =	slt.s32 s1, $0x1  }
0x42c: {  	[tilespmem:s0+$0x1A800] =	vst v8;
	s0 =	simm.s32 $0x0;
	p1 =	slt.s32 s25, $0x1;
	s28 =	sshra.s32 @!p0 s4, $0x2  }
.LBB2_59:
0x42d: {  	v10 =	vimm.s32 $0x0  }
.LBB2_60:
0x42e: {  	v11 =	vld @!p0 [tilespmem:s28+$0x1A800];
	_ =	sdelay $0x4  }
0x42f: {  	vm0 =	vlt.s32 @!p0 v11, s1  }
0x430: {  	v11 =	vmpcnt.ones.xlane @!p0 vm0;
	_ =	sdelay $0x1  }
0x431: {  	v11 =	vadd.s32 @!p0 v10, v11  }
0x432: {  	v10 =	vpsel p0, v10, v11  }
0x433: {  	(v2sf) =	vpush v10, $0x0;
	_ =	sdelay $0xa  }
0x434: {  	s0 =	sadd.s32 $0x1, s0  }
0x435: {  	p3 =	sne.s32 s0, $0xF  }
.Ltmp73:
0x436: {  	_ = 	snop;
	(pc) =	sbr.rel @!p3 .LBB2_61-.Ltmp73, $4  }
0x437: {  	_ = 	snop  }
0x438: {  	s4 =	spop (v2sf)  }
0x439: {  	p2 =	slt.s32 s4, s26  }
0x43a: {  	s24 =	smov.u32 @p2 s1  }
.LBB2_58:
.Ltmp74:
0x43b: {  	(pc) =	sbr.rel @p1 .LBB2_59-.Ltmp74, $3  }
0x43c: {  	_ =	sdelay $0x1  }
0x43d: {  	s1 =	sshrl.u32 s14, s0  }
0x43e: {  	s1 =	sadd.s32 s1, s24  }
0x43f: {  	p3 =	sgt.s32 s25, $0x2  }
.Ltmp75:
0x440: {  	_ = 	snop;
	(pc) =	sbr.rel @!p3 .LBB2_176-.Ltmp75, $4  }
0x441: {  	_ = 	snop  }
0x442: {  	s9 =	simm.s32 $0x1A810  }
0x443: {  	v13 =	vld [tilespmem:s9+$0xFFFFFFF0]  }
0x444: {  	v11 =	vmov s1;
	v10 =	vimm.s32 $0x0;
	p2 =	por $0x0, $0x0;
	v12 =	vld [tilespmem:s9+$0x0]  }
0x445: {  	_ = 	snop  }
0x446: {  	p3 =	sgt.s32 s25, $0x4  }
.Ltmp76:
0x447: {  	_ = 	snop;
	(pc) =	sbr.rel @!p3 .LBB2_179-.Ltmp76, $4  }
0x448: {  	vm0 =	vlt.s32 v13, v11  }
0x449: {  	s9 =	simm.s32 $0x1A830;
	v15 =	vmpcnt.ones.xlane vm0  }
0x44a: {  	v13 =	vld [tilespmem:s9+$0xFFFFFFF0];
	vm15 =	vlt.s32 v12, v11  }
0x44b: {  	s10 =	simm.s32 $0x4;
	p2 =	por $0x1, $0x1;
	v12 =	vld [tilespmem:s9+$0x0];
	v14 =	vmpcnt.ones.xlane vm15;
	v15 =	vadd.s32 v10, v15  }
.LBB2_178:
0x44c: {  	s10 =	sadd.s32 $0x2, s10  }
0x44d: {  	v15 =	vadd.s32 v14, v15;
	p3 =	slt.s32 s10, s25  }
.Ltmp77:
0x44e: {  	(pc) =	sbr.rel @p3 .LBB2_178-.Ltmp77, $4  }
0x44f: {  	s9 =	sadd.s32 $0x20, s9;
	vm0 =	vlt.s32 v13, v11  }
0x450: {  	v13 =	vld [tilespmem:s9+$0xFFFFFFF0];
	v16 =	vmpcnt.ones.xlane vm0;
	vm0 =	vlt.s32 v12, v11  }
0x451: {  	v12 =	vld [tilespmem:s9+$0x0];
	v14 =	vmpcnt.ones.xlane vm0  }
0x452: {  	v15 =	vadd.s32 v15, v16  }
.LBB2_179:
0x453: {  	_ =	sdelay $0x2  }
.Ltmp78:
0x454: {  	vm0 =	vlt.s32 v13, v11;
	(pc) =	sbr.rel .LBB2_60-.Ltmp78, $4  }
0x455: {  	v13 =	vadd.s32 @p2 v14, v15;
	v63 =	vmpcnt.ones.xlane vm0;
	vm15 =	vlt.s32 v12, v11  }
0x456: {  	v10 =	vpsel p2, v13, v10;
	v11 =	vmpcnt.ones.xlane vm15  }
0x457: {  	v10 =	vadd.s32 v10, v63  }
0x458: {  	v10 =	vadd.s32 v11, v10  }
.LBB2_176:
.Ltmp79:
0x459: {  	(pc) =	sbr.rel .LBB2_179-.Ltmp79, $2  }
0x45a: {  	_ =	sdelay $0x2  }
0x45b: {  	_ = 	snop  }
.LBB2_61:
0x45c: {  	s0 =	sshrl.u32 s23, $0x1F  }
0x45d: {  	s0 =	sadd.s32 s0, s23  }
0x45e: {  	s25 =	sand.u32 $0xFFFFFFFE, s0  }
0x45f: {  	p0 =	slt.s32 s25, $0x1  }
.Ltmp80:
0x460: {  	_ = 	snop;
	(pc) =	sbr.rel @p0 .LBB2_62-.Ltmp80, $4  }
0x461: {  	_ = 	snop  }
0x462: {  	_ =	swait.ge [sflag:s19], $0x40  }
0x463: {  	[sflag:s19] =	ssyncset.done $0x0  }
0x464: {  	[sflag:s19] =	ssyncadd.s32 $0xFFFFFFC0  }
0x465: {  	s1 =	simm.s32 $0x19810  }
0x466: {  	v15 =	vld [tilespmem:s1+$0x0]  }
0x467: {  	s0 =	simm.s32 $0x1A010;
	v12 =	vld [tilespmem:s1+$0xFFFFFFF0]  }
0x468: {  	v13 =	vld [tilespmem:s0+$0xFFFFFFF0]  }
0x469: {  	p2 =	sgt.s32 s25, $0x2;
	v10 =	vld [tilespmem:s0+$0x0]  }
.Ltmp81:
0x46a: {  	_ = 	snop;
	(pc) =	sbr.rel @!p2 .LBB2_181-.Ltmp81, $4  }
0x46b: {  	v16 =	vmov s24  }
0x46c: {  	vm1 =	vgt.s32 v15, $0x0;
	vm0 =	vgt.s32 v12, $0x0;
	vm4 =	vgt.s32 v12, v9  }
0x46d: {  	s26 =	simm.s32 $0x0;
	vm2 =	vle.s32 v13, v16;
	v11 =	vnsel vm1, $0x0, v15;
	vm1 =	veq.s32 v12, v9  }
0x46e: {  	p0 =	por $0x0, $0x0;
	p1 =	por $0x0, $0x0;
	s0 =	simm.s32 $0x19830;
	vm5 =	veq.s32 v15, v9;
	vm6 =	vle.s32 v10, v16;
	vm7 =	vmand vm1, vm2  }
0x46f: {  	vm1 =	vmor vm4, vm7;
	vm2 =	vgt.s32 v15, v9;
	vm3 =	vmand vm5, vm6  }
0x470: {  	v15 =	vmpcnt.ones.xlane vm1;
	vm2 =	vmor vm2, vm3  }
0x471: {  	v17 =	vmpcnt.ones.xlane vm2  }
0x472: {  	(v2sf) =	vpush v15, $0x0  }
0x473: {  	(v2sf) =	vpush v17, $0x0;
	_ =	sdelay $0x4  }
0x474: {  	v20 =	vld [tilespmem:s0+$0x0]  }
0x475: {  	v18 =	vld [tilespmem:s0+$0xFFFFFFF0];
	s31 =	simm.s32 $0x1A030  }
0x476: {  	v19 =	vld [tilespmem:s31+$0xFFFFFFF0]  }
0x477: {  	v14 =	vadd.s32 v1, v10;
	p2 =	sgt.s32 s25, $0x4;
	v10 =	vld [tilespmem:s31+$0x0]  }
.Ltmp82:
0x478: {  	v22 =	vnsel vm0, $0x0, v12;
	(pc) =	sbr.rel @!p2 .LBB2_183-.Ltmp82, $4  }
0x479: {  	v21 =	vadd.s32 v1, v13;
	vm1 =	vmmov vm1;
	vm2 =	vmmov vm2  }
0x47a: {  	vm3 =	vgt.s32 v20, $0x0;
	vm0 =	vgt.s32 v18, $0x0;
	vm4 =	vgt.s32 v18, v9  }
0x47b: {  	v17 =	vnsel vm3, $0x0, v20;
	vm3 =	veq.s32 v18, v9;
	vm5 =	vle.s32 v19, v16  }
0x47c: {  	s0 =	simm.s32 $0x19850;
	p0 =	por $0x1, $0x1;
	vm6 =	vle.s32 v10, v16;
	vm7 =	vmand vm3, vm5;
	vm5 =	veq.s32 v20, v9  }
0x47d: {  	vm4 =	vmor vm4, vm7;
	vm3 =	vgt.s32 v20, v9;
	vm5 =	vmand vm5, vm6  }
0x47e: {  	v23 =	vmpcnt.ones.xlane vm4;
	vm5 =	vmor vm3, vm5  }
0x47f: {  	v15 =	vld [tilespmem:s0+$0x0];
	v24 =	vmpcnt.ones.xlane vm5  }
0x480: {  	v12 =	vld [tilespmem:s0+$0xFFFFFFF0];
	s29 =	simm.s32 $0x1A050;
	(v2sf) =	vpush v23, $0x0  }
0x481: {  	v13 =	vld [tilespmem:s29+$0xFFFFFFF0];
	(v2sf) =	vpush v24, $0x0  }
0x482: {  	v20 =	vadd.s32 v1, v10;
	p2 =	sgt.s32 s25, $0x6;
	v10 =	vld [tilespmem:s29+$0x0]  }
.Ltmp83:
0x483: {  	v18 =	vnsel vm0, $0x0, v18;
	v19 =	vadd.s32 v1, v19;
	[tilespmem:s26+$0x1B000] =	vst.msk vm1, v22;
	(pc) =	sbr.rel @!p2 .LBB2_185-.Ltmp83, $4  }
0x484: {  	vm3 =	vmmov vm2;
	[tilespmem:s26+$0x1B080] =	vst.msk vm1, v21;
	vm1 =	vmmov vm4;
	vm2 =	vmmov vm5  }
0x485: {  	vm5 =	vgt.s32 v15, $0x0;
	vm0 =	vgt.s32 v12, $0x0;
	vm4 =	vgt.s32 v12, v9  }
0x486: {  	s0 =	simm.s32 $0x6;
	v21 =	vnsel vm5, $0x0, v15;
	vm5 =	veq.s32 v12, v9;
	vm6 =	vle.s32 v13, v16  }
0x487: {  	s1 =	simm.s32 $0x19870;
	p1 =	por $0x1, $0x1;
	s28 =	simm.s32 $0x0;
	vm7 =	vmand vm5, vm6;
	vm5 =	veq.s32 v15, v9;
	vm6 =	vle.s32 v10, v16  }
.LBB2_186:
0x488: {  	vm4 =	vmor vm4, vm7;
	vm7 =	vgt.s32 v15, v9;
	v15 =	vld [tilespmem:s1+$0x0];
	vm5 =	vmand vm5, vm6;
	s4 =	spop (v2sf)  }
0x489: {  	v22 =	vnsel vm0, $0x0, v12;
	s29 =	sadd.s32 $0x20, s29;
	v12 =	vld [tilespmem:s1+$0xFFFFFFF0];
	v23 =	vmpcnt.ones.xlane vm4;
	vm0 =	vmor vm7, vm5;
	s4 =	sadd.s32 s28, s4;
	s5 =	spop (v2sf)  }
0x48a: {  	s0 =	sadd.s32 $0x2, s0;
	v24 =	vadd.s32 v1, v13;
	v25 =	vadd.s32 v1, v10;
	v13 =	vld [tilespmem:s29+$0xFFFFFFF0];
	v26 =	vmpcnt.ones.xlane vm0;
	[tilespmem:s4+$0x1B000] =	vst.msk vm3, v11;
	s28 =	sadd.s32 s4, s5;
	v11 =	vmovc v17  }
0x48b: {  	p2 =	slt.s32 s0, s25;
	v17 =	vmovc v21;
	v10 =	vld [tilespmem:s29+$0x0];
	(v2sf) =	vpush v23, $0x0;
	[tilespmem:s4+$0x1B080] =	vst.msk vm3, v14;
	v14 =	vmovc v20;
	v20 =	vmov v25;
	vm3 =	vmmov vm2  }
.Ltmp84:
0x48c: {  	vm2 =	vmmov vm0;
	(v2sf) =	vpush v26, $0x0;
	[tilespmem:s28+$0x1B000] =	vst.msk vm1, v18;
	v18 =	vmov v22;
	(pc) =	sbr.rel @p2 .LBB2_186-.Ltmp84, $4  }
0x48d: {  	vm5 =	vgt.s32 v15, $0x0;
	[tilespmem:s28+$0x1B080] =	vst.msk vm1, v19;
	v19 =	vmov v24;
	vm1 =	vmmov vm4  }
0x48e: {  	vm0 =	vgt.s32 v12, $0x0;
	v21 =	vnsel vm5, $0x0, v15  }
0x48f: {  	vm4 =	vgt.s32 v12, v9;
	vm5 =	veq.s32 v12, v9;
	vm6 =	vle.s32 v13, v16  }
0x490: {  	s1 =	sadd.s32 $0x20, s1;
	vm7 =	vmand vm5, vm6;
	vm5 =	veq.s32 v15, v9;
	vm6 =	vle.s32 v10, v16  }
0x491: {  	v23 =	vmov v11;
	v24 =	vmov v14  }
0x492: {  	v16 =	vmovc v17;
	v14 =	vmovc v20;
	v11 =	vmov v21;
	v22 =	vmov v18;
	v21 =	vmov v19  }
.LBB2_188:
0x493: {  	vm4 =	vmor vm4, vm7  }
0x494: {  	vm13 =	vgt.s32 v15, v9;
	vm5 =	vmand vm5, vm6;
	v9 =	vmpcnt.ones.xlane vm4  }
0x495: {  	vm5 =	vmor vm13, vm5  }
0x496: {  	v62 =	vmpcnt.ones.xlane vm5;
	(v2sf) =	vpush v9, $0x0;
	_ =	sdelay $0x1  }
0x497: {  	(v2sf) =	vpush v62, $0x0;
	_ =	sdelay $0x4  }
0x498: {  	s0 =	spop @p1 (v2sf)  }
0x499: {  	s1 =	spop @p1 (v2sf);
	s0 =	sadd.s32 @p1 s28, s0  }
0x49a: {  	s4 =	simm.s32 $0x0;
	[tilespmem:s0+$0x1B000] =	vst.msk @p1 vm3, v23;
	s1 =	sadd.s32 @p1 s0, s1  }
0x49b: {  	[tilespmem:s0+$0x1B080] =	vst.msk @p1 vm3, v24;
	s4 =	smov.u32 @p1 s1  }
0x49c: {  	vm2 =	vmmov @p0 vm2;
	[tilespmem:s4+$0x1B000] =	vst.msk @p0 vm1, v22;
	v9 =	vmov @p0 v16;
	s0 =	spop @p0 (v2sf)  }
0x49d: {  	[tilespmem:s4+$0x1B080] =	vst.msk @p0 vm1, v21;
	vm1 =	vmmov @p0 vm2;
	v9 =	vpsel p0, v9, v0;
	s0 =	sadd.s32 @p0 s4, s0;
	s1 =	spop @p0 (v2sf)  }
0x49e: {  	v14 =	vpsel p0, v14, v0;
	[tilespmem:s0+$0x1B000] =	vst.msk @p0 vm1, v9;
	s1 =	sadd.s32 @p0 s0, s1  }
.Ltmp85:
0x49f: {  	vm14 =	vmmov vm4;
	v9 =	vnsel vm0, $0x0, v12;
	[tilespmem:s0+$0x1B080] =	vst.msk @p0 vm1, v14;
	s26 =	smov.u32 @p0 s1;
	(pc) =	sbr.rel .LBB2_63-.Ltmp85, $4  }
0x4a0: {  	v63 =	vadd.s32 v1, v13;
	vm15 =	vmmov vm5;
	[tilespmem:s26+$0x1B000] =	vst.msk vm14, v9;
	s30 =	spop (v2sf)  }
0x4a1: {  	vm1 =	vmmov vm15;
	[tilespmem:s26+$0x1B080] =	vst.msk vm14, v63;
	s1 =	sadd.s32 s26, s30  }
0x4a2: {  	v9 =	vadd.s32 v1, v10;
	s31 =	spop (v2sf);
	[tilespmem:s1+$0x1B000] =	vst.msk vm1, v11  }
0x4a3: {  	s0 =	sadd.s32 s1, s31;
	[tilespmem:s1+$0x1B080] =	vst.msk vm1, v9  }
.LBB2_62:
0x4a4: {  	s0 =	simm.s32 $0x0  }
.LBB2_63:
0x4a5: {  	s1 =	ssub.s32 s23, s25  }
0x4a6: {  	p0 =	slt.s32 s1, $0x1  }
0x4a7: {  	s1 =	sshll.u32 @!p0 s25, $0x4  }
0x4a8: {  	v9 =	vld @!p0 [tilespmem:s1+$0x19800]  }
0x4a9: {  	v10 =	vld @!p0 [tilespmem:s1+$0x1A000];
	_ =	sdelay $0x4  }
0x4aa: {  	vm0 =	veq.s32 @!p0 v9, s22;
	vm1 =	vle.s32 @!p0 v10, s24  }
0x4ab: {  	vm2 =	vgt.s32 @!p0 v9, s22;
	vm0 =	vmand @!p0 vm0, vm1;
	vm1 =	vgt.s32 @!p0 v9, $0x0  }
0x4ac: {  	vm0 =	vmor @!p0 vm2, vm0;
	v9 =	vnsel @!p0 vm1, $0x0, v9  }
0x4ad: {  	[tilespmem:s0+$0x1B000] =	vst.msk @!p0 vm0, v9;
	v9 =	vadd.s32 @!p0 v1, v10  }
0x4ae: {  	[tilespmem:s0+$0x1B080] =	vst.msk @!p0 vm0, v9  }
0x4af: {  	v9 =	vld [tilespmem:$0x1B000]  }
0x4b0: {  	v10 =	vld [tilespmem:$0x1B080]  }
0x4b1: {  	v11 =	vld [tilespmem:$0x1B010]  }
0x4b2: {  	v12 =	vld [tilespmem:$0x1B090]  }
0x4b3: {  	v13 =	vld [tilespmem:$0x1B020]  }
0x4b4: {  	[tilespmem:$0x1B100] =	vst v9;
	v9 =	vld [tilespmem:$0x1B0A0]  }
0x4b5: {  	[tilespmem:$0x1B180] =	vst v10;
	v10 =	vld [tilespmem:$0x1B030]  }
0x4b6: {  	[tilespmem:$0x1B110] =	vst v11;
	v11 =	vld [tilespmem:$0x1B0B0]  }
0x4b7: {  	[tilespmem:$0x1B190] =	vst v12  }
0x4b8: {  	[tilespmem:$0x1B120] =	vst v13  }
0x4b9: {  	[tilespmem:$0x1B1A0] =	vst v9  }
0x4ba: {  	[tilespmem:$0x1B130] =	vst v10  }
0x4bb: {  	[tilespmem:$0x1B1B0] =	vst v11  }
0x4bc: {  	[hbm4b:s2+s15] =	stream.indirect.scatter [tilespmem:s17], [sflag:$0x4], $0x1, s16, s15, $0xb8;
	[tilespmem:$0x1B200] =	vst v63  }
0x4bd: {  	_ =	swait.ge [sflag:s20], $0x8000  }
0x4be: {  	[sflag:s20] =	ssyncset.done $0x0  }
0x4bf: {  	s31 =	simm.s32 $0x10100;
	[sflag:s20] =	ssyncadd.s32 $0xFFFF8000  }
0x4c0: {  	v10 =	vld [tilespmem:s31+$0x0]  }
0x4c1: {  	v11 =	vld [tilespmem:s31+$0x10]  }
0x4c2: {  	v12 =	vld [tilespmem:s31+$0x20]  }
0x4c3: {  	v13 =	vld [tilespmem:s31+$0x30]  }
0x4c4: {  	v14 =	vld [tilespmem:s31+$0x40]  }
0x4c5: {  	v15 =	vld [tilespmem:s31+$0x50]  }
0x4c6: {  	v16 =	vld [tilespmem:s31+$0x60]  }
0x4c7: {  	v17 =	vld [tilespmem:s31+$0x70]  }
0x4c8: {  	v18 =	vld [tilespmem:s31+$0x80]  }
0x4c9: {  	v19 =	vld [tilespmem:s31+$0x90]  }
0x4ca: {  	v20 =	vld [tilespmem:s31+$0xA0]  }
0x4cb: {  	v21 =	vld [tilespmem:s31+$0xB0]  }
0x4cc: {  	v22 =	vld [tilespmem:s31+$0xC0]  }
0x4cd: {  	v23 =	vld [tilespmem:s31+$0xD0]  }
0x4ce: {  	v24 =	vld [tilespmem:s31+$0xE0]  }
0x4cf: {  	v25 =	vld [tilespmem:s31+$0xF0]  }
0x4d0: {  	v9 =	vld [tilespmem:s31+$0xFFFFFF10]  }
0x4d1: {  	v26 =	vld [tilespmem:s31+$0xFFFFFF20]  }
0x4d2: {  	v27 =	vld [tilespmem:s31+$0xFFFFFF30]  }
0x4d3: {  	v28 =	vld [tilespmem:s31+$0xFFFFFF40]  }
0x4d4: {  	v29 =	vld [tilespmem:s31+$0xFFFFFF50]  }
0x4d5: {  	v30 =	vld [tilespmem:s31+$0xFFFFFF60]  }
0x4d6: {  	v31 =	vld [tilespmem:s31+$0xFFFFFF70]  }
0x4d7: {  	v32 =	vld [tilespmem:s31+$0xFFFFFF80]  }
0x4d8: {  	v33 =	vld [tilespmem:s31+$0xFFFFFF90]  }
0x4d9: {  	v34 =	vld [tilespmem:s31+$0xFFFFFFA0];
	v10 =	vmax.f32 v10, v11;
	v11 =	vmax.f32 v12, v13;
	v13 =	vmax.f32 v14, v15  }
0x4da: {  	v14 =	vmax.f32 v16, v17;
	v15 =	vmax.f32 v18, v19;
	v16 =	vmax.f32 v20, v21;
	v18 =	vld [tilespmem:s31+$0xFFFFFFB0]  }
0x4db: {  	v17 =	vmax.f32 v22, v23;
	v19 =	vmax.f32 v24, v25;
	v12 =	vld [tilespmem:s31+$0xFFFFFFC0];
	v10 =	vmax.f32 v10, v11  }
0x4dc: {  	v11 =	vmax.f32 v13, v14;
	v14 =	vmax.f32 v15, v16;
	v15 =	vmax.f32 v17, v19;
	v13 =	vld [tilespmem:s31+$0xFFFFFFD0]  }
0x4dd: {  	v16 =	vmax.f32 v28, v29;
	v11 =	vmax.f32 v10, v11;
	v15 =	vmax.f32 v14, v15;
	v14 =	vld [tilespmem:s31+$0xFFFFFFE0]  }
0x4de: {  	s22 =	simm.s32 $0x18010;
	v17 =	vmax.f32 v30, v31;
	v10 =	vmax.f32 v26, v27;
	v11 =	vmax.f32 v11, v15;
	v15 =	vld [tilespmem:s31+$0xFFFFFFF0]  }
0x4df: {  	s23 =	simm.s32 $0x0;
	s24 =	simm.s32 $0x10300;
	[tilespmem:s22+$0x0] =	vst v11;
	v11 =	vmax.f32 v16, v17;
	v17 =	vmax.f32 v32, v33;
	v16 =	vld [tilespmem:s31+$0xFFFFFF00];
	v18 =	vmax.f32 v34, v18  }
.LBB2_64:
0x4e0: {  	v19 =	vld [tilespmem:s24+$0x0];
	v17 =	vmax.f32 v17, v18  }
0x4e1: {  	v18 =	vld [tilespmem:s24+$0x10];
	v12 =	vmax.f32 v12, v13  }
0x4e2: {  	v13 =	vld [tilespmem:s24+$0x20]  }
0x4e3: {  	v20 =	vld [tilespmem:s24+$0x30];
	v14 =	vmax.f32 v14, v15  }
0x4e4: {  	v15 =	vld [tilespmem:s24+$0x40];
	v9 =	vmax.f32 v16, v9;
	v12 =	vmax.f32 v12, v14  }
0x4e5: {  	v14 =	vld [tilespmem:s24+$0x50];
	v9 =	vmax.f32 v9, v10;
	v10 =	vmax.f32 v17, v12  }
0x4e6: {  	v12 =	vld [tilespmem:s24+$0x60];
	v9 =	vmax.f32 v9, v11  }
0x4e7: {  	v11 =	vld [tilespmem:s24+$0x70];
	v9 =	vmax.f32 v9, v10  }
0x4e8: {  	v10 =	vld [tilespmem:s24+$0x80];
	[tilespmem:s22+$0xFFFFFFF0] =	vst v9  }
0x4e9: {  	v16 =	vld [tilespmem:s24+$0x90]  }
0x4ea: {  	v17 =	vld [tilespmem:s24+$0xA0]  }
0x4eb: {  	v21 =	vld [tilespmem:s24+$0xB0]  }
0x4ec: {  	v22 =	vld [tilespmem:s24+$0xC0]  }
0x4ed: {  	v23 =	vld [tilespmem:s24+$0xD0]  }
0x4ee: {  	v24 =	vld [tilespmem:s24+$0xE0]  }
0x4ef: {  	s23 =	sadd.s32 $0x2, s23;
	v25 =	vld [tilespmem:s24+$0xF0]  }
0x4f0: {  	p0 =	slt.u32 s23, $0x7E;
	v9 =	vld [tilespmem:s24+$0xFFFFFF10]  }
0x4f1: {  	v26 =	vld [tilespmem:s24+$0xFFFFFF20]  }
0x4f2: {  	v18 =	vmax.f32 v19, v18;
	v13 =	vmax.f32 v13, v20;
	v14 =	vmax.f32 v15, v14;
	v27 =	vld [tilespmem:s24+$0xFFFFFF30]  }
0x4f3: {  	v11 =	vmax.f32 v12, v11;
	v10 =	vmax.f32 v10, v16;
	v12 =	vmax.f32 v17, v21;
	v15 =	vld [tilespmem:s24+$0xFFFFFF40]  }
0x4f4: {  	v13 =	vmax.f32 v18, v13;
	v17 =	vmax.f32 v22, v23;
	v16 =	vld [tilespmem:s24+$0xFFFFFF50];
	v19 =	vmax.f32 v24, v25  }
0x4f5: {  	v11 =	vmax.f32 v14, v11;
	v10 =	vmax.f32 v10, v12;
	v18 =	vld [tilespmem:s24+$0xFFFFFF60];
	v12 =	vmax.f32 v17, v19  }
0x4f6: {  	v11 =	vmax.f32 v13, v11;
	v14 =	vld [tilespmem:s24+$0xFFFFFF70];
	v12 =	vmax.f32 v10, v12  }
0x4f7: {  	s22 =	sadd.s32 $0x20, s22;
	v17 =	vld [tilespmem:s24+$0xFFFFFF80];
	v10 =	vmax.f32 v26, v27;
	v11 =	vmax.f32 v11, v12  }
0x4f8: {  	s0 =	simm.s32 $0x18840;
	v19 =	vld [tilespmem:s24+$0xFFFFFF90];
	[tilespmem:s22+$0x0] =	vst v11  }
0x4f9: {  	v20 =	vld [tilespmem:s24+$0xFFFFFFA0];
	v11 =	vmax.f32 v15, v16  }
0x4fa: {  	v21 =	vld [tilespmem:s24+$0xFFFFFFB0]  }
.Ltmp86:
0x4fb: {  	v12 =	vld [tilespmem:s24+$0xFFFFFFC0];
	v14 =	vmax.f32 v18, v14;
	(pc) =	sbr.rel @p0 .LBB2_64-.Ltmp86, $4  }
0x4fc: {  	v13 =	vld [tilespmem:s24+$0xFFFFFFD0];
	v11 =	vmax.f32 v11, v14  }
0x4fd: {  	v14 =	vld [tilespmem:s24+$0xFFFFFFE0];
	v17 =	vmax.f32 v17, v19  }
0x4fe: {  	v15 =	vld [tilespmem:s24+$0xFFFFFFF0]  }
0x4ff: {  	v16 =	vld [tilespmem:s24+$0xFFFFFF00];
	v18 =	vmax.f32 v20, v21;
	s24 =	sadd.s32 $0x200, s24  }
0x500: {  	_ =	sdelay $0x3  }
0x501: {  	v12 =	vmax.f32 v12, v13;
	v62 =	vmax.f32 v14, v15;
	v9 =	vmax.f32 v16, v9  }
0x502: {  	v63 =	vmax.f32 v17, v18;
	v12 =	vmax.f32 v12, v62;
	v9 =	vmax.f32 v9, v10  }
0x503: {  	v10 =	vmax.f32 v63, v12;
	v9 =	vmax.f32 v9, v11  }
0x504: {  	v9 =	vmax.f32 v9, v10  }
0x505: {  	[tilespmem:s22+$0xFFFFFFF0] =	vst v9  }
0x506: {  	[tilespmem:s0+$0xFFFFFFC0] =	vst v4  }
0x507: {  	[tilespmem:s0+$0x30] =	vst v4  }
0x508: {  	[tilespmem:s0+$0x20] =	vst v4  }
0x509: {  	[tilespmem:s0+$0x10] =	vst v4  }
0x50a: {  	[tilespmem:s0+$0x0] =	vst v4  }
0x50b: {  	[tilespmem:s0+$0xFFFFFFF0] =	vst v4  }
0x50c: {  	s1 =	simm.s32 $0x0;
	[tilespmem:s0+$0xFFFFFFE0] =	vst v4  }
.LBB2_66:
0x50d: {  	s1 =	sadd.s32 $0x8, s1;
	[tilespmem:s0+$0xFFFFFFD0] =	vst v4;
	s0 =	sadd.s32 $0x80, s0  }
0x50e: {  	[tilespmem:s0+$0xFFFFFFC0] =	vst v4;
	p0 =	slt.u32 s1, $0xF8  }
0x50f: {  	[tilespmem:s0+$0x30] =	vst v4  }
.Ltmp87:
0x510: {  	[tilespmem:s0+$0x20] =	vst v4;
	(pc) =	sbr.rel @p0 .LBB2_66-.Ltmp87, $4  }
0x511: {  	[tilespmem:s0+$0x10] =	vst v4  }
0x512: {  	[tilespmem:s0+$0x0] =	vst v4  }
0x513: {  	[tilespmem:s0+$0xFFFFFFF0] =	vst v4  }
0x514: {  	[tilespmem:s0+$0xFFFFFFE0] =	vst v4  }
0x515: {  	[tilespmem:s0+$0xFFFFFFD0] =	vst v4;
	s31 =	simm.s32 $0x18040  }
0x516: {  	v9 =	vld [tilespmem:s31+$0x30]  }
0x517: {  	v10 =	vld [tilespmem:s31+$0xFFFFFFD0]  }
0x518: {  	v11 =	vld [tilespmem:s31+$0xFFFFFFE0]  }
0x519: {  	v12 =	vld [tilespmem:s31+$0xFFFFFFF0]  }
0x51a: {  	v13 =	vld [tilespmem:s31+$0x0];
	_ =	sdelay $0x1  }
0x51b: {  	v14 =	vld [tilespmem:s31+$0x10]  }
0x51c: {  	v17 =	vld [tilespmem:s31+$0x20]  }
0x51d: {  	v18 =	vld [tilespmem:s31+$0xFFFFFFC0];
	v15 =	vshra.s32 v9, $0x1F;
	v16 =	vshra.s32 v10, $0x1F;
	v19 =	vshra.s32 v11, $0x1F  }
0x51e: {  	v62 =	vshra.s32 v12, $0x1F;
	v20 =	vshra.s32 v13, $0x1F;
	v15 =	vand.u32 $0x7FF00000, v15  }
0x51f: {  	v16 =	vand.u32 $0x7FF00000, v16;
	v9 =	vxor.u32 v9, v15;
	v15 =	vand.u32 $0x7FF00000, v19  }
0x520: {  	v19 =	vand.u32 $0x7FF00000, v62;
	v16 =	vxor.u32 v10, v16;
	v9 =	vshra.s32 v9, $0x14  }
0x521: {  	v10 =	vshra.s32 v14, $0x1F;
	v63 =	vxor.u32 v11, v15;
	v21 =	vadd.s32 $0x800, v9  }
0x522: {  	v11 =	vand.u32 $0x7FF00000, v10;
	v10 =	vshra.s32 v17, $0x1F;
	v15 =	vshra.s32 v18, $0x1F  }
0x523: {  	v19 =	vxor.u32 v12, v19;
	v9 =	vand.u32 $0x7FF00000, v20;
	v12 =	vand.u32 $0x7FF00000, v10  }
0x524: {  	v15 =	vand.u32 $0x7FF00000, v15;
	v10 =	vxor.u32 v13, v9;
	v9 =	vxor.u32 v14, v11  }
0x525: {  	v13 =	vxor.u32 v18, v15;
	v11 =	vshra.s32 v16, $0x14;
	v12 =	vxor.u32 v17, v12  }
0x526: {  	s22 =	simm.s32 $0x0;
	s0 =	simm.s32 $0x180C0;
	v14 =	vshra.s32 v63, $0x14;
	v15 =	vshra.s32 v13, $0x14;
	v13 =	vshra.s32 v19, $0x14;
	[tilespmem:v21+s12+$0x0] =	vst.idx.add.s32.msk $0xffff, v5  }
.LBB2_68:
0x527: {  	v16 =	vld [tilespmem:s0+$0x30];
	s22 =	sadd.s32 $0x8, s22;
	v10 =	vshra.s32 v10, $0x14;
	v9 =	vshra.s32 v9, $0x14;
	v12 =	vshra.s32 v12, $0x14  }
0x528: {  	v15 =	vadd.s32 $0x800, v15;
	v11 =	vadd.s32 $0x800, v11;
	v14 =	vadd.s32 $0x800, v14;
	v17 =	vld [tilespmem:s0+$0xFFFFFFD0];
	p0 =	slt.u32 s22, $0x78  }
0x529: {  	v13 =	vadd.s32 $0x800, v13;
	v10 =	vadd.s32 $0x800, v10;
	v19 =	vadd.s32 $0x800, v9;
	v18 =	vld [tilespmem:s0+$0xFFFFFFE0]  }
0x52a: {  	v20 =	vadd.s32 $0x800, v12;
	v9 =	vld [tilespmem:s0+$0xFFFFFFF0]  }
0x52b: {  	v12 =	vld [tilespmem:s0+$0x0]  }
0x52c: {  	v21 =	vld [tilespmem:s0+$0x10];
	v22 =	vshra.s32 v16, $0x1F  }
0x52d: {  	v23 =	vshra.s32 v17, $0x1F;
	v24 =	vld [tilespmem:s0+$0x20];
	v22 =	vand.u32 $0x7FF00000, v22  }
0x52e: {  	v25 =	vld [tilespmem:s0+$0xFFFFFFC0];
	v23 =	vand.u32 $0x7FF00000, v23;
	v26 =	vshra.s32 v18, $0x1F;
	v16 =	vxor.u32 v16, v22  }
0x52f: {  	v22 =	vand.u32 $0x7FF00000, v26;
	v26 =	vshra.s32 v9, $0x1F;
	v16 =	vshra.s32 v16, $0x14;
	[tilespmem:v15+s12+$0x0] =	vst.idx.add.s32.msk $0xffff, v5  }
0x530: {  	v15 =	vand.u32 $0x7FF00000, v26;
	v26 =	vshra.s32 v12, $0x1F;
	v16 =	vadd.s32 $0x800, v16;
	[tilespmem:v11+s12+$0x0] =	vst.idx.add.s32.msk $0xffff, v5  }
0x531: {  	v11 =	vxor.u32 v17, v23;
	v17 =	vand.u32 $0x7FF00000, v26;
	v23 =	vshra.s32 v21, $0x1F;
	[tilespmem:v14+s12+$0x0] =	vst.idx.add.s32.msk $0xffff, v5  }
.Ltmp88:
0x532: {  	v14 =	vxor.u32 v18, v22;
	v18 =	vand.u32 $0x7FF00000, v23;
	v22 =	vshra.s32 v24, $0x1F;
	[tilespmem:v13+s12+$0x0] =	vst.idx.add.s32.msk $0xffff, v5;
	(pc) =	sbr.rel @p0 .LBB2_68-.Ltmp88, $4  }
0x533: {  	v23 =	vxor.u32 v9, v15;
	v13 =	vshra.s32 v25, $0x1F;
	v15 =	vand.u32 $0x7FF00000, v22;
	[tilespmem:v10+s12+$0x0] =	vst.idx.add.s32.msk $0xffff, v5  }
0x534: {  	v10 =	vxor.u32 v12, v17;
	v9 =	vxor.u32 v21, v18;
	v13 =	vand.u32 $0x7FF00000, v13;
	[tilespmem:v19+s12+$0x0] =	vst.idx.add.s32.msk $0xffff, v5  }
0x535: {  	s10 =	simm.s32 $0x0;
	s1 =	simm.s32 $0x1FFF;
	s9 =	simm.s32 $0x197F0;
	v11 =	vshra.s32 v11, $0x14;
	v12 =	vxor.u32 v24, v15;
	v13 =	vxor.u32 v25, v13;
	[tilespmem:v16+s12+$0x0] =	vst.idx.add.s32.msk $0xffff, v5  }
0x536: {  	s0 =	sadd.s32 $0x80, s0;
	v14 =	vshra.s32 v14, $0x14;
	v15 =	vshra.s32 v13, $0x14;
	v13 =	vshra.s32 v23, $0x14;
	[tilespmem:v20+s12+$0x0] =	vst.idx.add.s32.msk $0xffff, v5  }
0x537: {  	v15 =	vadd.s32 $0x800, v15  }
0x538: {  	v11 =	vadd.s32 $0x800, v11  }
0x539: {  	v14 =	vadd.s32 $0x800, v14  }
0x53a: {  	v10 =	vshra.s32 v10, $0x14;
	v13 =	vadd.s32 $0x800, v13  }
0x53b: {  	v9 =	vshra.s32 v9, $0x14;
	v10 =	vadd.s32 $0x800, v10  }
0x53c: {  	v12 =	vshra.s32 v12, $0x14;
	v9 =	vadd.s32 $0x800, v9;
	[tilespmem:v15+s12+$0x0] =	vst.idx.add.s32.msk $0xffff, v5  }
0x53d: {  	v12 =	vadd.s32 $0x800, v12;
	[tilespmem:v11+s12+$0x0] =	vst.idx.add.s32.msk $0xffff, v5  }
0x53e: {  	[tilespmem:v14+s12+$0x0] =	vst.idx.add.s32.msk $0xffff, v5  }
0x53f: {  	[tilespmem:v13+s12+$0x0] =	vst.idx.add.s32.msk $0xffff, v5  }
0x540: {  	[tilespmem:v10+s12+$0x0] =	vst.idx.add.s32.msk $0xffff, v5  }
0x541: {  	[tilespmem:v9+s12+$0x0] =	vst.idx.add.s32.msk $0xffff, v5  }
0x542: {  	[tilespmem:v12+s12+$0x0] =	vst.idx.add.s32.msk $0xffff, v5  }
.LBB2_70:
0x543: {  	v9 =	vld [tilespmem:s9+$0x0];
	_ =	sdelay $0x4  }
0x544: {  	(xrf0) =	vadd.scan.msk.s32 $0xffff, v9;
	_ =	sdelay $0x5  }
0x545: {  	v10, _, _ =	vpop (xrf0)  }
0x546: {  	(v2sf) =	vpush v10, $0xF;
	_ =	sdelay $0xe  }
0x547: {  	s4 =	spop (v2sf)  }
0x548: {  	s0 =	smov.u32 s10;
	s10 =	sadd.s32 s10, s4  }
0x549: {  	p0 =	slt.s32 s10, $0x40  }
.Ltmp89:
0x54a: {  	_ = 	snop;
	(pc) =	sbr.rel @p0 .LBB2_70-.Ltmp89, $2  }
0x54b: {  	_ =	sdelay $0x2  }
0x54c: {  	s1 =	sadd.s32 $0xFFFFFFF0, s1;
	s9 =	sadd.s32 $0xFFFFFFF0, s9  }
0x54d: {  	v11 =	vbroadcast v10, $0xF;
	v9 =	vadd.s32 s0, v9  }
0x54e: {  	v9 =	vsub.s32 v9, v10  }
0x54f: {  	v9 =	vadd.s32 v11, v9  }
0x550: {  	vm0 =	vgt.s32 v9, $0x3F  }
0x551: {  	v9 =	vsel vm0, $0x1, v4  }
0x552: {  	(xrf0) =	vadd.scan.msk.s32 $0xffff, v9;
	_ =	sdelay $0x5  }
0x553: {  	v9, _, _ =	vpop (xrf0)  }
0x554: {  	(v2sf) =	vpush v9, $0xF;
	_ =	sdelay $0xa  }
0x555: {  	s24 =	simm.s32 $0x10020  }
0x556: {  	v9 =	vld [tilespmem:s24+$0xFFFFFFE0];
	_ =	sdelay $0x1  }
0x557: {  	v10 =	vld [tilespmem:s24+$0xFFFFFFF0]  }
0x558: {  	s4 =	spop (v2sf)  }
0x559: {  	s1 =	sadd.s32 s1, s4  }
0x55a: {  	v11 =	vshra.s32 v9, $0x1F;
	s1 =	sshll.u32 s1, $0x14  }
0x55b: {  	v13 =	vld [tilespmem:s24+$0x0];
	v12 =	vand.u32 $0x7FFFFFFF, v11;
	s22 =	sxor.u32 $0x80000000, s1  }
0x55c: {  	v15 =	vxor.u32 v9, v12;
	v9 =	vshra.s32 v10, $0x1F;
	v11 =	vmov s22  }
0x55d: {  	v14 =	vld [tilespmem:s24+$0x10];
	v9 =	vand.u32 $0x7FFFFFFF, v9;
	vm0 =	vge.s32 v15, v11  }
0x55e: {  	v16 =	vxor.u32 v10, v9;
	v12 =	vmpcnt.ones.xlane vm0  }
0x55f: {  	vm1 =	vge.s32 v16, v11  }
0x560: {  	v9 =	vshra.s32 v13, $0x1F;
	v10 =	vmpcnt.ones.xlane vm1;
	(v2sf) =	vpush v12, $0x0  }
0x561: {  	s25 =	simm.s32 $0x10060;
	v9 =	vand.u32 $0x7FFFFFFF, v9  }
0x562: {  	v18 =	vxor.u32 v13, v9;
	v9 =	vshra.s32 v14, $0x1F;
	(v2sf) =	vpush v10, $0x0;
	v10 =	vld [tilespmem:s25+$0xFFFFFFE0]  }
0x563: {  	v13 =	vld [tilespmem:s25+$0xFFFFFFF0];
	v9 =	vand.u32 $0x7FFFFFFF, v9;
	vm3 =	vge.s32 v18, v11  }
0x564: {  	v9 =	vxor.u32 v14, v9;
	v12 =	vmpcnt.ones.xlane vm3  }
0x565: {  	vm7 =	vge.s32 v9, v11  }
0x566: {  	v14 =	vld [tilespmem:s25+$0x0];
	(v2sf) =	vpush v12, $0x0;
	v12 =	vmpcnt.ones.xlane vm7  }
0x567: {  	v17 =	vshra.s32 v10, $0x1F  }
0x568: {  	(v2sf) =	vpush v12, $0x0;
	v12 =	vand.u32 $0x7FFFFFFF, v17;
	v17 =	vshra.s32 v13, $0x1F  }
0x569: {  	v12 =	vxor.u32 v10, v12;
	v10 =	vand.u32 $0x7FFFFFFF, v17;
	v17 =	vld [tilespmem:s25+$0x10]  }
0x56a: {  	s26 =	simm.s32 $0x100A0;
	vm5 =	vmmov vm1;
	vm1 =	vge.s32 v12, v11  }
0x56b: {  	v20 =	vld [tilespmem:s26+$0xFFFFFFE0];
	v19 =	vshra.s32 v14, $0x1F;
	v10 =	vxor.u32 v13, v10;
	v13 =	vmpcnt.ones.xlane vm1  }
0x56c: {  	v19 =	vand.u32 $0x7FFFFFFF, v19;
	vm2 =	vmmov vm0;
	vm0 =	vmmov vm7  }
0x56d: {  	vm4 =	vge.s32 v10, v11;
	(v2sf) =	vpush v13, $0x0;
	v13 =	vxor.u32 v14, v19  }
0x56e: {  	s23 =	simm.s32 $0x0;
	v21 =	vmpcnt.ones.xlane vm4;
	vm7 =	vge.s32 v13, v11;
	v14 =	vshra.s32 v17, $0x1F  }
0x56f: {  	v22 =	vor.u32 s23, v6;
	v61 =	vmpcnt.ones.xlane vm7;
	v14 =	vand.u32 $0x7FFFFFFF, v14;
	s28 =	spop (v2sf)  }
0x570: {  	[tilespmem:s23+$0x19800] =	vst.msk vm2, v15;
	(v2sf) =	vpush v21, $0x0;
	v14 =	vxor.u32 v17, v14;
	v17 =	vshra.s32 v20, $0x1F;
	s0 =	sadd.s32 $0x0, s28  }
0x571: {  	vm6 =	vmmov vm3;
	[tilespmem:s23+$0x1A000] =	vst.msk vm2, v22;
	vm2 =	vmmov vm4;
	v19 =	vld [tilespmem:s26+$0xFFFFFFF0];
	v15 =	vand.u32 $0x7FFFFFFF, v17;
	p0 =	slt.s32 s0, $0x7F0  }
0x572: {  	s5 =	simm.s32 $0x10;
	s29 =	spop (v2sf);
	vm3 =	vge.s32 v14, v11;
	(v2sf) =	vpush v61, $0x0;
	v15 =	vxor.u32 v20, v15;
	s0 =	simm.s32 @!p0 $0x7F0  }
0x573: {  	v62 =	vmpcnt.ones.xlane vm3;
	v20 =	vor.u32 s5, v6;
	vm4 =	vge.s32 v15, v11;
	[tilespmem:s0+$0x19800] =	vst.msk vm5, v16  }
0x574: {  	v17 =	vld [tilespmem:s26+$0x0];
	s4 =	sadd.s32 s0, s29;
	[tilespmem:s0+$0x1A000] =	vst.msk vm5, v20;
	v20 =	vmpcnt.ones.xlane vm4  }
0x575: {  	(v2sf) =	vpush v62, $0x0;
	p0 =	slt.s32 s4, $0x7F0  }
0x576: {  	s30 =	spop (v2sf);
	v16 =	vshra.s32 v19, $0x1F;
	s4 =	simm.s32 @!p0 $0x7F0;
	(v2sf) =	vpush v20, $0x0  }
0x577: {  	s31 =	simm.s32 $0x20;
	v16 =	vand.u32 $0x7FFFFFFF, v16;
	s25 =	sadd.s32 s4, s30;
	[tilespmem:s4+$0x19800] =	vst.msk vm6, v18;
	v18 =	vld [tilespmem:s26+$0x10]  }
0x578: {  	v63 =	vor.u32 s31, v6;
	s24 =	simm.s32 $0x8;
	vm1 =	vmmov vm1;
	s1 =	spop (v2sf);
	v16 =	vxor.u32 v19, v16;
	p0 =	slt.s32 s25, $0x7F0  }
0x579: {  	s0 =	simm.s32 $0x30;
	vm5 =	vmmov vm7;
	v19 =	vshra.s32 v17, $0x1F;
	s26 =	simm.s32 $0x100E0;
	[tilespmem:s4+$0x1A000] =	vst.msk vm6, v63;
	vm6 =	vge.s32 v16, v11;
	s25 =	simm.s32 @!p0 $0x7F0  }
.LBB2_72:
0x57a: {  	v20 =	vld [tilespmem:s26+$0xFFFFFFE0];
	s24 =	sadd.s32 $0x4, s24;
	v21 =	vmpcnt.ones.xlane vm6;
	v19 =	vand.u32 $0x7FFFFFFF, v19;
	[tilespmem:s25+$0x19800] =	vst.msk vm0, v9;
	v22 =	vor.u32 s0, v6;
	s0 =	sadd.s32 s25, s1;
	v9 =	vmovc v14  }
0x57b: {  	p0 =	slt.u32 s24, $0x7FC;
	v19 =	vxor.u32 v17, v19;
	[tilespmem:s25+$0x1A000] =	vst.msk vm0, v22;
	p1 =	slt.s32 s0, $0x7F0;
	vm0 =	vmmov vm3  }
0x57c: {  	s23 =	sadd.s32 $0x40, s23;
	vm7 =	vge.s32 v19, v11;
	v14 =	vshra.s32 v18, $0x1F;
	(v2sf) =	vpush v21, $0x0;
	s1 =	spop (v2sf);
	s0 =	simm.s32 @!p1 $0x7F0  }
0x57d: {  	v22 =	vor.u32 s23, v6;
	v21 =	vld [tilespmem:s26+$0xFFFFFFF0];
	v17 =	vmpcnt.ones.xlane vm7;
	v14 =	vand.u32 $0x7FFFFFFF, v14;
	[tilespmem:s0+$0x19800] =	vst.msk vm1, v12;
	s1 =	sadd.s32 s0, s1;
	v12 =	vmovc v15  }
0x57e: {  	v14 =	vxor.u32 v18, v14;
	[tilespmem:s0+$0x1A000] =	vst.msk vm1, v22;
	p1 =	slt.s32 s1, $0x7F0;
	vm1 =	vmmov vm4  }
0x57f: {  	s0 =	sadd.s32 $0x10, s23;
	v15 =	vshra.s32 v20, $0x1F;
	vm3 =	vge.s32 v14, v11;
	(v2sf) =	vpush v17, $0x0;
	s1 =	simm.s32 @!p1 $0x7F0;
	s4 =	spop (v2sf)  }
0x580: {  	v22 =	vor.u32 s0, v6;
	v15 =	vand.u32 $0x7FFFFFFF, v15;
	v17 =	vld [tilespmem:s26+$0x0];
	v18 =	vmpcnt.ones.xlane vm3;
	[tilespmem:s1+$0x19800] =	vst.msk vm2, v10;
	s0 =	sadd.s32 s1, s4;
	v10 =	vmovc v16  }
.Ltmp90:
0x581: {  	v15 =	vxor.u32 v20, v15;
	[tilespmem:s1+$0x1A000] =	vst.msk vm2, v22;
	p1 =	slt.s32 s0, $0x7F0;
	vm2 =	vmmov vm6;
	(pc) =	sbr.rel @p0 .LBB2_72-.Ltmp90, $4  }
0x582: {  	s1 =	sadd.s32 $0x20, s23;
	vm4 =	vge.s32 v15, v11;
	v16 =	vshra.s32 v21, $0x1F;
	(v2sf) =	vpush v18, $0x0;
	s0 =	simm.s32 @!p1 $0x7F0;
	s4 =	spop (v2sf)  }
0x583: {  	v22 =	vor.u32 s1, v6;
	v20 =	vmpcnt.ones.xlane vm4;
	v16 =	vand.u32 $0x7FFFFFFF, v16;
	v18 =	vld [tilespmem:s26+$0x10];
	[tilespmem:s0+$0x19800] =	vst.msk vm5, v13;
	s25 =	sadd.s32 s0, s4;
	v13 =	vmovc v19  }
0x584: {  	v16 =	vxor.u32 v21, v16;
	[tilespmem:s0+$0x1A000] =	vst.msk vm5, v22;
	p1 =	slt.s32 s25, $0x7F0;
	s0 =	sadd.s32 $0x30, s23;
	vm5 =	vmmov vm7  }
0x585: {  	s26 =	sadd.s32 $0x40, s26;
	vm6 =	vge.s32 v16, v11;
	v19 =	vshra.s32 v17, $0x1F;
	(v2sf) =	vpush v20, $0x0;
	s25 =	simm.s32 @!p1 $0x7F0;
	s1 =	spop (v2sf)  }
0x586: {  	v20 =	vmpcnt.ones.xlane vm6;
	v19 =	vand.u32 $0x7FFFFFFF, v19;
	s4 =	sadd.s32 s25, s1  }
0x587: {  	v17 =	vxor.u32 v17, v19;
	p0 =	slt.s32 s4, $0x7F0  }
0x588: {  	s10 =	spop (v2sf);
	vm7 =	vge.s32 v17, v11;
	v61 =	vshra.s32 v18, $0x1F;
	(v2sf) =	vpush v20, $0x0;
	s4 =	simm.s32 @!p0 $0x7F0  }
0x589: {  	v62 =	vmpcnt.ones.xlane vm7;
	v19 =	vand.u32 $0x7FFFFFFF, v61;
	s5 =	sadd.s32 s4, s10  }
0x58a: {  	v63 =	vxor.u32 v18, v19;
	p0 =	slt.s32 s5, $0x7F0  }
0x58b: {  	vm8 =	vge.s32 v63, v11;
	(v2sf) =	vpush v62, $0x0;
	s5 =	simm.s32 @!p0 $0x7F0;
	s24 =	spop (v2sf)  }
0x58c: {  	v11 =	vmpcnt.ones.xlane vm8;
	s9 =	sadd.s32 s5, s24  }
0x58d: {  	p0 =	slt.s32 s9, $0x7F0  }
0x58e: {  	(v2sf) =	vpush v11, $0x0;
	s9 =	simm.s32 @!p0 $0x7F0;
	s26 =	spop (v2sf)  }
0x58f: {  	s10 =	sadd.s32 s9, s26  }
0x590: {  	p0 =	slt.s32 s10, $0x7F0  }
0x591: {  	s10 =	simm.s32 @!p0 $0x7F0;
	s29 =	spop (v2sf)  }
0x592: {  	s24 =	sadd.s32 s10, s29  }
0x593: {  	p0 =	slt.s32 s24, $0x7F0  }
0x594: {  	s30 =	spop (v2sf);
	s24 =	simm.s32 @!p0 $0x7F0  }
0x595: {  	s26 =	sadd.s32 s24, s30  }
0x596: {  	p0 =	slt.s32 s26, $0x7F0  }
0x597: {  	s26 =	simm.s32 @!p0 $0x7F0;
	s31 =	spop (v2sf)  }
0x598: {  	s28 =	sadd.s32 s26, s31  }
0x599: {  	p0 =	slt.s32 s28, $0x7F0  }
0x59a: {  	s28 =	simm.s32 @!p0 $0x7F0;
	s29 =	spop (v2sf)  }
0x59b: {  	[tilespmem:s25+$0x19800] =	vst.msk vm0, v9;
	s1 =	sadd.s32 s28, s29  }
0x59c: {  	[tilespmem:s4+$0x19800] =	vst.msk vm1, v12;
	p0 =	slt.s32 s1, $0x7F0  }
0x59d: {  	[tilespmem:s5+$0x19800] =	vst.msk vm2, v10;
	v11 =	vor.u32 s0, v6;
	s1 =	simm.s32 @!p0 $0x7F0;
	s30 =	spop (v2sf)  }
0x59e: {  	s0 =	sadd.s32 $0x40, s23;
	[tilespmem:s25+$0x1A000] =	vst.msk vm0, v11;
	s29 =	sadd.s32 s1, s30  }
0x59f: {  	v9 =	vor.u32 s0, v6;
	[tilespmem:s9+$0x19800] =	vst.msk vm5, v13;
	p1 =	slt.s32 s29, $0x7F0  }
0x5a0: {  	vm11 =	vmmov vm3;
	[tilespmem:s4+$0x1A000] =	vst.msk vm1, v9;
	p5 =	slt.s32 s29, $0xFFFFFFF2;
	s29 =	simm.s32 @!p1 $0x7F0  }
0x5a1: {  	vm12 =	vmmov vm4;
	[tilespmem:s10+$0x19800] =	vst.msk vm11, v14;
	s31 =	sadd.s32 $0x10, s0;
	s25 =	sadd.s32 $0xF, s29  }
0x5a2: {  	s23 =	sadd.s32 $0x20, s0;
	[tilespmem:s24+$0x19800] =	vst.msk vm12, v15;
	v9 =	vor.u32 s31, v6;
	s30 =	sand.u32 $0xF, s25  }
0x5a3: {  	vm13 =	vmmov vm6;
	[tilespmem:s5+$0x1A000] =	vst.msk vm2, v9;
	v9 =	vor.u32 s23, v6;
	s23 =	sshra.s32 s25, $0x1F;
	p6 =	sne.s32 s30, $0x0  }
0x5a4: {  	[tilespmem:s26+$0x19800] =	vst.msk vm13, v16;
	s31 =	sadd.s32 $0x30, s0;
	s4 =	sshrl.u32 s23, $0x1C;
	p0 =	por !p5, !p6  }
0x5a5: {  	vm14 =	vmmov vm7;
	s5 =	simm.s32 $0x1;
	[tilespmem:s9+$0x1A000] =	vst.msk vm5, v9;
	s4 =	sadd.s32 s4, s25;
	p0 =	por !p0, !p0  }
0x5a6: {  	s0 =	sadd.s32 $0x40, s0;
	v9 =	vor.u32 s31, v6;
	[tilespmem:s28+$0x19800] =	vst.msk vm14, v17;
	s4 =	sshra.s32 s4, $0x4;
	s5 =	simm.s32 @!p0 $0x0  }
0x5a7: {  	[tilespmem:s10+$0x1A000] =	vst.msk vm11, v9;
	v9 =	vor.u32 s0, v6;
	s23 =	ssub.s32 s4, s5  }
0x5a8: {  	vm15 =	vmmov vm8;
	[tilespmem:s24+$0x1A000] =	vst.msk vm12, v9;
	s24 =	sadd.s32 $0x10, s0;
	s25 =	sshrl.u32 s23, $0x1E  }
.Ltmp91:
0x5a9: {  	v9 =	vor.u32 s24, v6;
	[tilespmem:s1+$0x19800] =	vst.msk vm15, v63;
	s30 =	sadd.s32 $0x20, s0;
	s4 =	sadd.s32 s25, s23;
	(pc) =	sbr.rel .LBB2_74-.Ltmp91, $4  }
0x5aa: {  	[tilespmem:s26+$0x1A000] =	vst.msk vm13, v9;
	s0 =	sadd.s32 $0x30, s0;
	v9 =	vor.u32 s30, v6;
	s24 =	sand.u32 $0xFFFFFFFC, s4  }
0x5ab: {  	[tilespmem:s28+$0x1A000] =	vst.msk vm14, v9;
	v9 =	vor.u32 s0, v6;
	s4 =	sshll.u32 s24, $0x6  }
0x5ac: {  	s28 =	simm.s32 $0x0;
	[tilespmem:s1+$0x1A000] =	vst.msk vm15, v9;
	s31 =	ssub.s32 s23, s24;
	s26 =	sshra.s32 s4, $0x2  }
0x5ad: {  	[tilespmem:s29+$0x19800] =	vst v7;
	p1 =	slt.s32 s24, $0x1;
	p0 =	slt.s32 s31, $0x1;
	s25 =	sadd.s32 $0x19800, s26  }
.LBB2_78:
0x5ae: {  	(v2sf) =	vpush v10, $0x0;
	_ =	sdelay $0xa  }
0x5af: {  	p2 =	sgt.s32 s29, s22;
	s1 =	smov.u32 s22;
	s28 =	sadd.s32 $0x1, s28  }
0x5b0: {  	s1 =	smov.u32 @p2 s29;
	p2 =	sne.s32 s28, $0x1F  }
.Ltmp92:
0x5b1: {  	_ = 	snop;
	(pc) =	sbr.rel @!p2 .LBB2_79-.Ltmp92, $4  }
0x5b2: {  	_ = 	snop  }
0x5b3: {  	s0 =	spop (v2sf)  }
0x5b4: {  	p3 =	sgt.s32 s0, $0x3F  }
0x5b5: {  	s22 =	smov.u32 @p3 s1  }
.LBB2_74:
.Ltmp93:
0x5b6: {  	(pc) =	sbr.rel @p1 .LBB2_75-.Ltmp93, $4  }
0x5b7: {  	_ = 	snop  }
0x5b8: {  	s0 =	sshrl.u32 s13, s28  }
0x5b9: {  	s29 =	sadd.s32 s0, s22  }
0x5ba: {  	v10 =	vimm.s32 $0x0;
	v9 =	vmov s29  }
0x5bb: {  	p3 =	sgt.s32 s24, $0x4  }
.Ltmp94:
0x5bc: {  	s0 =	simm.s32 $0x19820;
	(pc) =	sbr.rel @!p3 .LBB2_190-.Ltmp94, $4  }
0x5bd: {  	v14 =	vld [tilespmem:s0+$0xFFFFFFE0]  }
0x5be: {  	v12 =	vld [tilespmem:s0+$0xFFFFFFF0]  }
0x5bf: {  	v13 =	vld [tilespmem:s0+$0x0]  }
0x5c0: {  	p2 =	por $0x0, $0x0;
	v11 =	vld [tilespmem:s0+$0x10]  }
0x5c1: {  	_ = 	snop  }
0x5c2: {  	p3 =	sgt.s32 s24, $0x8;
	vm0 =	vge.s32 v14, v9  }
.Ltmp95:
0x5c3: {  	s0 =	simm.s32 $0x19860;
	v15 =	vmpcnt.ones.xlane vm0;
	vm13 =	vge.s32 v12, v9;
	(pc) =	sbr.rel @!p3 .LBB2_193-.Ltmp95, $4  }
0x5c4: {  	v14 =	vld [tilespmem:s0+$0xFFFFFFE0];
	v16 =	vmpcnt.ones.xlane vm13;
	vm14 =	vge.s32 v13, v9  }
0x5c5: {  	v12 =	vld [tilespmem:s0+$0xFFFFFFF0];
	v15 =	vadd.s32 v10, v15;
	v17 =	vmpcnt.ones.xlane vm14  }
0x5c6: {  	v13 =	vld [tilespmem:s0+$0x0];
	vm15 =	vge.s32 v11, v9;
	v16 =	vadd.s32 v16, v15  }
0x5c7: {  	s1 =	simm.s32 $0x8;
	p2 =	por $0x1, $0x1;
	v11 =	vld [tilespmem:s0+$0x10];
	v15 =	vmpcnt.ones.xlane vm15;
	v16 =	vadd.s32 v17, v16  }
.LBB2_192:
0x5c8: {  	s1 =	sadd.s32 $0x4, s1  }
0x5c9: {  	vm0 =	vge.s32 v14, v9;
	s0 =	sadd.s32 $0x40, s0;
	v15 =	vadd.s32 v15, v16;
	p3 =	slt.s32 s1, s24  }
.Ltmp96:
0x5ca: {  	v14 =	vld [tilespmem:s0+$0xFFFFFFE0];
	v16 =	vmpcnt.ones.xlane vm0;
	vm0 =	vge.s32 v12, v9;
	(pc) =	sbr.rel @p3 .LBB2_192-.Ltmp96, $4  }
0x5cb: {  	v12 =	vld [tilespmem:s0+$0xFFFFFFF0];
	v17 =	vmpcnt.ones.xlane vm0;
	vm0 =	vge.s32 v13, v9  }
0x5cc: {  	v13 =	vld [tilespmem:s0+$0x0];
	v15 =	vadd.s32 v15, v16;
	v16 =	vmpcnt.ones.xlane vm0;
	vm0 =	vge.s32 v11, v9  }
0x5cd: {  	v11 =	vld [tilespmem:s0+$0x10];
	v17 =	vadd.s32 v17, v15;
	v15 =	vmpcnt.ones.xlane vm0  }
0x5ce: {  	v16 =	vadd.s32 v16, v17  }
.LBB2_193:
0x5cf: {  	_ = 	snop  }
0x5d0: {  	vm0 =	vge.s32 v14, v9  }
0x5d1: {  	v14 =	vadd.s32 @p2 v15, v16;
	v63 =	vmpcnt.ones.xlane vm0;
	vm13 =	vge.s32 v12, v9  }
0x5d2: {  	v10 =	vpsel p2, v14, v10;
	v12 =	vmpcnt.ones.xlane vm13;
	vm14 =	vge.s32 v13, v9  }
0x5d3: {  	v10 =	vadd.s32 v10, v63;
	v13 =	vmpcnt.ones.xlane vm14;
	vm15 =	vge.s32 v11, v9  }
0x5d4: {  	v10 =	vadd.s32 v12, v10;
	v11 =	vmpcnt.ones.xlane vm15  }
0x5d5: {  	v10 =	vadd.s32 v13, v10  }
0x5d6: {  	v10 =	vadd.s32 v11, v10  }
.LBB2_75:
.Ltmp97:
0x5d7: {  	(pc) =	sbr.rel @p0 .LBB2_78-.Ltmp97, $1  }
0x5d8: {  	_ =	sdelay $0x3  }
0x5d9: {  	s0 =	smov.u32 s25;
	s1 =	smov.u32 s24  }
.LBB2_77:
0x5da: {  	v11 =	vld [tilespmem:s0+$0x0];
	_ =	sdelay $0x1  }
0x5db: {  	s1 =	sadd.s32 $0x1, s1  }
0x5dc: {  	p2 =	slt.s32 s1, s23  }
.Ltmp98:
0x5dd: {  	_ = 	snop;
	(pc) =	sbr.rel @p2 .LBB2_77-.Ltmp98, $3  }
0x5de: {  	vm0 =	vge.s32 v11, v9  }
0x5df: {  	v11 =	vmpcnt.ones.xlane vm0;
	_ =	sdelay $0x1  }
0x5e0: {  	s0 =	sadd.s32 $0x10, s0;
	v10 =	vadd.s32 v10, v11  }
.Ltmp99:
0x5e1: {  	_ = 	snop;
	(pc) =	sbr.rel .LBB2_78-.Ltmp99, $1  }
0x5e2: {  	_ =	sdelay $0x3  }
.LBB2_190:
.Ltmp100:
0x5e3: {  	(pc) =	sbr.rel .LBB2_193-.Ltmp100, $2  }
0x5e4: {  	_ =	sdelay $0x2  }
0x5e5: {  	_ = 	snop  }
.LBB2_79:
.Ltmp101:
0x5e6: {  	(pc) =	sbr.rel @p1 .LBB2_80-.Ltmp101, $2  }
0x5e7: {  	_ =	sdelay $0x2  }
0x5e8: {  	v9 =	vmov s22;
	v10 =	vimm.s32 $0x0  }
0x5e9: {  	p3 =	sgt.s32 s24, $0x4  }
.Ltmp102:
0x5ea: {  	s0 =	simm.s32 $0x19820;
	(pc) =	sbr.rel @!p3 .LBB2_195-.Ltmp102, $4  }
0x5eb: {  	v14 =	vld [tilespmem:s0+$0xFFFFFFE0]  }
0x5ec: {  	v12 =	vld [tilespmem:s0+$0xFFFFFFF0]  }
0x5ed: {  	v13 =	vld [tilespmem:s0+$0x0]  }
0x5ee: {  	p2 =	por $0x0, $0x0;
	v11 =	vld [tilespmem:s0+$0x10]  }
0x5ef: {  	_ = 	snop  }
0x5f0: {  	p3 =	sgt.s32 s24, $0x8;
	vm0 =	vgt.s32 v14, v9  }
.Ltmp103:
0x5f1: {  	s0 =	simm.s32 $0x19860;
	v15 =	vmpcnt.ones.xlane vm0;
	vm13 =	vgt.s32 v12, v9;
	(pc) =	sbr.rel @!p3 .LBB2_198-.Ltmp103, $4  }
0x5f2: {  	v14 =	vld [tilespmem:s0+$0xFFFFFFE0];
	v16 =	vmpcnt.ones.xlane vm13;
	vm14 =	vgt.s32 v13, v9  }
0x5f3: {  	v12 =	vld [tilespmem:s0+$0xFFFFFFF0];
	v15 =	vadd.s32 v10, v15;
	v17 =	vmpcnt.ones.xlane vm14  }
0x5f4: {  	v13 =	vld [tilespmem:s0+$0x0];
	vm15 =	vgt.s32 v11, v9;
	v16 =	vadd.s32 v16, v15  }
0x5f5: {  	s1 =	simm.s32 $0x8;
	p2 =	por $0x1, $0x1;
	v11 =	vld [tilespmem:s0+$0x10];
	v15 =	vmpcnt.ones.xlane vm15;
	v16 =	vadd.s32 v17, v16  }
.LBB2_197:
0x5f6: {  	s1 =	sadd.s32 $0x4, s1  }
0x5f7: {  	vm0 =	vgt.s32 v14, v9;
	s0 =	sadd.s32 $0x40, s0;
	v15 =	vadd.s32 v15, v16;
	p3 =	slt.s32 s1, s24  }
.Ltmp104:
0x5f8: {  	v14 =	vld [tilespmem:s0+$0xFFFFFFE0];
	v16 =	vmpcnt.ones.xlane vm0;
	vm0 =	vgt.s32 v12, v9;
	(pc) =	sbr.rel @p3 .LBB2_197-.Ltmp104, $4  }
0x5f9: {  	v12 =	vld [tilespmem:s0+$0xFFFFFFF0];
	v17 =	vmpcnt.ones.xlane vm0;
	vm0 =	vgt.s32 v13, v9  }
0x5fa: {  	v13 =	vld [tilespmem:s0+$0x0];
	v15 =	vadd.s32 v15, v16;
	v16 =	vmpcnt.ones.xlane vm0;
	vm0 =	vgt.s32 v11, v9  }
0x5fb: {  	v11 =	vld [tilespmem:s0+$0x10];
	v17 =	vadd.s32 v17, v15;
	v15 =	vmpcnt.ones.xlane vm0  }
0x5fc: {  	v16 =	vadd.s32 v16, v17  }
.LBB2_198:
0x5fd: {  	_ = 	snop  }
0x5fe: {  	vm0 =	vgt.s32 v14, v9  }
0x5ff: {  	v14 =	vadd.s32 @p2 v15, v16;
	v63 =	vmpcnt.ones.xlane vm0;
	vm13 =	vgt.s32 v12, v9  }
0x600: {  	v10 =	vpsel p2, v14, v10;
	v12 =	vmpcnt.ones.xlane vm13;
	vm14 =	vgt.s32 v13, v9  }
0x601: {  	v10 =	vadd.s32 v10, v63;
	v13 =	vmpcnt.ones.xlane vm14;
	vm15 =	vgt.s32 v11, v9  }
0x602: {  	v10 =	vadd.s32 v12, v10;
	v11 =	vmpcnt.ones.xlane vm15  }
0x603: {  	v10 =	vadd.s32 v13, v10  }
0x604: {  	v10 =	vadd.s32 v11, v10  }
.LBB2_80:
.Ltmp105:
0x605: {  	(pc) =	sbr.rel @p0 .LBB2_83-.Ltmp105, $1  }
0x606: {  	_ =	sdelay $0x3  }
0x607: {  	s0 =	smov.u32 s25;
	s1 =	smov.u32 s24  }
.LBB2_82:
0x608: {  	v11 =	vld [tilespmem:s0+$0x0];
	_ =	sdelay $0x1  }
0x609: {  	s1 =	sadd.s32 $0x1, s1  }
0x60a: {  	p2 =	slt.s32 s1, s23  }
.Ltmp106:
0x60b: {  	_ = 	snop;
	(pc) =	sbr.rel @p2 .LBB2_82-.Ltmp106, $3  }
0x60c: {  	vm0 =	vgt.s32 v11, v9  }
0x60d: {  	v11 =	vmpcnt.ones.xlane vm0;
	_ =	sdelay $0x1  }
0x60e: {  	s0 =	sadd.s32 $0x10, s0;
	v10 =	vadd.s32 v10, v11  }
.LBB2_83:
0x60f: {  	(v2sf) =	vpush v10, $0x0;
	_ =	sdelay $0xa  }
.Ltmp107:
0x610: {  	_ = 	snop;
	(pc) =	sbr.rel @p1 .LBB2_84-.Ltmp107, $2  }
0x611: {  	_ =	sdelay $0x2  }
0x612: {  	s28 =	spop (v2sf)  }
0x613: {  	s0 =	simm.s32 $0x19820  }
0x614: {  	v10 =	vld [tilespmem:s0+$0xFFFFFFE0]  }
0x615: {  	v11 =	vld [tilespmem:s0+$0xFFFFFFF0];
	_ =	sdelay $0x3  }
0x616: {  	vm1 =	veq.s32 v10, v9  }
0x617: {  	vm0 =	veq.s32 v11, v9;
	v10 =	vmpcnt.ones.xlane vm1  }
0x618: {  	v11 =	vmpcnt.ones.xlane vm0  }
0x619: {  	(v2sf) =	vpush v10, $0x0  }
0x61a: {  	(v2sf) =	vpush v11, $0x0;
	_ =	sdelay $0x6  }
0x61b: {  	p2 =	sgt.s32 s24, $0x4;
	v13 =	vld [tilespmem:s0+$0x0]  }
.Ltmp108:
0x61c: {  	_ = 	snop;
	(pc) =	sbr.rel @!p2 .LBB2_200-.Ltmp108, $3  }
0x61d: {  	_ =	sdelay $0x1  }
0x61e: {  	s29 =	simm.s32 $0x0  }
0x61f: {  	s30 =	simm.s32 $0x1A020;
	s1 =	simm.s32 $0x19860;
	p1 =	por $0x0, $0x0;
	v12 =	vld [tilespmem:s0+$0x10];
	vm2 =	veq.s32 v13, v9  }
0x620: {  	_ = 	snop  }
0x621: {  	v10 =	vld [tilespmem:s1+$0xFFFFFFE0]  }
0x622: {  	v11 =	vld [tilespmem:s1+$0xFFFFFFF0];
	v13 =	vmpcnt.ones.xlane vm2;
	_ =	sdelay $0x1  }
0x623: {  	(v2sf) =	vpush v13, $0x0;
	vm6 =	veq.s32 v12, v9  }
0x624: {  	v12 =	vmpcnt.ones.xlane vm6  }
0x625: {  	vm3 =	vmmov vm1;
	vm4 =	vmmov vm0;
	vm1 =	veq.s32 v10, v9  }
0x626: {  	vm0 =	veq.s32 v11, v9;
	v13 =	vmpcnt.ones.xlane vm1;
	(v2sf) =	vpush v12, $0x0  }
0x627: {  	v14 =	vld [tilespmem:s1+$0x0];
	p2 =	sgt.s32 s24, $0x8;
	v15 =	vmpcnt.ones.xlane vm0  }
.Ltmp109:
0x628: {  	v10 =	vld [tilespmem:s30+$0xFFFFFFE0];
	(v2sf) =	vpush v13, $0x0;
	(pc) =	sbr.rel @!p2 .LBB2_202-.Ltmp109, $4  }
0x629: {  	(v2sf) =	vpush v15, $0x0  }
0x62a: {  	v12 =	vld [tilespmem:s1+$0x10]  }
0x62b: {  	s0 =	simm.s32 $0x8;
	s9 =	simm.s32 $0x198A0;
	p1 =	por $0x1, $0x1;
	v11 =	vld [tilespmem:s30+$0xFFFFFFF0]  }
0x62c: {  	vm5 =	vmmov vm2;
	s31 =	simm.s32 $0x1A020;
	s10 =	spop (v2sf);
	vm6 =	vmmov vm6;
	vm2 =	veq.s32 v14, v9;
	s1 =	simm.s32 $0x0  }
.LBB2_203:
0x62d: {  	v13 =	vld [tilespmem:s9+$0xFFFFFFE0];
	s0 =	sadd.s32 $0x4, s0;
	v14 =	vmpcnt.ones.xlane vm2;
	[tilespmem:s1+$0x1A800] =	vst.msk vm3, v10;
	s1 =	sadd.s32 s1, s10;
	vm3 =	vmmov vm1  }
0x62e: {  	p2 =	slt.s32 s0, s24;
	p3 =	slt.s32 s1, $0x7F0;
	v10 =	vld [tilespmem:s31+$0x0]  }
0x62f: {  	vm7 =	veq.s32 v12, v9;
	(v2sf) =	vpush v14, $0x0;
	s1 =	simm.s32 @!p3 $0x7F0;
	s4 =	spop (v2sf)  }
0x630: {  	v12 =	vld [tilespmem:s9+$0xFFFFFFF0];
	v14 =	vmpcnt.ones.xlane vm7;
	[tilespmem:s1+$0x1A800] =	vst.msk vm4, v11;
	s1 =	sadd.s32 s1, s4;
	vm4 =	vmmov vm0  }
0x631: {  	p3 =	slt.s32 s1, $0x7F0;
	v11 =	vld [tilespmem:s31+$0x10]  }
0x632: {  	vm1 =	veq.s32 v13, v9;
	(v2sf) =	vpush v14, $0x0;
	s1 =	simm.s32 @!p3 $0x7F0;
	s4 =	spop (v2sf)  }
0x633: {  	s31 =	sadd.s32 $0x40, s31;
	v13 =	vmpcnt.ones.xlane vm1;
	v14 =	vld [tilespmem:s9+$0x0];
	[tilespmem:s1+$0x1A800] =	vst.msk vm5, v10;
	s1 =	sadd.s32 s1, s4;
	vm5 =	vmmov vm2  }
.Ltmp110:
0x634: {  	v10 =	vld [tilespmem:s31+$0xFFFFFFE0];
	p3 =	slt.s32 s1, $0x7F0;
	(pc) =	sbr.rel @p2 .LBB2_203-.Ltmp110, $4  }
0x635: {  	vm0 =	veq.s32 v12, v9;
	(v2sf) =	vpush v13, $0x0;
	s1 =	simm.s32 @!p3 $0x7F0;
	s4 =	spop (v2sf)  }
0x636: {  	v13 =	vmpcnt.ones.xlane vm0;
	v12 =	vld [tilespmem:s9+$0x10];
	[tilespmem:s1+$0x1A800] =	vst.msk vm6, v11;
	s1 =	sadd.s32 s1, s4;
	vm6 =	vmmov vm7  }
0x637: {  	v11 =	vld [tilespmem:s31+$0xFFFFFFF0];
	p3 =	slt.s32 s1, $0x7F0  }
0x638: {  	s9 =	sadd.s32 $0x40, s9;
	vm2 =	veq.s32 v14, v9;
	(v2sf) =	vpush v13, $0x0;
	s10 =	spop (v2sf);
	s1 =	simm.s32 @!p3 $0x7F0  }
0x639: {  	_ = 	snop  }
.LBB2_205:
0x63a: {  	s0 =	sadd.s32 @p1 s1, s10  }
0x63b: {  	p2 =	slt.s32 @p1 s0, $0x7F0  }
0x63c: {  	p2 =	por !p2, !p1  }
0x63d: {  	s4 =	spop @p1 (v2sf);
	s0 =	simm.s32 @p2 $0x7F0  }
0x63e: {  	s4 =	sadd.s32 @p1 s0, s4  }
0x63f: {  	v13 =	vmpcnt.ones.xlane vm2;
	p2 =	slt.s32 @p1 s4, $0x7F0  }
0x640: {  	p2 =	por !p2, !p1  }
0x641: {  	vm7 =	veq.s32 v12, v9;
	(v2sf) =	vpush v13, $0x0;
	s5 =	spop @p1 (v2sf);
	s4 =	simm.s32 @p2 $0x7F0  }
0x642: {  	v12 =	vmpcnt.ones.xlane vm7;
	s5 =	sadd.s32 @p1 s4, s5  }
0x643: {  	p2 =	slt.s32 @p1 s5, $0x7F0  }
0x644: {  	(v2sf) =	vpush v12, $0x0;
	p2 =	por !p2, !p1  }
0x645: {  	s9 =	spop @p1 (v2sf);
	s5 =	simm.s32 @p2 $0x7F0  }
0x646: {  	s9 =	sadd.s32 @p1 s5, s9  }
0x647: {  	p2 =	slt.s32 @p1 s9, $0x7F0  }
0x648: {  	p2 =	por !p2, !p1  }
0x649: {  	s9 =	simm.s32 @p2 $0x7F0  }
0x64a: {  	s10 =	spop (v2sf);
	s29 =	smov.u32 @p1 s9  }
0x64b: {  	s10 =	sadd.s32 s29, s10  }
0x64c: {  	v12 =	vld @p1 [tilespmem:s31+$0x0];
	s9 =	sadd.s32 @p1 $0x40, s31;
	p2 =	slt.s32 s10, $0x7F0  }
0x64d: {  	v13 =	vld @p1 [tilespmem:s31+$0x10];
	s31 =	spop (v2sf);
	s30 =	smov.u32 @p1 s9;
	s10 =	simm.s32 @!p2 $0x7F0  }
0x64e: {  	v14 =	vld [tilespmem:s30+$0xFFFFFFE0];
	s9 =	sadd.s32 s10, s31  }
0x64f: {  	[tilespmem:s1+$0x1A800] =	vst.msk @p1 vm3, v10;
	v10 =	vld [tilespmem:s30+$0xFFFFFFF0];
	p2 =	slt.s32 s9, $0x7F0  }
0x650: {  	[tilespmem:s0+$0x1A800] =	vst.msk @p1 vm4, v11;
	s1 =	spop (v2sf);
	v11 =	vld [tilespmem:s30+$0x0];
	s9 =	simm.s32 @!p2 $0x7F0  }
0x651: {  	[tilespmem:s4+$0x1A800] =	vst.msk @p1 vm5, v12;
	v63 =	vld [tilespmem:s30+$0x10];
	s1 =	sadd.s32 s9, s1  }
.Ltmp111:
0x652: {  	vm1 =	vmmov vm1;
	[tilespmem:s5+$0x1A800] =	vst.msk @p1 vm6, v13;
	p1 =	slt.s32 s1, $0x7F0;
	(pc) =	sbr.rel .LBB2_85-.Ltmp111, $4  }
0x653: {  	vm0 =	vmmov vm0;
	s31 =	spop (v2sf);
	[tilespmem:s29+$0x1A800] =	vst.msk vm1, v14;
	s1 =	simm.s32 @!p1 $0x7F0  }
0x654: {  	vm14 =	vmmov vm2;
	[tilespmem:s10+$0x1A800] =	vst.msk vm0, v10;
	s0 =	sadd.s32 s1, s31  }
0x655: {  	vm15 =	vmmov vm7;
	[tilespmem:s9+$0x1A800] =	vst.msk vm14, v11;
	p1 =	slt.s32 s0, $0x7F0  }
0x656: {  	[tilespmem:s1+$0x1A800] =	vst.msk vm15, v63;
	s0 =	simm.s32 @!p1 $0x7F0  }
.LBB2_84:
0x657: {  	s0 =	simm.s32 $0x0  }
.LBB2_85:
.Ltmp112:
0x658: {  	(pc) =	sbr.rel @p0 .LBB2_88-.Ltmp112, $1  }
0x659: {  	_ =	sdelay $0x3  }
0x65a: {  	s1 =	sadd.s32 $0x1A000, s26  }
.LBB2_87:
0x65b: {  	v10 =	vld [tilespmem:s25+$0x0];
	_ =	sdelay $0x4  }
0x65c: {  	vm0 =	veq.s32 v10, v9  }
0x65d: {  	v10 =	vmpcnt.ones.xlane vm0;
	_ =	sdelay $0x1  }
0x65e: {  	(v2sf) =	vpush v10, $0x0;
	_ =	sdelay $0xa  }
0x65f: {  	v10 =	vld [tilespmem:s1+$0x0]  }
0x660: {  	s24 =	sadd.s32 $0x1, s24  }
0x661: {  	p1 =	slt.s32 s24, s23  }
.Ltmp113:
0x662: {  	_ = 	snop;
	(pc) =	sbr.rel @p1 .LBB2_87-.Ltmp113, $4  }
0x663: {  	s4 =	spop (v2sf)  }
0x664: {  	[tilespmem:s0+$0x1A800] =	vst.msk vm0, v10;
	s0 =	sadd.s32 s0, s4  }
0x665: {  	p0 =	slt.s32 s0, $0x7F0  }
0x666: {  	s25 =	sadd.s32 $0x10, s25;
	s1 =	sadd.s32 $0x10, s1;
	s0 =	simm.s32 @!p0 $0x7F0  }
.LBB2_88:
0x667: {  	s1 =	sadd.s32 $0xF, s0  }
0x668: {  	s4 =	sand.u32 $0xF, s1  }
0x669: {  	p0 =	slt.s32 s0, $0xFFFFFFF2;
	s5 =	sshra.s32 s1, $0x1F;
	p1 =	sne.s32 s4, $0x0  }
0x66a: {  	s31 =	sshrl.u32 s5, $0x1C;
	p0 =	por !p0, !p1  }
0x66b: {  	s4 =	simm.s32 $0x1;
	s1 =	sadd.s32 s31, s1;
	p0 =	por !p0, !p0  }
0x66c: {  	s1 =	sshra.s32 s1, $0x4;
	s4 =	simm.s32 @!p0 $0x0  }
0x66d: {  	s1 =	ssub.s32 s1, s4  }
0x66e: {  	s4 =	sshrl.u32 s1, $0x1F  }
.Ltmp114:
0x66f: {  	s4 =	sadd.s32 s4, s1;
	(pc) =	sbr.rel .LBB2_89-.Ltmp114, $4  }
0x670: {  	s25 =	sand.u32 $0xFFFFFFFE, s4  }
0x671: {  	s26 =	ssub.s32 $0x40, s28;
	s1 =	ssub.s32 s1, s25  }
0x672: {  	s24 =	simm.s32 $0x0;
	s4 =	sshll.u32 s25, $0x6;
	p0 =	slt.s32 s1, $0x1  }
0x673: {  	[tilespmem:s0+$0x1A800] =	vst v8;
	s0 =	simm.s32 $0x0;
	p1 =	slt.s32 s25, $0x1;
	s28 =	sshra.s32 @!p0 s4, $0x2  }
.LBB2_90:
0x674: {  	v10 =	vimm.s32 $0x0  }
.LBB2_91:
0x675: {  	v11 =	vld @!p0 [tilespmem:s28+$0x1A800];
	_ =	sdelay $0x4  }
0x676: {  	vm0 =	vlt.s32 @!p0 v11, s1  }
0x677: {  	v11 =	vmpcnt.ones.xlane @!p0 vm0;
	_ =	sdelay $0x1  }
0x678: {  	v11 =	vadd.s32 @!p0 v10, v11  }
0x679: {  	v10 =	vpsel p0, v10, v11  }
0x67a: {  	(v2sf) =	vpush v10, $0x0;
	_ =	sdelay $0xa  }
0x67b: {  	s0 =	sadd.s32 $0x1, s0  }
0x67c: {  	p3 =	sne.s32 s0, $0xF  }
.Ltmp115:
0x67d: {  	_ = 	snop;
	(pc) =	sbr.rel @!p3 .LBB2_92-.Ltmp115, $4  }
0x67e: {  	_ = 	snop  }
0x67f: {  	s4 =	spop (v2sf)  }
0x680: {  	p2 =	slt.s32 s4, s26  }
0x681: {  	s24 =	smov.u32 @p2 s1  }
.LBB2_89:
.Ltmp116:
0x682: {  	(pc) =	sbr.rel @p1 .LBB2_90-.Ltmp116, $3  }
0x683: {  	_ =	sdelay $0x1  }
0x684: {  	s1 =	sshrl.u32 s14, s0  }
0x685: {  	s1 =	sadd.s32 s1, s24  }
0x686: {  	p3 =	sgt.s32 s25, $0x2  }
.Ltmp117:
0x687: {  	_ = 	snop;
	(pc) =	sbr.rel @!p3 .LBB2_207-.Ltmp117, $4  }
0x688: {  	_ = 	snop  }
0x689: {  	s9 =	simm.s32 $0x1A810  }
0x68a: {  	v13 =	vld [tilespmem:s9+$0xFFFFFFF0]  }
0x68b: {  	v11 =	vmov s1;
	v10 =	vimm.s32 $0x0;
	p2 =	por $0x0, $0x0;
	v12 =	vld [tilespmem:s9+$0x0]  }
0x68c: {  	_ = 	snop  }
0x68d: {  	p3 =	sgt.s32 s25, $0x4  }
.Ltmp118:
0x68e: {  	_ = 	snop;
	(pc) =	sbr.rel @!p3 .LBB2_210-.Ltmp118, $4  }
0x68f: {  	vm0 =	vlt.s32 v13, v11  }
0x690: {  	s9 =	simm.s32 $0x1A830;
	v15 =	vmpcnt.ones.xlane vm0  }
0x691: {  	v13 =	vld [tilespmem:s9+$0xFFFFFFF0];
	vm15 =	vlt.s32 v12, v11  }
0x692: {  	s10 =	simm.s32 $0x4;
	p2 =	por $0x1, $0x1;
	v12 =	vld [tilespmem:s9+$0x0];
	v14 =	vmpcnt.ones.xlane vm15;
	v15 =	vadd.s32 v10, v15  }
.LBB2_209:
0x693: {  	s10 =	sadd.s32 $0x2, s10  }
0x694: {  	v15 =	vadd.s32 v14, v15;
	p3 =	slt.s32 s10, s25  }
.Ltmp119:
0x695: {  	(pc) =	sbr.rel @p3 .LBB2_209-.Ltmp119, $4  }
0x696: {  	s9 =	sadd.s32 $0x20, s9;
	vm0 =	vlt.s32 v13, v11  }
0x697: {  	v13 =	vld [tilespmem:s9+$0xFFFFFFF0];
	v16 =	vmpcnt.ones.xlane vm0;
	vm0 =	vlt.s32 v12, v11  }
0x698: {  	v12 =	vld [tilespmem:s9+$0x0];
	v14 =	vmpcnt.ones.xlane vm0  }
0x699: {  	v15 =	vadd.s32 v15, v16  }
.LBB2_210:
0x69a: {  	_ =	sdelay $0x2  }
.Ltmp120:
0x69b: {  	vm0 =	vlt.s32 v13, v11;
	(pc) =	sbr.rel .LBB2_91-.Ltmp120, $4  }
0x69c: {  	v13 =	vadd.s32 @p2 v14, v15;
	v63 =	vmpcnt.ones.xlane vm0;
	vm15 =	vlt.s32 v12, v11  }
0x69d: {  	v10 =	vpsel p2, v13, v10;
	v11 =	vmpcnt.ones.xlane vm15  }
0x69e: {  	v10 =	vadd.s32 v10, v63  }
0x69f: {  	v10 =	vadd.s32 v11, v10  }
.LBB2_207:
.Ltmp121:
0x6a0: {  	(pc) =	sbr.rel .LBB2_210-.Ltmp121, $2  }
0x6a1: {  	_ =	sdelay $0x2  }
0x6a2: {  	_ = 	snop  }
.LBB2_92:
0x6a3: {  	s0 =	sshrl.u32 s23, $0x1F  }
0x6a4: {  	s0 =	sadd.s32 s0, s23  }
0x6a5: {  	s25 =	sand.u32 $0xFFFFFFFE, s0  }
0x6a6: {  	p0 =	slt.s32 s25, $0x1  }
.Ltmp122:
0x6a7: {  	_ = 	snop;
	(pc) =	sbr.rel @p0 .LBB2_93-.Ltmp122, $4  }
0x6a8: {  	_ = 	snop  }
0x6a9: {  	_ =	swait.ge [sflag:s19], $0x40  }
0x6aa: {  	[sflag:s19] =	ssyncset.done $0x0  }
0x6ab: {  	[sflag:s19] =	ssyncadd.s32 $0xFFFFFFC0  }
0x6ac: {  	s1 =	simm.s32 $0x19810  }
0x6ad: {  	v15 =	vld [tilespmem:s1+$0x0]  }
0x6ae: {  	s0 =	simm.s32 $0x1A010;
	v12 =	vld [tilespmem:s1+$0xFFFFFFF0]  }
0x6af: {  	v13 =	vld [tilespmem:s0+$0xFFFFFFF0]  }
0x6b0: {  	p2 =	sgt.s32 s25, $0x2;
	v10 =	vld [tilespmem:s0+$0x0]  }
.Ltmp123:
0x6b1: {  	_ = 	snop;
	(pc) =	sbr.rel @!p2 .LBB2_212-.Ltmp123, $4  }
0x6b2: {  	v16 =	vmov s24  }
0x6b3: {  	vm1 =	vgt.s32 v15, $0x0;
	vm0 =	vgt.s32 v12, $0x0;
	vm4 =	vgt.s32 v12, v9  }
0x6b4: {  	s26 =	simm.s32 $0x0;
	vm2 =	vle.s32 v13, v16;
	v11 =	vnsel vm1, $0x0, v15;
	vm1 =	veq.s32 v12, v9  }
0x6b5: {  	p0 =	por $0x0, $0x0;
	p1 =	por $0x0, $0x0;
	s0 =	simm.s32 $0x19830;
	vm5 =	veq.s32 v15, v9;
	vm6 =	vle.s32 v10, v16;
	vm7 =	vmand vm1, vm2  }
0x6b6: {  	vm1 =	vmor vm4, vm7;
	vm2 =	vgt.s32 v15, v9;
	vm3 =	vmand vm5, vm6  }
0x6b7: {  	v15 =	vmpcnt.ones.xlane vm1;
	vm2 =	vmor vm2, vm3  }
0x6b8: {  	v17 =	vmpcnt.ones.xlane vm2  }
0x6b9: {  	(v2sf) =	vpush v15, $0x0  }
0x6ba: {  	(v2sf) =	vpush v17, $0x0;
	_ =	sdelay $0x4  }
0x6bb: {  	v20 =	vld [tilespmem:s0+$0x0]  }
0x6bc: {  	v18 =	vld [tilespmem:s0+$0xFFFFFFF0];
	s31 =	simm.s32 $0x1A030  }
0x6bd: {  	v19 =	vld [tilespmem:s31+$0xFFFFFFF0]  }
0x6be: {  	v14 =	vadd.s32 v2, v10;
	p2 =	sgt.s32 s25, $0x4;
	v10 =	vld [tilespmem:s31+$0x0]  }
.Ltmp124:
0x6bf: {  	v22 =	vnsel vm0, $0x0, v12;
	(pc) =	sbr.rel @!p2 .LBB2_214-.Ltmp124, $4  }
0x6c0: {  	v21 =	vadd.s32 v2, v13;
	vm1 =	vmmov vm1;
	vm2 =	vmmov vm2  }
0x6c1: {  	vm3 =	vgt.s32 v20, $0x0;
	vm0 =	vgt.s32 v18, $0x0;
	vm4 =	vgt.s32 v18, v9  }
0x6c2: {  	v17 =	vnsel vm3, $0x0, v20;
	vm3 =	veq.s32 v18, v9;
	vm5 =	vle.s32 v19, v16  }
0x6c3: {  	s0 =	simm.s32 $0x19850;
	p0 =	por $0x1, $0x1;
	vm6 =	vle.s32 v10, v16;
	vm7 =	vmand vm3, vm5;
	vm5 =	veq.s32 v20, v9  }
0x6c4: {  	vm4 =	vmor vm4, vm7;
	vm3 =	vgt.s32 v20, v9;
	vm5 =	vmand vm5, vm6  }
0x6c5: {  	v23 =	vmpcnt.ones.xlane vm4;
	vm5 =	vmor vm3, vm5  }
0x6c6: {  	v15 =	vld [tilespmem:s0+$0x0];
	v24 =	vmpcnt.ones.xlane vm5  }
0x6c7: {  	v12 =	vld [tilespmem:s0+$0xFFFFFFF0];
	s29 =	simm.s32 $0x1A050;
	(v2sf) =	vpush v23, $0x0  }
0x6c8: {  	v13 =	vld [tilespmem:s29+$0xFFFFFFF0];
	(v2sf) =	vpush v24, $0x0  }
0x6c9: {  	v20 =	vadd.s32 v2, v10;
	p2 =	sgt.s32 s25, $0x6;
	v10 =	vld [tilespmem:s29+$0x0]  }
.Ltmp125:
0x6ca: {  	v18 =	vnsel vm0, $0x0, v18;
	v19 =	vadd.s32 v2, v19;
	[tilespmem:s26+$0x1B000] =	vst.msk vm1, v22;
	(pc) =	sbr.rel @!p2 .LBB2_216-.Ltmp125, $4  }
0x6cb: {  	vm3 =	vmmov vm2;
	[tilespmem:s26+$0x1B080] =	vst.msk vm1, v21;
	vm1 =	vmmov vm4;
	vm2 =	vmmov vm5  }
0x6cc: {  	vm5 =	vgt.s32 v15, $0x0;
	vm0 =	vgt.s32 v12, $0x0;
	vm4 =	vgt.s32 v12, v9  }
0x6cd: {  	s0 =	simm.s32 $0x6;
	v21 =	vnsel vm5, $0x0, v15;
	vm5 =	veq.s32 v12, v9;
	vm6 =	vle.s32 v13, v16  }
0x6ce: {  	s1 =	simm.s32 $0x19870;
	p1 =	por $0x1, $0x1;
	s28 =	simm.s32 $0x0;
	vm7 =	vmand vm5, vm6;
	vm5 =	veq.s32 v15, v9;
	vm6 =	vle.s32 v10, v16  }
.LBB2_217:
0x6cf: {  	vm4 =	vmor vm4, vm7;
	vm7 =	vgt.s32 v15, v9;
	v15 =	vld [tilespmem:s1+$0x0];
	vm5 =	vmand vm5, vm6;
	s4 =	spop (v2sf)  }
0x6d0: {  	v22 =	vnsel vm0, $0x0, v12;
	s29 =	sadd.s32 $0x20, s29;
	v12 =	vld [tilespmem:s1+$0xFFFFFFF0];
	v23 =	vmpcnt.ones.xlane vm4;
	vm0 =	vmor vm7, vm5;
	s4 =	sadd.s32 s28, s4;
	s5 =	spop (v2sf)  }
0x6d1: {  	s0 =	sadd.s32 $0x2, s0;
	v24 =	vadd.s32 v2, v13;
	v25 =	vadd.s32 v2, v10;
	v13 =	vld [tilespmem:s29+$0xFFFFFFF0];
	v26 =	vmpcnt.ones.xlane vm0;
	[tilespmem:s4+$0x1B000] =	vst.msk vm3, v11;
	s28 =	sadd.s32 s4, s5;
	v11 =	vmovc v17  }
0x6d2: {  	p2 =	slt.s32 s0, s25;
	v17 =	vmovc v21;
	v10 =	vld [tilespmem:s29+$0x0];
	(v2sf) =	vpush v23, $0x0;
	[tilespmem:s4+$0x1B080] =	vst.msk vm3, v14;
	v14 =	vmovc v20;
	v20 =	vmov v25;
	vm3 =	vmmov vm2  }
.Ltmp126:
0x6d3: {  	vm2 =	vmmov vm0;
	(v2sf) =	vpush v26, $0x0;
	[tilespmem:s28+$0x1B000] =	vst.msk vm1, v18;
	v18 =	vmov v22;
	(pc) =	sbr.rel @p2 .LBB2_217-.Ltmp126, $4  }
0x6d4: {  	vm5 =	vgt.s32 v15, $0x0;
	[tilespmem:s28+$0x1B080] =	vst.msk vm1, v19;
	v19 =	vmov v24;
	vm1 =	vmmov vm4  }
0x6d5: {  	vm0 =	vgt.s32 v12, $0x0;
	v21 =	vnsel vm5, $0x0, v15  }
0x6d6: {  	vm4 =	vgt.s32 v12, v9;
	vm5 =	veq.s32 v12, v9;
	vm6 =	vle.s32 v13, v16  }
0x6d7: {  	s1 =	sadd.s32 $0x20, s1;
	vm7 =	vmand vm5, vm6;
	vm5 =	veq.s32 v15, v9;
	vm6 =	vle.s32 v10, v16  }
0x6d8: {  	v23 =	vmov v11;
	v24 =	vmov v14  }
0x6d9: {  	v16 =	vmovc v17;
	v14 =	vmovc v20;
	v11 =	vmov v21;
	v22 =	vmov v18;
	v21 =	vmov v19  }
.LBB2_219:
0x6da: {  	vm4 =	vmor vm4, vm7  }
0x6db: {  	vm13 =	vgt.s32 v15, v9;
	vm5 =	vmand vm5, vm6;
	v9 =	vmpcnt.ones.xlane vm4  }
0x6dc: {  	vm5 =	vmor vm13, vm5  }
0x6dd: {  	v62 =	vmpcnt.ones.xlane vm5;
	(v2sf) =	vpush v9, $0x0;
	_ =	sdelay $0x1  }
0x6de: {  	(v2sf) =	vpush v62, $0x0;
	_ =	sdelay $0x4  }
0x6df: {  	s0 =	spop @p1 (v2sf)  }
0x6e0: {  	s1 =	spop @p1 (v2sf);
	s0 =	sadd.s32 @p1 s28, s0  }
0x6e1: {  	s4 =	simm.s32 $0x0;
	[tilespmem:s0+$0x1B000] =	vst.msk @p1 vm3, v23;
	s1 =	sadd.s32 @p1 s0, s1  }
0x6e2: {  	[tilespmem:s0+$0x1B080] =	vst.msk @p1 vm3, v24;
	s4 =	smov.u32 @p1 s1  }
0x6e3: {  	vm2 =	vmmov @p0 vm2;
	[tilespmem:s4+$0x1B000] =	vst.msk @p0 vm1, v22;
	v9 =	vmov @p0 v16;
	s0 =	spop @p0 (v2sf)  }
0x6e4: {  	[tilespmem:s4+$0x1B080] =	vst.msk @p0 vm1, v21;
	vm1 =	vmmov @p0 vm2;
	v9 =	vpsel p0, v9, v0;
	s0 =	sadd.s32 @p0 s4, s0;
	s1 =	spop @p0 (v2sf)  }
0x6e5: {  	v14 =	vpsel p0, v14, v0;
	[tilespmem:s0+$0x1B000] =	vst.msk @p0 vm1, v9;
	s1 =	sadd.s32 @p0 s0, s1  }
.Ltmp127:
0x6e6: {  	vm14 =	vmmov vm4;
	v9 =	vnsel vm0, $0x0, v12;
	[tilespmem:s0+$0x1B080] =	vst.msk @p0 vm1, v14;
	s26 =	smov.u32 @p0 s1;
	(pc) =	sbr.rel .LBB2_94-.Ltmp127, $4  }
0x6e7: {  	v63 =	vadd.s32 v2, v13;
	vm15 =	vmmov vm5;
	[tilespmem:s26+$0x1B000] =	vst.msk vm14, v9;
	s30 =	spop (v2sf)  }
0x6e8: {  	vm1 =	vmmov vm15;
	[tilespmem:s26+$0x1B080] =	vst.msk vm14, v63;
	s1 =	sadd.s32 s26, s30  }
0x6e9: {  	v9 =	vadd.s32 v2, v10;
	s31 =	spop (v2sf);
	[tilespmem:s1+$0x1B000] =	vst.msk vm1, v11  }
0x6ea: {  	s0 =	sadd.s32 s1, s31;
	[tilespmem:s1+$0x1B080] =	vst.msk vm1, v9  }
.LBB2_93:
0x6eb: {  	s0 =	simm.s32 $0x0  }
.LBB2_94:
0x6ec: {  	s1 =	ssub.s32 s23, s25  }
0x6ed: {  	p0 =	slt.s32 s1, $0x1  }
0x6ee: {  	s1 =	sshll.u32 @!p0 s25, $0x4  }
0x6ef: {  	v9 =	vld @!p0 [tilespmem:s1+$0x19800]  }
0x6f0: {  	v10 =	vld @!p0 [tilespmem:s1+$0x1A000];
	_ =	sdelay $0x4  }
0x6f1: {  	vm0 =	veq.s32 @!p0 v9, s22;
	vm1 =	vle.s32 @!p0 v10, s24  }
0x6f2: {  	vm2 =	vgt.s32 @!p0 v9, s22;
	vm0 =	vmand @!p0 vm0, vm1;
	vm1 =	vgt.s32 @!p0 v9, $0x0  }
0x6f3: {  	vm0 =	vmor @!p0 vm2, vm0;
	v9 =	vnsel @!p0 vm1, $0x0, v9  }
0x6f4: {  	[tilespmem:s0+$0x1B000] =	vst.msk @!p0 vm0, v9;
	v9 =	vadd.s32 @!p0 v2, v10  }
0x6f5: {  	[tilespmem:s0+$0x1B080] =	vst.msk @!p0 vm0, v9  }
0x6f6: {  	v9 =	vld [tilespmem:$0x1B000]  }
0x6f7: {  	v10 =	vld [tilespmem:$0x1B080]  }
0x6f8: {  	v11 =	vld [tilespmem:$0x1B010]  }
0x6f9: {  	v12 =	vld [tilespmem:$0x1B090]  }
0x6fa: {  	v13 =	vld [tilespmem:$0x1B020]  }
0x6fb: {  	[tilespmem:$0x1B100] =	vst v9;
	v9 =	vld [tilespmem:$0x1B0A0]  }
0x6fc: {  	[tilespmem:$0x1B180] =	vst v10;
	v10 =	vld [tilespmem:$0x1B030]  }
0x6fd: {  	[tilespmem:$0x1B110] =	vst v11;
	v11 =	vld [tilespmem:$0x1B0B0]  }
0x6fe: {  	[tilespmem:$0x1B190] =	vst v12  }
0x6ff: {  	[tilespmem:$0x1B120] =	vst v13  }
0x700: {  	[tilespmem:$0x1B1A0] =	vst v9  }
0x701: {  	[tilespmem:$0x1B130] =	vst v10  }
0x702: {  	[tilespmem:$0x1B1B0] =	vst v11  }
0x703: {  	[hbm4b:s2+s15] =	stream.indirect.scatter [tilespmem:s17], [sflag:$0x4], $0x1, s16, s15, $0xb8;
	[tilespmem:$0x1B200] =	vst v63  }
0x704: {  	_ =	swait.ge [sflag:s11], $0x8000  }
0x705: {  	[sflag:s11] =	ssyncset.done $0x0  }
0x706: {  	s31 =	simm.s32 $0x100;
	[sflag:s11] =	ssyncadd.s32 $0xFFFF8000  }
0x707: {  	v10 =	vld [tilespmem:s31+$0x0]  }
0x708: {  	v11 =	vld [tilespmem:s31+$0x10]  }
0x709: {  	v12 =	vld [tilespmem:s31+$0x20]  }
0x70a: {  	v13 =	vld [tilespmem:s31+$0x30]  }
0x70b: {  	v14 =	vld [tilespmem:s31+$0x40]  }
0x70c: {  	v15 =	vld [tilespmem:s31+$0x50]  }
0x70d: {  	v16 =	vld [tilespmem:s31+$0x60]  }
0x70e: {  	v17 =	vld [tilespmem:s31+$0x70]  }
0x70f: {  	v18 =	vld [tilespmem:s31+$0x80]  }
0x710: {  	v19 =	vld [tilespmem:s31+$0x90]  }
0x711: {  	v20 =	vld [tilespmem:s31+$0xA0]  }
0x712: {  	v21 =	vld [tilespmem:s31+$0xB0]  }
0x713: {  	v22 =	vld [tilespmem:s31+$0xC0]  }
0x714: {  	v23 =	vld [tilespmem:s31+$0xD0]  }
0x715: {  	v24 =	vld [tilespmem:s31+$0xE0]  }
0x716: {  	v25 =	vld [tilespmem:s31+$0xF0]  }
0x717: {  	v9 =	vld [tilespmem:s31+$0xFFFFFF10]  }
0x718: {  	v26 =	vld [tilespmem:s31+$0xFFFFFF20]  }
0x719: {  	v27 =	vld [tilespmem:s31+$0xFFFFFF30]  }
0x71a: {  	v28 =	vld [tilespmem:s31+$0xFFFFFF40]  }
0x71b: {  	v29 =	vld [tilespmem:s31+$0xFFFFFF50]  }
0x71c: {  	v30 =	vld [tilespmem:s31+$0xFFFFFF60]  }
0x71d: {  	v31 =	vld [tilespmem:s31+$0xFFFFFF70]  }
0x71e: {  	v32 =	vld [tilespmem:s31+$0xFFFFFF80]  }
0x71f: {  	v33 =	vld [tilespmem:s31+$0xFFFFFF90]  }
0x720: {  	v34 =	vld [tilespmem:s31+$0xFFFFFFA0];
	v10 =	vmax.f32 v10, v11;
	v11 =	vmax.f32 v12, v13;
	v13 =	vmax.f32 v14, v15  }
0x721: {  	v14 =	vmax.f32 v16, v17;
	v15 =	vmax.f32 v18, v19;
	v16 =	vmax.f32 v20, v21;
	v18 =	vld [tilespmem:s31+$0xFFFFFFB0]  }
0x722: {  	v17 =	vmax.f32 v22, v23;
	v19 =	vmax.f32 v24, v25;
	v12 =	vld [tilespmem:s31+$0xFFFFFFC0];
	v10 =	vmax.f32 v10, v11  }
0x723: {  	v11 =	vmax.f32 v13, v14;
	v14 =	vmax.f32 v15, v16;
	v15 =	vmax.f32 v17, v19;
	v13 =	vld [tilespmem:s31+$0xFFFFFFD0]  }
0x724: {  	v16 =	vmax.f32 v28, v29;
	v11 =	vmax.f32 v10, v11;
	v15 =	vmax.f32 v14, v15;
	v14 =	vld [tilespmem:s31+$0xFFFFFFE0]  }
0x725: {  	s22 =	simm.s32 $0x18010;
	v17 =	vmax.f32 v30, v31;
	v10 =	vmax.f32 v26, v27;
	v11 =	vmax.f32 v11, v15;
	v15 =	vld [tilespmem:s31+$0xFFFFFFF0]  }
0x726: {  	s23 =	simm.s32 $0x0;
	s24 =	simm.s32 $0x300;
	[tilespmem:s22+$0x0] =	vst v11;
	v11 =	vmax.f32 v16, v17;
	v17 =	vmax.f32 v32, v33;
	v16 =	vld [tilespmem:s31+$0xFFFFFF00];
	v18 =	vmax.f32 v34, v18  }
.LBB2_95:
0x727: {  	v19 =	vld [tilespmem:s24+$0x0];
	v17 =	vmax.f32 v17, v18  }
0x728: {  	v18 =	vld [tilespmem:s24+$0x10];
	v12 =	vmax.f32 v12, v13  }
0x729: {  	v13 =	vld [tilespmem:s24+$0x20]  }
0x72a: {  	v20 =	vld [tilespmem:s24+$0x30];
	v14 =	vmax.f32 v14, v15  }
0x72b: {  	v15 =	vld [tilespmem:s24+$0x40];
	v9 =	vmax.f32 v16, v9;
	v12 =	vmax.f32 v12, v14  }
0x72c: {  	v14 =	vld [tilespmem:s24+$0x50];
	v9 =	vmax.f32 v9, v10;
	v10 =	vmax.f32 v17, v12  }
0x72d: {  	v12 =	vld [tilespmem:s24+$0x60];
	v9 =	vmax.f32 v9, v11  }
0x72e: {  	v11 =	vld [tilespmem:s24+$0x70];
	v9 =	vmax.f32 v9, v10  }
0x72f: {  	v10 =	vld [tilespmem:s24+$0x80];
	[tilespmem:s22+$0xFFFFFFF0] =	vst v9  }
0x730: {  	v16 =	vld [tilespmem:s24+$0x90]  }
0x731: {  	v17 =	vld [tilespmem:s24+$0xA0]  }
0x732: {  	v21 =	vld [tilespmem:s24+$0xB0]  }
0x733: {  	v22 =	vld [tilespmem:s24+$0xC0]  }
0x734: {  	v23 =	vld [tilespmem:s24+$0xD0]  }
0x735: {  	v24 =	vld [tilespmem:s24+$0xE0]  }
0x736: {  	s23 =	sadd.s32 $0x2, s23;
	v25 =	vld [tilespmem:s24+$0xF0]  }
0x737: {  	p0 =	slt.u32 s23, $0x7E;
	v9 =	vld [tilespmem:s24+$0xFFFFFF10]  }
0x738: {  	v26 =	vld [tilespmem:s24+$0xFFFFFF20]  }
0x739: {  	v18 =	vmax.f32 v19, v18;
	v13 =	vmax.f32 v13, v20;
	v14 =	vmax.f32 v15, v14;
	v27 =	vld [tilespmem:s24+$0xFFFFFF30]  }
0x73a: {  	v11 =	vmax.f32 v12, v11;
	v10 =	vmax.f32 v10, v16;
	v12 =	vmax.f32 v17, v21;
	v15 =	vld [tilespmem:s24+$0xFFFFFF40]  }
0x73b: {  	v13 =	vmax.f32 v18, v13;
	v17 =	vmax.f32 v22, v23;
	v16 =	vld [tilespmem:s24+$0xFFFFFF50];
	v19 =	vmax.f32 v24, v25  }
0x73c: {  	v11 =	vmax.f32 v14, v11;
	v10 =	vmax.f32 v10, v12;
	v18 =	vld [tilespmem:s24+$0xFFFFFF60];
	v12 =	vmax.f32 v17, v19  }
0x73d: {  	v11 =	vmax.f32 v13, v11;
	v14 =	vld [tilespmem:s24+$0xFFFFFF70];
	v12 =	vmax.f32 v10, v12  }
0x73e: {  	s22 =	sadd.s32 $0x20, s22;
	v17 =	vld [tilespmem:s24+$0xFFFFFF80];
	v10 =	vmax.f32 v26, v27;
	v11 =	vmax.f32 v11, v12  }
0x73f: {  	s0 =	simm.s32 $0x18840;
	v19 =	vld [tilespmem:s24+$0xFFFFFF90];
	[tilespmem:s22+$0x0] =	vst v11  }
0x740: {  	v20 =	vld [tilespmem:s24+$0xFFFFFFA0];
	v11 =	vmax.f32 v15, v16  }
0x741: {  	v21 =	vld [tilespmem:s24+$0xFFFFFFB0]  }
.Ltmp128:
0x742: {  	v12 =	vld [tilespmem:s24+$0xFFFFFFC0];
	v14 =	vmax.f32 v18, v14;
	(pc) =	sbr.rel @p0 .LBB2_95-.Ltmp128, $4  }
0x743: {  	v13 =	vld [tilespmem:s24+$0xFFFFFFD0];
	v11 =	vmax.f32 v11, v14  }
0x744: {  	v14 =	vld [tilespmem:s24+$0xFFFFFFE0];
	v17 =	vmax.f32 v17, v19  }
0x745: {  	v15 =	vld [tilespmem:s24+$0xFFFFFFF0]  }
0x746: {  	v16 =	vld [tilespmem:s24+$0xFFFFFF00];
	v18 =	vmax.f32 v20, v21;
	s24 =	sadd.s32 $0x200, s24  }
0x747: {  	_ =	sdelay $0x3  }
0x748: {  	v12 =	vmax.f32 v12, v13;
	v62 =	vmax.f32 v14, v15;
	v9 =	vmax.f32 v16, v9  }
0x749: {  	v63 =	vmax.f32 v17, v18;
	v12 =	vmax.f32 v12, v62;
	v9 =	vmax.f32 v9, v10  }
0x74a: {  	v10 =	vmax.f32 v63, v12;
	v9 =	vmax.f32 v9, v11  }
0x74b: {  	v9 =	vmax.f32 v9, v10  }
0x74c: {  	[tilespmem:s22+$0xFFFFFFF0] =	vst v9  }
0x74d: {  	[tilespmem:s0+$0xFFFFFFC0] =	vst v4  }
0x74e: {  	[tilespmem:s0+$0x30] =	vst v4  }
0x74f: {  	[tilespmem:s0+$0x20] =	vst v4  }
0x750: {  	[tilespmem:s0+$0x10] =	vst v4  }
0x751: {  	[tilespmem:s0+$0x0] =	vst v4  }
0x752: {  	[tilespmem:s0+$0xFFFFFFF0] =	vst v4  }
0x753: {  	s1 =	simm.s32 $0x0;
	[tilespmem:s0+$0xFFFFFFE0] =	vst v4  }
.LBB2_97:
0x754: {  	s1 =	sadd.s32 $0x8, s1;
	[tilespmem:s0+$0xFFFFFFD0] =	vst v4;
	s0 =	sadd.s32 $0x80, s0  }
0x755: {  	[tilespmem:s0+$0xFFFFFFC0] =	vst v4;
	p0 =	slt.u32 s1, $0xF8  }
0x756: {  	[tilespmem:s0+$0x30] =	vst v4  }
.Ltmp129:
0x757: {  	[tilespmem:s0+$0x20] =	vst v4;
	(pc) =	sbr.rel @p0 .LBB2_97-.Ltmp129, $4  }
0x758: {  	[tilespmem:s0+$0x10] =	vst v4  }
0x759: {  	[tilespmem:s0+$0x0] =	vst v4  }
0x75a: {  	[tilespmem:s0+$0xFFFFFFF0] =	vst v4  }
0x75b: {  	[tilespmem:s0+$0xFFFFFFE0] =	vst v4  }
0x75c: {  	[tilespmem:s0+$0xFFFFFFD0] =	vst v4;
	s31 =	simm.s32 $0x18040  }
0x75d: {  	v9 =	vld [tilespmem:s31+$0x30]  }
0x75e: {  	v10 =	vld [tilespmem:s31+$0xFFFFFFD0]  }
0x75f: {  	v11 =	vld [tilespmem:s31+$0xFFFFFFE0]  }
0x760: {  	v12 =	vld [tilespmem:s31+$0xFFFFFFF0]  }
0x761: {  	v13 =	vld [tilespmem:s31+$0x0];
	_ =	sdelay $0x1  }
0x762: {  	v14 =	vld [tilespmem:s31+$0x10]  }
0x763: {  	v17 =	vld [tilespmem:s31+$0x20]  }
0x764: {  	v18 =	vld [tilespmem:s31+$0xFFFFFFC0];
	v15 =	vshra.s32 v9, $0x1F;
	v16 =	vshra.s32 v10, $0x1F;
	v19 =	vshra.s32 v11, $0x1F  }
0x765: {  	v62 =	vshra.s32 v12, $0x1F;
	v20 =	vshra.s32 v13, $0x1F;
	v15 =	vand.u32 $0x7FF00000, v15  }
0x766: {  	v16 =	vand.u32 $0x7FF00000, v16;
	v9 =	vxor.u32 v9, v15;
	v15 =	vand.u32 $0x7FF00000, v19  }
0x767: {  	v19 =	vand.u32 $0x7FF00000, v62;
	v16 =	vxor.u32 v10, v16;
	v9 =	vshra.s32 v9, $0x14  }
0x768: {  	v10 =	vshra.s32 v14, $0x1F;
	v63 =	vxor.u32 v11, v15;
	v21 =	vadd.s32 $0x800, v9  }
0x769: {  	v11 =	vand.u32 $0x7FF00000, v10;
	v10 =	vshra.s32 v17, $0x1F;
	v15 =	vshra.s32 v18, $0x1F  }
0x76a: {  	v19 =	vxor.u32 v12, v19;
	v9 =	vand.u32 $0x7FF00000, v20;
	v12 =	vand.u32 $0x7FF00000, v10  }
0x76b: {  	v15 =	vand.u32 $0x7FF00000, v15;
	v10 =	vxor.u32 v13, v9;
	v9 =	vxor.u32 v14, v11  }
0x76c: {  	v13 =	vxor.u32 v18, v15;
	v11 =	vshra.s32 v16, $0x14;
	v12 =	vxor.u32 v17, v12  }
0x76d: {  	s22 =	simm.s32 $0x0;
	s0 =	simm.s32 $0x180C0;
	v14 =	vshra.s32 v63, $0x14;
	v15 =	vshra.s32 v13, $0x14;
	v13 =	vshra.s32 v19, $0x14;
	[tilespmem:v21+s12+$0x0] =	vst.idx.add.s32.msk $0xffff, v5  }
.LBB2_99:
0x76e: {  	v16 =	vld [tilespmem:s0+$0x30];
	s22 =	sadd.s32 $0x8, s22;
	v10 =	vshra.s32 v10, $0x14;
	v9 =	vshra.s32 v9, $0x14;
	v12 =	vshra.s32 v12, $0x14  }
0x76f: {  	v15 =	vadd.s32 $0x800, v15;
	v11 =	vadd.s32 $0x800, v11;
	v14 =	vadd.s32 $0x800, v14;
	v17 =	vld [tilespmem:s0+$0xFFFFFFD0];
	p0 =	slt.u32 s22, $0x78  }
0x770: {  	v13 =	vadd.s32 $0x800, v13;
	v10 =	vadd.s32 $0x800, v10;
	v19 =	vadd.s32 $0x800, v9;
	v18 =	vld [tilespmem:s0+$0xFFFFFFE0]  }
0x771: {  	v20 =	vadd.s32 $0x800, v12;
	v9 =	vld [tilespmem:s0+$0xFFFFFFF0]  }
0x772: {  	v12 =	vld [tilespmem:s0+$0x0]  }
0x773: {  	v21 =	vld [tilespmem:s0+$0x10];
	v22 =	vshra.s32 v16, $0x1F  }
0x774: {  	v23 =	vshra.s32 v17, $0x1F;
	v24 =	vld [tilespmem:s0+$0x20];
	v22 =	vand.u32 $0x7FF00000, v22  }
0x775: {  	v25 =	vld [tilespmem:s0+$0xFFFFFFC0];
	v23 =	vand.u32 $0x7FF00000, v23;
	v26 =	vshra.s32 v18, $0x1F;
	v16 =	vxor.u32 v16, v22  }
0x776: {  	v22 =	vand.u32 $0x7FF00000, v26;
	v26 =	vshra.s32 v9, $0x1F;
	v16 =	vshra.s32 v16, $0x14;
	[tilespmem:v15+s12+$0x0] =	vst.idx.add.s32.msk $0xffff, v5  }
0x777: {  	v15 =	vand.u32 $0x7FF00000, v26;
	v26 =	vshra.s32 v12, $0x1F;
	v16 =	vadd.s32 $0x800, v16;
	[tilespmem:v11+s12+$0x0] =	vst.idx.add.s32.msk $0xffff, v5  }
0x778: {  	v11 =	vxor.u32 v17, v23;
	v17 =	vand.u32 $0x7FF00000, v26;
	v23 =	vshra.s32 v21, $0x1F;
	[tilespmem:v14+s12+$0x0] =	vst.idx.add.s32.msk $0xffff, v5  }
.Ltmp130:
0x779: {  	v14 =	vxor.u32 v18, v22;
	v18 =	vand.u32 $0x7FF00000, v23;
	v22 =	vshra.s32 v24, $0x1F;
	[tilespmem:v13+s12+$0x0] =	vst.idx.add.s32.msk $0xffff, v5;
	(pc) =	sbr.rel @p0 .LBB2_99-.Ltmp130, $4  }
0x77a: {  	v23 =	vxor.u32 v9, v15;
	v13 =	vshra.s32 v25, $0x1F;
	v15 =	vand.u32 $0x7FF00000, v22;
	[tilespmem:v10+s12+$0x0] =	vst.idx.add.s32.msk $0xffff, v5  }
0x77b: {  	v10 =	vxor.u32 v12, v17;
	v9 =	vxor.u32 v21, v18;
	v13 =	vand.u32 $0x7FF00000, v13;
	[tilespmem:v19+s12+$0x0] =	vst.idx.add.s32.msk $0xffff, v5  }
0x77c: {  	s10 =	simm.s32 $0x0;
	s1 =	simm.s32 $0x1FFF;
	s9 =	simm.s32 $0x197F0;
	v11 =	vshra.s32 v11, $0x14;
	v12 =	vxor.u32 v24, v15;
	v13 =	vxor.u32 v25, v13;
	[tilespmem:v16+s12+$0x0] =	vst.idx.add.s32.msk $0xffff, v5  }
0x77d: {  	s0 =	sadd.s32 $0x80, s0;
	v14 =	vshra.s32 v14, $0x14;
	v15 =	vshra.s32 v13, $0x14;
	v13 =	vshra.s32 v23, $0x14;
	[tilespmem:v20+s12+$0x0] =	vst.idx.add.s32.msk $0xffff, v5  }
0x77e: {  	v15 =	vadd.s32 $0x800, v15  }
0x77f: {  	v11 =	vadd.s32 $0x800, v11  }
0x780: {  	v14 =	vadd.s32 $0x800, v14  }
0x781: {  	v10 =	vshra.s32 v10, $0x14;
	v13 =	vadd.s32 $0x800, v13  }
0x782: {  	v9 =	vshra.s32 v9, $0x14;
	v10 =	vadd.s32 $0x800, v10  }
0x783: {  	v12 =	vshra.s32 v12, $0x14;
	v9 =	vadd.s32 $0x800, v9;
	[tilespmem:v15+s12+$0x0] =	vst.idx.add.s32.msk $0xffff, v5  }
0x784: {  	v12 =	vadd.s32 $0x800, v12;
	[tilespmem:v11+s12+$0x0] =	vst.idx.add.s32.msk $0xffff, v5  }
0x785: {  	[tilespmem:v14+s12+$0x0] =	vst.idx.add.s32.msk $0xffff, v5  }
0x786: {  	[tilespmem:v13+s12+$0x0] =	vst.idx.add.s32.msk $0xffff, v5  }
0x787: {  	[tilespmem:v10+s12+$0x0] =	vst.idx.add.s32.msk $0xffff, v5  }
0x788: {  	[tilespmem:v9+s12+$0x0] =	vst.idx.add.s32.msk $0xffff, v5  }
0x789: {  	[tilespmem:v12+s12+$0x0] =	vst.idx.add.s32.msk $0xffff, v5  }
.LBB2_101:
0x78a: {  	v9 =	vld [tilespmem:s9+$0x0];
	_ =	sdelay $0x4  }
0x78b: {  	(xrf0) =	vadd.scan.msk.s32 $0xffff, v9;
	_ =	sdelay $0x5  }
0x78c: {  	v10, _, _ =	vpop (xrf0)  }
0x78d: {  	(v2sf) =	vpush v10, $0xF;
	_ =	sdelay $0xe  }
0x78e: {  	s4 =	spop (v2sf)  }
0x78f: {  	s0 =	smov.u32 s10;
	s10 =	sadd.s32 s10, s4  }
0x790: {  	p0 =	slt.s32 s10, $0x40  }
.Ltmp131:
0x791: {  	_ = 	snop;
	(pc) =	sbr.rel @p0 .LBB2_101-.Ltmp131, $2  }
0x792: {  	_ =	sdelay $0x2  }
0x793: {  	s1 =	sadd.s32 $0xFFFFFFF0, s1;
	s9 =	sadd.s32 $0xFFFFFFF0, s9  }
0x794: {  	v11 =	vbroadcast v10, $0xF;
	v9 =	vadd.s32 s0, v9  }
0x795: {  	v9 =	vsub.s32 v9, v10  }
0x796: {  	v9 =	vadd.s32 v11, v9  }
0x797: {  	vm0 =	vgt.s32 v9, $0x3F  }
0x798: {  	v9 =	vsel vm0, $0x1, v4  }
0x799: {  	(xrf0) =	vadd.scan.msk.s32 $0xffff, v9;
	_ =	sdelay $0x5  }
0x79a: {  	v9, _, _ =	vpop (xrf0)  }
0x79b: {  	(v2sf) =	vpush v9, $0xF;
	_ =	sdelay $0xa  }
0x79c: {  	s24 =	simm.s32 $0x20  }
0x79d: {  	v9 =	vld [tilespmem:s24+$0xFFFFFFE0];
	_ =	sdelay $0x1  }
0x79e: {  	v10 =	vld [tilespmem:s24+$0xFFFFFFF0]  }
0x79f: {  	s4 =	spop (v2sf)  }
0x7a0: {  	s1 =	sadd.s32 s1, s4  }
0x7a1: {  	v11 =	vshra.s32 v9, $0x1F;
	s1 =	sshll.u32 s1, $0x14  }
0x7a2: {  	v13 =	vld [tilespmem:s24+$0x0];
	v12 =	vand.u32 $0x7FFFFFFF, v11;
	s22 =	sxor.u32 $0x80000000, s1  }
0x7a3: {  	v15 =	vxor.u32 v9, v12;
	v9 =	vshra.s32 v10, $0x1F;
	v11 =	vmov s22  }
0x7a4: {  	v14 =	vld [tilespmem:s24+$0x10];
	v9 =	vand.u32 $0x7FFFFFFF, v9;
	vm0 =	vge.s32 v15, v11  }
0x7a5: {  	v16 =	vxor.u32 v10, v9;
	v12 =	vmpcnt.ones.xlane vm0  }
0x7a6: {  	vm1 =	vge.s32 v16, v11  }
0x7a7: {  	v9 =	vshra.s32 v13, $0x1F;
	v10 =	vmpcnt.ones.xlane vm1;
	(v2sf) =	vpush v12, $0x0  }
0x7a8: {  	s25 =	simm.s32 $0x60;
	v9 =	vand.u32 $0x7FFFFFFF, v9  }
0x7a9: {  	v18 =	vxor.u32 v13, v9;
	v9 =	vshra.s32 v14, $0x1F;
	(v2sf) =	vpush v10, $0x0;
	v10 =	vld [tilespmem:s25+$0xFFFFFFE0]  }
0x7aa: {  	v13 =	vld [tilespmem:s25+$0xFFFFFFF0];
	v9 =	vand.u32 $0x7FFFFFFF, v9;
	vm3 =	vge.s32 v18, v11  }
0x7ab: {  	v9 =	vxor.u32 v14, v9;
	v12 =	vmpcnt.ones.xlane vm3  }
0x7ac: {  	vm7 =	vge.s32 v9, v11  }
0x7ad: {  	v14 =	vld [tilespmem:s25+$0x0];
	(v2sf) =	vpush v12, $0x0;
	v12 =	vmpcnt.ones.xlane vm7  }
0x7ae: {  	v17 =	vshra.s32 v10, $0x1F  }
0x7af: {  	(v2sf) =	vpush v12, $0x0;
	v12 =	vand.u32 $0x7FFFFFFF, v17;
	v17 =	vshra.s32 v13, $0x1F  }
0x7b0: {  	v12 =	vxor.u32 v10, v12;
	v10 =	vand.u32 $0x7FFFFFFF, v17;
	v17 =	vld [tilespmem:s25+$0x10]  }
0x7b1: {  	s26 =	simm.s32 $0xA0;
	vm5 =	vmmov vm1;
	vm1 =	vge.s32 v12, v11  }
0x7b2: {  	v20 =	vld [tilespmem:s26+$0xFFFFFFE0];
	v19 =	vshra.s32 v14, $0x1F;
	v10 =	vxor.u32 v13, v10;
	v13 =	vmpcnt.ones.xlane vm1  }
0x7b3: {  	v19 =	vand.u32 $0x7FFFFFFF, v19;
	vm2 =	vmmov vm0;
	vm0 =	vmmov vm7  }
0x7b4: {  	vm4 =	vge.s32 v10, v11;
	(v2sf) =	vpush v13, $0x0;
	v13 =	vxor.u32 v14, v19  }
0x7b5: {  	s23 =	simm.s32 $0x0;
	v21 =	vmpcnt.ones.xlane vm4;
	vm7 =	vge.s32 v13, v11;
	v14 =	vshra.s32 v17, $0x1F  }
0x7b6: {  	v22 =	vor.u32 s23, v6;
	v61 =	vmpcnt.ones.xlane vm7;
	v14 =	vand.u32 $0x7FFFFFFF, v14;
	s28 =	spop (v2sf)  }
0x7b7: {  	[tilespmem:s23+$0x19800] =	vst.msk vm2, v15;
	(v2sf) =	vpush v21, $0x0;
	v14 =	vxor.u32 v17, v14;
	v17 =	vshra.s32 v20, $0x1F;
	s0 =	sadd.s32 $0x0, s28  }
0x7b8: {  	vm6 =	vmmov vm3;
	[tilespmem:s23+$0x1A000] =	vst.msk vm2, v22;
	vm2 =	vmmov vm4;
	v19 =	vld [tilespmem:s26+$0xFFFFFFF0];
	v15 =	vand.u32 $0x7FFFFFFF, v17;
	p0 =	slt.s32 s0, $0x7F0  }
0x7b9: {  	s5 =	simm.s32 $0x10;
	s29 =	spop (v2sf);
	vm3 =	vge.s32 v14, v11;
	(v2sf) =	vpush v61, $0x0;
	v15 =	vxor.u32 v20, v15;
	s0 =	simm.s32 @!p0 $0x7F0  }
0x7ba: {  	v62 =	vmpcnt.ones.xlane vm3;
	v20 =	vor.u32 s5, v6;
	vm4 =	vge.s32 v15, v11;
	[tilespmem:s0+$0x19800] =	vst.msk vm5, v16  }
0x7bb: {  	v17 =	vld [tilespmem:s26+$0x0];
	s4 =	sadd.s32 s0, s29;
	[tilespmem:s0+$0x1A000] =	vst.msk vm5, v20;
	v20 =	vmpcnt.ones.xlane vm4  }
0x7bc: {  	(v2sf) =	vpush v62, $0x0;
	p0 =	slt.s32 s4, $0x7F0  }
0x7bd: {  	s30 =	spop (v2sf);
	v16 =	vshra.s32 v19, $0x1F;
	s4 =	simm.s32 @!p0 $0x7F0;
	(v2sf) =	vpush v20, $0x0  }
0x7be: {  	s31 =	simm.s32 $0x20;
	v16 =	vand.u32 $0x7FFFFFFF, v16;
	s25 =	sadd.s32 s4, s30;
	[tilespmem:s4+$0x19800] =	vst.msk vm6, v18;
	v18 =	vld [tilespmem:s26+$0x10]  }
0x7bf: {  	v63 =	vor.u32 s31, v6;
	s24 =	simm.s32 $0x8;
	vm1 =	vmmov vm1;
	s1 =	spop (v2sf);
	v16 =	vxor.u32 v19, v16;
	p0 =	slt.s32 s25, $0x7F0  }
0x7c0: {  	s0 =	simm.s32 $0x30;
	vm5 =	vmmov vm7;
	v19 =	vshra.s32 v17, $0x1F;
	s26 =	simm.s32 $0xE0;
	[tilespmem:s4+$0x1A000] =	vst.msk vm6, v63;
	vm6 =	vge.s32 v16, v11;
	s25 =	simm.s32 @!p0 $0x7F0  }
.LBB2_103:
0x7c1: {  	v20 =	vld [tilespmem:s26+$0xFFFFFFE0];
	s24 =	sadd.s32 $0x4, s24;
	v21 =	vmpcnt.ones.xlane vm6;
	v19 =	vand.u32 $0x7FFFFFFF, v19;
	[tilespmem:s25+$0x19800] =	vst.msk vm0, v9;
	v22 =	vor.u32 s0, v6;
	s0 =	sadd.s32 s25, s1;
	v9 =	vmovc v14  }
0x7c2: {  	p0 =	slt.u32 s24, $0x7FC;
	v19 =	vxor.u32 v17, v19;
	[tilespmem:s25+$0x1A000] =	vst.msk vm0, v22;
	p1 =	slt.s32 s0, $0x7F0;
	vm0 =	vmmov vm3  }
0x7c3: {  	s23 =	sadd.s32 $0x40, s23;
	vm7 =	vge.s32 v19, v11;
	v14 =	vshra.s32 v18, $0x1F;
	(v2sf) =	vpush v21, $0x0;
	s1 =	spop (v2sf);
	s0 =	simm.s32 @!p1 $0x7F0  }
0x7c4: {  	v22 =	vor.u32 s23, v6;
	v21 =	vld [tilespmem:s26+$0xFFFFFFF0];
	v17 =	vmpcnt.ones.xlane vm7;
	v14 =	vand.u32 $0x7FFFFFFF, v14;
	[tilespmem:s0+$0x19800] =	vst.msk vm1, v12;
	s1 =	sadd.s32 s0, s1;
	v12 =	vmovc v15  }
0x7c5: {  	v14 =	vxor.u32 v18, v14;
	[tilespmem:s0+$0x1A000] =	vst.msk vm1, v22;
	p1 =	slt.s32 s1, $0x7F0;
	vm1 =	vmmov vm4  }
0x7c6: {  	s0 =	sadd.s32 $0x10, s23;
	v15 =	vshra.s32 v20, $0x1F;
	vm3 =	vge.s32 v14, v11;
	(v2sf) =	vpush v17, $0x0;
	s1 =	simm.s32 @!p1 $0x7F0;
	s4 =	spop (v2sf)  }
0x7c7: {  	v22 =	vor.u32 s0, v6;
	v15 =	vand.u32 $0x7FFFFFFF, v15;
	v17 =	vld [tilespmem:s26+$0x0];
	v18 =	vmpcnt.ones.xlane vm3;
	[tilespmem:s1+$0x19800] =	vst.msk vm2, v10;
	s0 =	sadd.s32 s1, s4;
	v10 =	vmovc v16  }
.Ltmp132:
0x7c8: {  	v15 =	vxor.u32 v20, v15;
	[tilespmem:s1+$0x1A000] =	vst.msk vm2, v22;
	p1 =	slt.s32 s0, $0x7F0;
	vm2 =	vmmov vm6;
	(pc) =	sbr.rel @p0 .LBB2_103-.Ltmp132, $4  }
0x7c9: {  	s1 =	sadd.s32 $0x20, s23;
	vm4 =	vge.s32 v15, v11;
	v16 =	vshra.s32 v21, $0x1F;
	(v2sf) =	vpush v18, $0x0;
	s0 =	simm.s32 @!p1 $0x7F0;
	s4 =	spop (v2sf)  }
0x7ca: {  	v22 =	vor.u32 s1, v6;
	v20 =	vmpcnt.ones.xlane vm4;
	v16 =	vand.u32 $0x7FFFFFFF, v16;
	v18 =	vld [tilespmem:s26+$0x10];
	[tilespmem:s0+$0x19800] =	vst.msk vm5, v13;
	s25 =	sadd.s32 s0, s4;
	v13 =	vmovc v19  }
0x7cb: {  	v16 =	vxor.u32 v21, v16;
	[tilespmem:s0+$0x1A000] =	vst.msk vm5, v22;
	p1 =	slt.s32 s25, $0x7F0;
	s0 =	sadd.s32 $0x30, s23;
	vm5 =	vmmov vm7  }
0x7cc: {  	s26 =	sadd.s32 $0x40, s26;
	vm6 =	vge.s32 v16, v11;
	v19 =	vshra.s32 v17, $0x1F;
	(v2sf) =	vpush v20, $0x0;
	s25 =	simm.s32 @!p1 $0x7F0;
	s1 =	spop (v2sf)  }
0x7cd: {  	v20 =	vmpcnt.ones.xlane vm6;
	v19 =	vand.u32 $0x7FFFFFFF, v19;
	s4 =	sadd.s32 s25, s1  }
0x7ce: {  	v17 =	vxor.u32 v17, v19;
	p0 =	slt.s32 s4, $0x7F0  }
0x7cf: {  	s10 =	spop (v2sf);
	vm7 =	vge.s32 v17, v11;
	v61 =	vshra.s32 v18, $0x1F;
	(v2sf) =	vpush v20, $0x0;
	s4 =	simm.s32 @!p0 $0x7F0  }
0x7d0: {  	v62 =	vmpcnt.ones.xlane vm7;
	v19 =	vand.u32 $0x7FFFFFFF, v61;
	s5 =	sadd.s32 s4, s10  }
0x7d1: {  	v63 =	vxor.u32 v18, v19;
	p0 =	slt.s32 s5, $0x7F0  }
0x7d2: {  	vm8 =	vge.s32 v63, v11;
	(v2sf) =	vpush v62, $0x0;
	s5 =	simm.s32 @!p0 $0x7F0;
	s24 =	spop (v2sf)  }
0x7d3: {  	v11 =	vmpcnt.ones.xlane vm8;
	s9 =	sadd.s32 s5, s24  }
0x7d4: {  	p0 =	slt.s32 s9, $0x7F0  }
0x7d5: {  	(v2sf) =	vpush v11, $0x0;
	s9 =	simm.s32 @!p0 $0x7F0;
	s26 =	spop (v2sf)  }
0x7d6: {  	s10 =	sadd.s32 s9, s26  }
0x7d7: {  	p0 =	slt.s32 s10, $0x7F0  }
0x7d8: {  	s10 =	simm.s32 @!p0 $0x7F0;
	s29 =	spop (v2sf)  }
0x7d9: {  	s24 =	sadd.s32 s10, s29  }
0x7da: {  	p0 =	slt.s32 s24, $0x7F0  }
0x7db: {  	s30 =	spop (v2sf);
	s24 =	simm.s32 @!p0 $0x7F0  }
0x7dc: {  	s26 =	sadd.s32 s24, s30  }
0x7dd: {  	p0 =	slt.s32 s26, $0x7F0  }
0x7de: {  	s26 =	simm.s32 @!p0 $0x7F0;
	s31 =	spop (v2sf)  }
0x7df: {  	s28 =	sadd.s32 s26, s31  }
0x7e0: {  	p0 =	slt.s32 s28, $0x7F0  }
0x7e1: {  	s28 =	simm.s32 @!p0 $0x7F0;
	s29 =	spop (v2sf)  }
0x7e2: {  	[tilespmem:s25+$0x19800] =	vst.msk vm0, v9;
	s1 =	sadd.s32 s28, s29  }
0x7e3: {  	[tilespmem:s4+$0x19800] =	vst.msk vm1, v12;
	p0 =	slt.s32 s1, $0x7F0  }
0x7e4: {  	[tilespmem:s5+$0x19800] =	vst.msk vm2, v10;
	v11 =	vor.u32 s0, v6;
	s1 =	simm.s32 @!p0 $0x7F0;
	s30 =	spop (v2sf)  }
0x7e5: {  	s0 =	sadd.s32 $0x40, s23;
	[tilespmem:s25+$0x1A000] =	vst.msk vm0, v11;
	s29 =	sadd.s32 s1, s30  }
0x7e6: {  	v9 =	vor.u32 s0, v6;
	[tilespmem:s9+$0x19800] =	vst.msk vm5, v13;
	p1 =	slt.s32 s29, $0x7F0  }
0x7e7: {  	vm11 =	vmmov vm3;
	[tilespmem:s4+$0x1A000] =	vst.msk vm1, v9;
	p5 =	slt.s32 s29, $0xFFFFFFF2;
	s29 =	simm.s32 @!p1 $0x7F0  }
0x7e8: {  	vm12 =	vmmov vm4;
	[tilespmem:s10+$0x19800] =	vst.msk vm11, v14;
	s31 =	sadd.s32 $0x10, s0;
	s25 =	sadd.s32 $0xF, s29  }
0x7e9: {  	s23 =	sadd.s32 $0x20, s0;
	[tilespmem:s24+$0x19800] =	vst.msk vm12, v15;
	v9 =	vor.u32 s31, v6;
	s30 =	sand.u32 $0xF, s25  }
0x7ea: {  	vm13 =	vmmov vm6;
	[tilespmem:s5+$0x1A000] =	vst.msk vm2, v9;
	v9 =	vor.u32 s23, v6;
	s23 =	sshra.s32 s25, $0x1F;
	p6 =	sne.s32 s30, $0x0  }
0x7eb: {  	[tilespmem:s26+$0x19800] =	vst.msk vm13, v16;
	s31 =	sadd.s32 $0x30, s0;
	s4 =	sshrl.u32 s23, $0x1C;
	p0 =	por !p5, !p6  }
0x7ec: {  	vm14 =	vmmov vm7;
	s5 =	simm.s32 $0x1;
	[tilespmem:s9+$0x1A000] =	vst.msk vm5, v9;
	s4 =	sadd.s32 s4, s25;
	p0 =	por !p0, !p0  }
0x7ed: {  	s0 =	sadd.s32 $0x40, s0;
	v9 =	vor.u32 s31, v6;
	[tilespmem:s28+$0x19800] =	vst.msk vm14, v17;
	s4 =	sshra.s32 s4, $0x4;
	s5 =	simm.s32 @!p0 $0x0  }
0x7ee: {  	[tilespmem:s10+$0x1A000] =	vst.msk vm11, v9;
	v9 =	vor.u32 s0, v6;
	s23 =	ssub.s32 s4, s5  }
0x7ef: {  	vm15 =	vmmov vm8;
	[tilespmem:s24+$0x1A000] =	vst.msk vm12, v9;
	s24 =	sadd.s32 $0x10, s0;
	s25 =	sshrl.u32 s23, $0x1E  }
.Ltmp133:
0x7f0: {  	v9 =	vor.u32 s24, v6;
	[tilespmem:s1+$0x19800] =	vst.msk vm15, v63;
	s30 =	sadd.s32 $0x20, s0;
	s4 =	sadd.s32 s25, s23;
	(pc) =	sbr.rel .LBB2_105-.Ltmp133, $4  }
0x7f1: {  	[tilespmem:s26+$0x1A000] =	vst.msk vm13, v9;
	s0 =	sadd.s32 $0x30, s0;
	v9 =	vor.u32 s30, v6;
	s24 =	sand.u32 $0xFFFFFFFC, s4  }
0x7f2: {  	[tilespmem:s28+$0x1A000] =	vst.msk vm14, v9;
	v9 =	vor.u32 s0, v6;
	s4 =	sshll.u32 s24, $0x6  }
0x7f3: {  	s28 =	simm.s32 $0x0;
	[tilespmem:s1+$0x1A000] =	vst.msk vm15, v9;
	s31 =	ssub.s32 s23, s24;
	s26 =	sshra.s32 s4, $0x2  }
0x7f4: {  	[tilespmem:s29+$0x19800] =	vst v7;
	p1 =	slt.s32 s24, $0x1;
	p0 =	slt.s32 s31, $0x1;
	s25 =	sadd.s32 $0x19800, s26  }
.LBB2_109:
0x7f5: {  	(v2sf) =	vpush v10, $0x0;
	_ =	sdelay $0xa  }
0x7f6: {  	p2 =	sgt.s32 s29, s22;
	s1 =	smov.u32 s22;
	s28 =	sadd.s32 $0x1, s28  }
0x7f7: {  	s1 =	smov.u32 @p2 s29;
	p2 =	sne.s32 s28, $0x1F  }
.Ltmp134:
0x7f8: {  	_ = 	snop;
	(pc) =	sbr.rel @!p2 .LBB2_110-.Ltmp134, $4  }
0x7f9: {  	_ = 	snop  }
0x7fa: {  	s0 =	spop (v2sf)  }
0x7fb: {  	p3 =	sgt.s32 s0, $0x3F  }
0x7fc: {  	s22 =	smov.u32 @p3 s1  }
.LBB2_105:
.Ltmp135:
0x7fd: {  	(pc) =	sbr.rel @p1 .LBB2_106-.Ltmp135, $4  }
0x7fe: {  	_ = 	snop  }
0x7ff: {  	s0 =	sshrl.u32 s13, s28  }
0x800: {  	s29 =	sadd.s32 s0, s22  }
0x801: {  	v10 =	vimm.s32 $0x0;
	v9 =	vmov s29  }
0x802: {  	p3 =	sgt.s32 s24, $0x4  }
.Ltmp136:
0x803: {  	s0 =	simm.s32 $0x19820;
	(pc) =	sbr.rel @!p3 .LBB2_221-.Ltmp136, $4  }
0x804: {  	v14 =	vld [tilespmem:s0+$0xFFFFFFE0]  }
0x805: {  	v12 =	vld [tilespmem:s0+$0xFFFFFFF0]  }
0x806: {  	v13 =	vld [tilespmem:s0+$0x0]  }
0x807: {  	p2 =	por $0x0, $0x0;
	v11 =	vld [tilespmem:s0+$0x10]  }
0x808: {  	_ = 	snop  }
0x809: {  	p3 =	sgt.s32 s24, $0x8;
	vm0 =	vge.s32 v14, v9  }
.Ltmp137:
0x80a: {  	s0 =	simm.s32 $0x19860;
	v15 =	vmpcnt.ones.xlane vm0;
	vm13 =	vge.s32 v12, v9;
	(pc) =	sbr.rel @!p3 .LBB2_224-.Ltmp137, $4  }
0x80b: {  	v14 =	vld [tilespmem:s0+$0xFFFFFFE0];
	v16 =	vmpcnt.ones.xlane vm13;
	vm14 =	vge.s32 v13, v9  }
0x80c: {  	v12 =	vld [tilespmem:s0+$0xFFFFFFF0];
	v15 =	vadd.s32 v10, v15;
	v17 =	vmpcnt.ones.xlane vm14  }
0x80d: {  	v13 =	vld [tilespmem:s0+$0x0];
	vm15 =	vge.s32 v11, v9;
	v16 =	vadd.s32 v16, v15  }
0x80e: {  	s1 =	simm.s32 $0x8;
	p2 =	por $0x1, $0x1;
	v11 =	vld [tilespmem:s0+$0x10];
	v15 =	vmpcnt.ones.xlane vm15;
	v16 =	vadd.s32 v17, v16  }
.LBB2_223:
0x80f: {  	s1 =	sadd.s32 $0x4, s1  }
0x810: {  	vm0 =	vge.s32 v14, v9;
	s0 =	sadd.s32 $0x40, s0;
	v15 =	vadd.s32 v15, v16;
	p3 =	slt.s32 s1, s24  }
.Ltmp138:
0x811: {  	v14 =	vld [tilespmem:s0+$0xFFFFFFE0];
	v16 =	vmpcnt.ones.xlane vm0;
	vm0 =	vge.s32 v12, v9;
	(pc) =	sbr.rel @p3 .LBB2_223-.Ltmp138, $4  }
0x812: {  	v12 =	vld [tilespmem:s0+$0xFFFFFFF0];
	v17 =	vmpcnt.ones.xlane vm0;
	vm0 =	vge.s32 v13, v9  }
0x813: {  	v13 =	vld [tilespmem:s0+$0x0];
	v15 =	vadd.s32 v15, v16;
	v16 =	vmpcnt.ones.xlane vm0;
	vm0 =	vge.s32 v11, v9  }
0x814: {  	v11 =	vld [tilespmem:s0+$0x10];
	v17 =	vadd.s32 v17, v15;
	v15 =	vmpcnt.ones.xlane vm0  }
0x815: {  	v16 =	vadd.s32 v16, v17  }
.LBB2_224:
0x816: {  	_ = 	snop  }
0x817: {  	vm0 =	vge.s32 v14, v9  }
0x818: {  	v14 =	vadd.s32 @p2 v15, v16;
	v63 =	vmpcnt.ones.xlane vm0;
	vm13 =	vge.s32 v12, v9  }
0x819: {  	v10 =	vpsel p2, v14, v10;
	v12 =	vmpcnt.ones.xlane vm13;
	vm14 =	vge.s32 v13, v9  }
0x81a: {  	v10 =	vadd.s32 v10, v63;
	v13 =	vmpcnt.ones.xlane vm14;
	vm15 =	vge.s32 v11, v9  }
0x81b: {  	v10 =	vadd.s32 v12, v10;
	v11 =	vmpcnt.ones.xlane vm15  }
0x81c: {  	v10 =	vadd.s32 v13, v10  }
0x81d: {  	v10 =	vadd.s32 v11, v10  }
.LBB2_106:
.Ltmp139:
0x81e: {  	(pc) =	sbr.rel @p0 .LBB2_109-.Ltmp139, $1  }
0x81f: {  	_ =	sdelay $0x3  }
0x820: {  	s0 =	smov.u32 s25;
	s1 =	smov.u32 s24  }
.LBB2_108:
0x821: {  	v11 =	vld [tilespmem:s0+$0x0];
	_ =	sdelay $0x1  }
0x822: {  	s1 =	sadd.s32 $0x1, s1  }
0x823: {  	p2 =	slt.s32 s1, s23  }
.Ltmp140:
0x824: {  	_ = 	snop;
	(pc) =	sbr.rel @p2 .LBB2_108-.Ltmp140, $3  }
0x825: {  	vm0 =	vge.s32 v11, v9  }
0x826: {  	v11 =	vmpcnt.ones.xlane vm0;
	_ =	sdelay $0x1  }
0x827: {  	s0 =	sadd.s32 $0x10, s0;
	v10 =	vadd.s32 v10, v11  }
.Ltmp141:
0x828: {  	_ = 	snop;
	(pc) =	sbr.rel .LBB2_109-.Ltmp141, $1  }
0x829: {  	_ =	sdelay $0x3  }
.LBB2_221:
.Ltmp142:
0x82a: {  	(pc) =	sbr.rel .LBB2_224-.Ltmp142, $2  }
0x82b: {  	_ =	sdelay $0x2  }
0x82c: {  	_ = 	snop  }
.LBB2_110:
.Ltmp143:
0x82d: {  	(pc) =	sbr.rel @p1 .LBB2_111-.Ltmp143, $2  }
0x82e: {  	_ =	sdelay $0x2  }
0x82f: {  	v9 =	vmov s22;
	v10 =	vimm.s32 $0x0  }
0x830: {  	p3 =	sgt.s32 s24, $0x4  }
.Ltmp144:
0x831: {  	s0 =	simm.s32 $0x19820;
	(pc) =	sbr.rel @!p3 .LBB2_226-.Ltmp144, $4  }
0x832: {  	v14 =	vld [tilespmem:s0+$0xFFFFFFE0]  }
0x833: {  	v12 =	vld [tilespmem:s0+$0xFFFFFFF0]  }
0x834: {  	v13 =	vld [tilespmem:s0+$0x0]  }
0x835: {  	p2 =	por $0x0, $0x0;
	v11 =	vld [tilespmem:s0+$0x10]  }
0x836: {  	_ = 	snop  }
0x837: {  	p3 =	sgt.s32 s24, $0x8;
	vm0 =	vgt.s32 v14, v9  }
.Ltmp145:
0x838: {  	s0 =	simm.s32 $0x19860;
	v15 =	vmpcnt.ones.xlane vm0;
	vm13 =	vgt.s32 v12, v9;
	(pc) =	sbr.rel @!p3 .LBB2_229-.Ltmp145, $4  }
0x839: {  	v14 =	vld [tilespmem:s0+$0xFFFFFFE0];
	v16 =	vmpcnt.ones.xlane vm13;
	vm14 =	vgt.s32 v13, v9  }
0x83a: {  	v12 =	vld [tilespmem:s0+$0xFFFFFFF0];
	v15 =	vadd.s32 v10, v15;
	v17 =	vmpcnt.ones.xlane vm14  }
0x83b: {  	v13 =	vld [tilespmem:s0+$0x0];
	vm15 =	vgt.s32 v11, v9;
	v16 =	vadd.s32 v16, v15  }
0x83c: {  	s1 =	simm.s32 $0x8;
	p2 =	por $0x1, $0x1;
	v11 =	vld [tilespmem:s0+$0x10];
	v15 =	vmpcnt.ones.xlane vm15;
	v16 =	vadd.s32 v17, v16  }
.LBB2_228:
0x83d: {  	s1 =	sadd.s32 $0x4, s1  }
0x83e: {  	vm0 =	vgt.s32 v14, v9;
	s0 =	sadd.s32 $0x40, s0;
	v15 =	vadd.s32 v15, v16;
	p3 =	slt.s32 s1, s24  }
.Ltmp146:
0x83f: {  	v14 =	vld [tilespmem:s0+$0xFFFFFFE0];
	v16 =	vmpcnt.ones.xlane vm0;
	vm0 =	vgt.s32 v12, v9;
	(pc) =	sbr.rel @p3 .LBB2_228-.Ltmp146, $4  }
0x840: {  	v12 =	vld [tilespmem:s0+$0xFFFFFFF0];
	v17 =	vmpcnt.ones.xlane vm0;
	vm0 =	vgt.s32 v13, v9  }
0x841: {  	v13 =	vld [tilespmem:s0+$0x0];
	v15 =	vadd.s32 v15, v16;
	v16 =	vmpcnt.ones.xlane vm0;
	vm0 =	vgt.s32 v11, v9  }
0x842: {  	v11 =	vld [tilespmem:s0+$0x10];
	v17 =	vadd.s32 v17, v15;
	v15 =	vmpcnt.ones.xlane vm0  }
0x843: {  	v16 =	vadd.s32 v16, v17  }
.LBB2_229:
0x844: {  	_ = 	snop  }
0x845: {  	vm0 =	vgt.s32 v14, v9  }
0x846: {  	v14 =	vadd.s32 @p2 v15, v16;
	v63 =	vmpcnt.ones.xlane vm0;
	vm13 =	vgt.s32 v12, v9  }
0x847: {  	v10 =	vpsel p2, v14, v10;
	v12 =	vmpcnt.ones.xlane vm13;
	vm14 =	vgt.s32 v13, v9  }
0x848: {  	v10 =	vadd.s32 v10, v63;
	v13 =	vmpcnt.ones.xlane vm14;
	vm15 =	vgt.s32 v11, v9  }
0x849: {  	v10 =	vadd.s32 v12, v10;
	v11 =	vmpcnt.ones.xlane vm15  }
0x84a: {  	v10 =	vadd.s32 v13, v10  }
0x84b: {  	v10 =	vadd.s32 v11, v10  }
.LBB2_111:
.Ltmp147:
0x84c: {  	(pc) =	sbr.rel @p0 .LBB2_114-.Ltmp147, $1  }
0x84d: {  	_ =	sdelay $0x3  }
0x84e: {  	s0 =	smov.u32 s25;
	s1 =	smov.u32 s24  }
.LBB2_113:
0x84f: {  	v11 =	vld [tilespmem:s0+$0x0];
	_ =	sdelay $0x1  }
0x850: {  	s1 =	sadd.s32 $0x1, s1  }
0x851: {  	p2 =	slt.s32 s1, s23  }
.Ltmp148:
0x852: {  	_ = 	snop;
	(pc) =	sbr.rel @p2 .LBB2_113-.Ltmp148, $3  }
0x853: {  	vm0 =	vgt.s32 v11, v9  }
0x854: {  	v11 =	vmpcnt.ones.xlane vm0;
	_ =	sdelay $0x1  }
0x855: {  	s0 =	sadd.s32 $0x10, s0;
	v10 =	vadd.s32 v10, v11  }
.LBB2_114:
0x856: {  	(v2sf) =	vpush v10, $0x0;
	_ =	sdelay $0xa  }
.Ltmp149:
0x857: {  	_ = 	snop;
	(pc) =	sbr.rel @p1 .LBB2_115-.Ltmp149, $2  }
0x858: {  	_ =	sdelay $0x2  }
0x859: {  	s28 =	spop (v2sf)  }
0x85a: {  	s0 =	simm.s32 $0x19820  }
0x85b: {  	v10 =	vld [tilespmem:s0+$0xFFFFFFE0]  }
0x85c: {  	v11 =	vld [tilespmem:s0+$0xFFFFFFF0];
	_ =	sdelay $0x3  }
0x85d: {  	vm1 =	veq.s32 v10, v9  }
0x85e: {  	vm0 =	veq.s32 v11, v9;
	v10 =	vmpcnt.ones.xlane vm1  }
0x85f: {  	v11 =	vmpcnt.ones.xlane vm0  }
0x860: {  	(v2sf) =	vpush v10, $0x0  }
0x861: {  	(v2sf) =	vpush v11, $0x0;
	_ =	sdelay $0x6  }
0x862: {  	p2 =	sgt.s32 s24, $0x4;
	v13 =	vld [tilespmem:s0+$0x0]  }
.Ltmp150:
0x863: {  	_ = 	snop;
	(pc) =	sbr.rel @!p2 .LBB2_231-.Ltmp150, $3  }
0x864: {  	_ =	sdelay $0x1  }
0x865: {  	s29 =	simm.s32 $0x0  }
0x866: {  	s30 =	simm.s32 $0x1A020;
	s1 =	simm.s32 $0x19860;
	p1 =	por $0x0, $0x0;
	v12 =	vld [tilespmem:s0+$0x10];
	vm2 =	veq.s32 v13, v9  }
0x867: {  	_ = 	snop  }
0x868: {  	v10 =	vld [tilespmem:s1+$0xFFFFFFE0]  }
0x869: {  	v11 =	vld [tilespmem:s1+$0xFFFFFFF0];
	v13 =	vmpcnt.ones.xlane vm2;
	_ =	sdelay $0x1  }
0x86a: {  	(v2sf) =	vpush v13, $0x0;
	vm6 =	veq.s32 v12, v9  }
0x86b: {  	v12 =	vmpcnt.ones.xlane vm6  }
0x86c: {  	vm3 =	vmmov vm1;
	vm4 =	vmmov vm0;
	vm1 =	veq.s32 v10, v9  }
0x86d: {  	vm0 =	veq.s32 v11, v9;
	v13 =	vmpcnt.ones.xlane vm1;
	(v2sf) =	vpush v12, $0x0  }
0x86e: {  	v14 =	vld [tilespmem:s1+$0x0];
	p2 =	sgt.s32 s24, $0x8;
	v15 =	vmpcnt.ones.xlane vm0  }
.Ltmp151:
0x86f: {  	v10 =	vld [tilespmem:s30+$0xFFFFFFE0];
	(v2sf) =	vpush v13, $0x0;
	(pc) =	sbr.rel @!p2 .LBB2_233-.Ltmp151, $4  }
0x870: {  	(v2sf) =	vpush v15, $0x0  }
0x871: {  	v12 =	vld [tilespmem:s1+$0x10]  }
0x872: {  	s0 =	simm.s32 $0x8;
	s9 =	simm.s32 $0x198A0;
	p1 =	por $0x1, $0x1;
	v11 =	vld [tilespmem:s30+$0xFFFFFFF0]  }
0x873: {  	vm5 =	vmmov vm2;
	s31 =	simm.s32 $0x1A020;
	s10 =	spop (v2sf);
	vm6 =	vmmov vm6;
	vm2 =	veq.s32 v14, v9;
	s1 =	simm.s32 $0x0  }
.LBB2_234:
0x874: {  	v13 =	vld [tilespmem:s9+$0xFFFFFFE0];
	s0 =	sadd.s32 $0x4, s0;
	v14 =	vmpcnt.ones.xlane vm2;
	[tilespmem:s1+$0x1A800] =	vst.msk vm3, v10;
	s1 =	sadd.s32 s1, s10;
	vm3 =	vmmov vm1  }
0x875: {  	p2 =	slt.s32 s0, s24;
	p3 =	slt.s32 s1, $0x7F0;
	v10 =	vld [tilespmem:s31+$0x0]  }
0x876: {  	vm7 =	veq.s32 v12, v9;
	(v2sf) =	vpush v14, $0x0;
	s1 =	simm.s32 @!p3 $0x7F0;
	s4 =	spop (v2sf)  }
0x877: {  	v12 =	vld [tilespmem:s9+$0xFFFFFFF0];
	v14 =	vmpcnt.ones.xlane vm7;
	[tilespmem:s1+$0x1A800] =	vst.msk vm4, v11;
	s1 =	sadd.s32 s1, s4;
	vm4 =	vmmov vm0  }
0x878: {  	p3 =	slt.s32 s1, $0x7F0;
	v11 =	vld [tilespmem:s31+$0x10]  }
0x879: {  	vm1 =	veq.s32 v13, v9;
	(v2sf) =	vpush v14, $0x0;
	s1 =	simm.s32 @!p3 $0x7F0;
	s4 =	spop (v2sf)  }
0x87a: {  	s31 =	sadd.s32 $0x40, s31;
	v13 =	vmpcnt.ones.xlane vm1;
	v14 =	vld [tilespmem:s9+$0x0];
	[tilespmem:s1+$0x1A800] =	vst.msk vm5, v10;
	s1 =	sadd.s32 s1, s4;
	vm5 =	vmmov vm2  }
.Ltmp152:
0x87b: {  	v10 =	vld [tilespmem:s31+$0xFFFFFFE0];
	p3 =	slt.s32 s1, $0x7F0;
	(pc) =	sbr.rel @p2 .LBB2_234-.Ltmp152, $4  }
0x87c: {  	vm0 =	veq.s32 v12, v9;
	(v2sf) =	vpush v13, $0x0;
	s1 =	simm.s32 @!p3 $0x7F0;
	s4 =	spop (v2sf)  }
0x87d: {  	v13 =	vmpcnt.ones.xlane vm0;
	v12 =	vld [tilespmem:s9+$0x10];
	[tilespmem:s1+$0x1A800] =	vst.msk vm6, v11;
	s1 =	sadd.s32 s1, s4;
	vm6 =	vmmov vm7  }
0x87e: {  	v11 =	vld [tilespmem:s31+$0xFFFFFFF0];
	p3 =	slt.s32 s1, $0x7F0  }
0x87f: {  	s9 =	sadd.s32 $0x40, s9;
	vm2 =	veq.s32 v14, v9;
	(v2sf) =	vpush v13, $0x0;
	s10 =	spop (v2sf);
	s1 =	simm.s32 @!p3 $0x7F0  }
0x880: {  	_ = 	snop  }
.LBB2_236:
0x881: {  	s0 =	sadd.s32 @p1 s1, s10  }
0x882: {  	p2 =	slt.s32 @p1 s0, $0x7F0  }
0x883: {  	p2 =	por !p2, !p1  }
0x884: {  	s4 =	spop @p1 (v2sf);
	s0 =	simm.s32 @p2 $0x7F0  }
0x885: {  	s4 =	sadd.s32 @p1 s0, s4  }
0x886: {  	v13 =	vmpcnt.ones.xlane vm2;
	p2 =	slt.s32 @p1 s4, $0x7F0  }
0x887: {  	p2 =	por !p2, !p1  }
0x888: {  	vm7 =	veq.s32 v12, v9;
	(v2sf) =	vpush v13, $0x0;
	s5 =	spop @p1 (v2sf);
	s4 =	simm.s32 @p2 $0x7F0  }
0x889: {  	v12 =	vmpcnt.ones.xlane vm7;
	s5 =	sadd.s32 @p1 s4, s5  }
0x88a: {  	p2 =	slt.s32 @p1 s5, $0x7F0  }
0x88b: {  	(v2sf) =	vpush v12, $0x0;
	p2 =	por !p2, !p1  }
0x88c: {  	s9 =	spop @p1 (v2sf);
	s5 =	simm.s32 @p2 $0x7F0  }
0x88d: {  	s9 =	sadd.s32 @p1 s5, s9  }
0x88e: {  	p2 =	slt.s32 @p1 s9, $0x7F0  }
0x88f: {  	p2 =	por !p2, !p1  }
0x890: {  	s9 =	simm.s32 @p2 $0x7F0  }
0x891: {  	s10 =	spop (v2sf);
	s29 =	smov.u32 @p1 s9  }
0x892: {  	s10 =	sadd.s32 s29, s10  }
0x893: {  	v12 =	vld @p1 [tilespmem:s31+$0x0];
	s9 =	sadd.s32 @p1 $0x40, s31;
	p2 =	slt.s32 s10, $0x7F0  }
0x894: {  	v13 =	vld @p1 [tilespmem:s31+$0x10];
	s31 =	spop (v2sf);
	s30 =	smov.u32 @p1 s9;
	s10 =	simm.s32 @!p2 $0x7F0  }
0x895: {  	v14 =	vld [tilespmem:s30+$0xFFFFFFE0];
	s9 =	sadd.s32 s10, s31  }
0x896: {  	[tilespmem:s1+$0x1A800] =	vst.msk @p1 vm3, v10;
	v10 =	vld [tilespmem:s30+$0xFFFFFFF0];
	p2 =	slt.s32 s9, $0x7F0  }
0x897: {  	[tilespmem:s0+$0x1A800] =	vst.msk @p1 vm4, v11;
	s1 =	spop (v2sf);
	v11 =	vld [tilespmem:s30+$0x0];
	s9 =	simm.s32 @!p2 $0x7F0  }
0x898: {  	[tilespmem:s4+$0x1A800] =	vst.msk @p1 vm5, v12;
	v63 =	vld [tilespmem:s30+$0x10];
	s1 =	sadd.s32 s9, s1  }
.Ltmp153:
0x899: {  	vm1 =	vmmov vm1;
	[tilespmem:s5+$0x1A800] =	vst.msk @p1 vm6, v13;
	p1 =	slt.s32 s1, $0x7F0;
	(pc) =	sbr.rel .LBB2_116-.Ltmp153, $4  }
0x89a: {  	vm0 =	vmmov vm0;
	s31 =	spop (v2sf);
	[tilespmem:s29+$0x1A800] =	vst.msk vm1, v14;
	s1 =	simm.s32 @!p1 $0x7F0  }
0x89b: {  	vm14 =	vmmov vm2;
	[tilespmem:s10+$0x1A800] =	vst.msk vm0, v10;
	s0 =	sadd.s32 s1, s31  }
0x89c: {  	vm15 =	vmmov vm7;
	[tilespmem:s9+$0x1A800] =	vst.msk vm14, v11;
	p1 =	slt.s32 s0, $0x7F0  }
0x89d: {  	[tilespmem:s1+$0x1A800] =	vst.msk vm15, v63;
	s0 =	simm.s32 @!p1 $0x7F0  }
.LBB2_115:
0x89e: {  	s0 =	simm.s32 $0x0  }
.LBB2_116:
.Ltmp154:
0x89f: {  	(pc) =	sbr.rel @p0 .LBB2_119-.Ltmp154, $1  }
0x8a0: {  	_ =	sdelay $0x3  }
0x8a1: {  	s1 =	sadd.s32 $0x1A000, s26  }
.LBB2_118:
0x8a2: {  	v10 =	vld [tilespmem:s25+$0x0];
	_ =	sdelay $0x4  }
0x8a3: {  	vm0 =	veq.s32 v10, v9  }
0x8a4: {  	v10 =	vmpcnt.ones.xlane vm0;
	_ =	sdelay $0x1  }
0x8a5: {  	(v2sf) =	vpush v10, $0x0;
	_ =	sdelay $0xa  }
0x8a6: {  	v10 =	vld [tilespmem:s1+$0x0]  }
0x8a7: {  	s24 =	sadd.s32 $0x1, s24  }
0x8a8: {  	p1 =	slt.s32 s24, s23  }
.Ltmp155:
0x8a9: {  	_ = 	snop;
	(pc) =	sbr.rel @p1 .LBB2_118-.Ltmp155, $4  }
0x8aa: {  	s4 =	spop (v2sf)  }
0x8ab: {  	[tilespmem:s0+$0x1A800] =	vst.msk vm0, v10;
	s0 =	sadd.s32 s0, s4  }
0x8ac: {  	p0 =	slt.s32 s0, $0x7F0  }
0x8ad: {  	s25 =	sadd.s32 $0x10, s25;
	s1 =	sadd.s32 $0x10, s1;
	s0 =	simm.s32 @!p0 $0x7F0  }
.LBB2_119:
0x8ae: {  	s1 =	sadd.s32 $0xF, s0  }
0x8af: {  	s4 =	sand.u32 $0xF, s1  }
0x8b0: {  	p0 =	slt.s32 s0, $0xFFFFFFF2;
	s5 =	sshra.s32 s1, $0x1F;
	p1 =	sne.s32 s4, $0x0  }
0x8b1: {  	s31 =	sshrl.u32 s5, $0x1C;
	p0 =	por !p0, !p1  }
0x8b2: {  	s4 =	simm.s32 $0x1;
	s1 =	sadd.s32 s31, s1;
	p0 =	por !p0, !p0  }
0x8b3: {  	s1 =	sshra.s32 s1, $0x4;
	s4 =	simm.s32 @!p0 $0x0  }
0x8b4: {  	s1 =	ssub.s32 s1, s4  }
0x8b5: {  	s4 =	sshrl.u32 s1, $0x1F  }
.Ltmp156:
0x8b6: {  	s4 =	sadd.s32 s4, s1;
	(pc) =	sbr.rel .LBB2_120-.Ltmp156, $4  }
0x8b7: {  	s25 =	sand.u32 $0xFFFFFFFE, s4  }
0x8b8: {  	s26 =	ssub.s32 $0x40, s28;
	s1 =	ssub.s32 s1, s25  }
0x8b9: {  	s24 =	simm.s32 $0x0;
	s4 =	sshll.u32 s25, $0x6;
	p0 =	slt.s32 s1, $0x1  }
0x8ba: {  	[tilespmem:s0+$0x1A800] =	vst v8;
	s0 =	simm.s32 $0x0;
	p1 =	slt.s32 s25, $0x1;
	s28 =	sshra.s32 @!p0 s4, $0x2  }
.LBB2_121:
0x8bb: {  	v10 =	vimm.s32 $0x0  }
.LBB2_122:
0x8bc: {  	v11 =	vld @!p0 [tilespmem:s28+$0x1A800];
	_ =	sdelay $0x4  }
0x8bd: {  	vm0 =	vlt.s32 @!p0 v11, s1  }
0x8be: {  	v11 =	vmpcnt.ones.xlane @!p0 vm0;
	_ =	sdelay $0x1  }
0x8bf: {  	v11 =	vadd.s32 @!p0 v10, v11  }
0x8c0: {  	v10 =	vpsel p0, v10, v11  }
0x8c1: {  	(v2sf) =	vpush v10, $0x0;
	_ =	sdelay $0xa  }
0x8c2: {  	s0 =	sadd.s32 $0x1, s0  }
0x8c3: {  	p3 =	sne.s32 s0, $0xF  }
.Ltmp157:
0x8c4: {  	_ = 	snop;
	(pc) =	sbr.rel @!p3 .LBB2_123-.Ltmp157, $4  }
0x8c5: {  	_ = 	snop  }
0x8c6: {  	s4 =	spop (v2sf)  }
0x8c7: {  	p2 =	slt.s32 s4, s26  }
0x8c8: {  	s24 =	smov.u32 @p2 s1  }
.LBB2_120:
.Ltmp158:
0x8c9: {  	(pc) =	sbr.rel @p1 .LBB2_121-.Ltmp158, $3  }
0x8ca: {  	_ =	sdelay $0x1  }
0x8cb: {  	s1 =	sshrl.u32 s14, s0  }
0x8cc: {  	s1 =	sadd.s32 s1, s24  }
0x8cd: {  	p3 =	sgt.s32 s25, $0x2  }
.Ltmp159:
0x8ce: {  	_ = 	snop;
	(pc) =	sbr.rel @!p3 .LBB2_238-.Ltmp159, $4  }
0x8cf: {  	_ = 	snop  }
0x8d0: {  	s9 =	simm.s32 $0x1A810  }
0x8d1: {  	v13 =	vld [tilespmem:s9+$0xFFFFFFF0]  }
0x8d2: {  	v11 =	vmov s1;
	v10 =	vimm.s32 $0x0;
	p2 =	por $0x0, $0x0;
	v12 =	vld [tilespmem:s9+$0x0]  }
0x8d3: {  	_ = 	snop  }
0x8d4: {  	p3 =	sgt.s32 s25, $0x4  }
.Ltmp160:
0x8d5: {  	_ = 	snop;
	(pc) =	sbr.rel @!p3 .LBB2_241-.Ltmp160, $4  }
0x8d6: {  	vm0 =	vlt.s32 v13, v11  }
0x8d7: {  	s9 =	simm.s32 $0x1A830;
	v15 =	vmpcnt.ones.xlane vm0  }
0x8d8: {  	v13 =	vld [tilespmem:s9+$0xFFFFFFF0];
	vm15 =	vlt.s32 v12, v11  }
0x8d9: {  	s10 =	simm.s32 $0x4;
	p2 =	por $0x1, $0x1;
	v12 =	vld [tilespmem:s9+$0x0];
	v14 =	vmpcnt.ones.xlane vm15;
	v15 =	vadd.s32 v10, v15  }
.LBB2_240:
0x8da: {  	s10 =	sadd.s32 $0x2, s10  }
0x8db: {  	v15 =	vadd.s32 v14, v15;
	p3 =	slt.s32 s10, s25  }
.Ltmp161:
0x8dc: {  	(pc) =	sbr.rel @p3 .LBB2_240-.Ltmp161, $4  }
0x8dd: {  	s9 =	sadd.s32 $0x20, s9;
	vm0 =	vlt.s32 v13, v11  }
0x8de: {  	v13 =	vld [tilespmem:s9+$0xFFFFFFF0];
	v16 =	vmpcnt.ones.xlane vm0;
	vm0 =	vlt.s32 v12, v11  }
0x8df: {  	v12 =	vld [tilespmem:s9+$0x0];
	v14 =	vmpcnt.ones.xlane vm0  }
0x8e0: {  	v15 =	vadd.s32 v15, v16  }
.LBB2_241:
0x8e1: {  	_ =	sdelay $0x2  }
.Ltmp162:
0x8e2: {  	vm0 =	vlt.s32 v13, v11;
	(pc) =	sbr.rel .LBB2_122-.Ltmp162, $4  }
0x8e3: {  	v13 =	vadd.s32 @p2 v14, v15;
	v63 =	vmpcnt.ones.xlane vm0;
	vm15 =	vlt.s32 v12, v11  }
0x8e4: {  	v10 =	vpsel p2, v13, v10;
	v11 =	vmpcnt.ones.xlane vm15  }
0x8e5: {  	v10 =	vadd.s32 v10, v63  }
0x8e6: {  	v10 =	vadd.s32 v11, v10  }
.LBB2_238:
.Ltmp163:
0x8e7: {  	(pc) =	sbr.rel .LBB2_241-.Ltmp163, $2  }
0x8e8: {  	_ =	sdelay $0x2  }
0x8e9: {  	_ = 	snop  }
.LBB2_123:
0x8ea: {  	s0 =	sshrl.u32 s23, $0x1F  }
0x8eb: {  	s0 =	sadd.s32 s0, s23  }
0x8ec: {  	s25 =	sand.u32 $0xFFFFFFFE, s0  }
0x8ed: {  	p0 =	slt.s32 s25, $0x1  }
.Ltmp164:
0x8ee: {  	_ = 	snop;
	(pc) =	sbr.rel @p0 .LBB2_124-.Ltmp164, $4  }
0x8ef: {  	_ = 	snop  }
0x8f0: {  	_ =	swait.ge [sflag:s19], $0x40  }
0x8f1: {  	[sflag:s19] =	ssyncset.done $0x0  }
0x8f2: {  	[sflag:s19] =	ssyncadd.s32 $0xFFFFFFC0  }
0x8f3: {  	s1 =	simm.s32 $0x19810  }
0x8f4: {  	v15 =	vld [tilespmem:s1+$0x0]  }
0x8f5: {  	s0 =	simm.s32 $0x1A010;
	v12 =	vld [tilespmem:s1+$0xFFFFFFF0]  }
0x8f6: {  	v13 =	vld [tilespmem:s0+$0xFFFFFFF0]  }
0x8f7: {  	p2 =	sgt.s32 s25, $0x2;
	v10 =	vld [tilespmem:s0+$0x0]  }
.Ltmp165:
0x8f8: {  	_ = 	snop;
	(pc) =	sbr.rel @!p2 .LBB2_243-.Ltmp165, $4  }
0x8f9: {  	v16 =	vmov s24  }
0x8fa: {  	vm1 =	vgt.s32 v15, $0x0;
	vm0 =	vgt.s32 v12, $0x0;
	vm4 =	vgt.s32 v12, v9  }
0x8fb: {  	s26 =	simm.s32 $0x0;
	vm2 =	vle.s32 v13, v16;
	v11 =	vnsel vm1, $0x0, v15;
	vm1 =	veq.s32 v12, v9  }
0x8fc: {  	p0 =	por $0x0, $0x0;
	p1 =	por $0x0, $0x0;
	s0 =	simm.s32 $0x19830;
	vm5 =	veq.s32 v15, v9;
	vm6 =	vle.s32 v10, v16;
	vm7 =	vmand vm1, vm2  }
0x8fd: {  	vm1 =	vmor vm4, vm7;
	vm2 =	vgt.s32 v15, v9;
	vm3 =	vmand vm5, vm6  }
0x8fe: {  	v15 =	vmpcnt.ones.xlane vm1;
	vm2 =	vmor vm2, vm3  }
0x8ff: {  	v17 =	vmpcnt.ones.xlane vm2  }
0x900: {  	(v2sf) =	vpush v15, $0x0  }
0x901: {  	(v2sf) =	vpush v17, $0x0;
	_ =	sdelay $0x4  }
0x902: {  	v20 =	vld [tilespmem:s0+$0x0]  }
0x903: {  	v18 =	vld [tilespmem:s0+$0xFFFFFFF0];
	s31 =	simm.s32 $0x1A030  }
0x904: {  	v19 =	vld [tilespmem:s31+$0xFFFFFFF0]  }
0x905: {  	v14 =	vadd.s32 v3, v10;
	p2 =	sgt.s32 s25, $0x4;
	v10 =	vld [tilespmem:s31+$0x0]  }
.Ltmp166:
0x906: {  	v22 =	vnsel vm0, $0x0, v12;
	(pc) =	sbr.rel @!p2 .LBB2_245-.Ltmp166, $4  }
0x907: {  	v21 =	vadd.s32 v3, v13;
	vm1 =	vmmov vm1;
	vm2 =	vmmov vm2  }
0x908: {  	vm3 =	vgt.s32 v20, $0x0;
	vm0 =	vgt.s32 v18, $0x0;
	vm4 =	vgt.s32 v18, v9  }
0x909: {  	v17 =	vnsel vm3, $0x0, v20;
	vm3 =	veq.s32 v18, v9;
	vm5 =	vle.s32 v19, v16  }
0x90a: {  	s0 =	simm.s32 $0x19850;
	p0 =	por $0x1, $0x1;
	vm6 =	vle.s32 v10, v16;
	vm7 =	vmand vm3, vm5;
	vm5 =	veq.s32 v20, v9  }
0x90b: {  	vm4 =	vmor vm4, vm7;
	vm3 =	vgt.s32 v20, v9;
	vm5 =	vmand vm5, vm6  }
0x90c: {  	v23 =	vmpcnt.ones.xlane vm4;
	vm5 =	vmor vm3, vm5  }
0x90d: {  	v15 =	vld [tilespmem:s0+$0x0];
	v24 =	vmpcnt.ones.xlane vm5  }
0x90e: {  	v12 =	vld [tilespmem:s0+$0xFFFFFFF0];
	s29 =	simm.s32 $0x1A050;
	(v2sf) =	vpush v23, $0x0  }
0x90f: {  	v13 =	vld [tilespmem:s29+$0xFFFFFFF0];
	(v2sf) =	vpush v24, $0x0  }
0x910: {  	v20 =	vadd.s32 v3, v10;
	p2 =	sgt.s32 s25, $0x6;
	v10 =	vld [tilespmem:s29+$0x0]  }
.Ltmp167:
0x911: {  	v18 =	vnsel vm0, $0x0, v18;
	v19 =	vadd.s32 v3, v19;
	[tilespmem:s26+$0x1B000] =	vst.msk vm1, v22;
	(pc) =	sbr.rel @!p2 .LBB2_247-.Ltmp167, $4  }
0x912: {  	vm3 =	vmmov vm2;
	[tilespmem:s26+$0x1B080] =	vst.msk vm1, v21;
	vm1 =	vmmov vm4;
	vm2 =	vmmov vm5  }
0x913: {  	vm5 =	vgt.s32 v15, $0x0;
	vm0 =	vgt.s32 v12, $0x0;
	vm4 =	vgt.s32 v12, v9  }
0x914: {  	s0 =	simm.s32 $0x6;
	v21 =	vnsel vm5, $0x0, v15;
	vm5 =	veq.s32 v12, v9;
	vm6 =	vle.s32 v13, v16  }
0x915: {  	s1 =	simm.s32 $0x19870;
	p1 =	por $0x1, $0x1;
	s28 =	simm.s32 $0x0;
	vm7 =	vmand vm5, vm6;
	vm5 =	veq.s32 v15, v9;
	vm6 =	vle.s32 v10, v16  }
.LBB2_248:
0x916: {  	vm4 =	vmor vm4, vm7;
	vm7 =	vgt.s32 v15, v9;
	v15 =	vld [tilespmem:s1+$0x0];
	vm5 =	vmand vm5, vm6;
	s4 =	spop (v2sf)  }
0x917: {  	v22 =	vnsel vm0, $0x0, v12;
	s29 =	sadd.s32 $0x20, s29;
	v12 =	vld [tilespmem:s1+$0xFFFFFFF0];
	v23 =	vmpcnt.ones.xlane vm4;
	vm0 =	vmor vm7, vm5;
	s4 =	sadd.s32 s28, s4;
	s5 =	spop (v2sf)  }
0x918: {  	s0 =	sadd.s32 $0x2, s0;
	v24 =	vadd.s32 v3, v13;
	v25 =	vadd.s32 v3, v10;
	v13 =	vld [tilespmem:s29+$0xFFFFFFF0];
	v26 =	vmpcnt.ones.xlane vm0;
	[tilespmem:s4+$0x1B000] =	vst.msk vm3, v11;
	s28 =	sadd.s32 s4, s5;
	v11 =	vmovc v17  }
0x919: {  	p2 =	slt.s32 s0, s25;
	v17 =	vmovc v21;
	v10 =	vld [tilespmem:s29+$0x0];
	(v2sf) =	vpush v23, $0x0;
	[tilespmem:s4+$0x1B080] =	vst.msk vm3, v14;
	v14 =	vmovc v20;
	v20 =	vmov v25;
	vm3 =	vmmov vm2  }
.Ltmp168:
0x91a: {  	vm2 =	vmmov vm0;
	(v2sf) =	vpush v26, $0x0;
	[tilespmem:s28+$0x1B000] =	vst.msk vm1, v18;
	v18 =	vmov v22;
	(pc) =	sbr.rel @p2 .LBB2_248-.Ltmp168, $4  }
0x91b: {  	vm5 =	vgt.s32 v15, $0x0;
	[tilespmem:s28+$0x1B080] =	vst.msk vm1, v19;
	v19 =	vmov v24;
	vm1 =	vmmov vm4  }
0x91c: {  	vm0 =	vgt.s32 v12, $0x0;
	v21 =	vnsel vm5, $0x0, v15  }
0x91d: {  	vm4 =	vgt.s32 v12, v9;
	vm5 =	veq.s32 v12, v9;
	vm6 =	vle.s32 v13, v16  }
0x91e: {  	s1 =	sadd.s32 $0x20, s1;
	vm7 =	vmand vm5, vm6;
	vm5 =	veq.s32 v15, v9;
	vm6 =	vle.s32 v10, v16  }
0x91f: {  	v23 =	vmov v11;
	v24 =	vmov v14  }
0x920: {  	v16 =	vmovc v17;
	v14 =	vmovc v20;
	v11 =	vmov v21;
	v22 =	vmov v18;
	v21 =	vmov v19  }
.LBB2_250:
0x921: {  	vm4 =	vmor vm4, vm7  }
0x922: {  	vm13 =	vgt.s32 v15, v9;
	vm5 =	vmand vm5, vm6;
	v9 =	vmpcnt.ones.xlane vm4  }
0x923: {  	vm5 =	vmor vm13, vm5  }
0x924: {  	v62 =	vmpcnt.ones.xlane vm5;
	(v2sf) =	vpush v9, $0x0;
	_ =	sdelay $0x1  }
0x925: {  	(v2sf) =	vpush v62, $0x0;
	_ =	sdelay $0x4  }
0x926: {  	s0 =	spop @p1 (v2sf)  }
0x927: {  	s1 =	spop @p1 (v2sf);
	s0 =	sadd.s32 @p1 s28, s0  }
0x928: {  	s4 =	simm.s32 $0x0;
	[tilespmem:s0+$0x1B000] =	vst.msk @p1 vm3, v23;
	s1 =	sadd.s32 @p1 s0, s1  }
0x929: {  	[tilespmem:s0+$0x1B080] =	vst.msk @p1 vm3, v24;
	s4 =	smov.u32 @p1 s1  }
0x92a: {  	vm2 =	vmmov @p0 vm2;
	[tilespmem:s4+$0x1B000] =	vst.msk @p0 vm1, v22;
	v9 =	vmov @p0 v16;
	s0 =	spop @p0 (v2sf)  }
0x92b: {  	[tilespmem:s4+$0x1B080] =	vst.msk @p0 vm1, v21;
	vm1 =	vmmov @p0 vm2;
	v9 =	vpsel p0, v9, v0;
	s0 =	sadd.s32 @p0 s4, s0;
	s1 =	spop @p0 (v2sf)  }
0x92c: {  	v14 =	vpsel p0, v14, v0;
	[tilespmem:s0+$0x1B000] =	vst.msk @p0 vm1, v9;
	s1 =	sadd.s32 @p0 s0, s1  }
.Ltmp169:
0x92d: {  	vm14 =	vmmov vm4;
	v9 =	vnsel vm0, $0x0, v12;
	[tilespmem:s0+$0x1B080] =	vst.msk @p0 vm1, v14;
	s26 =	smov.u32 @p0 s1;
	(pc) =	sbr.rel .LBB2_125-.Ltmp169, $4  }
0x92e: {  	v63 =	vadd.s32 v3, v13;
	vm15 =	vmmov vm5;
	[tilespmem:s26+$0x1B000] =	vst.msk vm14, v9;
	s30 =	spop (v2sf)  }
0x92f: {  	vm1 =	vmmov vm15;
	[tilespmem:s26+$0x1B080] =	vst.msk vm14, v63;
	s1 =	sadd.s32 s26, s30  }
0x930: {  	v9 =	vadd.s32 v3, v10;
	s31 =	spop (v2sf);
	[tilespmem:s1+$0x1B000] =	vst.msk vm1, v11  }
0x931: {  	s0 =	sadd.s32 s1, s31;
	[tilespmem:s1+$0x1B080] =	vst.msk vm1, v9  }
.LBB2_133:
.Ltmp170:
0x932: {  	(pc) =	sbr.rel .LBB2_136-.Ltmp170, $2  }
0x933: {  	_ =	sdelay $0x2  }
0x934: {  	_ = 	snop  }
.LBB2_138:
.Ltmp171:
0x935: {  	(pc) =	sbr.rel .LBB2_143-.Ltmp171, $2  }
0x936: {  	_ =	sdelay $0x2  }
0x937: {  	s1 =	simm.s32 $0x0;
	s31 =	simm.s32 $0x1A020  }
.LBB2_150:
.Ltmp172:
0x938: {  	(pc) =	sbr.rel .LBB2_157-.Ltmp172, $2  }
0x939: {  	_ =	sdelay $0x2  }
0x93a: {  	s28 =	simm.s32 $0x0  }
.LBB2_164:
.Ltmp173:
0x93b: {  	(pc) =	sbr.rel .LBB2_167-.Ltmp173, $2  }
0x93c: {  	_ =	sdelay $0x2  }
0x93d: {  	_ = 	snop  }
.LBB2_169:
.Ltmp174:
0x93e: {  	(pc) =	sbr.rel .LBB2_174-.Ltmp174, $2  }
0x93f: {  	_ =	sdelay $0x2  }
0x940: {  	s1 =	simm.s32 $0x0;
	s31 =	simm.s32 $0x1A020  }
.LBB2_181:
.Ltmp175:
0x941: {  	(pc) =	sbr.rel .LBB2_188-.Ltmp175, $2  }
0x942: {  	_ =	sdelay $0x2  }
0x943: {  	s28 =	simm.s32 $0x0  }
.LBB2_195:
.Ltmp176:
0x944: {  	(pc) =	sbr.rel .LBB2_198-.Ltmp176, $2  }
0x945: {  	_ =	sdelay $0x2  }
0x946: {  	_ = 	snop  }
.LBB2_200:
.Ltmp177:
0x947: {  	(pc) =	sbr.rel .LBB2_205-.Ltmp177, $2  }
0x948: {  	_ =	sdelay $0x2  }
0x949: {  	s1 =	simm.s32 $0x0;
	s31 =	simm.s32 $0x1A020  }
.LBB2_212:
.Ltmp178:
0x94a: {  	(pc) =	sbr.rel .LBB2_219-.Ltmp178, $2  }
0x94b: {  	_ =	sdelay $0x2  }
0x94c: {  	s28 =	simm.s32 $0x0  }
.LBB2_226:
.Ltmp179:
0x94d: {  	(pc) =	sbr.rel .LBB2_229-.Ltmp179, $2  }
0x94e: {  	_ =	sdelay $0x2  }
0x94f: {  	_ = 	snop  }
.LBB2_231:
.Ltmp180:
0x950: {  	(pc) =	sbr.rel .LBB2_236-.Ltmp180, $2  }
0x951: {  	_ =	sdelay $0x2  }
0x952: {  	s1 =	simm.s32 $0x0;
	s31 =	simm.s32 $0x1A020  }
.LBB2_243:
.Ltmp181:
0x953: {  	(pc) =	sbr.rel .LBB2_250-.Ltmp181, $2  }
0x954: {  	_ =	sdelay $0x2  }
0x955: {  	s28 =	simm.s32 $0x0  }
.LBB2_140:
.Ltmp182:
0x956: {  	(pc) =	sbr.rel .LBB2_143-.Ltmp182, $2  }
0x957: {  	_ =	sdelay $0x2  }
0x958: {  	s1 =	simm.s32 $0x0;
	s31 =	simm.s32 $0x1A020  }
.LBB2_152:
.Ltmp183:
0x959: {  	(pc) =	sbr.rel .LBB2_157-.Ltmp183, $2  }
0x95a: {  	_ =	sdelay $0x2  }
0x95b: {  	v16 =	vmovc v11;
	v15 =	vmovc v20;
	v12 =	vmov v18;
	s28 =	simm.s32 $0x0;
	v13 =	vmov v19;
	v11 =	vmov v17  }
.LBB2_171:
.Ltmp184:
0x95c: {  	(pc) =	sbr.rel .LBB2_174-.Ltmp184, $2  }
0x95d: {  	_ =	sdelay $0x2  }
0x95e: {  	s1 =	simm.s32 $0x0;
	s31 =	simm.s32 $0x1A020  }
.LBB2_183:
.Ltmp185:
0x95f: {  	(pc) =	sbr.rel .LBB2_188-.Ltmp185, $2  }
0x960: {  	_ =	sdelay $0x2  }
0x961: {  	v16 =	vmovc v11;
	v15 =	vmovc v20;
	v12 =	vmov v18;
	s28 =	simm.s32 $0x0;
	v13 =	vmov v19;
	v11 =	vmov v17  }
.LBB2_202:
.Ltmp186:
0x962: {  	(pc) =	sbr.rel .LBB2_205-.Ltmp186, $2  }
0x963: {  	_ =	sdelay $0x2  }
0x964: {  	s1 =	simm.s32 $0x0;
	s31 =	simm.s32 $0x1A020  }
.LBB2_214:
.Ltmp187:
0x965: {  	(pc) =	sbr.rel .LBB2_219-.Ltmp187, $2  }
0x966: {  	_ =	sdelay $0x2  }
0x967: {  	v16 =	vmovc v11;
	v15 =	vmovc v20;
	v12 =	vmov v18;
	s28 =	simm.s32 $0x0;
	v13 =	vmov v19;
	v11 =	vmov v17  }
.LBB2_233:
.Ltmp188:
0x968: {  	(pc) =	sbr.rel .LBB2_236-.Ltmp188, $2  }
0x969: {  	_ =	sdelay $0x2  }
0x96a: {  	s1 =	simm.s32 $0x0;
	s31 =	simm.s32 $0x1A020  }
.LBB2_245:
.Ltmp189:
0x96b: {  	(pc) =	sbr.rel .LBB2_250-.Ltmp189, $2  }
0x96c: {  	_ =	sdelay $0x2  }
0x96d: {  	v16 =	vmovc v11;
	v15 =	vmovc v20;
	v12 =	vmov v18;
	s28 =	simm.s32 $0x0;
	v13 =	vmov v19;
	v11 =	vmov v17  }
.LBB2_154:
.Ltmp190:
0x96e: {  	(pc) =	sbr.rel .LBB2_157-.Ltmp190, $3  }
0x96f: {  	_ =	sdelay $0x1  }
0x970: {  	v23 =	vmov v11;
	v24 =	vmov v14  }
0x971: {  	s28 =	simm.s32 $0x0;
	v16 =	vmovc v17;
	v14 =	vmovc v20;
	v11 =	vmov v21;
	v22 =	vmov v18;
	v21 =	vmov v19  }
.LBB2_185:
.Ltmp191:
0x972: {  	(pc) =	sbr.rel .LBB2_188-.Ltmp191, $3  }
0x973: {  	_ =	sdelay $0x1  }
0x974: {  	v23 =	vmov v11;
	v24 =	vmov v14  }
0x975: {  	s28 =	simm.s32 $0x0;
	v16 =	vmovc v17;
	v14 =	vmovc v20;
	v11 =	vmov v21;
	v22 =	vmov v18;
	v21 =	vmov v19  }
.LBB2_216:
.Ltmp192:
0x976: {  	(pc) =	sbr.rel .LBB2_219-.Ltmp192, $3  }
0x977: {  	_ =	sdelay $0x1  }
0x978: {  	v23 =	vmov v11;
	v24 =	vmov v14  }
0x979: {  	s28 =	simm.s32 $0x0;
	v16 =	vmovc v17;
	v14 =	vmovc v20;
	v11 =	vmov v21;
	v22 =	vmov v18;
	v21 =	vmov v19  }
.LBB2_247:
.Ltmp193:
0x97a: {  	(pc) =	sbr.rel .LBB2_250-.Ltmp193, $3  }
0x97b: {  	_ =	sdelay $0x1  }
0x97c: {  	v23 =	vmov v11;
	v24 =	vmov v14  }
0x97d: {  	s28 =	simm.s32 $0x0;
	v16 =	vmovc v17;
	v14 =	vmovc v20;
	v11 =	vmov v21;
	v22 =	vmov v18;
	v21 =	vmov v19  }
.LBB2_126:
0x97e: {  	_ =	sfence.sel $0x180000  }
0x97f: {  	[bflag:$0x0] =	sbarrier.arrive $0xFFFF  }
0x980: {  	_ =	strace $0x90000047  }
0x981: {  	s0 =	stileid.u32;
	[bflag:$0x2] =	sbarrier.arrive $0xFFFF  }
0x982: {  	p0 =	sne.s32 s0, $0x0;
	s0 =	rddreg [dreg:$0x2]  }
0x983: {  	s0 =	sadd.s32 @!p0 $0x100000, s0  }
0x984: {  	[sflag:s0] =	ssyncadd.tile.s32 @!p0 $0x1;
	_ =	shalt  }
.Lfunc_end2:
_tile_overlayer_lowered:
.L_overlay_start_2:
0x985: {  	(tag) =	ssettag $0x2  }
0x986: {  	s0 =	rddreg [dreg:$0x0];
	s2 =	stileid.u32  }
0x987: {  	s1 =	rddreg [dreg:$0x1];
	p0 =	sne.s32 s2, $0x0  }
0x988: {  	s3 =	rddreg [dreg:$0x2];
	[bflag:$0x3] =	sbarrier.arrive $0xFFFF;
	s2 =	simm.s32 @!p0 $0x1C05  }
0x989: {  	[timem:s3], [sflag:s2] =	dma.local @!p0 [hbm:s0], s1  }
0x98a: {  	s0 =	simm.s32 @!p0 $0x5  }
0x98b: {  	_ =	swait.ge @!p0 [sflag:s0], s1  }
0x98c: {  	s1 =	ssub.s32 @!p0 $0x0, s1;
	[sflag:s0] =	ssyncset.done @!p0 $0x0  }
0x98d: {  	[sflag:s0] =	ssyncadd.s32 @!p0 s1  }
0x98e: {  	[bflag:$0x3] =	sbarrier.arrive $0xFFFF  }
0x98f: {  	_ =	shalt  }

</sc_bundles>
